<compile_context>
chip_gen: v7x
topology: tpu7x:2x2x1
jax: 0.10.2.dev20260603
libtpu: 0.0.44.dev20260713+nightly
codegen_flags: <defaults>
</compile_context>

<pallas_src>
import functools

import jax
import jax.numpy as jnp
from jax import lax
from jax.experimental import pallas as pl
from jax.experimental.pallas import tpu as pltpu
from jax.experimental.pallas import tpu_sc as plsc

NUM_LEVELS = 100000
TPAD = NUM_LEVELS + 16

NC = 2
NS = 16
L = 16
NW = NC * NS
BC = 256
IW = 128


@functools.lru_cache(maxsize=None)
def _build(C: int, R: int):
    assert R % (NW * BC) == 0 and (C * BC) % IW == 0
    cols_w = R // NW
    n_blk = cols_w // BC
    n_chunks = C * (BC // L)
    n_rows = (C * BC) // IW
    cpr = IW // L

    mesh = plsc.VectorSubcoreMesh(core_axis_name="c", subcore_axis_name="s")

    @functools.partial(
        pl.kernel,
        mesh=mesh,
        compiler_params=pltpu.CompilerParams(needs_layout_passes=False),
        out_type=jax.ShapeDtypeStruct((C, R), jnp.float32),
        scratch_types=[
            pltpu.VMEM_SHARED((NUM_LEVELS,), jnp.float32),
            pltpu.VMEM((n_rows, IW), jnp.int32),
            pltpu.VMEM((n_rows, IW), jnp.float32),
            pltpu.VMEM((C, BC), jnp.int32),
            pltpu.VMEM((C, BC), jnp.int32),
            pltpu.VMEM((C, BC), jnp.float32),
            pltpu.VMEM((L,), jnp.float32),
            pltpu.SemaphoreType.DMA,
            pltpu.SemaphoreType.DMA,
            pltpu.SemaphoreType.DMA,
        ],
    )
    def sc_gather(fv_hbm, table_hbm, int_hbm, out_hbm,
                  table_sh, flat_idx, flat_val, idx_a, idx_b, out_v, int_v,
                  sem_t, sem_i, sem_g):
        cid = lax.axis_index("c")
        sid = lax.axis_index("s")
        wid = sid * NC + cid
        base = wid * cols_w
        idx_bufs = (idx_a, idx_b)
        cps = [
            pltpu.async_copy(
                fv_hbm.at[:, pl.ds(base + b * BC, BC)], idx_bufs[b], sem_i)
            for b in range(n_blk)
        ]
        cp_s = pltpu.async_copy(int_hbm, int_v, sem_t)

        @pl.when(sid == 0)
        def _():
            pltpu.sync_copy(table_hbm, table_sh)

        plsc.subcore_barrier()
        cp_s.wait()
        inter = int_v[...]

        for b in range(n_blk):
            cps[b].wait()
            idx_v = idx_bufs[b]

            @plsc.parallel_loop(0, n_chunks, unroll=8)
            def repack(i):
                r = i // (BC // L)
                c = i % (BC // L)
                idx = idx_v[r, pl.ds(c * L, L)]
                valid = (idx >= 0) & (idx < NUM_LEVELS)
                idx2 = jnp.where(valid, idx, 0)
                flat_idx[i // cpr, pl.ds((i % cpr) * L, L)] = idx2

            gcps = [
                pltpu.async_copy(
                    table_sh.at[flat_idx.at[j]], flat_val.at[j], sem_g)
                for j in range(n_rows)
            ]
            for cp in gcps:
                cp.wait()

            @plsc.parallel_loop(0, n_chunks, unroll=8)
            def emit(i):
                vals = flat_val[i // cpr, pl.ds((i % cpr) * L, L)]
                r = i // (BC // L)
                c = i % (BC // L)
                idx = idx_v[r, pl.ds(c * L, L)]
                valid = (idx >= 0) & (idx < NUM_LEVELS)
                vals = jnp.where(valid, vals, jnp.zeros((L,), jnp.float32))
                out_v[r, pl.ds(c * L, L)] = vals + inter

            pltpu.sync_copy(out_v, out_hbm.at[:, pl.ds(base + b * BC, BC)])

    return sc_gather


def kernel(feature_vals, re_loc, intercept):
    R, C = feature_vals.shape
    fvT = feature_vals.astype(jnp.int32).T
    ivec = jnp.full((L,), intercept, jnp.float32)
    outT = _build(C, R)(fvT, re_loc, ivec)
    return outT.T

# --- scband reference (transcript-rebuilt; emitter-appended) ---
"""Pipeline reference for scband-base-glmmsingle-target-encoder-2774548873373 (READ-ONLY COPY).

The authoritative reference and input builder live on the scoring server;
editing this copy changes nothing except your own understanding.
"""

import jax, jax.numpy as jnp
import numpy as np

NUM_LEVELS = 100000


def setup_inputs(seed: int = 0) -> dict:
    key = jax.random.key(seed)
    k1, k2, k3 = jax.random.split(key, 3)
    # forward arg
    feature_vals = jax.random.randint(k1, (16384, 26), 0, NUM_LEVELS)
    # learned parameters: surrogate posterior Normal locs (mode of a Normal is its loc).
    # TF init: tf.random.uniform(shape, minval=-2.0, maxval=2.0)
    re_loc = jax.random.uniform(k2, (NUM_LEVELS,), minval=-2.0, maxval=2.0, dtype=jnp.float32)
    intercept = jax.random.uniform(k3, (), minval=-2.0, maxval=2.0, dtype=jnp.float32)
    return {"feature_vals": feature_vals, "re_loc": re_loc, "intercept": intercept}


def reference(feature_vals, re_loc, intercept):
    # Inference path (training is falsy): append a zero 'missing' slot, remap
    # out-of-range indices to it, gather, add intercept.
    re_with_missing = jnp.concatenate([re_loc, jnp.zeros([1], dtype=re_loc.dtype)], axis=-1)
    valid = jnp.logical_and(feature_vals < NUM_LEVELS, feature_vals >= 0)
    fv = jnp.where(valid, feature_vals, NUM_LEVELS)
    out = jnp.take(re_with_missing, fv, axis=-1) + intercept
    return out

if __name__ == "__main__":
    import jax
    _d = setup_inputs()
    print(jax.jit(kernel)(*tuple(_d.values())))

</pallas_src>

<mosaic_0001>
#map = affine_map<(d0, d1) -> (0, 0)>
#map1 = affine_map<(d0, d1) -> (0)>
module attributes {stable_mosaic.version = 14 : i64} {
  func.func @sc_gather(%arg0: i32, %arg1: i32, %arg2: memref<26x16384xi32, #tpu.memory_space<hbm>>, %arg3: memref<100000xf32, #tpu.memory_space<hbm>>, %arg4: memref<16xf32, #tpu.memory_space<hbm>>, %arg5: memref<26x16384xf32, #tpu.memory_space<hbm>>, %arg6: memref<100000xf32, #tpu.memory_space<vmem_shared>>, %arg7: memref<52x128xi32, #tpu.memory_space<vmem>>, %arg8: memref<52x128xf32, #tpu.memory_space<vmem>>, %arg9: memref<26x256xi32, #tpu.memory_space<vmem>>, %arg10: memref<26x256xi32, #tpu.memory_space<vmem>>, %arg11: memref<26x256xf32, #tpu.memory_space<vmem>>, %arg12: memref<16xf32, #tpu.memory_space<vmem>>, %arg13: memref<!tpu.dma_semaphore, #tpu.memory_space<semaphore_mem>>, %arg14: memref<!tpu.dma_semaphore, #tpu.memory_space<semaphore_mem>>, %arg15: memref<!tpu.dma_semaphore, #tpu.memory_space<semaphore_mem>>) attributes {dimension_semantics = [#tpu.dimension_semantics<core_parallel>, #tpu.dimension_semantics<subcore_parallel>], iteration_bounds = array<i64: 2, 16>, scalar_prefetch = 0 : i64, scratch_operands = 10 : i64, tpu.core_type = #tpu.core_type<sc_vector_subcore>, window_params = [{transform_indices = #map}, {transform_indices = #map1}, {transform_indices = #map1}, {transform_indices = #map}]} {
    %mul3A = arith.constant 2 : i32
    %mul3A_0 = arith.muli %arg1, %mul3A : i32
    %add3A = arith.addi %mul3A_0, %arg0 : i32
    %mul3A_1 = arith.constant 512 : i32
    %mul3A_2 = arith.muli %add3A, %mul3A_1 : i32
    %add3A_3 = arith.constant 0 : i32
    %add3A_4 = arith.addi %mul3A_2, %add3A_3 : i32
    %dma_start3A = arith.constant 0 : i32
    %dma_start3A_5 = tpu.memref_slice %arg2[%dma_start3A, %add3A_4] : memref<26x16384xi32, #tpu.memory_space<hbm>> -> memref<26x256xi32, #tpu.memory_space<hbm>>
    %dma_start3A_6 = arith.constant 0 : i32
    %dma_start3A_7 = tpu.memref_slice %arg2[%dma_start3A_6, %add3A_4] : memref<26x16384xi32, #tpu.memory_space<hbm>> -> memref<26x256xi32, #tpu.memory_space<hbm>>
    tpu.enqueue_dma source(%dma_start3A_7 : memref<26x256xi32, #tpu.memory_space<hbm>>) target(%arg9 : memref<26x256xi32, #tpu.memory_space<vmem>>) target_semaphore(%arg14 : memref<!tpu.dma_semaphore, #tpu.memory_space<semaphore_mem>>)
    %add3A_8 = arith.constant 256 : i32
    %add3A_9 = arith.addi %mul3A_2, %add3A_8 : i32
    %dma_start3A_10 = arith.constant 0 : i32
    %dma_start3A_11 = tpu.memref_slice %arg2[%dma_start3A_10, %add3A_9] : memref<26x16384xi32, #tpu.memory_space<hbm>> -> memref<26x256xi32, #tpu.memory_space<hbm>>
    %dma_start3A_12 = arith.constant 0 : i32
    %dma_start3A_13 = tpu.memref_slice %arg2[%dma_start3A_12, %add3A_9] : memref<26x16384xi32, #tpu.memory_space<hbm>> -> memref<26x256xi32, #tpu.memory_space<hbm>>
    tpu.enqueue_dma source(%dma_start3A_13 : memref<26x256xi32, #tpu.memory_space<hbm>>) target(%arg10 : memref<26x256xi32, #tpu.memory_space<vmem>>) target_semaphore(%arg14 : memref<!tpu.dma_semaphore, #tpu.memory_space<semaphore_mem>>)
    tpu.enqueue_dma source(%arg4 : memref<16xf32, #tpu.memory_space<hbm>>) target(%arg12 : memref<16xf32, #tpu.memory_space<vmem>>) target_semaphore(%arg13 : memref<!tpu.dma_semaphore, #tpu.memory_space<semaphore_mem>>)
    %eq3A = arith.constant 0 : i32
    %eq3A_14 = arith.cmpi eq, %arg1, %eq3A : i32
    %convert_element_type3A = arith.extui %eq3A_14 : i1 to i32
    %cond3A = arith.constant 0 : i32
    %cond3A_15 = arith.cmpi ne, %convert_element_type3A, %cond3A : i32
    scf.if %cond3A_15 {
      "tpu.region"() ({
        %run_scoped3A = tpu.sem_alloc : memref<!tpu.dma_semaphore, #tpu.memory_space<semaphore_mem>>
        tpu.enqueue_dma source(%arg3 : memref<100000xf32, #tpu.memory_space<hbm>>) target(%arg6 : memref<100000xf32, #tpu.memory_space<vmem_shared>>) target_semaphore(%run_scoped3A : memref<!tpu.dma_semaphore, #tpu.memory_space<semaphore_mem>>)
        tpu.wait_dma2 semaphore(%run_scoped3A : memref<!tpu.dma_semaphore, #tpu.memory_space<semaphore_mem>>) src(%arg3 : memref<100000xf32, #tpu.memory_space<hbm>>) dst(%arg6 : memref<100000xf32, #tpu.memory_space<vmem_shared>>)
        tpu.yield
      }) : () -> ()
    } else {
    }
    %barrier3A = arith.constant 0 : index
    tpu.barrier barrier_id(%barrier3A)
    tpu.wait_dma2 semaphore(%arg13 : memref<!tpu.dma_semaphore, #tpu.memory_space<semaphore_mem>>) src(%arg4 : memref<16xf32, #tpu.memory_space<hbm>>) dst(%arg12 : memref<16xf32, #tpu.memory_space<vmem>>)
    %get3A = arith.constant 0 : index
    %get3A_16 = tpu.vector_load %arg12[%get3A] {strides = array<i32>} : memref<16xf32, #tpu.memory_space<vmem>>, vector<16xf32>,
    %dma_wait3A = arith.constant 0 : i32
    %dma_wait3A_17 = tpu.memref_slice %arg2[%dma_wait3A, %add3A_4] : memref<26x16384xi32, #tpu.memory_space<hbm>> -> memref<26x256xi32, #tpu.memory_space<hbm>>
    %dma_wait3A_18 = arith.constant 0 : i32
    %dma_wait3A_19 = tpu.memref_slice %arg2[%dma_wait3A_18, %add3A_4] : memref<26x16384xi32, #tpu.memory_space<hbm>> -> memref<26x256xi32, #tpu.memory_space<hbm>>
    tpu.wait_dma2 semaphore(%arg14 : memref<!tpu.dma_semaphore, #tpu.memory_space<semaphore_mem>>) src(%dma_wait3A_19 : memref<26x256xi32, #tpu.memory_space<hbm>>) dst(%arg9 : memref<26x256xi32, #tpu.memory_space<vmem>>)
    %parallel_loop3A = arith.constant 0 : i32
    %parallel_loop3A_20 = arith.constant 416 : i32
    %parallel_loop3A_21 = arith.constant 1 : i32
    scf.for %parallel_loop3A_2119 = %parallel_loop3A to %parallel_loop3A_20 step %parallel_loop3A_21  : i32 {
      %parallel_loop3A_2120 = arith.constant 16 : i32
      %parallel_loop3A_2121 = arith.divsi %parallel_loop3A_2119, %parallel_loop3A_2120 : i32
      %parallel_loop3A_2122 = arith.constant 0 : i32
      %parallel_loop3A_2123 = arith.cmpi sgt, %parallel_loop3A_2119, %parallel_loop3A_2122 : i32
      %parallel_loop3A_2124 = arith.extui %parallel_loop3A_2123 : i1 to i32
      %parallel_loop3A_2125 = arith.constant 0 : i32
      %parallel_loop3A_2126 = arith.cmpi slt, %parallel_loop3A_2119, %parallel_loop3A_2125 : i32
      %parallel_loop3A_2127 = arith.extui %parallel_loop3A_2126 : i1 to i32
      %parallel_loop3A_2128 = arith.subi %parallel_loop3A_2124, %parallel_loop3A_2127 : i32
      %parallel_loop3A_2129 = arith.constant 0 : i32
      %parallel_loop3A_2130 = arith.cmpi sgt, %parallel_loop3A_2120, %parallel_loop3A_2129 : i32
      %parallel_loop3A_2131 = arith.extui %parallel_loop3A_2130 : i1 to i32
      %parallel_loop3A_2132 = arith.constant 0 : i32
      %parallel_loop3A_2133 = arith.cmpi slt, %parallel_loop3A_2120, %parallel_loop3A_2132 : i32
      %parallel_loop3A_2134 = arith.extui %parallel_loop3A_2133 : i1 to i32
      %parallel_loop3A_2135 = arith.subi %parallel_loop3A_2131, %parallel_loop3A_2134 : i32
      %parallel_loop3A_2136 = arith.cmpi ne, %parallel_loop3A_2128, %parallel_loop3A_2135 : i32
      %parallel_loop3A_2137 = arith.remsi %parallel_loop3A_2119, %parallel_loop3A_2120 : i32
      %parallel_loop3A_2138 = arith.constant 0 : i32
      %parallel_loop3A_2139 = arith.cmpi ne, %parallel_loop3A_2137, %parallel_loop3A_2138 : i32
      %parallel_loop3A_2140 = arith.andi %parallel_loop3A_2136, %parallel_loop3A_2139 : i1
      %parallel_loop3A_2141 = arith.constant 1 : i32
      %parallel_loop3A_2142 = arith.subi %parallel_loop3A_2121, %parallel_loop3A_2141 : i32
      %parallel_loop3A_2143 = arith.select %parallel_loop3A_2140, %parallel_loop3A_2142, %parallel_loop3A_2121 : i32
      %parallel_loop3A_2144 = arith.constant 16 : i32
      %parallel_loop3A_2145 = arith.constant 0 : i32
      %parallel_loop3A_2146 = arith.cmpi eq, %parallel_loop3A_2144, %parallel_loop3A_2145 : i32
      %parallel_loop3A_2147 = arith.constant 1 : i32
      %parallel_loop3A_2148 = arith.select %parallel_loop3A_2146, %parallel_loop3A_2147, %parallel_loop3A_2144 : i32
      %parallel_loop3A_2149 = arith.remsi %parallel_loop3A_2119, %parallel_loop3A_2148 : i32
      %parallel_loop3A_2150 = arith.constant 0 : i32
      %parallel_loop3A_2151 = arith.cmpi ne, %parallel_loop3A_2149, %parallel_loop3A_2150 : i32
      %parallel_loop3A_2152 = arith.constant 0 : i32
      %parallel_loop3A_2153 = arith.cmpi slt, %parallel_loop3A_2149, %parallel_loop3A_2152 : i32
      %parallel_loop3A_2154 = arith.constant 0 : i32
      %parallel_loop3A_2155 = arith.cmpi slt, %parallel_loop3A_2148, %parallel_loop3A_2154 : i32
      %parallel_loop3A_2156 = arith.xori %parallel_loop3A_2153, %parallel_loop3A_2155 : i1
      %parallel_loop3A_2157 = arith.andi %parallel_loop3A_2156, %parallel_loop3A_2151 : i1
      %parallel_loop3A_2158 = arith.addi %parallel_loop3A_2149, %parallel_loop3A_2148 : i32
      %parallel_loop3A_2159 = arith.select %parallel_loop3A_2157, %parallel_loop3A_2158, %parallel_loop3A_2149 : i32
      %parallel_loop3A_2160 = arith.constant 16 : i32
      %parallel_loop3A_2161 = arith.muli %parallel_loop3A_2159, %parallel_loop3A_2160 : i32
      %parallel_loop3A_2162 = arith.index_cast %parallel_loop3A_2143 : i32 to index
      %parallel_loop3A_2163 = arith.index_cast %parallel_loop3A_2161 : i32 to index
      %parallel_loop3A_2164 = tpu.vector_load %arg9[%parallel_loop3A_2162, %parallel_loop3A_2163] {strides = array<i32>} : memref<26x256xi32, #tpu.memory_space<vmem>>, vector<16xi32>,
      %parallel_loop3A_2165 = arith.constant 0 : i32
      %parallel_loop3A_2166 = vector.broadcast %parallel_loop3A_2165 : i32 to vector<16xi32>
      %parallel_loop3A_2167 = arith.cmpi sge, %parallel_loop3A_2164, %parallel_loop3A_2166 : vector<16xi32>
      %parallel_loop3A_2168 = arith.constant 100000 : i32
      %parallel_loop3A_2169 = vector.broadcast %parallel_loop3A_2168 : i32 to vector<16xi32>
      %parallel_loop3A_2170 = arith.cmpi slt, %parallel_loop3A_2164, %parallel_loop3A_2169 : vector<16xi32>
      %parallel_loop3A_2171 = arith.andi %parallel_loop3A_2167, %parallel_loop3A_2170 : vector<16xi1>
      %parallel_loop3A_2172 = arith.constant 0 : i32
      %parallel_loop3A_2173 = vector.broadcast %parallel_loop3A_2172 : i32 to vector<16xi32>
      %parallel_loop3A_2174 = arith.select %parallel_loop3A_2171, %parallel_loop3A_2164, %parallel_loop3A_2173 : vector<16xi1>, vector<16xi32>
      %parallel_loop3A_2175 = arith.constant 8 : i32
      %parallel_loop3A_2176 = arith.divsi %parallel_loop3A_2119, %parallel_loop3A_2175 : i32
      %parallel_loop3A_2177 = arith.constant 0 : i32
      %parallel_loop3A_2178 = arith.cmpi sgt, %parallel_loop3A_2119, %parallel_loop3A_2177 : i32
      %parallel_loop3A_2179 = arith.extui %parallel_loop3A_2178 : i1 to i32
      %parallel_loop3A_2180 = arith.constant 0 : i32
      %parallel_loop3A_2181 = arith.cmpi slt, %parallel_loop3A_2119, %parallel_loop3A_2180 : i32
      %parallel_loop3A_2182 = arith.extui %parallel_loop3A_2181 : i1 to i32
      %parallel_loop3A_2183 = arith.subi %parallel_loop3A_2179, %parallel_loop3A_2182 : i32
      %parallel_loop3A_2184 = arith.constant 0 : i32
      %parallel_loop3A_2185 = arith.cmpi sgt, %parallel_loop3A_2175, %parallel_loop3A_2184 : i32
      %parallel_loop3A_2186 = arith.extui %parallel_loop3A_2185 : i1 to i32
      %parallel_loop3A_2187 = arith.constant 0 : i32
      %parallel_loop3A_2188 = arith.cmpi slt, %parallel_loop3A_2175, %parallel_loop3A_2187 : i32
      %parallel_loop3A_2189 = arith.extui %parallel_loop3A_2188 : i1 to i32
      %parallel_loop3A_2190 = arith.subi %parallel_loop3A_2186, %parallel_loop3A_2189 : i32
      %parallel_loop3A_2191 = arith.cmpi ne, %parallel_loop3A_2183, %parallel_loop3A_2190 : i32
      %parallel_loop3A_2192 = arith.remsi %parallel_loop3A_2119, %parallel_loop3A_2175 : i32
      %parallel_loop3A_2193 = arith.constant 0 : i32
      %parallel_loop3A_2194 = arith.cmpi ne, %parallel_loop3A_2192, %parallel_loop3A_2193 : i32
      %parallel_loop3A_2195 = arith.andi %parallel_loop3A_2191, %parallel_loop3A_2194 : i1
      %parallel_loop3A_2196 = arith.constant 1 : i32
      %parallel_loop3A_2197 = arith.subi %parallel_loop3A_2176, %parallel_loop3A_2196 : i32
      %parallel_loop3A_2198 = arith.select %parallel_loop3A_2195, %parallel_loop3A_2197, %parallel_loop3A_2176 : i32
      %parallel_loop3A_2199 = arith.constant 8 : i32
      %parallel_loop3A_2200 = arith.constant 0 : i32
      %parallel_loop3A_2201 = arith.cmpi eq, %parallel_loop3A_2199, %parallel_loop3A_2200 : i32
      %parallel_loop3A_2202 = arith.constant 1 : i32
      %parallel_loop3A_2203 = arith.select %parallel_loop3A_2201, %parallel_loop3A_2202, %parallel_loop3A_2199 : i32
      %parallel_loop3A_2204 = arith.remsi %parallel_loop3A_2119, %parallel_loop3A_2203 : i32
      %parallel_loop3A_2205 = arith.constant 0 : i32
      %parallel_loop3A_2206 = arith.cmpi ne, %parallel_loop3A_2204, %parallel_loop3A_2205 : i32
      %parallel_loop3A_2207 = arith.constant 0 : i32
      %parallel_loop3A_2208 = arith.cmpi slt, %parallel_loop3A_2204, %parallel_loop3A_2207 : i32
      %parallel_loop3A_2209 = arith.constant 0 : i32
      %parallel_loop3A_2210 = arith.cmpi slt, %parallel_loop3A_2203, %parallel_loop3A_2209 : i32
      %parallel_loop3A_2211 = arith.xori %parallel_loop3A_2208, %parallel_loop3A_2210 : i1
      %parallel_loop3A_2212 = arith.andi %parallel_loop3A_2211, %parallel_loop3A_2206 : i1
      %parallel_loop3A_2213 = arith.addi %parallel_loop3A_2204, %parallel_loop3A_2203 : i32
      %parallel_loop3A_2214 = arith.select %parallel_loop3A_2212, %parallel_loop3A_2213, %parallel_loop3A_2204 : i32
      %parallel_loop3A_2215 = arith.constant 16 : i32
      %parallel_loop3A_2216 = arith.muli %parallel_loop3A_2214, %parallel_loop3A_2215 : i32
      %parallel_loop3A_2217 = arith.index_cast %parallel_loop3A_2198 : i32 to index
      %parallel_loop3A_2218 = arith.index_cast %parallel_loop3A_2216 : i32 to index
      %parallel_loop3A_2219 = tpu.vector_load %arg7[%parallel_loop3A_2217, %parallel_loop3A_2218] {strides = array<i32>} : memref<52x128xi32, #tpu.memory_space<vmem>>, vector<16xi32>,
      tpu.vector_store %arg7[%parallel_loop3A_2217, %parallel_loop3A_2218], %parallel_loop3A_2174 {strides = array<i32>} : memref<52x128xi32, #tpu.memory_space<vmem>>, vector<16xi32>,
    } {sc.loop_unroll_factor = 8 : i64, sc.parallel_access}
    %dma_start3A_22 = arith.constant 0 : i32
    %dma_start3A_23 = arith.constant 0 : i32
    %dma_start3A_24 = arith.constant 0 : i32
    %dma_start3A_25 = tpu.memref_slice %arg8[%dma_start3A_23, %dma_start3A_24] : memref<52x128xf32, #tpu.memory_space<vmem>> -> memref<1x128xf32, #tpu.memory_space<vmem>>
    %dma_start3A_26 = tpu.memref_squeeze %dma_start3A_25 : memref<1x128xf32, #tpu.memory_space<vmem>> -> memref<128xf32, #tpu.memory_space<vmem>>
    %dma_start3A_27 = arith.constant 0 : i32
    %dma_start3A_28 = tpu.memref_slice %arg7[%dma_start3A_22, %dma_start3A_27] : memref<52x128xi32, #tpu.memory_space<vmem>> -> memref<1x128xi32, #tpu.memory_space<vmem>>
    %dma_start3A_29 = tpu.memref_squeeze %dma_start3A_28 : memref<1x128xi32, #tpu.memory_space<vmem>> -> memref<128xi32, #tpu.memory_space<vmem>>
    %dma_start3A_30 = arith.constant 0 : i32
    %dma_start3A_31 = tpu.memref_slice %arg6[%dma_start3A_30] : memref<100000xf32, #tpu.memory_space<vmem_shared>> -> memref<100000xf32, #tpu.memory_space<vmem_shared>>
    tpu.enqueue_indirect_dma source(%dma_start3A_31 : memref<100000xf32, #tpu.memory_space<vmem_shared>>) target(%dma_start3A_26 : memref<128xf32, #tpu.memory_space<vmem>>) offsets(%dma_start3A_29 : memref<128xi32, #tpu.memory_space<vmem>>) semaphore(%arg15 : memref<!tpu.dma_semaphore, #tpu.memory_space<semaphore_mem>>)
    %dma_start3A_32 = arith.constant 1 : i32
    %dma_start3A_33 = arith.constant 1 : i32
    %dma_start3A_34 = arith.constant 0 : i32
    %dma_start3A_35 = tpu.memref_slice %arg8[%dma_start3A_33, %dma_start3A_34] : memref<52x128xf32, #tpu.memory_space<vmem>> -> memref<1x128xf32, #tpu.memory_space<vmem>>
    %dma_start3A_36 = tpu.memref_squeeze %dma_start3A_35 : memref<1x128xf32, #tpu.memory_space<vmem>> -> memref<128xf32, #tpu.memory_space<vmem>>
    %dma_start3A_37 = arith.constant 0 : i32
    %dma_start3A_38 = tpu.memref_slice %arg7[%dma_start3A_32, %dma_start3A_37] : memref<52x128xi32, #tpu.memory_space<vmem>> -> memref<1x128xi32, #tpu.memory_space<vmem>>
    %dma_start3A_39 = tpu.memref_squeeze %dma_start3A_38 : memref<1x128xi32, #tpu.memory_space<vmem>> -> memref<128xi32, #tpu.memory_space<vmem>>
    %dma_start3A_40 = arith.constant 0 : i32
    %dma_start3A_41 = tpu.memref_slice %arg6[%dma_start3A_40] : memref<100000xf32, #tpu.memory_space<vmem_shared>> -> memref<100000xf32, #tpu.memory_space<vmem_shared>>
    tpu.enqueue_indirect_dma source(%dma_start3A_41 : memref<100000xf32, #tpu.memory_space<vmem_shared>>) target(%dma_start3A_36 : memref<128xf32, #tpu.memory_space<vmem>>) offsets(%dma_start3A_39 : memref<128xi32, #tpu.memory_space<vmem>>) semaphore(%arg15 : memref<!tpu.dma_semaphore, #tpu.memory_space<semaphore_mem>>)
    %dma_start3A_42 = arith.constant 2 : i32
    %dma_start3A_43 = arith.constant 2 : i32
    %dma_start3A_44 = arith.constant 0 : i32
    %dma_start3A_45 = tpu.memref_slice %arg8[%dma_start3A_43, %dma_start3A_44] : memref<52x128xf32, #tpu.memory_space<vmem>> -> memref<1x128xf32, #tpu.memory_space<vmem>>
    %dma_start3A_46 = tpu.memref_squeeze %dma_start3A_45 : memref<1x128xf32, #tpu.memory_space<vmem>> -> memref<128xf32, #tpu.memory_space<vmem>>
    %dma_start3A_47 = arith.constant 0 : i32
    %dma_start3A_48 = tpu.memref_slice %arg7[%dma_start3A_42, %dma_start3A_47] : memref<52x128xi32, #tpu.memory_space<vmem>> -> memref<1x128xi32, #tpu.memory_space<vmem>>
    %dma_start3A_49 = tpu.memref_squeeze %dma_start3A_48 : memref<1x128xi32, #tpu.memory_space<vmem>> -> memref<128xi32, #tpu.memory_space<vmem>>
    %dma_start3A_50 = arith.constant 0 : i32
    %dma_start3A_51 = tpu.memref_slice %arg6[%dma_start3A_50] : memref<100000xf32, #tpu.memory_space<vmem_shared>> -> memref<100000xf32, #tpu.memory_space<vmem_shared>>
    tpu.enqueue_indirect_dma source(%dma_start3A_51 : memref<100000xf32, #tpu.memory_space<vmem_shared>>) target(%dma_start3A_46 : memref<128xf32, #tpu.memory_space<vmem>>) offsets(%dma_start3A_49 : memref<128xi32, #tpu.memory_space<vmem>>) semaphore(%arg15 : memref<!tpu.dma_semaphore, #tpu.memory_space<semaphore_mem>>)
    %dma_start3A_52 = arith.constant 3 : i32
    %dma_start3A_53 = arith.constant 3 : i32
    %dma_start3A_54 = arith.constant 0 : i32
    %dma_start3A_55 = tpu.memref_slice %arg8[%dma_start3A_53, %dma_start3A_54] : memref<52x128xf32, #tpu.memory_space<vmem>> -> memref<1x128xf32, #tpu.memory_space<vmem>>
    %dma_start3A_56 = tpu.memref_squeeze %dma_start3A_55 : memref<1x128xf32, #tpu.memory_space<vmem>> -> memref<128xf32, #tpu.memory_space<vmem>>
    %dma_start3A_57 = arith.constant 0 : i32
    %dma_start3A_58 = tpu.memref_slice %arg7[%dma_start3A_52, %dma_start3A_57] : memref<52x128xi32, #tpu.memory_space<vmem>> -> memref<1x128xi32, #tpu.memory_space<vmem>>
    %dma_start3A_59 = tpu.memref_squeeze %dma_start3A_58 : memref<1x128xi32, #tpu.memory_space<vmem>> -> memref<128xi32, #tpu.memory_space<vmem>>
    %dma_start3A_60 = arith.constant 0 : i32
    %dma_start3A_61 = tpu.memref_slice %arg6[%dma_start3A_60] : memref<100000xf32, #tpu.memory_space<vmem_shared>> -> memref<100000xf32, #tpu.memory_space<vmem_shared>>
    tpu.enqueue_indirect_dma source(%dma_start3A_61 : memref<100000xf32, #tpu.memory_space<vmem_shared>>) target(%dma_start3A_56 : memref<128xf32, #tpu.memory_space<vmem>>) offsets(%dma_start3A_59 : memref<128xi32, #tpu.memory_space<vmem>>) semaphore(%arg15 : memref<!tpu.dma_semaphore, #tpu.memory_space<semaphore_mem>>)
    %dma_start3A_62 = arith.constant 4 : i32
    %dma_start3A_63 = arith.constant 4 : i32
    %dma_start3A_64 = arith.constant 0 : i32
    %dma_start3A_65 = tpu.memref_slice %arg8[%dma_start3A_63, %dma_start3A_64] : memref<52x128xf32, #tpu.memory_space<vmem>> -> memref<1x128xf32, #tpu.memory_space<vmem>>
    %dma_start3A_66 = tpu.memref_squeeze %dma_start3A_65 : memref<1x128xf32, #tpu.memory_space<vmem>> -> memref<128xf32, #tpu.memory_space<vmem>>
    %dma_start3A_67 = arith.constant 0 : i32
    %dma_start3A_68 = tpu.memref_slice %arg7[%dma_start3A_62, %dma_start3A_67] : memref<52x128xi32, #tpu.memory_space<vmem>> -> memref<1x128xi32, #tpu.memory_space<vmem>>
    %dma_start3A_69 = tpu.memref_squeeze %dma_start3A_68 : memref<1x128xi32, #tpu.memory_space<vmem>> -> memref<128xi32, #tpu.memory_space<vmem>>
    %dma_start3A_70 = arith.constant 0 : i32
    %dma_start3A_71 = tpu.memref_slice %arg6[%dma_start3A_70] : memref<100000xf32, #tpu.memory_space<vmem_shared>> -> memref<100000xf32, #tpu.memory_space<vmem_shared>>
    tpu.enqueue_indirect_dma source(%dma_start3A_71 : memref<100000xf32, #tpu.memory_space<vmem_shared>>) target(%dma_start3A_66 : memref<128xf32, #tpu.memory_space<vmem>>) offsets(%dma_start3A_69 : memref<128xi32, #tpu.memory_space<vmem>>) semaphore(%arg15 : memref<!tpu.dma_semaphore, #tpu.memory_space<semaphore_mem>>)
    %dma_start3A_72 = arith.constant 5 : i32
    %dma_start3A_73 = arith.constant 5 : i32
    %dma_start3A_74 = arith.constant 0 : i32
    %dma_start3A_75 = tpu.memref_slice %arg8[%dma_start3A_73, %dma_start3A_74] : memref<52x128xf32, #tpu.memory_space<vmem>> -> memref<1x128xf32, #tpu.memory_space<vmem>>
    %dma_start3A_76 = tpu.memref_squeeze %dma_start3A_75 : memref<1x128xf32, #tpu.memory_space<vmem>> -> memref<128xf32, #tpu.memory_space<vmem>>
    %dma_start3A_77 = arith.constant 0 : i32
    %dma_start3A_78 = tpu.memref_slice %arg7[%dma_start3A_72, %dma_start3A_77] : memref<52x128xi32, #tpu.memory_space<vmem>> -> memref<1x128xi32, #tpu.memory_space<vmem>>
    %dma_start3A_79 = tpu.memref_squeeze %dma_start3A_78 : memref<1x128xi32, #tpu.memory_space<vmem>> -> memref<128xi32, #tpu.memory_space<vmem>>
    %dma_start3A_80 = arith.constant 0 : i32
    %dma_start3A_81 = tpu.memref_slice %arg6[%dma_start3A_80] : memref<100000xf32, #tpu.memory_space<vmem_shared>> -> memref<100000xf32, #tpu.memory_space<vmem_shared>>
    tpu.enqueue_indirect_dma source(%dma_start3A_81 : memref<100000xf32, #tpu.memory_space<vmem_shared>>) target(%dma_start3A_76 : memref<128xf32, #tpu.memory_space<vmem>>) offsets(%dma_start3A_79 : memref<128xi32, #tpu.memory_space<vmem>>) semaphore(%arg15 : memref<!tpu.dma_semaphore, #tpu.memory_space<semaphore_mem>>)
    %dma_start3A_82 = arith.constant 6 : i32
    %dma_start3A_83 = arith.constant 6 : i32
    %dma_start3A_84 = arith.constant 0 : i32
    %dma_start3A_85 = tpu.memref_slice %arg8[%dma_start3A_83, %dma_start3A_84] : memref<52x128xf32, #tpu.memory_space<vmem>> -> memref<1x128xf32, #tpu.memory_space<vmem>>
    %dma_start3A_86 = tpu.memref_squeeze %dma_start3A_85 : memref<1x128xf32, #tpu.memory_space<vmem>> -> memref<128xf32, #tpu.memory_space<vmem>>
    %dma_start3A_87 = arith.constant 0 : i32
    %dma_start3A_88 = tpu.memref_slice %arg7[%dma_start3A_82, %dma_start3A_87] : memref<52x128xi32, #tpu.memory_space<vmem>> -> memref<1x128xi32, #tpu.memory_space<vmem>>
    %dma_start3A_89 = tpu.memref_squeeze %dma_start3A_88 : memref<1x128xi32, #tpu.memory_space<vmem>> -> memref<128xi32, #tpu.memory_space<vmem>>
    %dma_start3A_90 = arith.constant 0 : i32
    %dma_start3A_91 = tpu.memref_slice %arg6[%dma_start3A_90] : memref<100000xf32, #tpu.memory_space<vmem_shared>> -> memref<100000xf32, #tpu.memory_space<vmem_shared>>
    tpu.enqueue_indirect_dma source(%dma_start3A_91 : memref<100000xf32, #tpu.memory_space<vmem_shared>>) target(%dma_start3A_86 : memref<128xf32, #tpu.memory_space<vmem>>) offsets(%dma_start3A_89 : memref<128xi32, #tpu.memory_space<vmem>>) semaphore(%arg15 : memref<!tpu.dma_semaphore, #tpu.memory_space<semaphore_mem>>)
    %dma_start3A_92 = arith.constant 7 : i32
    %dma_start3A_93 = arith.constant 7 : i32
    %dma_start3A_94 = arith.constant 0 : i32
    %dma_start3A_95 = tpu.memref_slice %arg8[%dma_start3A_93, %dma_start3A_94] : memref<52x128xf32, #tpu.memory_space<vmem>> -> memref<1x128xf32, #tpu.memory_space<vmem>>
    %dma_start3A_96 = tpu.memref_squeeze %dma_start3A_95 : memref<1x128xf32, #tpu.memory_space<vmem>> -> memref<128xf32, #tpu.memory_space<vmem>>
    %dma_start3A_97 = arith.constant 0 : i32
    %dma_start3A_98 = tpu.memref_slice %arg7[%dma_start3A_92, %dma_start3A_97] : memref<52x128xi32, #tpu.memory_space<vmem>> -> memref<1x128xi32, #tpu.memory_space<vmem>>
    %dma_start3A_99 = tpu.memref_squeeze %dma_start3A_98 : memref<1x128xi32, #tpu.memory_space<vmem>> -> memref<128xi32, #tpu.memory_space<vmem>>
    %dma_start3A_100 = arith.constant 0 : i32
    %dma_start3A_101 = tpu.memref_slice %arg6[%dma_start3A_100] : memref<100000xf32, #tpu.memory_space<vmem_shared>> -> memref<100000xf32, #tpu.memory_space<vmem_shared>>
    tpu.enqueue_indirect_dma source(%dma_start3A_101 : memref<100000xf32, #tpu.memory_space<vmem_shared>>) target(%dma_start3A_96 : memref<128xf32, #tpu.memory_space<vmem>>) offsets(%dma_start3A_99 : memref<128xi32, #tpu.memory_space<vmem>>) semaphore(%arg15 : memref<!tpu.dma_semaphore, #tpu.memory_space<semaphore_mem>>)
    %dma_start3A_102 = arith.constant 8 : i32
    %dma_start3A_103 = arith.constant 8 : i32
    %dma_start3A_104 = arith.constant 0 : i32
    %dma_start3A_105 = tpu.memref_slice %arg8[%dma_start3A_103, %dma_start3A_104] : memref<52x128xf32, #tpu.memory_space<vmem>> -> memref<1x128xf32, #tpu.memory_space<vmem>>
    %dma_start3A_106 = tpu.memref_squeeze %dma_start3A_105 : memref<1x128xf32, #tpu.memory_space<vmem>> -> memref<128xf32, #tpu.memory_space<vmem>>
    %dma_start3A_107 = arith.constant 0 : i32
    %dma_start3A_108 = tpu.memref_slice %arg7[%dma_start3A_102, %dma_start3A_107] : memref<52x128xi32, #tpu.memory_space<vmem>> -> memref<1x128xi32, #tpu.memory_space<vmem>>
    %dma_start3A_109 = tpu.memref_squeeze %dma_start3A_108 : memref<1x128xi32, #tpu.memory_space<vmem>> -> memref<128xi32, #tpu.memory_space<vmem>>
    %dma_start3A_110 = arith.constant 0 : i32
    %dma_start3A_111 = tpu.memref_slice %arg6[%dma_start3A_110] : memref<100000xf32, #tpu.memory_space<vmem_shared>> -> memref<100000xf32, #tpu.memory_space<vmem_shared>>
    tpu.enqueue_indirect_dma source(%dma_start3A_111 : memref<100000xf32, #tpu.memory_space<vmem_shared>>) target(%dma_start3A_106 : memref<128xf32, #tpu.memory_space<vmem>>) offsets(%dma_start3A_109 : memref<128xi32, #tpu.memory_space<vmem>>) semaphore(%arg15 : memref<!tpu.dma_semaphore, #tpu.memory_space<semaphore_mem>>)
    %dma_start3A_112 = arith.constant 9 : i32
    %dma_start3A_113 = arith.constant 9 : i32
    %dma_start3A_114 = arith.constant 0 : i32
    %dma_start3A_115 = tpu.memref_slice %arg8[%dma_start3A_113, %dma_start3A_114] : memref<52x128xf32, #tpu.memory_space<vmem>> -> memref<1x128xf32, #tpu.memory_space<vmem>>
    %dma_start3A_116 = tpu.memref_squeeze %dma_start3A_115 : memref<1x128xf32, #tpu.memory_space<vmem>> -> memref<128xf32, #tpu.memory_space<vmem>>
    %dma_start3A_117 = arith.constant 0 : i32
    %dma_start3A_118 = tpu.memref_slice %arg7[%dma_start3A_112, %dma_start3A_117] : memref<52x128xi32, #tpu.memory_space<vmem>> -> memref<1x128xi32, #tpu.memory_space<vmem>>
    %dma_start3A_119 = tpu.memref_squeeze %dma_start3A_118 : memref<1x128xi32, #tpu.memory_space<vmem>> -> memref<128xi32, #tpu.memory_space<vmem>>
    %dma_start3A_120 = arith.constant 0 : i32
    %dma_start3A_121 = tpu.memref_slice %arg6[%dma_start3A_120] : memref<100000xf32, #tpu.memory_space<vmem_shared>> -> memref<100000xf32, #tpu.memory_space<vmem_shared>>
    tpu.enqueue_indirect_dma source(%dma_start3A_121 : memref<100000xf32, #tpu.memory_space<vmem_shared>>) target(%dma_start3A_116 : memref<128xf32, #tpu.memory_space<vmem>>) offsets(%dma_start3A_119 : memref<128xi32, #tpu.memory_space<vmem>>) semaphore(%arg15 : memref<!tpu.dma_semaphore, #tpu.memory_space<semaphore_mem>>)
    %dma_start3A_122 = arith.constant 10 : i32
    %dma_start3A_123 = arith.constant 10 : i32
    %dma_start3A_124 = arith.constant 0 : i32
    %dma_start3A_125 = tpu.memref_slice %arg8[%dma_start3A_123, %dma_start3A_124] : memref<52x128xf32, #tpu.memory_space<vmem>> -> memref<1x128xf32, #tpu.memory_space<vmem>>
    %dma_start3A_126 = tpu.memref_squeeze %dma_start3A_125 : memref<1x128xf32, #tpu.memory_space<vmem>> -> memref<128xf32, #tpu.memory_space<vmem>>
    %dma_start3A_127 = arith.constant 0 : i32
    %dma_start3A_128 = tpu.memref_slice %arg7[%dma_start3A_122, %dma_start3A_127] : memref<52x128xi32, #tpu.memory_space<vmem>> -> memref<1x128xi32, #tpu.memory_space<vmem>>
    %dma_start3A_129 = tpu.memref_squeeze %dma_start3A_128 : memref<1x128xi32, #tpu.memory_space<vmem>> -> memref<128xi32, #tpu.memory_space<vmem>>
    %dma_start3A_130 = arith.constant 0 : i32
    %dma_start3A_131 = tpu.memref_slice %arg6[%dma_start3A_130] : memref<100000xf32, #tpu.memory_space<vmem_shared>> -> memref<100000xf32, #tpu.memory_space<vmem_shared>>
    tpu.enqueue_indirect_dma source(%dma_start3A_131 : memref<100000xf32, #tpu.memory_space<vmem_shared>>) target(%dma_start3A_126 : memref<128xf32, #tpu.memory_space<vmem>>) offsets(%dma_start3A_129 : memref<128xi32, #tpu.memory_space<vmem>>) semaphore(%arg15 : memref<!tpu.dma_semaphore, #tpu.memory_space<semaphore_mem>>)
    %dma_start3A_132 = arith.constant 11 : i32
    %dma_start3A_133 = arith.constant 11 : i32
    %dma_start3A_134 = arith.constant 0 : i32
    %dma_start3A_135 = tpu.memref_slice %arg8[%dma_start3A_133, %dma_start3A_134] : memref<52x128xf32, #tpu.memory_space<vmem>> -> memref<1x128xf32, #tpu.memory_space<vmem>>
    %dma_start3A_136 = tpu.memref_squeeze %dma_start3A_135 : memref<1x128xf32, #tpu.memory_space<vmem>> -> memref<128xf32, #tpu.memory_space<vmem>>
    %dma_start3A_137 = arith.constant 0 : i32
    %dma_start3A_138 = tpu.memref_slice %arg7[%dma_start3A_132, %dma_start3A_137] : memref<52x128xi32, #tpu.memory_space<vmem>> -> memref<1x128xi32, #tpu.memory_space<vmem>>
    %dma_start3A_139 = tpu.memref_squeeze %dma_start3A_138 : memref<1x128xi32, #tpu.memory_space<vmem>> -> memref<128xi32, #tpu.memory_space<vmem>>
    %dma_start3A_140 = arith.constant 0 : i32
    %dma_start3A_141 = tpu.memref_slice %arg6[%dma_start3A_140] : memref<100000xf32, #tpu.memory_space<vmem_shared>> -> memref<100000xf32, #tpu.memory_space<vmem_shared>>
    tpu.enqueue_indirect_dma source(%dma_start3A_141 : memref<100000xf32, #tpu.memory_space<vmem_shared>>) target(%dma_start3A_136 : memref<128xf32, #tpu.memory_space<vmem>>) offsets(%dma_start3A_139 : memref<128xi32, #tpu.memory_space<vmem>>) semaphore(%arg15 : memref<!tpu.dma_semaphore, #tpu.memory_space<semaphore_mem>>)
    %dma_start3A_142 = arith.constant 12 : i32
    %dma_start3A_143 = arith.constant 12 : i32
    %dma_start3A_144 = arith.constant 0 : i32
    %dma_start3A_145 = tpu.memref_slice %arg8[%dma_start3A_143, %dma_start3A_144] : memref<52x128xf32, #tpu.memory_space<vmem>> -> memref<1x128xf32, #tpu.memory_space<vmem>>
    %dma_start3A_146 = tpu.memref_squeeze %dma_start3A_145 : memref<1x128xf32, #tpu.memory_space<vmem>> -> memref<128xf32, #tpu.memory_space<vmem>>
    %dma_start3A_147 = arith.constant 0 : i32
    %dma_start3A_148 = tpu.memref_slice %arg7[%dma_start3A_142, %dma_start3A_147] : memref<52x128xi32, #tpu.memory_space<vmem>> -> memref<1x128xi32, #tpu.memory_space<vmem>>
    %dma_start3A_149 = tpu.memref_squeeze %dma_start3A_148 : memref<1x128xi32, #tpu.memory_space<vmem>> -> memref<128xi32, #tpu.memory_space<vmem>>
    %dma_start3A_150 = arith.constant 0 : i32
    %dma_start3A_151 = tpu.memref_slice %arg6[%dma_start3A_150] : memref<100000xf32, #tpu.memory_space<vmem_shared>> -> memref<100000xf32, #tpu.memory_space<vmem_shared>>
    tpu.enqueue_indirect_dma source(%dma_start3A_151 : memref<100000xf32, #tpu.memory_space<vmem_shared>>) target(%dma_start3A_146 : memref<128xf32, #tpu.memory_space<vmem>>) offsets(%dma_start3A_149 : memref<128xi32, #tpu.memory_space<vmem>>) semaphore(%arg15 : memref<!tpu.dma_semaphore, #tpu.memory_space<semaphore_mem>>)
    %dma_start3A_152 = arith.constant 13 : i32
    %dma_start3A_153 = arith.constant 13 : i32
    %dma_start3A_154 = arith.constant 0 : i32
    %dma_start3A_155 = tpu.memref_slice %arg8[%dma_start3A_153, %dma_start3A_154] : memref<52x128xf32, #tpu.memory_space<vmem>> -> memref<1x128xf32, #tpu.memory_space<vmem>>
    %dma_start3A_156 = tpu.memref_squeeze %dma_start3A_155 : memref<1x128xf32, #tpu.memory_space<vmem>> -> memref<128xf32, #tpu.memory_space<vmem>>
    %dma_start3A_157 = arith.constant 0 : i32
    %dma_start3A_158 = tpu.memref_slice %arg7[%dma_start3A_152, %dma_start3A_157] : memref<52x128xi32, #tpu.memory_space<vmem>> -> memref<1x128xi32, #tpu.memory_space<vmem>>
    %dma_start3A_159 = tpu.memref_squeeze %dma_start3A_158 : memref<1x128xi32, #tpu.memory_space<vmem>> -> memref<128xi32, #tpu.memory_space<vmem>>
    %dma_start3A_160 = arith.constant 0 : i32
    %dma_start3A_161 = tpu.memref_slice %arg6[%dma_start3A_160] : memref<100000xf32, #tpu.memory_space<vmem_shared>> -> memref<100000xf32, #tpu.memory_space<vmem_shared>>
    tpu.enqueue_indirect_dma source(%dma_start3A_161 : memref<100000xf32, #tpu.memory_space<vmem_shared>>) target(%dma_start3A_156 : memref<128xf32, #tpu.memory_space<vmem>>) offsets(%dma_start3A_159 : memref<128xi32, #tpu.memory_space<vmem>>) semaphore(%arg15 : memref<!tpu.dma_semaphore, #tpu.memory_space<semaphore_mem>>)
    %dma_start3A_162 = arith.constant 14 : i32
    %dma_start3A_163 = arith.constant 14 : i32
    %dma_start3A_164 = arith.constant 0 : i32
    %dma_start3A_165 = tpu.memref_slice %arg8[%dma_start3A_163, %dma_start3A_164] : memref<52x128xf32, #tpu.memory_space<vmem>> -> memref<1x128xf32, #tpu.memory_space<vmem>>
    %dma_start3A_166 = tpu.memref_squeeze %dma_start3A_165 : memref<1x128xf32, #tpu.memory_space<vmem>> -> memref<128xf32, #tpu.memory_space<vmem>>
    %dma_start3A_167 = arith.constant 0 : i32
    %dma_start3A_168 = tpu.memref_slice %arg7[%dma_start3A_162, %dma_start3A_167] : memref<52x128xi32, #tpu.memory_space<vmem>> -> memref<1x128xi32, #tpu.memory_space<vmem>>
    %dma_start3A_169 = tpu.memref_squeeze %dma_start3A_168 : memref<1x128xi32, #tpu.memory_space<vmem>> -> memref<128xi32, #tpu.memory_space<vmem>>
    %dma_start3A_170 = arith.constant 0 : i32
    %dma_start3A_171 = tpu.memref_slice %arg6[%dma_start3A_170] : memref<100000xf32, #tpu.memory_space<vmem_shared>> -> memref<100000xf32, #tpu.memory_space<vmem_shared>>
    tpu.enqueue_indirect_dma source(%dma_start3A_171 : memref<100000xf32, #tpu.memory_space<vmem_shared>>) target(%dma_start3A_166 : memref<128xf32, #tpu.memory_space<vmem>>) offsets(%dma_start3A_169 : memref<128xi32, #tpu.memory_space<vmem>>) semaphore(%arg15 : memref<!tpu.dma_semaphore, #tpu.memory_space<semaphore_mem>>)
    %dma_start3A_172 = arith.constant 15 : i32
    %dma_start3A_173 = arith.constant 15 : i32
    %dma_start3A_174 = arith.constant 0 : i32
    %dma_start3A_175 = tpu.memref_slice %arg8[%dma_start3A_173, %dma_start3A_174] : memref<52x128xf32, #tpu.memory_space<vmem>> -> memref<1x128xf32, #tpu.memory_space<vmem>>
    %dma_start3A_176 = tpu.memref_squeeze %dma_start3A_175 : memref<1x128xf32, #tpu.memory_space<vmem>> -> memref<128xf32, #tpu.memory_space<vmem>>
    %dma_start3A_177 = arith.constant 0 : i32
    %dma_start3A_178 = tpu.memref_slice %arg7[%dma_start3A_172, %dma_start3A_177] : memref<52x128xi32, #tpu.memory_space<vmem>> -> memref<1x128xi32, #tpu.memory_space<vmem>>
    %dma_start3A_179 = tpu.memref_squeeze %dma_start3A_178 : memref<1x128xi32, #tpu.memory_space<vmem>> -> memref<128xi32, #tpu.memory_space<vmem>>
    %dma_start3A_180 = arith.constant 0 : i32
    %dma_start3A_181 = tpu.memref_slice %arg6[%dma_start3A_180] : memref<100000xf32, #tpu.memory_space<vmem_shared>> -> memref<100000xf32, #tpu.memory_space<vmem_shared>>
    tpu.enqueue_indirect_dma source(%dma_start3A_181 : memref<100000xf32, #tpu.memory_space<vmem_shared>>) target(%dma_start3A_176 : memref<128xf32, #tpu.memory_space<vmem>>) offsets(%dma_start3A_179 : memref<128xi32, #tpu.memory_space<vmem>>) semaphore(%arg15 : memref<!tpu.dma_semaphore, #tpu.memory_space<semaphore_mem>>)
    %dma_start3A_182 = arith.constant 16 : i32
    %dma_start3A_183 = arith.constant 16 : i32
    %dma_start3A_184 = arith.constant 0 : i32
    %dma_start3A_185 = tpu.memref_slice %arg8[%dma_start3A_183, %dma_start3A_184] : memref<52x128xf32, #tpu.memory_space<vmem>> -> memref<1x128xf32, #tpu.memory_space<vmem>>
    %dma_start3A_186 = tpu.memref_squeeze %dma_start3A_185 : memref<1x128xf32, #tpu.memory_space<vmem>> -> memref<128xf32, #tpu.memory_space<vmem>>
    %dma_start3A_187 = arith.constant 0 : i32
    %dma_start3A_188 = tpu.memref_slice %arg7[%dma_start3A_182, %dma_start3A_187] : memref<52x128xi32, #tpu.memory_space<vmem>> -> memref<1x128xi32, #tpu.memory_space<vmem>>
    %dma_start3A_189 = tpu.memref_squeeze %dma_start3A_188 : memref<1x128xi32, #tpu.memory_space<vmem>> -> memref<128xi32, #tpu.memory_space<vmem>>
    %dma_start3A_190 = arith.constant 0 : i32
    %dma_start3A_191 = tpu.memref_slice %arg6[%dma_start3A_190] : memref<100000xf32, #tpu.memory_space<vmem_shared>> -> memref<100000xf32, #tpu.memory_space<vmem_shared>>
    tpu.enqueue_indirect_dma source(%dma_start3A_191 : memref<100000xf32, #tpu.memory_space<vmem_shared>>) target(%dma_start3A_186 : memref<128xf32, #tpu.memory_space<vmem>>) offsets(%dma_start3A_189 : memref<128xi32, #tpu.memory_space<vmem>>) semaphore(%arg15 : memref<!tpu.dma_semaphore, #tpu.memory_space<semaphore_mem>>)
    %dma_start3A_192 = arith.constant 17 : i32
    %dma_start3A_193 = arith.constant 17 : i32
    %dma_start3A_194 = arith.constant 0 : i32
    %dma_start3A_195 = tpu.memref_slice %arg8[%dma_start3A_193, %dma_start3A_194] : memref<52x128xf32, #tpu.memory_space<vmem>> -> memref<1x128xf32, #tpu.memory_space<vmem>>
    %dma_start3A_196 = tpu.memref_squeeze %dma_start3A_195 : memref<1x128xf32, #tpu.memory_space<vmem>> -> memref<128xf32, #tpu.memory_space<vmem>>
    %dma_start3A_197 = arith.constant 0 : i32
    %dma_start3A_198 = tpu.memref_slice %arg7[%dma_start3A_192, %dma_start3A_197] : memref<52x128xi32, #tpu.memory_space<vmem>> -> memref<1x128xi32, #tpu.memory_space<vmem>>
    %dma_start3A_199 = tpu.memref_squeeze %dma_start3A_198 : memref<1x128xi32, #tpu.memory_space<vmem>> -> memref<128xi32, #tpu.memory_space<vmem>>
    %dma_start3A_200 = arith.constant 0 : i32
    %dma_start3A_201 = tpu.memref_slice %arg6[%dma_start3A_200] : memref<100000xf32, #tpu.memory_space<vmem_shared>> -> memref<100000xf32, #tpu.memory_space<vmem_shared>>
    tpu.enqueue_indirect_dma source(%dma_start3A_201 : memref<100000xf32, #tpu.memory_space<vmem_shared>>) target(%dma_start3A_196 : memref<128xf32, #tpu.memory_space<vmem>>) offsets(%dma_start3A_199 : memref<128xi32, #tpu.memory_space<vmem>>) semaphore(%arg15 : memref<!tpu.dma_semaphore, #tpu.memory_space<semaphore_mem>>)
    %dma_start3A_202 = arith.constant 18 : i32
    %dma_start3A_203 = arith.constant 18 : i32
    %dma_start3A_204 = arith.constant 0 : i32
    %dma_start3A_205 = tpu.memref_slice %arg8[%dma_start3A_203, %dma_start3A_204] : memref<52x128xf32, #tpu.memory_space<vmem>> -> memref<1x128xf32, #tpu.memory_space<vmem>>
    %dma_start3A_206 = tpu.memref_squeeze %dma_start3A_205 : memref<1x128xf32, #tpu.memory_space<vmem>> -> memref<128xf32, #tpu.memory_space<vmem>>
    %dma_start3A_207 = arith.constant 0 : i32
    %dma_start3A_208 = tpu.memref_slice %arg7[%dma_start3A_202, %dma_start3A_207] : memref<52x128xi32, #tpu.memory_space<vmem>> -> memref<1x128xi32, #tpu.memory_space<vmem>>
    %dma_start3A_209 = tpu.memref_squeeze %dma_start3A_208 : memref<1x128xi32, #tpu.memory_space<vmem>> -> memref<128xi32, #tpu.memory_space<vmem>>
    %dma_start3A_210 = arith.constant 0 : i32
    %dma_start3A_211 = tpu.memref_slice %arg6[%dma_start3A_210] : memref<100000xf32, #tpu.memory_space<vmem_shared>> -> memref<100000xf32, #tpu.memory_space<vmem_shared>>
    tpu.enqueue_indirect_dma source(%dma_start3A_211 : memref<100000xf32, #tpu.memory_space<vmem_shared>>) target(%dma_start3A_206 : memref<128xf32, #tpu.memory_space<vmem>>) offsets(%dma_start3A_209 : memref<128xi32, #tpu.memory_space<vmem>>) semaphore(%arg15 : memref<!tpu.dma_semaphore, #tpu.memory_space<semaphore_mem>>)
    %dma_start3A_212 = arith.constant 19 : i32
    %dma_start3A_213 = arith.constant 19 : i32
    %dma_start3A_214 = arith.constant 0 : i32
    %dma_start3A_215 = tpu.memref_slice %arg8[%dma_start3A_213, %dma_start3A_214] : memref<52x128xf32, #tpu.memory_space<vmem>> -> memref<1x128xf32, #tpu.memory_space<vmem>>
    %dma_start3A_216 = tpu.memref_squeeze %dma_start3A_215 : memref<1x128xf32, #tpu.memory_space<vmem>> -> memref<128xf32, #tpu.memory_space<vmem>>
    %dma_start3A_217 = arith.constant 0 : i32
    %dma_start3A_218 = tpu.memref_slice %arg7[%dma_start3A_212, %dma_start3A_217] : memref<52x128xi32, #tpu.memory_space<vmem>> -> memref<1x128xi32, #tpu.memory_space<vmem>>
    %dma_start3A_219 = tpu.memref_squeeze %dma_start3A_218 : memref<1x128xi32, #tpu.memory_space<vmem>> -> memref<128xi32, #tpu.memory_space<vmem>>
    %dma_start3A_220 = arith.constant 0 : i32
    %dma_start3A_221 = tpu.memref_slice %arg6[%dma_start3A_220] : memref<100000xf32, #tpu.memory_space<vmem_shared>> -> memref<100000xf32, #tpu.memory_space<vmem_shared>>
    tpu.enqueue_indirect_dma source(%dma_start3A_221 : memref<100000xf32, #tpu.memory_space<vmem_shared>>) target(%dma_start3A_216 : memref<128xf32, #tpu.memory_space<vmem>>) offsets(%dma_start3A_219 : memref<128xi32, #tpu.memory_space<vmem>>) semaphore(%arg15 : memref<!tpu.dma_semaphore, #tpu.memory_space<semaphore_mem>>)
    %dma_start3A_222 = arith.constant 20 : i32
    %dma_start3A_223 = arith.constant 20 : i32
    %dma_start3A_224 = arith.constant 0 : i32
    %dma_start3A_225 = tpu.memref_slice %arg8[%dma_start3A_223, %dma_start3A_224] : memref<52x128xf32, #tpu.memory_space<vmem>> -> memref<1x128xf32, #tpu.memory_space<vmem>>
    %dma_start3A_226 = tpu.memref_squeeze %dma_start3A_225 : memref<1x128xf32, #tpu.memory_space<vmem>> -> memref<128xf32, #tpu.memory_space<vmem>>
    %dma_start3A_227 = arith.constant 0 : i32
    %dma_start3A_228 = tpu.memref_slice %arg7[%dma_start3A_222, %dma_start3A_227] : memref<52x128xi32, #tpu.memory_space<vmem>> -> memref<1x128xi32, #tpu.memory_space<vmem>>
    %dma_start3A_229 = tpu.memref_squeeze %dma_start3A_228 : memref<1x128xi32, #tpu.memory_space<vmem>> -> memref<128xi32, #tpu.memory_space<vmem>>
    %dma_start3A_230 = arith.constant 0 : i32
    %dma_start3A_231 = tpu.memref_slice %arg6[%dma_start3A_230] : memref<100000xf32, #tpu.memory_space<vmem_shared>> -> memref<100000xf32, #tpu.memory_space<vmem_shared>>
    tpu.enqueue_indirect_dma source(%dma_start3A_231 : memref<100000xf32, #tpu.memory_space<vmem_shared>>) target(%dma_start3A_226 : memref<128xf32, #tpu.memory_space<vmem>>) offsets(%dma_start3A_229 : memref<128xi32, #tpu.memory_space<vmem>>) semaphore(%arg15 : memref<!tpu.dma_semaphore, #tpu.memory_space<semaphore_mem>>)
    %dma_start3A_232 = arith.constant 21 : i32
    %dma_start3A_233 = arith.constant 21 : i32
    %dma_start3A_234 = arith.constant 0 : i32
    %dma_start3A_235 = tpu.memref_slice %arg8[%dma_start3A_233, %dma_start3A_234] : memref<52x128xf32, #tpu.memory_space<vmem>> -> memref<1x128xf32, #tpu.memory_space<vmem>>
    %dma_start3A_236 = tpu.memref_squeeze %dma_start3A_235 : memref<1x128xf32, #tpu.memory_space<vmem>> -> memref<128xf32, #tpu.memory_space<vmem>>
    %dma_start3A_237 = arith.constant 0 : i32
    %dma_start3A_238 = tpu.memref_slice %arg7[%dma_start3A_232, %dma_start3A_237] : memref<52x128xi32, #tpu.memory_space<vmem>> -> memref<1x128xi32, #tpu.memory_space<vmem>>
    %dma_start3A_239 = tpu.memref_squeeze %dma_start3A_238 : memref<1x128xi32, #tpu.memory_space<vmem>> -> memref<128xi32, #tpu.memory_space<vmem>>
    %dma_start3A_240 = arith.constant 0 : i32
    %dma_start3A_241 = tpu.memref_slice %arg6[%dma_start3A_240] : memref<100000xf32, #tpu.memory_space<vmem_shared>> -> memref<100000xf32, #tpu.memory_space<vmem_shared>>
    tpu.enqueue_indirect_dma source(%dma_start3A_241 : memref<100000xf32, #tpu.memory_space<vmem_shared>>) target(%dma_start3A_236 : memref<128xf32, #tpu.memory_space<vmem>>) offsets(%dma_start3A_239 : memref<128xi32, #tpu.memory_space<vmem>>) semaphore(%arg15 : memref<!tpu.dma_semaphore, #tpu.memory_space<semaphore_mem>>)
    %dma_start3A_242 = arith.constant 22 : i32
    %dma_start3A_243 = arith.constant 22 : i32
    %dma_start3A_244 = arith.constant 0 : i32
    %dma_start3A_245 = tpu.memref_slice %arg8[%dma_start3A_243, %dma_start3A_244] : memref<52x128xf32, #tpu.memory_space<vmem>> -> memref<1x128xf32, #tpu.memory_space<vmem>>
    %dma_start3A_246 = tpu.memref_squeeze %dma_start3A_245 : memref<1x128xf32, #tpu.memory_space<vmem>> -> memref<128xf32, #tpu.memory_space<vmem>>
    %dma_start3A_247 = arith.constant 0 : i32
    %dma_start3A_248 = tpu.memref_slice %arg7[%dma_start3A_242, %dma_start3A_247] : memref<52x128xi32, #tpu.memory_space<vmem>> -> memref<1x128xi32, #tpu.memory_space<vmem>>
    %dma_start3A_249 = tpu.memref_squeeze %dma_start3A_248 : memref<1x128xi32, #tpu.memory_space<vmem>> -> memref<128xi32, #tpu.memory_space<vmem>>
    %dma_start3A_250 = arith.constant 0 : i32
    %dma_start3A_251 = tpu.memref_slice %arg6[%dma_start3A_250] : memref<100000xf32, #tpu.memory_space<vmem_shared>> -> memref<100000xf32, #tpu.memory_space<vmem_shared>>
    tpu.enqueue_indirect_dma source(%dma_start3A_251 : memref<100000xf32, #tpu.memory_space<vmem_shared>>) target(%dma_start3A_246 : memref<128xf32, #tpu.memory_space<vmem>>) offsets(%dma_start3A_249 : memref<128xi32, #tpu.memory_space<vmem>>) semaphore(%arg15 : memref<!tpu.dma_semaphore, #tpu.memory_space<semaphore_mem>>)
    %dma_start3A_252 = arith.constant 23 : i32
    %dma_start3A_253 = arith.constant 23 : i32
    %dma_start3A_254 = arith.constant 0 : i32
    %dma_start3A_255 = tpu.memref_slice %arg8[%dma_start3A_253, %dma_start3A_254] : memref<52x128xf32, #tpu.memory_space<vmem>> -> memref<1x128xf32, #tpu.memory_space<vmem>>
    %dma_start3A_256 = tpu.memref_squeeze %dma_start3A_255 : memref<1x128xf32, #tpu.memory_space<vmem>> -> memref<128xf32, #tpu.memory_space<vmem>>
    %dma_start3A_257 = arith.constant 0 : i32
    %dma_start3A_258 = tpu.memref_slice %arg7[%dma_start3A_252, %dma_start3A_257] : memref<52x128xi32, #tpu.memory_space<vmem>> -> memref<1x128xi32, #tpu.memory_space<vmem>>
    %dma_start3A_259 = tpu.memref_squeeze %dma_start3A_258 : memref<1x128xi32, #tpu.memory_space<vmem>> -> memref<128xi32, #tpu.memory_space<vmem>>
    %dma_start3A_260 = arith.constant 0 : i32
    %dma_start3A_261 = tpu.memref_slice %arg6[%dma_start3A_260] : memref<100000xf32, #tpu.memory_space<vmem_shared>> -> memref<100000xf32, #tpu.memory_space<vmem_shared>>
    tpu.enqueue_indirect_dma source(%dma_start3A_261 : memref<100000xf32, #tpu.memory_space<vmem_shared>>) target(%dma_start3A_256 : memref<128xf32, #tpu.memory_space<vmem>>) offsets(%dma_start3A_259 : memref<128xi32, #tpu.memory_space<vmem>>) semaphore(%arg15 : memref<!tpu.dma_semaphore, #tpu.memory_space<semaphore_mem>>)
    %dma_start3A_262 = arith.constant 24 : i32
    %dma_start3A_263 = arith.constant 24 : i32
    %dma_start3A_264 = arith.constant 0 : i32
    %dma_start3A_265 = tpu.memref_slice %arg8[%dma_start3A_263, %dma_start3A_264] : memref<52x128xf32, #tpu.memory_space<vmem>> -> memref<1x128xf32, #tpu.memory_space<vmem>>
    %dma_start3A_266 = tpu.memref_squeeze %dma_start3A_265 : memref<1x128xf32, #tpu.memory_space<vmem>> -> memref<128xf32, #tpu.memory_space<vmem>>
    %dma_start3A_267 = arith.constant 0 : i32
    %dma_start3A_268 = tpu.memref_slice %arg7[%dma_start3A_262, %dma_start3A_267] : memref<52x128xi32, #tpu.memory_space<vmem>> -> memref<1x128xi32, #tpu.memory_space<vmem>>
    %dma_start3A_269 = tpu.memref_squeeze %dma_start3A_268 : memref<1x128xi32, #tpu.memory_space<vmem>> -> memref<128xi32, #tpu.memory_space<vmem>>
    %dma_start3A_270 = arith.constant 0 : i32
    %dma_start3A_271 = tpu.memref_slice %arg6[%dma_start3A_270] : memref<100000xf32, #tpu.memory_space<vmem_shared>> -> memref<100000xf32, #tpu.memory_space<vmem_shared>>
    tpu.enqueue_indirect_dma source(%dma_start3A_271 : memref<100000xf32, #tpu.memory_space<vmem_shared>>) target(%dma_start3A_266 : memref<128xf32, #tpu.memory_space<vmem>>) offsets(%dma_start3A_269 : memref<128xi32, #tpu.memory_space<vmem>>) semaphore(%arg15 : memref<!tpu.dma_semaphore, #tpu.memory_space<semaphore_mem>>)
    %dma_start3A_272 = arith.constant 25 : i32
    %dma_start3A_273 = arith.constant 25 : i32
    %dma_start3A_274 = arith.constant 0 : i32
    %dma_start3A_275 = tpu.memref_slice %arg8[%dma_start3A_273, %dma_start3A_274] : memref<52x128xf32, #tpu.memory_space<vmem>> -> memref<1x128xf32, #tpu.memory_space<vmem>>
    %dma_start3A_276 = tpu.memref_squeeze %dma_start3A_275 : memref<1x128xf32, #tpu.memory_space<vmem>> -> memref<128xf32, #tpu.memory_space<vmem>>
    %dma_start3A_277 = arith.constant 0 : i32
    %dma_start3A_278 = tpu.memref_slice %arg7[%dma_start3A_272, %dma_start3A_277] : memref<52x128xi32, #tpu.memory_space<vmem>> -> memref<1x128xi32, #tpu.memory_space<vmem>>
    %dma_start3A_279 = tpu.memref_squeeze %dma_start3A_278 : memref<1x128xi32, #tpu.memory_space<vmem>> -> memref<128xi32, #tpu.memory_space<vmem>>
    %dma_start3A_280 = arith.constant 0 : i32
    %dma_start3A_281 = tpu.memref_slice %arg6[%dma_start3A_280] : memref<100000xf32, #tpu.memory_space<vmem_shared>> -> memref<100000xf32, #tpu.memory_space<vmem_shared>>
    tpu.enqueue_indirect_dma source(%dma_start3A_281 : memref<100000xf32, #tpu.memory_space<vmem_shared>>) target(%dma_start3A_276 : memref<128xf32, #tpu.memory_space<vmem>>) offsets(%dma_start3A_279 : memref<128xi32, #tpu.memory_space<vmem>>) semaphore(%arg15 : memref<!tpu.dma_semaphore, #tpu.memory_space<semaphore_mem>>)
    %dma_start3A_282 = arith.constant 26 : i32
    %dma_start3A_283 = arith.constant 26 : i32
    %dma_start3A_284 = arith.constant 0 : i32
    %dma_start3A_285 = tpu.memref_slice %arg8[%dma_start3A_283, %dma_start3A_284] : memref<52x128xf32, #tpu.memory_space<vmem>> -> memref<1x128xf32, #tpu.memory_space<vmem>>
    %dma_start3A_286 = tpu.memref_squeeze %dma_start3A_285 : memref<1x128xf32, #tpu.memory_space<vmem>> -> memref<128xf32, #tpu.memory_space<vmem>>
    %dma_start3A_287 = arith.constant 0 : i32
    %dma_start3A_288 = tpu.memref_slice %arg7[%dma_start3A_282, %dma_start3A_287] : memref<52x128xi32, #tpu.memory_space<vmem>> -> memref<1x128xi32, #tpu.memory_space<vmem>>
    %dma_start3A_289 = tpu.memref_squeeze %dma_start3A_288 : memref<1x128xi32, #tpu.memory_space<vmem>> -> memref<128xi32, #tpu.memory_space<vmem>>
    %dma_start3A_290 = arith.constant 0 : i32
    %dma_start3A_291 = tpu.memref_slice %arg6[%dma_start3A_290] : memref<100000xf32, #tpu.memory_space<vmem_shared>> -> memref<100000xf32, #tpu.memory_space<vmem_shared>>
    tpu.enqueue_indirect_dma source(%dma_start3A_291 : memref<100000xf32, #tpu.memory_space<vmem_shared>>) target(%dma_start3A_286 : memref<128xf32, #tpu.memory_space<vmem>>) offsets(%dma_start3A_289 : memref<128xi32, #tpu.memory_space<vmem>>) semaphore(%arg15 : memref<!tpu.dma_semaphore, #tpu.memory_space<semaphore_mem>>)
    %dma_start3A_292 = arith.constant 27 : i32
    %dma_start3A_293 = arith.constant 27 : i32
    %dma_start3A_294 = arith.constant 0 : i32
    %dma_start3A_295 = tpu.memref_slice %arg8[%dma_start3A_293, %dma_start3A_294] : memref<52x128xf32, #tpu.memory_space<vmem>> -> memref<1x128xf32, #tpu.memory_space<vmem>>
    %dma_start3A_296 = tpu.memref_squeeze %dma_start3A_295 : memref<1x128xf32, #tpu.memory_space<vmem>> -> memref<128xf32, #tpu.memory_space<vmem>>
    %dma_start3A_297 = arith.constant 0 : i32
    %dma_start3A_298 = tpu.memref_slice %arg7[%dma_start3A_292, %dma_start3A_297] : memref<52x128xi32, #tpu.memory_space<vmem>> -> memref<1x128xi32, #tpu.memory_space<vmem>>
    %dma_start3A_299 = tpu.memref_squeeze %dma_start3A_298 : memref<1x128xi32, #tpu.memory_space<vmem>> -> memref<128xi32, #tpu.memory_space<vmem>>
    %dma_start3A_300 = arith.constant 0 : i32
    %dma_start3A_301 = tpu.memref_slice %arg6[%dma_start3A_300] : memref<100000xf32, #tpu.memory_space<vmem_shared>> -> memref<100000xf32, #tpu.memory_space<vmem_shared>>
    tpu.enqueue_indirect_dma source(%dma_start3A_301 : memref<100000xf32, #tpu.memory_space<vmem_shared>>) target(%dma_start3A_296 : memref<128xf32, #tpu.memory_space<vmem>>) offsets(%dma_start3A_299 : memref<128xi32, #tpu.memory_space<vmem>>) semaphore(%arg15 : memref<!tpu.dma_semaphore, #tpu.memory_space<semaphore_mem>>)
    %dma_start3A_302 = arith.constant 28 : i32
    %dma_start3A_303 = arith.constant 28 : i32
    %dma_start3A_304 = arith.constant 0 : i32
    %dma_start3A_305 = tpu.memref_slice %arg8[%dma_start3A_303, %dma_start3A_304] : memref<52x128xf32, #tpu.memory_space<vmem>> -> memref<1x128xf32, #tpu.memory_space<vmem>>
    %dma_start3A_306 = tpu.memref_squeeze %dma_start3A_305 : memref<1x128xf32, #tpu.memory_space<vmem>> -> memref<128xf32, #tpu.memory_space<vmem>>
    %dma_start3A_307 = arith.constant 0 : i32
    %dma_start3A_308 = tpu.memref_slice %arg7[%dma_start3A_302, %dma_start3A_307] : memref<52x128xi32, #tpu.memory_space<vmem>> -> memref<1x128xi32, #tpu.memory_space<vmem>>
    %dma_start3A_309 = tpu.memref_squeeze %dma_start3A_308 : memref<1x128xi32, #tpu.memory_space<vmem>> -> memref<128xi32, #tpu.memory_space<vmem>>
    %dma_start3A_310 = arith.constant 0 : i32
    %dma_start3A_311 = tpu.memref_slice %arg6[%dma_start3A_310] : memref<100000xf32, #tpu.memory_space<vmem_shared>> -> memref<100000xf32, #tpu.memory_space<vmem_shared>>
    tpu.enqueue_indirect_dma source(%dma_start3A_311 : memref<100000xf32, #tpu.memory_space<vmem_shared>>) target(%dma_start3A_306 : memref<128xf32, #tpu.memory_space<vmem>>) offsets(%dma_start3A_309 : memref<128xi32, #tpu.memory_space<vmem>>) semaphore(%arg15 : memref<!tpu.dma_semaphore, #tpu.memory_space<semaphore_mem>>)
    %dma_start3A_312 = arith.constant 29 : i32
    %dma_start3A_313 = arith.constant 29 : i32
    %dma_start3A_314 = arith.constant 0 : i32
    %dma_start3A_315 = tpu.memref_slice %arg8[%dma_start3A_313, %dma_start3A_314] : memref<52x128xf32, #tpu.memory_space<vmem>> -> memref<1x128xf32, #tpu.memory_space<vmem>>
    %dma_start3A_316 = tpu.memref_squeeze %dma_start3A_315 : memref<1x128xf32, #tpu.memory_space<vmem>> -> memref<128xf32, #tpu.memory_space<vmem>>
    %dma_start3A_317 = arith.constant 0 : i32
    %dma_start3A_318 = tpu.memref_slice %arg7[%dma_start3A_312, %dma_start3A_317] : memref<52x128xi32, #tpu.memory_space<vmem>> -> memref<1x128xi32, #tpu.memory_space<vmem>>
    %dma_start3A_319 = tpu.memref_squeeze %dma_start3A_318 : memref<1x128xi32, #tpu.memory_space<vmem>> -> memref<128xi32, #tpu.memory_space<vmem>>
    %dma_start3A_320 = arith.constant 0 : i32
    %dma_start3A_321 = tpu.memref_slice %arg6[%dma_start3A_320] : memref<100000xf32, #tpu.memory_space<vmem_shared>> -> memref<100000xf32, #tpu.memory_space<vmem_shared>>
    tpu.enqueue_indirect_dma source(%dma_start3A_321 : memref<100000xf32, #tpu.memory_space<vmem_shared>>) target(%dma_start3A_316 : memref<128xf32, #tpu.memory_space<vmem>>) offsets(%dma_start3A_319 : memref<128xi32, #tpu.memory_space<vmem>>) semaphore(%arg15 : memref<!tpu.dma_semaphore, #tpu.memory_space<semaphore_mem>>)
    %dma_start3A_322 = arith.constant 30 : i32
    %dma_start3A_323 = arith.constant 30 : i32
    %dma_start3A_324 = arith.constant 0 : i32
    %dma_start3A_325 = tpu.memref_slice %arg8[%dma_start3A_323, %dma_start3A_324] : memref<52x128xf32, #tpu.memory_space<vmem>> -> memref<1x128xf32, #tpu.memory_space<vmem>>
    %dma_start3A_326 = tpu.memref_squeeze %dma_start3A_325 : memref<1x128xf32, #tpu.memory_space<vmem>> -> memref<128xf32, #tpu.memory_space<vmem>>
    %dma_start3A_327 = arith.constant 0 : i32
    %dma_start3A_328 = tpu.memref_slice %arg7[%dma_start3A_322, %dma_start3A_327] : memref<52x128xi32, #tpu.memory_space<vmem>> -> memref<1x128xi32, #tpu.memory_space<vmem>>
    %dma_start3A_329 = tpu.memref_squeeze %dma_start3A_328 : memref<1x128xi32, #tpu.memory_space<vmem>> -> memref<128xi32, #tpu.memory_space<vmem>>
    %dma_start3A_330 = arith.constant 0 : i32
    %dma_start3A_331 = tpu.memref_slice %arg6[%dma_start3A_330] : memref<100000xf32, #tpu.memory_space<vmem_shared>> -> memref<100000xf32, #tpu.memory_space<vmem_shared>>
    tpu.enqueue_indirect_dma source(%dma_start3A_331 : memref<100000xf32, #tpu.memory_space<vmem_shared>>) target(%dma_start3A_326 : memref<128xf32, #tpu.memory_space<vmem>>) offsets(%dma_start3A_329 : memref<128xi32, #tpu.memory_space<vmem>>) semaphore(%arg15 : memref<!tpu.dma_semaphore, #tpu.memory_space<semaphore_mem>>)
    %dma_start3A_332 = arith.constant 31 : i32
    %dma_start3A_333 = arith.constant 31 : i32
    %dma_start3A_334 = arith.constant 0 : i32
    %dma_start3A_335 = tpu.memref_slice %arg8[%dma_start3A_333, %dma_start3A_334] : memref<52x128xf32, #tpu.memory_space<vmem>> -> memref<1x128xf32, #tpu.memory_space<vmem>>
    %dma_start3A_336 = tpu.memref_squeeze %dma_start3A_335 : memref<1x128xf32, #tpu.memory_space<vmem>> -> memref<128xf32, #tpu.memory_space<vmem>>
    %dma_start3A_337 = arith.constant 0 : i32
    %dma_start3A_338 = tpu.memref_slice %arg7[%dma_start3A_332, %dma_start3A_337] : memref<52x128xi32, #tpu.memory_space<vmem>> -> memref<1x128xi32, #tpu.memory_space<vmem>>
    %dma_start3A_339 = tpu.memref_squeeze %dma_start3A_338 : memref<1x128xi32, #tpu.memory_space<vmem>> -> memref<128xi32, #tpu.memory_space<vmem>>
    %dma_start3A_340 = arith.constant 0 : i32
    %dma_start3A_341 = tpu.memref_slice %arg6[%dma_start3A_340] : memref<100000xf32, #tpu.memory_space<vmem_shared>> -> memref<100000xf32, #tpu.memory_space<vmem_shared>>
    tpu.enqueue_indirect_dma source(%dma_start3A_341 : memref<100000xf32, #tpu.memory_space<vmem_shared>>) target(%dma_start3A_336 : memref<128xf32, #tpu.memory_space<vmem>>) offsets(%dma_start3A_339 : memref<128xi32, #tpu.memory_space<vmem>>) semaphore(%arg15 : memref<!tpu.dma_semaphore, #tpu.memory_space<semaphore_mem>>)
    %dma_start3A_342 = arith.constant 32 : i32
    %dma_start3A_343 = arith.constant 32 : i32
    %dma_start3A_344 = arith.constant 0 : i32
    %dma_start3A_345 = tpu.memref_slice %arg8[%dma_start3A_343, %dma_start3A_344] : memref<52x128xf32, #tpu.memory_space<vmem>> -> memref<1x128xf32, #tpu.memory_space<vmem>>
    %dma_start3A_346 = tpu.memref_squeeze %dma_start3A_345 : memref<1x128xf32, #tpu.memory_space<vmem>> -> memref<128xf32, #tpu.memory_space<vmem>>
    %dma_start3A_347 = arith.constant 0 : i32
    %dma_start3A_348 = tpu.memref_slice %arg7[%dma_start3A_342, %dma_start3A_347] : memref<52x128xi32, #tpu.memory_space<vmem>> -> memref<1x128xi32, #tpu.memory_space<vmem>>
    %dma_start3A_349 = tpu.memref_squeeze %dma_start3A_348 : memref<1x128xi32, #tpu.memory_space<vmem>> -> memref<128xi32, #tpu.memory_space<vmem>>
    %dma_start3A_350 = arith.constant 0 : i32
    %dma_start3A_351 = tpu.memref_slice %arg6[%dma_start3A_350] : memref<100000xf32, #tpu.memory_space<vmem_shared>> -> memref<100000xf32, #tpu.memory_space<vmem_shared>>
    tpu.enqueue_indirect_dma source(%dma_start3A_351 : memref<100000xf32, #tpu.memory_space<vmem_shared>>) target(%dma_start3A_346 : memref<128xf32, #tpu.memory_space<vmem>>) offsets(%dma_start3A_349 : memref<128xi32, #tpu.memory_space<vmem>>) semaphore(%arg15 : memref<!tpu.dma_semaphore, #tpu.memory_space<semaphore_mem>>)
    %dma_start3A_352 = arith.constant 33 : i32
    %dma_start3A_353 = arith.constant 33 : i32
    %dma_start3A_354 = arith.constant 0 : i32
    %dma_start3A_355 = tpu.memref_slice %arg8[%dma_start3A_353, %dma_start3A_354] : memref<52x128xf32, #tpu.memory_space<vmem>> -> memref<1x128xf32, #tpu.memory_space<vmem>>
    %dma_start3A_356 = tpu.memref_squeeze %dma_start3A_355 : memref<1x128xf32, #tpu.memory_space<vmem>> -> memref<128xf32, #tpu.memory_space<vmem>>
    %dma_start3A_357 = arith.constant 0 : i32
    %dma_start3A_358 = tpu.memref_slice %arg7[%dma_start3A_352, %dma_start3A_357] : memref<52x128xi32, #tpu.memory_space<vmem>> -> memref<1x128xi32, #tpu.memory_space<vmem>>
    %dma_start3A_359 = tpu.memref_squeeze %dma_start3A_358 : memref<1x128xi32, #tpu.memory_space<vmem>> -> memref<128xi32, #tpu.memory_space<vmem>>
    %dma_start3A_360 = arith.constant 0 : i32
    %dma_start3A_361 = tpu.memref_slice %arg6[%dma_start3A_360] : memref<100000xf32, #tpu.memory_space<vmem_shared>> -> memref<100000xf32, #tpu.memory_space<vmem_shared>>
    tpu.enqueue_indirect_dma source(%dma_start3A_361 : memref<100000xf32, #tpu.memory_space<vmem_shared>>) target(%dma_start3A_356 : memref<128xf32, #tpu.memory_space<vmem>>) offsets(%dma_start3A_359 : memref<128xi32, #tpu.memory_space<vmem>>) semaphore(%arg15 : memref<!tpu.dma_semaphore, #tpu.memory_space<semaphore_mem>>)
    %dma_start3A_362 = arith.constant 34 : i32
    %dma_start3A_363 = arith.constant 34 : i32
    %dma_start3A_364 = arith.constant 0 : i32
    %dma_start3A_365 = tpu.memref_slice %arg8[%dma_start3A_363, %dma_start3A_364] : memref<52x128xf32, #tpu.memory_space<vmem>> -> memref<1x128xf32, #tpu.memory_space<vmem>>
    %dma_start3A_366 = tpu.memref_squeeze %dma_start3A_365 : memref<1x128xf32, #tpu.memory_space<vmem>> -> memref<128xf32, #tpu.memory_space<vmem>>
    %dma_start3A_367 = arith.constant 0 : i32
    %dma_start3A_368 = tpu.memref_slice %arg7[%dma_start3A_362, %dma_start3A_367] : memref<52x128xi32, #tpu.memory_space<vmem>> -> memref<1x128xi32, #tpu.memory_space<vmem>>
    %dma_start3A_369 = tpu.memref_squeeze %dma_start3A_368 : memref<1x128xi32, #tpu.memory_space<vmem>> -> memref<128xi32, #tpu.memory_space<vmem>>
    %dma_start3A_370 = arith.constant 0 : i32
    %dma_start3A_371 = tpu.memref_slice %arg6[%dma_start3A_370] : memref<100000xf32, #tpu.memory_space<vmem_shared>> -> memref<100000xf32, #tpu.memory_space<vmem_shared>>
    tpu.enqueue_indirect_dma source(%dma_start3A_371 : memref<100000xf32, #tpu.memory_space<vmem_shared>>) target(%dma_start3A_366 : memref<128xf32, #tpu.memory_space<vmem>>) offsets(%dma_start3A_369 : memref<128xi32, #tpu.memory_space<vmem>>) semaphore(%arg15 : memref<!tpu.dma_semaphore, #tpu.memory_space<semaphore_mem>>)
    %dma_start3A_372 = arith.constant 35 : i32
    %dma_start3A_373 = arith.constant 35 : i32
    %dma_start3A_374 = arith.constant 0 : i32
    %dma_start3A_375 = tpu.memref_slice %arg8[%dma_start3A_373, %dma_start3A_374] : memref<52x128xf32, #tpu.memory_space<vmem>> -> memref<1x128xf32, #tpu.memory_space<vmem>>
    %dma_start3A_376 = tpu.memref_squeeze %dma_start3A_375 : memref<1x128xf32, #tpu.memory_space<vmem>> -> memref<128xf32, #tpu.memory_space<vmem>>
    %dma_start3A_377 = arith.constant 0 : i32
    %dma_start3A_378 = tpu.memref_slice %arg7[%dma_start3A_372, %dma_start3A_377] : memref<52x128xi32, #tpu.memory_space<vmem>> -> memref<1x128xi32, #tpu.memory_space<vmem>>
    %dma_start3A_379 = tpu.memref_squeeze %dma_start3A_378 : memref<1x128xi32, #tpu.memory_space<vmem>> -> memref<128xi32, #tpu.memory_space<vmem>>
    %dma_start3A_380 = arith.constant 0 : i32
    %dma_start3A_381 = tpu.memref_slice %arg6[%dma_start3A_380] : memref<100000xf32, #tpu.memory_space<vmem_shared>> -> memref<100000xf32, #tpu.memory_space<vmem_shared>>
    tpu.enqueue_indirect_dma source(%dma_start3A_381 : memref<100000xf32, #tpu.memory_space<vmem_shared>>) target(%dma_start3A_376 : memref<128xf32, #tpu.memory_space<vmem>>) offsets(%dma_start3A_379 : memref<128xi32, #tpu.memory_space<vmem>>) semaphore(%arg15 : memref<!tpu.dma_semaphore, #tpu.memory_space<semaphore_mem>>)
    %dma_start3A_382 = arith.constant 36 : i32
    %dma_start3A_383 = arith.constant 36 : i32
    %dma_start3A_384 = arith.constant 0 : i32
    %dma_start3A_385 = tpu.memref_slice %arg8[%dma_start3A_383, %dma_start3A_384] : memref<52x128xf32, #tpu.memory_space<vmem>> -> memref<1x128xf32, #tpu.memory_space<vmem>>
    %dma_start3A_386 = tpu.memref_squeeze %dma_start3A_385 : memref<1x128xf32, #tpu.memory_space<vmem>> -> memref<128xf32, #tpu.memory_space<vmem>>
    %dma_start3A_387 = arith.constant 0 : i32
    %dma_start3A_388 = tpu.memref_slice %arg7[%dma_start3A_382, %dma_start3A_387] : memref<52x128xi32, #tpu.memory_space<vmem>> -> memref<1x128xi32, #tpu.memory_space<vmem>>
    %dma_start3A_389 = tpu.memref_squeeze %dma_start3A_388 : memref<1x128xi32, #tpu.memory_space<vmem>> -> memref<128xi32, #tpu.memory_space<vmem>>
    %dma_start3A_390 = arith.constant 0 : i32
    %dma_start3A_391 = tpu.memref_slice %arg6[%dma_start3A_390] : memref<100000xf32, #tpu.memory_space<vmem_shared>> -> memref<100000xf32, #tpu.memory_space<vmem_shared>>
    tpu.enqueue_indirect_dma source(%dma_start3A_391 : memref<100000xf32, #tpu.memory_space<vmem_shared>>) target(%dma_start3A_386 : memref<128xf32, #tpu.memory_space<vmem>>) offsets(%dma_start3A_389 : memref<128xi32, #tpu.memory_space<vmem>>) semaphore(%arg15 : memref<!tpu.dma_semaphore, #tpu.memory_space<semaphore_mem>>)
    %dma_start3A_392 = arith.constant 37 : i32
    %dma_start3A_393 = arith.constant 37 : i32
    %dma_start3A_394 = arith.constant 0 : i32
    %dma_start3A_395 = tpu.memref_slice %arg8[%dma_start3A_393, %dma_start3A_394] : memref<52x128xf32, #tpu.memory_space<vmem>> -> memref<1x128xf32, #tpu.memory_space<vmem>>
    %dma_start3A_396 = tpu.memref_squeeze %dma_start3A_395 : memref<1x128xf32, #tpu.memory_space<vmem>> -> memref<128xf32, #tpu.memory_space<vmem>>
    %dma_start3A_397 = arith.constant 0 : i32
    %dma_start3A_398 = tpu.memref_slice %arg7[%dma_start3A_392, %dma_start3A_397] : memref<52x128xi32, #tpu.memory_space<vmem>> -> memref<1x128xi32, #tpu.memory_space<vmem>>
    %dma_start3A_399 = tpu.memref_squeeze %dma_start3A_398 : memref<1x128xi32, #tpu.memory_space<vmem>> -> memref<128xi32, #tpu.memory_space<vmem>>
    %dma_start3A_400 = arith.constant 0 : i32
    %dma_start3A_401 = tpu.memref_slice %arg6[%dma_start3A_400] : memref<100000xf32, #tpu.memory_space<vmem_shared>> -> memref<100000xf32, #tpu.memory_space<vmem_shared>>
    tpu.enqueue_indirect_dma source(%dma_start3A_401 : memref<100000xf32, #tpu.memory_space<vmem_shared>>) target(%dma_start3A_396 : memref<128xf32, #tpu.memory_space<vmem>>) offsets(%dma_start3A_399 : memref<128xi32, #tpu.memory_space<vmem>>) semaphore(%arg15 : memref<!tpu.dma_semaphore, #tpu.memory_space<semaphore_mem>>)
    %dma_start3A_402 = arith.constant 38 : i32
    %dma_start3A_403 = arith.constant 38 : i32
    %dma_start3A_404 = arith.constant 0 : i32
    %dma_start3A_405 = tpu.memref_slice %arg8[%dma_start3A_403, %dma_start3A_404] : memref<52x128xf32, #tpu.memory_space<vmem>> -> memref<1x128xf32, #tpu.memory_space<vmem>>
    %dma_start3A_406 = tpu.memref_squeeze %dma_start3A_405 : memref<1x128xf32, #tpu.memory_space<vmem>> -> memref<128xf32, #tpu.memory_space<vmem>>
    %dma_start3A_407 = arith.constant 0 : i32
    %dma_start3A_408 = tpu.memref_slice %arg7[%dma_start3A_402, %dma_start3A_407] : memref<52x128xi32, #tpu.memory_space<vmem>> -> memref<1x128xi32, #tpu.memory_space<vmem>>
    %dma_start3A_409 = tpu.memref_squeeze %dma_start3A_408 : memref<1x128xi32, #tpu.memory_space<vmem>> -> memref<128xi32, #tpu.memory_space<vmem>>
    %dma_start3A_410 = arith.constant 0 : i32
    %dma_start3A_411 = tpu.memref_slice %arg6[%dma_start3A_410] : memref<100000xf32, #tpu.memory_space<vmem_shared>> -> memref<100000xf32, #tpu.memory_space<vmem_shared>>
    tpu.enqueue_indirect_dma source(%dma_start3A_411 : memref<100000xf32, #tpu.memory_space<vmem_shared>>) target(%dma_start3A_406 : memref<128xf32, #tpu.memory_space<vmem>>) offsets(%dma_start3A_409 : memref<128xi32, #tpu.memory_space<vmem>>) semaphore(%arg15 : memref<!tpu.dma_semaphore, #tpu.memory_space<semaphore_mem>>)
    %dma_start3A_412 = arith.constant 39 : i32
    %dma_start3A_413 = arith.constant 39 : i32
    %dma_start3A_414 = arith.constant 0 : i32
    %dma_start3A_415 = tpu.memref_slice %arg8[%dma_start3A_413, %dma_start3A_414] : memref<52x128xf32, #tpu.memory_space<vmem>> -> memref<1x128xf32, #tpu.memory_space<vmem>>
    %dma_start3A_416 = tpu.memref_squeeze %dma_start3A_415 : memref<1x128xf32, #tpu.memory_space<vmem>> -> memref<128xf32, #tpu.memory_space<vmem>>
    %dma_start3A_417 = arith.constant 0 : i32
    %dma_start3A_418 = tpu.memref_slice %arg7[%dma_start3A_412, %dma_start3A_417] : memref<52x128xi32, #tpu.memory_space<vmem>> -> memref<1x128xi32, #tpu.memory_space<vmem>>
    %dma_start3A_419 = tpu.memref_squeeze %dma_start3A_418 : memref<1x128xi32, #tpu.memory_space<vmem>> -> memref<128xi32, #tpu.memory_space<vmem>>
    %dma_start3A_420 = arith.constant 0 : i32
    %dma_start3A_421 = tpu.memref_slice %arg6[%dma_start3A_420] : memref<100000xf32, #tpu.memory_space<vmem_shared>> -> memref<100000xf32, #tpu.memory_space<vmem_shared>>
    tpu.enqueue_indirect_dma source(%dma_start3A_421 : memref<100000xf32, #tpu.memory_space<vmem_shared>>) target(%dma_start3A_416 : memref<128xf32, #tpu.memory_space<vmem>>) offsets(%dma_start3A_419 : memref<128xi32, #tpu.memory_space<vmem>>) semaphore(%arg15 : memref<!tpu.dma_semaphore, #tpu.memory_space<semaphore_mem>>)
    %dma_start3A_422 = arith.constant 40 : i32
    %dma_start3A_423 = arith.constant 40 : i32
    %dma_start3A_424 = arith.constant 0 : i32
    %dma_start3A_425 = tpu.memref_slice %arg8[%dma_start3A_423, %dma_start3A_424] : memref<52x128xf32, #tpu.memory_space<vmem>> -> memref<1x128xf32, #tpu.memory_space<vmem>>
    %dma_start3A_426 = tpu.memref_squeeze %dma_start3A_425 : memref<1x128xf32, #tpu.memory_space<vmem>> -> memref<128xf32, #tpu.memory_space<vmem>>
    %dma_start3A_427 = arith.constant 0 : i32
    %dma_start3A_428 = tpu.memref_slice %arg7[%dma_start3A_422, %dma_start3A_427] : memref<52x128xi32, #tpu.memory_space<vmem>> -> memref<1x128xi32, #tpu.memory_space<vmem>>
    %dma_start3A_429 = tpu.memref_squeeze %dma_start3A_428 : memref<1x128xi32, #tpu.memory_space<vmem>> -> memref<128xi32, #tpu.memory_space<vmem>>
    %dma_start3A_430 = arith.constant 0 : i32
    %dma_start3A_431 = tpu.memref_slice %arg6[%dma_start3A_430] : memref<100000xf32, #tpu.memory_space<vmem_shared>> -> memref<100000xf32, #tpu.memory_space<vmem_shared>>
    tpu.enqueue_indirect_dma source(%dma_start3A_431 : memref<100000xf32, #tpu.memory_space<vmem_shared>>) target(%dma_start3A_426 : memref<128xf32, #tpu.memory_space<vmem>>) offsets(%dma_start3A_429 : memref<128xi32, #tpu.memory_space<vmem>>) semaphore(%arg15 : memref<!tpu.dma_semaphore, #tpu.memory_space<semaphore_mem>>)
    %dma_start3A_432 = arith.constant 41 : i32
    %dma_start3A_433 = arith.constant 41 : i32
    %dma_start3A_434 = arith.constant 0 : i32
    %dma_start3A_435 = tpu.memref_slice %arg8[%dma_start3A_433, %dma_start3A_434] : memref<52x128xf32, #tpu.memory_space<vmem>> -> memref<1x128xf32, #tpu.memory_space<vmem>>
    %dma_start3A_436 = tpu.memref_squeeze %dma_start3A_435 : memref<1x128xf32, #tpu.memory_space<vmem>> -> memref<128xf32, #tpu.memory_space<vmem>>
    %dma_start3A_437 = arith.constant 0 : i32
    %dma_start3A_438 = tpu.memref_slice %arg7[%dma_start3A_432, %dma_start3A_437] : memref<52x128xi32, #tpu.memory_space<vmem>> -> memref<1x128xi32, #tpu.memory_space<vmem>>
    %dma_start3A_439 = tpu.memref_squeeze %dma_start3A_438 : memref<1x128xi32, #tpu.memory_space<vmem>> -> memref<128xi32, #tpu.memory_space<vmem>>
    %dma_start3A_440 = arith.constant 0 : i32
    %dma_start3A_441 = tpu.memref_slice %arg6[%dma_start3A_440] : memref<100000xf32, #tpu.memory_space<vmem_shared>> -> memref<100000xf32, #tpu.memory_space<vmem_shared>>
    tpu.enqueue_indirect_dma source(%dma_start3A_441 : memref<100000xf32, #tpu.memory_space<vmem_shared>>) target(%dma_start3A_436 : memref<128xf32, #tpu.memory_space<vmem>>) offsets(%dma_start3A_439 : memref<128xi32, #tpu.memory_space<vmem>>) semaphore(%arg15 : memref<!tpu.dma_semaphore, #tpu.memory_space<semaphore_mem>>)
    %dma_start3A_442 = arith.constant 42 : i32
    %dma_start3A_443 = arith.constant 42 : i32
    %dma_start3A_444 = arith.constant 0 : i32
    %dma_start3A_445 = tpu.memref_slice %arg8[%dma_start3A_443, %dma_start3A_444] : memref<52x128xf32, #tpu.memory_space<vmem>> -> memref<1x128xf32, #tpu.memory_space<vmem>>
    %dma_start3A_446 = tpu.memref_squeeze %dma_start3A_445 : memref<1x128xf32, #tpu.memory_space<vmem>> -> memref<128xf32, #tpu.memory_space<vmem>>
    %dma_start3A_447 = arith.constant 0 : i32
    %dma_start3A_448 = tpu.memref_slice %arg7[%dma_start3A_442, %dma_start3A_447] : memref<52x128xi32, #tpu.memory_space<vmem>> -> memref<1x128xi32, #tpu.memory_space<vmem>>
    %dma_start3A_449 = tpu.memref_squeeze %dma_start3A_448 : memref<1x128xi32, #tpu.memory_space<vmem>> -> memref<128xi32, #tpu.memory_space<vmem>>
    %dma_start3A_450 = arith.constant 0 : i32
    %dma_start3A_451 = tpu.memref_slice %arg6[%dma_start3A_450] : memref<100000xf32, #tpu.memory_space<vmem_shared>> -> memref<100000xf32, #tpu.memory_space<vmem_shared>>
    tpu.enqueue_indirect_dma source(%dma_start3A_451 : memref<100000xf32, #tpu.memory_space<vmem_shared>>) target(%dma_start3A_446 : memref<128xf32, #tpu.memory_space<vmem>>) offsets(%dma_start3A_449 : memref<128xi32, #tpu.memory_space<vmem>>) semaphore(%arg15 : memref<!tpu.dma_semaphore, #tpu.memory_space<semaphore_mem>>)
    %dma_start3A_452 = arith.constant 43 : i32
    %dma_start3A_453 = arith.constant 43 : i32
    %dma_start3A_454 = arith.constant 0 : i32
    %dma_start3A_455 = tpu.memref_slice %arg8[%dma_start3A_453, %dma_start3A_454] : memref<52x128xf32, #tpu.memory_space<vmem>> -> memref<1x128xf32, #tpu.memory_space<vmem>>
    %dma_start3A_456 = tpu.memref_squeeze %dma_start3A_455 : memref<1x128xf32, #tpu.memory_space<vmem>> -> memref<128xf32, #tpu.memory_space<vmem>>
    %dma_start3A_457 = arith.constant 0 : i32
    %dma_start3A_458 = tpu.memref_slice %arg7[%dma_start3A_452, %dma_start3A_457] : memref<52x128xi32, #tpu.memory_space<vmem>> -> memref<1x128xi32, #tpu.memory_space<vmem>>
    %dma_start3A_459 = tpu.memref_squeeze %dma_start3A_458 : memref<1x128xi32, #tpu.memory_space<vmem>> -> memref<128xi32, #tpu.memory_space<vmem>>
    %dma_start3A_460 = arith.constant 0 : i32
    %dma_start3A_461 = tpu.memref_slice %arg6[%dma_start3A_460] : memref<100000xf32, #tpu.memory_space<vmem_shared>> -> memref<100000xf32, #tpu.memory_space<vmem_shared>>
    tpu.enqueue_indirect_dma source(%dma_start3A_461 : memref<100000xf32, #tpu.memory_space<vmem_shared>>) target(%dma_start3A_456 : memref<128xf32, #tpu.memory_space<vmem>>) offsets(%dma_start3A_459 : memref<128xi32, #tpu.memory_space<vmem>>) semaphore(%arg15 : memref<!tpu.dma_semaphore, #tpu.memory_space<semaphore_mem>>)
    %dma_start3A_462 = arith.constant 44 : i32
    %dma_start3A_463 = arith.constant 44 : i32
    %dma_start3A_464 = arith.constant 0 : i32
    %dma_start3A_465 = tpu.memref_slice %arg8[%dma_start3A_463, %dma_start3A_464] : memref<52x128xf32, #tpu.memory_space<vmem>> -> memref<1x128xf32, #tpu.memory_space<vmem>>
    %dma_start3A_466 = tpu.memref_squeeze %dma_start3A_465 : memref<1x128xf32, #tpu.memory_space<vmem>> -> memref<128xf32, #tpu.memory_space<vmem>>
    %dma_start3A_467 = arith.constant 0 : i32
    %dma_start3A_468 = tpu.memref_slice %arg7[%dma_start3A_462, %dma_start3A_467] : memref<52x128xi32, #tpu.memory_space<vmem>> -> memref<1x128xi32, #tpu.memory_space<vmem>>
    %dma_start3A_469 = tpu.memref_squeeze %dma_start3A_468 : memref<1x128xi32, #tpu.memory_space<vmem>> -> memref<128xi32, #tpu.memory_space<vmem>>
    %dma_start3A_470 = arith.constant 0 : i32
    %dma_start3A_471 = tpu.memref_slice %arg6[%dma_start3A_470] : memref<100000xf32, #tpu.memory_space<vmem_shared>> -> memref<100000xf32, #tpu.memory_space<vmem_shared>>
    tpu.enqueue_indirect_dma source(%dma_start3A_471 : memref<100000xf32, #tpu.memory_space<vmem_shared>>) target(%dma_start3A_466 : memref<128xf32, #tpu.memory_space<vmem>>) offsets(%dma_start3A_469 : memref<128xi32, #tpu.memory_space<vmem>>) semaphore(%arg15 : memref<!tpu.dma_semaphore, #tpu.memory_space<semaphore_mem>>)
    %dma_start3A_472 = arith.constant 45 : i32
    %dma_start3A_473 = arith.constant 45 : i32
    %dma_start3A_474 = arith.constant 0 : i32
    %dma_start3A_475 = tpu.memref_slice %arg8[%dma_start3A_473, %dma_start3A_474] : memref<52x128xf32, #tpu.memory_space<vmem>> -> memref<1x128xf32, #tpu.memory_space<vmem>>
    %dma_start3A_476 = tpu.memref_squeeze %dma_start3A_475 : memref<1x128xf32, #tpu.memory_space<vmem>> -> memref<128xf32, #tpu.memory_space<vmem>>
    %dma_start3A_477 = arith.constant 0 : i32
    %dma_start3A_478 = tpu.memref_slice %arg7[%dma_start3A_472, %dma_start3A_477] : memref<52x128xi32, #tpu.memory_space<vmem>> -> memref<1x128xi32, #tpu.memory_space<vmem>>
    %dma_start3A_479 = tpu.memref_squeeze %dma_start3A_478 : memref<1x128xi32, #tpu.memory_space<vmem>> -> memref<128xi32, #tpu.memory_space<vmem>>
    %dma_start3A_480 = arith.constant 0 : i32
    %dma_start3A_481 = tpu.memref_slice %arg6[%dma_start3A_480] : memref<100000xf32, #tpu.memory_space<vmem_shared>> -> memref<100000xf32, #tpu.memory_space<vmem_shared>>
    tpu.enqueue_indirect_dma source(%dma_start3A_481 : memref<100000xf32, #tpu.memory_space<vmem_shared>>) target(%dma_start3A_476 : memref<128xf32, #tpu.memory_space<vmem>>) offsets(%dma_start3A_479 : memref<128xi32, #tpu.memory_space<vmem>>) semaphore(%arg15 : memref<!tpu.dma_semaphore, #tpu.memory_space<semaphore_mem>>)
    %dma_start3A_482 = arith.constant 46 : i32
    %dma_start3A_483 = arith.constant 46 : i32
    %dma_start3A_484 = arith.constant 0 : i32
    %dma_start3A_485 = tpu.memref_slice %arg8[%dma_start3A_483, %dma_start3A_484] : memref<52x128xf32, #tpu.memory_space<vmem>> -> memref<1x128xf32, #tpu.memory_space<vmem>>
    %dma_start3A_486 = tpu.memref_squeeze %dma_start3A_485 : memref<1x128xf32, #tpu.memory_space<vmem>> -> memref<128xf32, #tpu.memory_space<vmem>>
    %dma_start3A_487 = arith.constant 0 : i32
    %dma_start3A_488 = tpu.memref_slice %arg7[%dma_start3A_482, %dma_start3A_487] : memref<52x128xi32, #tpu.memory_space<vmem>> -> memref<1x128xi32, #tpu.memory_space<vmem>>
    %dma_start3A_489 = tpu.memref_squeeze %dma_start3A_488 : memref<1x128xi32, #tpu.memory_space<vmem>> -> memref<128xi32, #tpu.memory_space<vmem>>
    %dma_start3A_490 = arith.constant 0 : i32
    %dma_start3A_491 = tpu.memref_slice %arg6[%dma_start3A_490] : memref<100000xf32, #tpu.memory_space<vmem_shared>> -> memref<100000xf32, #tpu.memory_space<vmem_shared>>
    tpu.enqueue_indirect_dma source(%dma_start3A_491 : memref<100000xf32, #tpu.memory_space<vmem_shared>>) target(%dma_start3A_486 : memref<128xf32, #tpu.memory_space<vmem>>) offsets(%dma_start3A_489 : memref<128xi32, #tpu.memory_space<vmem>>) semaphore(%arg15 : memref<!tpu.dma_semaphore, #tpu.memory_space<semaphore_mem>>)
    %dma_start3A_492 = arith.constant 47 : i32
    %dma_start3A_493 = arith.constant 47 : i32
    %dma_start3A_494 = arith.constant 0 : i32
    %dma_start3A_495 = tpu.memref_slice %arg8[%dma_start3A_493, %dma_start3A_494] : memref<52x128xf32, #tpu.memory_space<vmem>> -> memref<1x128xf32, #tpu.memory_space<vmem>>
    %dma_start3A_496 = tpu.memref_squeeze %dma_start3A_495 : memref<1x128xf32, #tpu.memory_space<vmem>> -> memref<128xf32, #tpu.memory_space<vmem>>
    %dma_start3A_497 = arith.constant 0 : i32
    %dma_start3A_498 = tpu.memref_slice %arg7[%dma_start3A_492, %dma_start3A_497] : memref<52x128xi32, #tpu.memory_space<vmem>> -> memref<1x128xi32, #tpu.memory_space<vmem>>
    %dma_start3A_499 = tpu.memref_squeeze %dma_start3A_498 : memref<1x128xi32, #tpu.memory_space<vmem>> -> memref<128xi32, #tpu.memory_space<vmem>>
    %dma_start3A_500 = arith.constant 0 : i32
    %dma_start3A_501 = tpu.memref_slice %arg6[%dma_start3A_500] : memref<100000xf32, #tpu.memory_space<vmem_shared>> -> memref<100000xf32, #tpu.memory_space<vmem_shared>>
    tpu.enqueue_indirect_dma source(%dma_start3A_501 : memref<100000xf32, #tpu.memory_space<vmem_shared>>) target(%dma_start3A_496 : memref<128xf32, #tpu.memory_space<vmem>>) offsets(%dma_start3A_499 : memref<128xi32, #tpu.memory_space<vmem>>) semaphore(%arg15 : memref<!tpu.dma_semaphore, #tpu.memory_space<semaphore_mem>>)
    %dma_start3A_502 = arith.constant 48 : i32
    %dma_start3A_503 = arith.constant 48 : i32
    %dma_start3A_504 = arith.constant 0 : i32
    %dma_start3A_505 = tpu.memref_slice %arg8[%dma_start3A_503, %dma_start3A_504] : memref<52x128xf32, #tpu.memory_space<vmem>> -> memref<1x128xf32, #tpu.memory_space<vmem>>
    %dma_start3A_506 = tpu.memref_squeeze %dma_start3A_505 : memref<1x128xf32, #tpu.memory_space<vmem>> -> memref<128xf32, #tpu.memory_space<vmem>>
    %dma_start3A_507 = arith.constant 0 : i32
    %dma_start3A_508 = tpu.memref_slice %arg7[%dma_start3A_502, %dma_start3A_507] : memref<52x128xi32, #tpu.memory_space<vmem>> -> memref<1x128xi32, #tpu.memory_space<vmem>>
    %dma_start3A_509 = tpu.memref_squeeze %dma_start3A_508 : memref<1x128xi32, #tpu.memory_space<vmem>> -> memref<128xi32, #tpu.memory_space<vmem>>
    %dma_start3A_510 = arith.constant 0 : i32
    %dma_start3A_511 = tpu.memref_slice %arg6[%dma_start3A_510] : memref<100000xf32, #tpu.memory_space<vmem_shared>> -> memref<100000xf32, #tpu.memory_space<vmem_shared>>
    tpu.enqueue_indirect_dma source(%dma_start3A_511 : memref<100000xf32, #tpu.memory_space<vmem_shared>>) target(%dma_start3A_506 : memref<128xf32, #tpu.memory_space<vmem>>) offsets(%dma_start3A_509 : memref<128xi32, #tpu.memory_space<vmem>>) semaphore(%arg15 : memref<!tpu.dma_semaphore, #tpu.memory_space<semaphore_mem>>)
    %dma_start3A_512 = arith.constant 49 : i32
    %dma_start3A_513 = arith.constant 49 : i32
    %dma_start3A_514 = arith.constant 0 : i32
    %dma_start3A_515 = tpu.memref_slice %arg8[%dma_start3A_513, %dma_start3A_514] : memref<52x128xf32, #tpu.memory_space<vmem>> -> memref<1x128xf32, #tpu.memory_space<vmem>>
    %dma_start3A_516 = tpu.memref_squeeze %dma_start3A_515 : memref<1x128xf32, #tpu.memory_space<vmem>> -> memref<128xf32, #tpu.memory_space<vmem>>
    %dma_start3A_517 = arith.constant 0 : i32
    %dma_start3A_518 = tpu.memref_slice %arg7[%dma_start3A_512, %dma_start3A_517] : memref<52x128xi32, #tpu.memory_space<vmem>> -> memref<1x128xi32, #tpu.memory_space<vmem>>
    %dma_start3A_519 = tpu.memref_squeeze %dma_start3A_518 : memref<1x128xi32, #tpu.memory_space<vmem>> -> memref<128xi32, #tpu.memory_space<vmem>>
    %dma_start3A_520 = arith.constant 0 : i32
    %dma_start3A_521 = tpu.memref_slice %arg6[%dma_start3A_520] : memref<100000xf32, #tpu.memory_space<vmem_shared>> -> memref<100000xf32, #tpu.memory_space<vmem_shared>>
    tpu.enqueue_indirect_dma source(%dma_start3A_521 : memref<100000xf32, #tpu.memory_space<vmem_shared>>) target(%dma_start3A_516 : memref<128xf32, #tpu.memory_space<vmem>>) offsets(%dma_start3A_519 : memref<128xi32, #tpu.memory_space<vmem>>) semaphore(%arg15 : memref<!tpu.dma_semaphore, #tpu.memory_space<semaphore_mem>>)
    %dma_start3A_522 = arith.constant 50 : i32
    %dma_start3A_523 = arith.constant 50 : i32
    %dma_start3A_524 = arith.constant 0 : i32
    %dma_start3A_525 = tpu.memref_slice %arg8[%dma_start3A_523, %dma_start3A_524] : memref<52x128xf32, #tpu.memory_space<vmem>> -> memref<1x128xf32, #tpu.memory_space<vmem>>
    %dma_start3A_526 = tpu.memref_squeeze %dma_start3A_525 : memref<1x128xf32, #tpu.memory_space<vmem>> -> memref<128xf32, #tpu.memory_space<vmem>>
    %dma_start3A_527 = arith.constant 0 : i32
    %dma_start3A_528 = tpu.memref_slice %arg7[%dma_start3A_522, %dma_start3A_527] : memref<52x128xi32, #tpu.memory_space<vmem>> -> memref<1x128xi32, #tpu.memory_space<vmem>>
    %dma_start3A_529 = tpu.memref_squeeze %dma_start3A_528 : memref<1x128xi32, #tpu.memory_space<vmem>> -> memref<128xi32, #tpu.memory_space<vmem>>
    %dma_start3A_530 = arith.constant 0 : i32
    %dma_start3A_531 = tpu.memref_slice %arg6[%dma_start3A_530] : memref<100000xf32, #tpu.memory_space<vmem_shared>> -> memref<100000xf32, #tpu.memory_space<vmem_shared>>
    tpu.enqueue_indirect_dma source(%dma_start3A_531 : memref<100000xf32, #tpu.memory_space<vmem_shared>>) target(%dma_start3A_526 : memref<128xf32, #tpu.memory_space<vmem>>) offsets(%dma_start3A_529 : memref<128xi32, #tpu.memory_space<vmem>>) semaphore(%arg15 : memref<!tpu.dma_semaphore, #tpu.memory_space<semaphore_mem>>)
    %dma_start3A_532 = arith.constant 51 : i32
    %dma_start3A_533 = arith.constant 51 : i32
    %dma_start3A_534 = arith.constant 0 : i32
    %dma_start3A_535 = tpu.memref_slice %arg8[%dma_start3A_533, %dma_start3A_534] : memref<52x128xf32, #tpu.memory_space<vmem>> -> memref<1x128xf32, #tpu.memory_space<vmem>>
    %dma_start3A_536 = tpu.memref_squeeze %dma_start3A_535 : memref<1x128xf32, #tpu.memory_space<vmem>> -> memref<128xf32, #tpu.memory_space<vmem>>
    %dma_start3A_537 = arith.constant 0 : i32
    %dma_start3A_538 = tpu.memref_slice %arg7[%dma_start3A_532, %dma_start3A_537] : memref<52x128xi32, #tpu.memory_space<vmem>> -> memref<1x128xi32, #tpu.memory_space<vmem>>
    %dma_start3A_539 = tpu.memref_squeeze %dma_start3A_538 : memref<1x128xi32, #tpu.memory_space<vmem>> -> memref<128xi32, #tpu.memory_space<vmem>>
    %dma_start3A_540 = arith.constant 0 : i32
    %dma_start3A_541 = tpu.memref_slice %arg6[%dma_start3A_540] : memref<100000xf32, #tpu.memory_space<vmem_shared>> -> memref<100000xf32, #tpu.memory_space<vmem_shared>>
    tpu.enqueue_indirect_dma source(%dma_start3A_541 : memref<100000xf32, #tpu.memory_space<vmem_shared>>) target(%dma_start3A_536 : memref<128xf32, #tpu.memory_space<vmem>>) offsets(%dma_start3A_539 : memref<128xi32, #tpu.memory_space<vmem>>) semaphore(%arg15 : memref<!tpu.dma_semaphore, #tpu.memory_space<semaphore_mem>>)
    %dma_wait3A_542 = arith.constant 0 : i32
    %dma_wait3A_543 = arith.constant 0 : i32
    %dma_wait3A_544 = arith.constant 0 : i32
    %dma_wait3A_545 = tpu.memref_slice %arg8[%dma_wait3A_543, %dma_wait3A_544] : memref<52x128xf32, #tpu.memory_space<vmem>> -> memref<1x128xf32, #tpu.memory_space<vmem>>
    %dma_wait3A_546 = tpu.memref_squeeze %dma_wait3A_545 : memref<1x128xf32, #tpu.memory_space<vmem>> -> memref<128xf32, #tpu.memory_space<vmem>>
    %dma_wait3A_547 = arith.constant 0 : i32
    %dma_wait3A_548 = tpu.memref_slice %arg7[%dma_wait3A_542, %dma_wait3A_547] : memref<52x128xi32, #tpu.memory_space<vmem>> -> memref<1x128xi32, #tpu.memory_space<vmem>>
    %dma_wait3A_549 = tpu.memref_squeeze %dma_wait3A_548 : memref<1x128xi32, #tpu.memory_space<vmem>> -> memref<128xi32, #tpu.memory_space<vmem>>
    %dma_wait3A_550 = arith.constant 0 : i32
    %dma_wait3A_551 = tpu.memref_slice %arg6[%dma_wait3A_550] : memref<100000xf32, #tpu.memory_space<vmem_shared>> -> memref<100000xf32, #tpu.memory_space<vmem_shared>>
    tpu.wait_indirect_dma semaphore(%arg15 : memref<!tpu.dma_semaphore, #tpu.memory_space<semaphore_mem>>) src(%dma_wait3A_551 : memref<100000xf32, #tpu.memory_space<vmem_shared>>) dst(%dma_wait3A_546 : memref<128xf32, #tpu.memory_space<vmem>>)
    %dma_wait3A_552 = arith.constant 1 : i32
    %dma_wait3A_553 = arith.constant 1 : i32
    %dma_wait3A_554 = arith.constant 0 : i32
    %dma_wait3A_555 = tpu.memref_slice %arg8[%dma_wait3A_553, %dma_wait3A_554] : memref<52x128xf32, #tpu.memory_space<vmem>> -> memref<1x128xf32, #tpu.memory_space<vmem>>
    %dma_wait3A_556 = tpu.memref_squeeze %dma_wait3A_555 : memref<1x128xf32, #tpu.memory_space<vmem>> -> memref<128xf32, #tpu.memory_space<vmem>>
    %dma_wait3A_557 = arith.constant 0 : i32
    %dma_wait3A_558 = tpu.memref_slice %arg7[%dma_wait3A_552, %dma_wait3A_557] : memref<52x128xi32, #tpu.memory_space<vmem>> -> memref<1x128xi32, #tpu.memory_space<vmem>>
    %dma_wait3A_559 = tpu.memref_squeeze %dma_wait3A_558 : memref<1x128xi32, #tpu.memory_space<vmem>> -> memref<128xi32, #tpu.memory_space<vmem>>
    %dma_wait3A_560 = arith.constant 0 : i32
    %dma_wait3A_561 = tpu.memref_slice %arg6[%dma_wait3A_560] : memref<100000xf32, #tpu.memory_space<vmem_shared>> -> memref<100000xf32, #tpu.memory_space<vmem_shared>>
    tpu.wait_indirect_dma semaphore(%arg15 : memref<!tpu.dma_semaphore, #tpu.memory_space<semaphore_mem>>) src(%dma_wait3A_561 : memref<100000xf32, #tpu.memory_space<vmem_shared>>) dst(%dma_wait3A_556 : memref<128xf32, #tpu.memory_space<vmem>>)
    %dma_wait3A_562 = arith.constant 2 : i32
    %dma_wait3A_563 = arith.constant 2 : i32
    %dma_wait3A_564 = arith.constant 0 : i32
    %dma_wait3A_565 = tpu.memref_slice %arg8[%dma_wait3A_563, %dma_wait3A_564] : memref<52x128xf32, #tpu.memory_space<vmem>> -> memref<1x128xf32, #tpu.memory_space<vmem>>
    %dma_wait3A_566 = tpu.memref_squeeze %dma_wait3A_565 : memref<1x128xf32, #tpu.memory_space<vmem>> -> memref<128xf32, #tpu.memory_space<vmem>>
    %dma_wait3A_567 = arith.constant 0 : i32
    %dma_wait3A_568 = tpu.memref_slice %arg7[%dma_wait3A_562, %dma_wait3A_567] : memref<52x128xi32, #tpu.memory_space<vmem>> -> memref<1x128xi32, #tpu.memory_space<vmem>>
    %dma_wait3A_569 = tpu.memref_squeeze %dma_wait3A_568 : memref<1x128xi32, #tpu.memory_space<vmem>> -> memref<128xi32, #tpu.memory_space<vmem>>
    %dma_wait3A_570 = arith.constant 0 : i32
    %dma_wait3A_571 = tpu.memref_slice %arg6[%dma_wait3A_570] : memref<100000xf32, #tpu.memory_space<vmem_shared>> -> memref<100000xf32, #tpu.memory_space<vmem_shared>>
    tpu.wait_indirect_dma semaphore(%arg15 : memref<!tpu.dma_semaphore, #tpu.memory_space<semaphore_mem>>) src(%dma_wait3A_571 : memref<100000xf32, #tpu.memory_space<vmem_shared>>) dst(%dma_wait3A_566 : memref<128xf32, #tpu.memory_space<vmem>>)
    %dma_wait3A_572 = arith.constant 3 : i32
    %dma_wait3A_573 = arith.constant 3 : i32
    %dma_wait3A_574 = arith.constant 0 : i32
    %dma_wait3A_575 = tpu.memref_slice %arg8[%dma_wait3A_573, %dma_wait3A_574] : memref<52x128xf32, #tpu.memory_space<vmem>> -> memref<1x128xf32, #tpu.memory_space<vmem>>
    %dma_wait3A_576 = tpu.memref_squeeze %dma_wait3A_575 : memref<1x128xf32, #tpu.memory_space<vmem>> -> memref<128xf32, #tpu.memory_space<vmem>>
    %dma_wait3A_577 = arith.constant 0 : i32
    %dma_wait3A_578 = tpu.memref_slice %arg7[%dma_wait3A_572, %dma_wait3A_577] : memref<52x128xi32, #tpu.memory_space<vmem>> -> memref<1x128xi32, #tpu.memory_space<vmem>>
    %dma_wait3A_579 = tpu.memref_squeeze %dma_wait3A_578 : memref<1x128xi32, #tpu.memory_space<vmem>> -> memref<128xi32, #tpu.memory_space<vmem>>
    %dma_wait3A_580 = arith.constant 0 : i32
    %dma_wait3A_581 = tpu.memref_slice %arg6[%dma_wait3A_580] : memref<100000xf32, #tpu.memory_space<vmem_shared>> -> memref<100000xf32, #tpu.memory_space<vmem_shared>>
    tpu.wait_indirect_dma semaphore(%arg15 : memref<!tpu.dma_semaphore, #tpu.memory_space<semaphore_mem>>) src(%dma_wait3A_581 : memref<100000xf32, #tpu.memory_space<vmem_shared>>) dst(%dma_wait3A_576 : memref<128xf32, #tpu.memory_space<vmem>>)
    %dma_wait3A_582 = arith.constant 4 : i32
    %dma_wait3A_583 = arith.constant 4 : i32
    %dma_wait3A_584 = arith.constant 0 : i32
    %dma_wait3A_585 = tpu.memref_slice %arg8[%dma_wait3A_583, %dma_wait3A_584] : memref<52x128xf32, #tpu.memory_space<vmem>> -> memref<1x128xf32, #tpu.memory_space<vmem>>
    %dma_wait3A_586 = tpu.memref_squeeze %dma_wait3A_585 : memref<1x128xf32, #tpu.memory_space<vmem>> -> memref<128xf32, #tpu.memory_space<vmem>>
    %dma_wait3A_587 = arith.constant 0 : i32
    %dma_wait3A_588 = tpu.memref_slice %arg7[%dma_wait3A_582, %dma_wait3A_587] : memref<52x128xi32, #tpu.memory_space<vmem>> -> memref<1x128xi32, #tpu.memory_space<vmem>>
    %dma_wait3A_589 = tpu.memref_squeeze %dma_wait3A_588 : memref<1x128xi32, #tpu.memory_space<vmem>> -> memref<128xi32, #tpu.memory_space<vmem>>
    %dma_wait3A_590 = arith.constant 0 : i32
    %dma_wait3A_591 = tpu.memref_slice %arg6[%dma_wait3A_590] : memref<100000xf32, #tpu.memory_space<vmem_shared>> -> memref<100000xf32, #tpu.memory_space<vmem_shared>>
    tpu.wait_indirect_dma semaphore(%arg15 : memref<!tpu.dma_semaphore, #tpu.memory_space<semaphore_mem>>) src(%dma_wait3A_591 : memref<100000xf32, #tpu.memory_space<vmem_shared>>) dst(%dma_wait3A_586 : memref<128xf32, #tpu.memory_space<vmem>>)
    %dma_wait3A_592 = arith.constant 5 : i32
    %dma_wait3A_593 = arith.constant 5 : i32
    %dma_wait3A_594 = arith.constant 0 : i32
    %dma_wait3A_595 = tpu.memref_slice %arg8[%dma_wait3A_593, %dma_wait3A_594] : memref<52x128xf32, #tpu.memory_space<vmem>> -> memref<1x128xf32, #tpu.memory_space<vmem>>
    %dma_wait3A_596 = tpu.memref_squeeze %dma_wait3A_595 : memref<1x128xf32, #tpu.memory_space<vmem>> -> memref<128xf32, #tpu.memory_space<vmem>>
    %dma_wait3A_597 = arith.constant 0 : i32
    %dma_wait3A_598 = tpu.memref_slice %arg7[%dma_wait3A_592, %dma_wait3A_597] : memref<52x128xi32, #tpu.memory_space<vmem>> -> memref<1x128xi32, #tpu.memory_space<vmem>>
    %dma_wait3A_599 = tpu.memref_squeeze %dma_wait3A_598 : memref<1x128xi32, #tpu.memory_space<vmem>> -> memref<128xi32, #tpu.memory_space<vmem>>
    %dma_wait3A_600 = arith.constant 0 : i32
    %dma_wait3A_601 = tpu.memref_slice %arg6[%dma_wait3A_600] : memref<100000xf32, #tpu.memory_space<vmem_shared>> -> memref<100000xf32, #tpu.memory_space<vmem_shared>>
    tpu.wait_indirect_dma semaphore(%arg15 : memref<!tpu.dma_semaphore, #tpu.memory_space<semaphore_mem>>) src(%dma_wait3A_601 : memref<100000xf32, #tpu.memory_space<vmem_shared>>) dst(%dma_wait3A_596 : memref<128xf32, #tpu.memory_space<vmem>>)
    %dma_wait3A_602 = arith.constant 6 : i32
    %dma_wait3A_603 = arith.constant 6 : i32
    %dma_wait3A_604 = arith.constant 0 : i32
    %dma_wait3A_605 = tpu.memref_slice %arg8[%dma_wait3A_603, %dma_wait3A_604] : memref<52x128xf32, #tpu.memory_space<vmem>> -> memref<1x128xf32, #tpu.memory_space<vmem>>
    %dma_wait3A_606 = tpu.memref_squeeze %dma_wait3A_605 : memref<1x128xf32, #tpu.memory_space<vmem>> -> memref<128xf32, #tpu.memory_space<vmem>>
    %dma_wait3A_607 = arith.constant 0 : i32
    %dma_wait3A_608 = tpu.memref_slice %arg7[%dma_wait3A_602, %dma_wait3A_607] : memref<52x128xi32, #tpu.memory_space<vmem>> -> memref<1x128xi32, #tpu.memory_space<vmem>>
    %dma_wait3A_609 = tpu.memref_squeeze %dma_wait3A_608 : memref<1x128xi32, #tpu.memory_space<vmem>> -> memref<128xi32, #tpu.memory_space<vmem>>
    %dma_wait3A_610 = arith.constant 0 : i32
    %dma_wait3A_611 = tpu.memref_slice %arg6[%dma_wait3A_610] : memref<100000xf32, #tpu.memory_space<vmem_shared>> -> memref<100000xf32, #tpu.memory_space<vmem_shared>>
    tpu.wait_indirect_dma semaphore(%arg15 : memref<!tpu.dma_semaphore, #tpu.memory_space<semaphore_mem>>) src(%dma_wait3A_611 : memref<100000xf32, #tpu.memory_space<vmem_shared>>) dst(%dma_wait3A_606 : memref<128xf32, #tpu.memory_space<vmem>>)
    %dma_wait3A_612 = arith.constant 7 : i32
    %dma_wait3A_613 = arith.constant 7 : i32
    %dma_wait3A_614 = arith.constant 0 : i32
    %dma_wait3A_615 = tpu.memref_slice %arg8[%dma_wait3A_613, %dma_wait3A_614] : memref<52x128xf32, #tpu.memory_space<vmem>> -> memref<1x128xf32, #tpu.memory_space<vmem>>
    %dma_wait3A_616 = tpu.memref_squeeze %dma_wait3A_615 : memref<1x128xf32, #tpu.memory_space<vmem>> -> memref<128xf32, #tpu.memory_space<vmem>>
    %dma_wait3A_617 = arith.constant 0 : i32
    %dma_wait3A_618 = tpu.memref_slice %arg7[%dma_wait3A_612, %dma_wait3A_617] : memref<52x128xi32, #tpu.memory_space<vmem>> -> memref<1x128xi32, #tpu.memory_space<vmem>>
    %dma_wait3A_619 = tpu.memref_squeeze %dma_wait3A_618 : memref<1x128xi32, #tpu.memory_space<vmem>> -> memref<128xi32, #tpu.memory_space<vmem>>
    %dma_wait3A_620 = arith.constant 0 : i32
    %dma_wait3A_621 = tpu.memref_slice %arg6[%dma_wait3A_620] : memref<100000xf32, #tpu.memory_space<vmem_shared>> -> memref<100000xf32, #tpu.memory_space<vmem_shared>>
    tpu.wait_indirect_dma semaphore(%arg15 : memref<!tpu.dma_semaphore, #tpu.memory_space<semaphore_mem>>) src(%dma_wait3A_621 : memref<100000xf32, #tpu.memory_space<vmem_shared>>) dst(%dma_wait3A_616 : memref<128xf32, #tpu.memory_space<vmem>>)
    %dma_wait3A_622 = arith.constant 8 : i32
    %dma_wait3A_623 = arith.constant 8 : i32
    %dma_wait3A_624 = arith.constant 0 : i32
    %dma_wait3A_625 = tpu.memref_slice %arg8[%dma_wait3A_623, %dma_wait3A_624] : memref<52x128xf32, #tpu.memory_space<vmem>> -> memref<1x128xf32, #tpu.memory_space<vmem>>
    %dma_wait3A_626 = tpu.memref_squeeze %dma_wait3A_625 : memref<1x128xf32, #tpu.memory_space<vmem>> -> memref<128xf32, #tpu.memory_space<vmem>>
    %dma_wait3A_627 = arith.constant 0 : i32
    %dma_wait3A_628 = tpu.memref_slice %arg7[%dma_wait3A_622, %dma_wait3A_627] : memref<52x128xi32, #tpu.memory_space<vmem>> -> memref<1x128xi32, #tpu.memory_space<vmem>>
    %dma_wait3A_629 = tpu.memref_squeeze %dma_wait3A_628 : memref<1x128xi32, #tpu.memory_space<vmem>> -> memref<128xi32, #tpu.memory_space<vmem>>
    %dma_wait3A_630 = arith.constant 0 : i32
    %dma_wait3A_631 = tpu.memref_slice %arg6[%dma_wait3A_630] : memref<100000xf32, #tpu.memory_space<vmem_shared>> -> memref<100000xf32, #tpu.memory_space<vmem_shared>>
    tpu.wait_indirect_dma semaphore(%arg15 : memref<!tpu.dma_semaphore, #tpu.memory_space<semaphore_mem>>) src(%dma_wait3A_631 : memref<100000xf32, #tpu.memory_space<vmem_shared>>) dst(%dma_wait3A_626 : memref<128xf32, #tpu.memory_space<vmem>>)
    %dma_wait3A_632 = arith.constant 9 : i32
    %dma_wait3A_633 = arith.constant 9 : i32
    %dma_wait3A_634 = arith.constant 0 : i32
    %dma_wait3A_635 = tpu.memref_slice %arg8[%dma_wait3A_633, %dma_wait3A_634] : memref<52x128xf32, #tpu.memory_space<vmem>> -> memref<1x128xf32, #tpu.memory_space<vmem>>
    %dma_wait3A_636 = tpu.memref_squeeze %dma_wait3A_635 : memref<1x128xf32, #tpu.memory_space<vmem>> -> memref<128xf32, #tpu.memory_space<vmem>>
    %dma_wait3A_637 = arith.constant 0 : i32
    %dma_wait3A_638 = tpu.memref_slice %arg7[%dma_wait3A_632, %dma_wait3A_637] : memref<52x128xi32, #tpu.memory_space<vmem>> -> memref<1x128xi32, #tpu.memory_space<vmem>>
    %dma_wait3A_639 = tpu.memref_squeeze %dma_wait3A_638 : memref<1x128xi32, #tpu.memory_space<vmem>> -> memref<128xi32, #tpu.memory_space<vmem>>
    %dma_wait3A_640 = arith.constant 0 : i32
    %dma_wait3A_641 = tpu.memref_slice %arg6[%dma_wait3A_640] : memref<100000xf32, #tpu.memory_space<vmem_shared>> -> memref<100000xf32, #tpu.memory_space<vmem_shared>>
    tpu.wait_indirect_dma semaphore(%arg15 : memref<!tpu.dma_semaphore, #tpu.memory_space<semaphore_mem>>) src(%dma_wait3A_641 : memref<100000xf32, #tpu.memory_space<vmem_shared>>) dst(%dma_wait3A_636 : memref<128xf32, #tpu.memory_space<vmem>>)
    %dma_wait3A_642 = arith.constant 10 : i32
    %dma_wait3A_643 = arith.constant 10 : i32
    %dma_wait3A_644 = arith.constant 0 : i32
    %dma_wait3A_645 = tpu.memref_slice %arg8[%dma_wait3A_643, %dma_wait3A_644] : memref<52x128xf32, #tpu.memory_space<vmem>> -> memref<1x128xf32, #tpu.memory_space<vmem>>
    %dma_wait3A_646 = tpu.memref_squeeze %dma_wait3A_645 : memref<1x128xf32, #tpu.memory_space<vmem>> -> memref<128xf32, #tpu.memory_space<vmem>>
    %dma_wait3A_647 = arith.constant 0 : i32
    %dma_wait3A_648 = tpu.memref_slice %arg7[%dma_wait3A_642, %dma_wait3A_647] : memref<52x128xi32, #tpu.memory_space<vmem>> -> memref<1x128xi32, #tpu.memory_space<vmem>>
    %dma_wait3A_649 = tpu.memref_squeeze %dma_wait3A_648 : memref<1x128xi32, #tpu.memory_space<vmem>> -> memref<128xi32, #tpu.memory_space<vmem>>
    %dma_wait3A_650 = arith.constant 0 : i32
    %dma_wait3A_651 = tpu.memref_slice %arg6[%dma_wait3A_650] : memref<100000xf32, #tpu.memory_space<vmem_shared>> -> memref<100000xf32, #tpu.memory_space<vmem_shared>>
    tpu.wait_indirect_dma semaphore(%arg15 : memref<!tpu.dma_semaphore, #tpu.memory_space<semaphore_mem>>) src(%dma_wait3A_651 : memref<100000xf32, #tpu.memory_space<vmem_shared>>) dst(%dma_wait3A_646 : memref<128xf32, #tpu.memory_space<vmem>>)
    %dma_wait3A_652 = arith.constant 11 : i32
    %dma_wait3A_653 = arith.constant 11 : i32
    %dma_wait3A_654 = arith.constant 0 : i32
    %dma_wait3A_655 = tpu.memref_slice %arg8[%dma_wait3A_653, %dma_wait3A_654] : memref<52x128xf32, #tpu.memory_space<vmem>> -> memref<1x128xf32, #tpu.memory_space<vmem>>
    %dma_wait3A_656 = tpu.memref_squeeze %dma_wait3A_655 : memref<1x128xf32, #tpu.memory_space<vmem>> -> memref<128xf32, #tpu.memory_space<vmem>>
    %dma_wait3A_657 = arith.constant 0 : i32
    %dma_wait3A_658 = tpu.memref_slice %arg7[%dma_wait3A_652, %dma_wait3A_657] : memref<52x128xi32, #tpu.memory_space<vmem>> -> memref<1x128xi32, #tpu.memory_space<vmem>>
    %dma_wait3A_659 = tpu.memref_squeeze %dma_wait3A_658 : memref<1x128xi32, #tpu.memory_space<vmem>> -> memref<128xi32, #tpu.memory_space<vmem>>
    %dma_wait3A_660 = arith.constant 0 : i32
    %dma_wait3A_661 = tpu.memref_slice %arg6[%dma_wait3A_660] : memref<100000xf32, #tpu.memory_space<vmem_shared>> -> memref<100000xf32, #tpu.memory_space<vmem_shared>>
    tpu.wait_indirect_dma semaphore(%arg15 : memref<!tpu.dma_semaphore, #tpu.memory_space<semaphore_mem>>) src(%dma_wait3A_661 : memref<100000xf32, #tpu.memory_space<vmem_shared>>) dst(%dma_wait3A_656 : memref<128xf32, #tpu.memory_space<vmem>>)
    %dma_wait3A_662 = arith.constant 12 : i32
    %dma_wait3A_663 = arith.constant 12 : i32
    %dma_wait3A_664 = arith.constant 0 : i32
    %dma_wait3A_665 = tpu.memref_slice %arg8[%dma_wait3A_663, %dma_wait3A_664] : memref<52x128xf32, #tpu.memory_space<vmem>> -> memref<1x128xf32, #tpu.memory_space<vmem>>
    %dma_wait3A_666 = tpu.memref_squeeze %dma_wait3A_665 : memref<1x128xf32, #tpu.memory_space<vmem>> -> memref<128xf32, #tpu.memory_space<vmem>>
    %dma_wait3A_667 = arith.constant 0 : i32
    %dma_wait3A_668 = tpu.memref_slice %arg7[%dma_wait3A_662, %dma_wait3A_667] : memref<52x128xi32, #tpu.memory_space<vmem>> -> memref<1x128xi32, #tpu.memory_space<vmem>>
    %dma_wait3A_669 = tpu.memref_squeeze %dma_wait3A_668 : memref<1x128xi32, #tpu.memory_space<vmem>> -> memref<128xi32, #tpu.memory_space<vmem>>
    %dma_wait3A_670 = arith.constant 0 : i32
    %dma_wait3A_671 = tpu.memref_slice %arg6[%dma_wait3A_670] : memref<100000xf32, #tpu.memory_space<vmem_shared>> -> memref<100000xf32, #tpu.memory_space<vmem_shared>>
    tpu.wait_indirect_dma semaphore(%arg15 : memref<!tpu.dma_semaphore, #tpu.memory_space<semaphore_mem>>) src(%dma_wait3A_671 : memref<100000xf32, #tpu.memory_space<vmem_shared>>) dst(%dma_wait3A_666 : memref<128xf32, #tpu.memory_space<vmem>>)
    %dma_wait3A_672 = arith.constant 13 : i32
    %dma_wait3A_673 = arith.constant 13 : i32
    %dma_wait3A_674 = arith.constant 0 : i32
    %dma_wait3A_675 = tpu.memref_slice %arg8[%dma_wait3A_673, %dma_wait3A_674] : memref<52x128xf32, #tpu.memory_space<vmem>> -> memref<1x128xf32, #tpu.memory_space<vmem>>
    %dma_wait3A_676 = tpu.memref_squeeze %dma_wait3A_675 : memref<1x128xf32, #tpu.memory_space<vmem>> -> memref<128xf32, #tpu.memory_space<vmem>>
    %dma_wait3A_677 = arith.constant 0 : i32
    %dma_wait3A_678 = tpu.memref_slice %arg7[%dma_wait3A_672, %dma_wait3A_677] : memref<52x128xi32, #tpu.memory_space<vmem>> -> memref<1x128xi32, #tpu.memory_space<vmem>>
    %dma_wait3A_679 = tpu.memref_squeeze %dma_wait3A_678 : memref<1x128xi32, #tpu.memory_space<vmem>> -> memref<128xi32, #tpu.memory_space<vmem>>
    %dma_wait3A_680 = arith.constant 0 : i32
    %dma_wait3A_681 = tpu.memref_slice %arg6[%dma_wait3A_680] : memref<100000xf32, #tpu.memory_space<vmem_shared>> -> memref<100000xf32, #tpu.memory_space<vmem_shared>>
    tpu.wait_indirect_dma semaphore(%arg15 : memref<!tpu.dma_semaphore, #tpu.memory_space<semaphore_mem>>) src(%dma_wait3A_681 : memref<100000xf32, #tpu.memory_space<vmem_shared>>) dst(%dma_wait3A_676 : memref<128xf32, #tpu.memory_space<vmem>>)
    %dma_wait3A_682 = arith.constant 14 : i32
    %dma_wait3A_683 = arith.constant 14 : i32
    %dma_wait3A_684 = arith.constant 0 : i32
    %dma_wait3A_685 = tpu.memref_slice %arg8[%dma_wait3A_683, %dma_wait3A_684] : memref<52x128xf32, #tpu.memory_space<vmem>> -> memref<1x128xf32, #tpu.memory_space<vmem>>
    %dma_wait3A_686 = tpu.memref_squeeze %dma_wait3A_685 : memref<1x128xf32, #tpu.memory_space<vmem>> -> memref<128xf32, #tpu.memory_space<vmem>>
    %dma_wait3A_687 = arith.constant 0 : i32
    %dma_wait3A_688 = tpu.memref_slice %arg7[%dma_wait3A_682, %dma_wait3A_687] : memref<52x128xi32, #tpu.memory_space<vmem>> -> memref<1x128xi32, #tpu.memory_space<vmem>>
    %dma_wait3A_689 = tpu.memref_squeeze %dma_wait3A_688 : memref<1x128xi32, #tpu.memory_space<vmem>> -> memref<128xi32, #tpu.memory_space<vmem>>
    %dma_wait3A_690 = arith.constant 0 : i32
    %dma_wait3A_691 = tpu.memref_slice %arg6[%dma_wait3A_690] : memref<100000xf32, #tpu.memory_space<vmem_shared>> -> memref<100000xf32, #tpu.memory_space<vmem_shared>>
    tpu.wait_indirect_dma semaphore(%arg15 : memref<!tpu.dma_semaphore, #tpu.memory_space<semaphore_mem>>) src(%dma_wait3A_691 : memref<100000xf32, #tpu.memory_space<vmem_shared>>) dst(%dma_wait3A_686 : memref<128xf32, #tpu.memory_space<vmem>>)
    %dma_wait3A_692 = arith.constant 15 : i32
    %dma_wait3A_693 = arith.constant 15 : i32
    %dma_wait3A_694 = arith.constant 0 : i32
    %dma_wait3A_695 = tpu.memref_slice %arg8[%dma_wait3A_693, %dma_wait3A_694] : memref<52x128xf32, #tpu.memory_space<vmem>> -> memref<1x128xf32, #tpu.memory_space<vmem>>
    %dma_wait3A_696 = tpu.memref_squeeze %dma_wait3A_695 : memref<1x128xf32, #tpu.memory_space<vmem>> -> memref<128xf32, #tpu.memory_space<vmem>>
    %dma_wait3A_697 = arith.constant 0 : i32
    %dma_wait3A_698 = tpu.memref_slice %arg7[%dma_wait3A_692, %dma_wait3A_697] : memref<52x128xi32, #tpu.memory_space<vmem>> -> memref<1x128xi32, #tpu.memory_space<vmem>>
    %dma_wait3A_699 = tpu.memref_squeeze %dma_wait3A_698 : memref<1x128xi32, #tpu.memory_space<vmem>> -> memref<128xi32, #tpu.memory_space<vmem>>
    %dma_wait3A_700 = arith.constant 0 : i32
    %dma_wait3A_701 = tpu.memref_slice %arg6[%dma_wait3A_700] : memref<100000xf32, #tpu.memory_space<vmem_shared>> -> memref<100000xf32, #tpu.memory_space<vmem_shared>>
    tpu.wait_indirect_dma semaphore(%arg15 : memref<!tpu.dma_semaphore, #tpu.memory_space<semaphore_mem>>) src(%dma_wait3A_701 : memref<100000xf32, #tpu.memory_space<vmem_shared>>) dst(%dma_wait3A_696 : memref<128xf32, #tpu.memory_space<vmem>>)
    %dma_wait3A_702 = arith.constant 16 : i32
    %dma_wait3A_703 = arith.constant 16 : i32
    %dma_wait3A_704 = arith.constant 0 : i32
    %dma_wait3A_705 = tpu.memref_slice %arg8[%dma_wait3A_703, %dma_wait3A_704] : memref<52x128xf32, #tpu.memory_space<vmem>> -> memref<1x128xf32, #tpu.memory_space<vmem>>
    %dma_wait3A_706 = tpu.memref_squeeze %dma_wait3A_705 : memref<1x128xf32, #tpu.memory_space<vmem>> -> memref<128xf32, #tpu.memory_space<vmem>>
    %dma_wait3A_707 = arith.constant 0 : i32
    %dma_wait3A_708 = tpu.memref_slice %arg7[%dma_wait3A_702, %dma_wait3A_707] : memref<52x128xi32, #tpu.memory_space<vmem>> -> memref<1x128xi32, #tpu.memory_space<vmem>>
    %dma_wait3A_709 = tpu.memref_squeeze %dma_wait3A_708 : memref<1x128xi32, #tpu.memory_space<vmem>> -> memref<128xi32, #tpu.memory_space<vmem>>
    %dma_wait3A_710 = arith.constant 0 : i32
    %dma_wait3A_711 = tpu.memref_slice %arg6[%dma_wait3A_710] : memref<100000xf32, #tpu.memory_space<vmem_shared>> -> memref<100000xf32, #tpu.memory_space<vmem_shared>>
    tpu.wait_indirect_dma semaphore(%arg15 : memref<!tpu.dma_semaphore, #tpu.memory_space<semaphore_mem>>) src(%dma_wait3A_711 : memref<100000xf32, #tpu.memory_space<vmem_shared>>) dst(%dma_wait3A_706 : memref<128xf32, #tpu.memory_space<vmem>>)
    %dma_wait3A_712 = arith.constant 17 : i32
    %dma_wait3A_713 = arith.constant 17 : i32
    %dma_wait3A_714 = arith.constant 0 : i32
    %dma_wait3A_715 = tpu.memref_slice %arg8[%dma_wait3A_713, %dma_wait3A_714] : memref<52x128xf32, #tpu.memory_space<vmem>> -> memref<1x128xf32, #tpu.memory_space<vmem>>
    %dma_wait3A_716 = tpu.memref_squeeze %dma_wait3A_715 : memref<1x128xf32, #tpu.memory_space<vmem>> -> memref<128xf32, #tpu.memory_space<vmem>>
    %dma_wait3A_717 = arith.constant 0 : i32
    %dma_wait3A_718 = tpu.memref_slice %arg7[%dma_wait3A_712, %dma_wait3A_717] : memref<52x128xi32, #tpu.memory_space<vmem>> -> memref<1x128xi32, #tpu.memory_space<vmem>>
    %dma_wait3A_719 = tpu.memref_squeeze %dma_wait3A_718 : memref<1x128xi32, #tpu.memory_space<vmem>> -> memref<128xi32, #tpu.memory_space<vmem>>
    %dma_wait3A_720 = arith.constant 0 : i32
    %dma_wait3A_721 = tpu.memref_slice %arg6[%dma_wait3A_720] : memref<100000xf32, #tpu.memory_space<vmem_shared>> -> memref<100000xf32, #tpu.memory_space<vmem_shared>>
    tpu.wait_indirect_dma semaphore(%arg15 : memref<!tpu.dma_semaphore, #tpu.memory_space<semaphore_mem>>) src(%dma_wait3A_721 : memref<100000xf32, #tpu.memory_space<vmem_shared>>) dst(%dma_wait3A_716 : memref<128xf32, #tpu.memory_space<vmem>>)
    %dma_wait3A_722 = arith.constant 18 : i32
    %dma_wait3A_723 = arith.constant 18 : i32
    %dma_wait3A_724 = arith.constant 0 : i32
    %dma_wait3A_725 = tpu.memref_slice %arg8[%dma_wait3A_723, %dma_wait3A_724] : memref<52x128xf32, #tpu.memory_space<vmem>> -> memref<1x128xf32, #tpu.memory_space<vmem>>
    %dma_wait3A_726 = tpu.memref_squeeze %dma_wait3A_725 : memref<1x128xf32, #tpu.memory_space<vmem>> -> memref<128xf32, #tpu.memory_space<vmem>>
    %dma_wait3A_727 = arith.constant 0 : i32
    %dma_wait3A_728 = tpu.memref_slice %arg7[%dma_wait3A_722, %dma_wait3A_727] : memref<52x128xi32, #tpu.memory_space<vmem>> -> memref<1x128xi32, #tpu.memory_space<vmem>>
    %dma_wait3A_729 = tpu.memref_squeeze %dma_wait3A_728 : memref<1x128xi32, #tpu.memory_space<vmem>> -> memref<128xi32, #tpu.memory_space<vmem>>
    %dma_wait3A_730 = arith.constant 0 : i32
    %dma_wait3A_731 = tpu.memref_slice %arg6[%dma_wait3A_730] : memref<100000xf32, #tpu.memory_space<vmem_shared>> -> memref<100000xf32, #tpu.memory_space<vmem_shared>>
    tpu.wait_indirect_dma semaphore(%arg15 : memref<!tpu.dma_semaphore, #tpu.memory_space<semaphore_mem>>) src(%dma_wait3A_731 : memref<100000xf32, #tpu.memory_space<vmem_shared>>) dst(%dma_wait3A_726 : memref<128xf32, #tpu.memory_space<vmem>>)
    %dma_wait3A_732 = arith.constant 19 : i32
    %dma_wait3A_733 = arith.constant 19 : i32
    %dma_wait3A_734 = arith.constant 0 : i32
    %dma_wait3A_735 = tpu.memref_slice %arg8[%dma_wait3A_733, %dma_wait3A_734] : memref<52x128xf32, #tpu.memory_space<vmem>> -> memref<1x128xf32, #tpu.memory_space<vmem>>
    %dma_wait3A_736 = tpu.memref_squeeze %dma_wait3A_735 : memref<1x128xf32, #tpu.memory_space<vmem>> -> memref<128xf32, #tpu.memory_space<vmem>>
    %dma_wait3A_737 = arith.constant 0 : i32
    %dma_wait3A_738 = tpu.memref_slice %arg7[%dma_wait3A_732, %dma_wait3A_737] : memref<52x128xi32, #tpu.memory_space<vmem>> -> memref<1x128xi32, #tpu.memory_space<vmem>>
    %dma_wait3A_739 = tpu.memref_squeeze %dma_wait3A_738 : memref<1x128xi32, #tpu.memory_space<vmem>> -> memref<128xi32, #tpu.memory_space<vmem>>
    %dma_wait3A_740 = arith.constant 0 : i32
    %dma_wait3A_741 = tpu.memref_slice %arg6[%dma_wait3A_740] : memref<100000xf32, #tpu.memory_space<vmem_shared>> -> memref<100000xf32, #tpu.memory_space<vmem_shared>>
    tpu.wait_indirect_dma semaphore(%arg15 : memref<!tpu.dma_semaphore, #tpu.memory_space<semaphore_mem>>) src(%dma_wait3A_741 : memref<100000xf32, #tpu.memory_space<vmem_shared>>) dst(%dma_wait3A_736 : memref<128xf32, #tpu.memory_space<vmem>>)
    %dma_wait3A_742 = arith.constant 20 : i32
    %dma_wait3A_743 = arith.constant 20 : i32
    %dma_wait3A_744 = arith.constant 0 : i32
    %dma_wait3A_745 = tpu.memref_slice %arg8[%dma_wait3A_743, %dma_wait3A_744] : memref<52x128xf32, #tpu.memory_space<vmem>> -> memref<1x128xf32, #tpu.memory_space<vmem>>
    %dma_wait3A_746 = tpu.memref_squeeze %dma_wait3A_745 : memref<1x128xf32, #tpu.memory_space<vmem>> -> memref<128xf32, #tpu.memory_space<vmem>>
    %dma_wait3A_747 = arith.constant 0 : i32
    %dma_wait3A_748 = tpu.memref_slice %arg7[%dma_wait3A_742, %dma_wait3A_747] : memref<52x128xi32, #tpu.memory_space<vmem>> -> memref<1x128xi32, #tpu.memory_space<vmem>>
    %dma_wait3A_749 = tpu.memref_squeeze %dma_wait3A_748 : memref<1x128xi32, #tpu.memory_space<vmem>> -> memref<128xi32, #tpu.memory_space<vmem>>
    %dma_wait3A_750 = arith.constant 0 : i32
    %dma_wait3A_751 = tpu.memref_slice %arg6[%dma_wait3A_750] : memref<100000xf32, #tpu.memory_space<vmem_shared>> -> memref<100000xf32, #tpu.memory_space<vmem_shared>>
    tpu.wait_indirect_dma semaphore(%arg15 : memref<!tpu.dma_semaphore, #tpu.memory_space<semaphore_mem>>) src(%dma_wait3A_751 : memref<100000xf32, #tpu.memory_space<vmem_shared>>) dst(%dma_wait3A_746 : memref<128xf32, #tpu.memory_space<vmem>>)
    %dma_wait3A_752 = arith.constant 21 : i32
    %dma_wait3A_753 = arith.constant 21 : i32
    %dma_wait3A_754 = arith.constant 0 : i32
    %dma_wait3A_755 = tpu.memref_slice %arg8[%dma_wait3A_753, %dma_wait3A_754] : memref<52x128xf32, #tpu.memory_space<vmem>> -> memref<1x128xf32, #tpu.memory_space<vmem>>
    %dma_wait3A_756 = tpu.memref_squeeze %dma_wait3A_755 : memref<1x128xf32, #tpu.memory_space<vmem>> -> memref<128xf32, #tpu.memory_space<vmem>>
    %dma_wait3A_757 = arith.constant 0 : i32
    %dma_wait3A_758 = tpu.memref_slice %arg7[%dma_wait3A_752, %dma_wait3A_757] : memref<52x128xi32, #tpu.memory_space<vmem>> -> memref<1x128xi32, #tpu.memory_space<vmem>>
    %dma_wait3A_759 = tpu.memref_squeeze %dma_wait3A_758 : memref<1x128xi32, #tpu.memory_space<vmem>> -> memref<128xi32, #tpu.memory_space<vmem>>
    %dma_wait3A_760 = arith.constant 0 : i32
    %dma_wait3A_761 = tpu.memref_slice %arg6[%dma_wait3A_760] : memref<100000xf32, #tpu.memory_space<vmem_shared>> -> memref<100000xf32, #tpu.memory_space<vmem_shared>>
    tpu.wait_indirect_dma semaphore(%arg15 : memref<!tpu.dma_semaphore, #tpu.memory_space<semaphore_mem>>) src(%dma_wait3A_761 : memref<100000xf32, #tpu.memory_space<vmem_shared>>) dst(%dma_wait3A_756 : memref<128xf32, #tpu.memory_space<vmem>>)
    %dma_wait3A_762 = arith.constant 22 : i32
    %dma_wait3A_763 = arith.constant 22 : i32
    %dma_wait3A_764 = arith.constant 0 : i32
    %dma_wait3A_765 = tpu.memref_slice %arg8[%dma_wait3A_763, %dma_wait3A_764] : memref<52x128xf32, #tpu.memory_space<vmem>> -> memref<1x128xf32, #tpu.memory_space<vmem>>
    %dma_wait3A_766 = tpu.memref_squeeze %dma_wait3A_765 : memref<1x128xf32, #tpu.memory_space<vmem>> -> memref<128xf32, #tpu.memory_space<vmem>>
    %dma_wait3A_767 = arith.constant 0 : i32
    %dma_wait3A_768 = tpu.memref_slice %arg7[%dma_wait3A_762, %dma_wait3A_767] : memref<52x128xi32, #tpu.memory_space<vmem>> -> memref<1x128xi32, #tpu.memory_space<vmem>>
    %dma_wait3A_769 = tpu.memref_squeeze %dma_wait3A_768 : memref<1x128xi32, #tpu.memory_space<vmem>> -> memref<128xi32, #tpu.memory_space<vmem>>
    %dma_wait3A_770 = arith.constant 0 : i32
    %dma_wait3A_771 = tpu.memref_slice %arg6[%dma_wait3A_770] : memref<100000xf32, #tpu.memory_space<vmem_shared>> -> memref<100000xf32, #tpu.memory_space<vmem_shared>>
    tpu.wait_indirect_dma semaphore(%arg15 : memref<!tpu.dma_semaphore, #tpu.memory_space<semaphore_mem>>) src(%dma_wait3A_771 : memref<100000xf32, #tpu.memory_space<vmem_shared>>) dst(%dma_wait3A_766 : memref<128xf32, #tpu.memory_space<vmem>>)
    %dma_wait3A_772 = arith.constant 23 : i32
    %dma_wait3A_773 = arith.constant 23 : i32
    %dma_wait3A_774 = arith.constant 0 : i32
    %dma_wait3A_775 = tpu.memref_slice %arg8[%dma_wait3A_773, %dma_wait3A_774] : memref<52x128xf32, #tpu.memory_space<vmem>> -> memref<1x128xf32, #tpu.memory_space<vmem>>
    %dma_wait3A_776 = tpu.memref_squeeze %dma_wait3A_775 : memref<1x128xf32, #tpu.memory_space<vmem>> -> memref<128xf32, #tpu.memory_space<vmem>>
    %dma_wait3A_777 = arith.constant 0 : i32
    %dma_wait3A_778 = tpu.memref_slice %arg7[%dma_wait3A_772, %dma_wait3A_777] : memref<52x128xi32, #tpu.memory_space<vmem>> -> memref<1x128xi32, #tpu.memory_space<vmem>>
    %dma_wait3A_779 = tpu.memref_squeeze %dma_wait3A_778 : memref<1x128xi32, #tpu.memory_space<vmem>> -> memref<128xi32, #tpu.memory_space<vmem>>
    %dma_wait3A_780 = arith.constant 0 : i32
    %dma_wait3A_781 = tpu.memref_slice %arg6[%dma_wait3A_780] : memref<100000xf32, #tpu.memory_space<vmem_shared>> -> memref<100000xf32, #tpu.memory_space<vmem_shared>>
    tpu.wait_indirect_dma semaphore(%arg15 : memref<!tpu.dma_semaphore, #tpu.memory_space<semaphore_mem>>) src(%dma_wait3A_781 : memref<100000xf32, #tpu.memory_space<vmem_shared>>) dst(%dma_wait3A_776 : memref<128xf32, #tpu.memory_space<vmem>>)
    %dma_wait3A_782 = arith.constant 24 : i32
    %dma_wait3A_783 = arith.constant 24 : i32
    %dma_wait3A_784 = arith.constant 0 : i32
    %dma_wait3A_785 = tpu.memref_slice %arg8[%dma_wait3A_783, %dma_wait3A_784] : memref<52x128xf32, #tpu.memory_space<vmem>> -> memref<1x128xf32, #tpu.memory_space<vmem>>
    %dma_wait3A_786 = tpu.memref_squeeze %dma_wait3A_785 : memref<1x128xf32, #tpu.memory_space<vmem>> -> memref<128xf32, #tpu.memory_space<vmem>>
    %dma_wait3A_787 = arith.constant 0 : i32
    %dma_wait3A_788 = tpu.memref_slice %arg7[%dma_wait3A_782, %dma_wait3A_787] : memref<52x128xi32, #tpu.memory_space<vmem>> -> memref<1x128xi32, #tpu.memory_space<vmem>>
    %dma_wait3A_789 = tpu.memref_squeeze %dma_wait3A_788 : memref<1x128xi32, #tpu.memory_space<vmem>> -> memref<128xi32, #tpu.memory_space<vmem>>
    %dma_wait3A_790 = arith.constant 0 : i32
    %dma_wait3A_791 = tpu.memref_slice %arg6[%dma_wait3A_790] : memref<100000xf32, #tpu.memory_space<vmem_shared>> -> memref<100000xf32, #tpu.memory_space<vmem_shared>>
    tpu.wait_indirect_dma semaphore(%arg15 : memref<!tpu.dma_semaphore, #tpu.memory_space<semaphore_mem>>) src(%dma_wait3A_791 : memref<100000xf32, #tpu.memory_space<vmem_shared>>) dst(%dma_wait3A_786 : memref<128xf32, #tpu.memory_space<vmem>>)
    %dma_wait3A_792 = arith.constant 25 : i32
    %dma_wait3A_793 = arith.constant 25 : i32
    %dma_wait3A_794 = arith.constant 0 : i32
    %dma_wait3A_795 = tpu.memref_slice %arg8[%dma_wait3A_793, %dma_wait3A_794] : memref<52x128xf32, #tpu.memory_space<vmem>> -> memref<1x128xf32, #tpu.memory_space<vmem>>
    %dma_wait3A_796 = tpu.memref_squeeze %dma_wait3A_795 : memref<1x128xf32, #tpu.memory_space<vmem>> -> memref<128xf32, #tpu.memory_space<vmem>>
    %dma_wait3A_797 = arith.constant 0 : i32
    %dma_wait3A_798 = tpu.memref_slice %arg7[%dma_wait3A_792, %dma_wait3A_797] : memref<52x128xi32, #tpu.memory_space<vmem>> -> memref<1x128xi32, #tpu.memory_space<vmem>>
    %dma_wait3A_799 = tpu.memref_squeeze %dma_wait3A_798 : memref<1x128xi32, #tpu.memory_space<vmem>> -> memref<128xi32, #tpu.memory_space<vmem>>
    %dma_wait3A_800 = arith.constant 0 : i32
    %dma_wait3A_801 = tpu.memref_slice %arg6[%dma_wait3A_800] : memref<100000xf32, #tpu.memory_space<vmem_shared>> -> memref<100000xf32, #tpu.memory_space<vmem_shared>>
    tpu.wait_indirect_dma semaphore(%arg15 : memref<!tpu.dma_semaphore, #tpu.memory_space<semaphore_mem>>) src(%dma_wait3A_801 : memref<100000xf32, #tpu.memory_space<vmem_shared>>) dst(%dma_wait3A_796 : memref<128xf32, #tpu.memory_space<vmem>>)
    %dma_wait3A_802 = arith.constant 26 : i32
    %dma_wait3A_803 = arith.constant 26 : i32
    %dma_wait3A_804 = arith.constant 0 : i32
    %dma_wait3A_805 = tpu.memref_slice %arg8[%dma_wait3A_803, %dma_wait3A_804] : memref<52x128xf32, #tpu.memory_space<vmem>> -> memref<1x128xf32, #tpu.memory_space<vmem>>
    %dma_wait3A_806 = tpu.memref_squeeze %dma_wait3A_805 : memref<1x128xf32, #tpu.memory_space<vmem>> -> memref<128xf32, #tpu.memory_space<vmem>>
    %dma_wait3A_807 = arith.constant 0 : i32
    %dma_wait3A_808 = tpu.memref_slice %arg7[%dma_wait3A_802, %dma_wait3A_807] : memref<52x128xi32, #tpu.memory_space<vmem>> -> memref<1x128xi32, #tpu.memory_space<vmem>>
    %dma_wait3A_809 = tpu.memref_squeeze %dma_wait3A_808 : memref<1x128xi32, #tpu.memory_space<vmem>> -> memref<128xi32, #tpu.memory_space<vmem>>
    %dma_wait3A_810 = arith.constant 0 : i32
    %dma_wait3A_811 = tpu.memref_slice %arg6[%dma_wait3A_810] : memref<100000xf32, #tpu.memory_space<vmem_shared>> -> memref<100000xf32, #tpu.memory_space<vmem_shared>>
    tpu.wait_indirect_dma semaphore(%arg15 : memref<!tpu.dma_semaphore, #tpu.memory_space<semaphore_mem>>) src(%dma_wait3A_811 : memref<100000xf32, #tpu.memory_space<vmem_shared>>) dst(%dma_wait3A_806 : memref<128xf32, #tpu.memory_space<vmem>>)
    %dma_wait3A_812 = arith.constant 27 : i32
    %dma_wait3A_813 = arith.constant 27 : i32
    %dma_wait3A_814 = arith.constant 0 : i32
    %dma_wait3A_815 = tpu.memref_slice %arg8[%dma_wait3A_813, %dma_wait3A_814] : memref<52x128xf32, #tpu.memory_space<vmem>> -> memref<1x128xf32, #tpu.memory_space<vmem>>
    %dma_wait3A_816 = tpu.memref_squeeze %dma_wait3A_815 : memref<1x128xf32, #tpu.memory_space<vmem>> -> memref<128xf32, #tpu.memory_space<vmem>>
    %dma_wait3A_817 = arith.constant 0 : i32
    %dma_wait3A_818 = tpu.memref_slice %arg7[%dma_wait3A_812, %dma_wait3A_817] : memref<52x128xi32, #tpu.memory_space<vmem>> -> memref<1x128xi32, #tpu.memory_space<vmem>>
    %dma_wait3A_819 = tpu.memref_squeeze %dma_wait3A_818 : memref<1x128xi32, #tpu.memory_space<vmem>> -> memref<128xi32, #tpu.memory_space<vmem>>
    %dma_wait3A_820 = arith.constant 0 : i32
    %dma_wait3A_821 = tpu.memref_slice %arg6[%dma_wait3A_820] : memref<100000xf32, #tpu.memory_space<vmem_shared>> -> memref<100000xf32, #tpu.memory_space<vmem_shared>>
    tpu.wait_indirect_dma semaphore(%arg15 : memref<!tpu.dma_semaphore, #tpu.memory_space<semaphore_mem>>) src(%dma_wait3A_821 : memref<100000xf32, #tpu.memory_space<vmem_shared>>) dst(%dma_wait3A_816 : memref<128xf32, #tpu.memory_space<vmem>>)
    %dma_wait3A_822 = arith.constant 28 : i32
    %dma_wait3A_823 = arith.constant 28 : i32
    %dma_wait3A_824 = arith.constant 0 : i32
    %dma_wait3A_825 = tpu.memref_slice %arg8[%dma_wait3A_823, %dma_wait3A_824] : memref<52x128xf32, #tpu.memory_space<vmem>> -> memref<1x128xf32, #tpu.memory_space<vmem>>
    %dma_wait3A_826 = tpu.memref_squeeze %dma_wait3A_825 : memref<1x128xf32, #tpu.memory_space<vmem>> -> memref<128xf32, #tpu.memory_space<vmem>>
    %dma_wait3A_827 = arith.constant 0 : i32
    %dma_wait3A_828 = tpu.memref_slice %arg7[%dma_wait3A_822, %dma_wait3A_827] : memref<52x128xi32, #tpu.memory_space<vmem>> -> memref<1x128xi32, #tpu.memory_space<vmem>>
    %dma_wait3A_829 = tpu.memref_squeeze %dma_wait3A_828 : memref<1x128xi32, #tpu.memory_space<vmem>> -> memref<128xi32, #tpu.memory_space<vmem>>
    %dma_wait3A_830 = arith.constant 0 : i32
    %dma_wait3A_831 = tpu.memref_slice %arg6[%dma_wait3A_830] : memref<100000xf32, #tpu.memory_space<vmem_shared>> -> memref<100000xf32, #tpu.memory_space<vmem_shared>>
    tpu.wait_indirect_dma semaphore(%arg15 : memref<!tpu.dma_semaphore, #tpu.memory_space<semaphore_mem>>) src(%dma_wait3A_831 : memref<100000xf32, #tpu.memory_space<vmem_shared>>) dst(%dma_wait3A_826 : memref<128xf32, #tpu.memory_space<vmem>>)
    %dma_wait3A_832 = arith.constant 29 : i32
    %dma_wait3A_833 = arith.constant 29 : i32
    %dma_wait3A_834 = arith.constant 0 : i32
    %dma_wait3A_835 = tpu.memref_slice %arg8[%dma_wait3A_833, %dma_wait3A_834] : memref<52x128xf32, #tpu.memory_space<vmem>> -> memref<1x128xf32, #tpu.memory_space<vmem>>
    %dma_wait3A_836 = tpu.memref_squeeze %dma_wait3A_835 : memref<1x128xf32, #tpu.memory_space<vmem>> -> memref<128xf32, #tpu.memory_space<vmem>>
    %dma_wait3A_837 = arith.constant 0 : i32
    %dma_wait3A_838 = tpu.memref_slice %arg7[%dma_wait3A_832, %dma_wait3A_837] : memref<52x128xi32, #tpu.memory_space<vmem>> -> memref<1x128xi32, #tpu.memory_space<vmem>>
    %dma_wait3A_839 = tpu.memref_squeeze %dma_wait3A_838 : memref<1x128xi32, #tpu.memory_space<vmem>> -> memref<128xi32, #tpu.memory_space<vmem>>
    %dma_wait3A_840 = arith.constant 0 : i32
    %dma_wait3A_841 = tpu.memref_slice %arg6[%dma_wait3A_840] : memref<100000xf32, #tpu.memory_space<vmem_shared>> -> memref<100000xf32, #tpu.memory_space<vmem_shared>>
    tpu.wait_indirect_dma semaphore(%arg15 : memref<!tpu.dma_semaphore, #tpu.memory_space<semaphore_mem>>) src(%dma_wait3A_841 : memref<100000xf32, #tpu.memory_space<vmem_shared>>) dst(%dma_wait3A_836 : memref<128xf32, #tpu.memory_space<vmem>>)
    %dma_wait3A_842 = arith.constant 30 : i32
    %dma_wait3A_843 = arith.constant 30 : i32
    %dma_wait3A_844 = arith.constant 0 : i32
    %dma_wait3A_845 = tpu.memref_slice %arg8[%dma_wait3A_843, %dma_wait3A_844] : memref<52x128xf32, #tpu.memory_space<vmem>> -> memref<1x128xf32, #tpu.memory_space<vmem>>
    %dma_wait3A_846 = tpu.memref_squeeze %dma_wait3A_845 : memref<1x128xf32, #tpu.memory_space<vmem>> -> memref<128xf32, #tpu.memory_space<vmem>>
    %dma_wait3A_847 = arith.constant 0 : i32
    %dma_wait3A_848 = tpu.memref_slice %arg7[%dma_wait3A_842, %dma_wait3A_847] : memref<52x128xi32, #tpu.memory_space<vmem>> -> memref<1x128xi32, #tpu.memory_space<vmem>>
    %dma_wait3A_849 = tpu.memref_squeeze %dma_wait3A_848 : memref<1x128xi32, #tpu.memory_space<vmem>> -> memref<128xi32, #tpu.memory_space<vmem>>
    %dma_wait3A_850 = arith.constant 0 : i32
    %dma_wait3A_851 = tpu.memref_slice %arg6[%dma_wait3A_850] : memref<100000xf32, #tpu.memory_space<vmem_shared>> -> memref<100000xf32, #tpu.memory_space<vmem_shared>>
    tpu.wait_indirect_dma semaphore(%arg15 : memref<!tpu.dma_semaphore, #tpu.memory_space<semaphore_mem>>) src(%dma_wait3A_851 : memref<100000xf32, #tpu.memory_space<vmem_shared>>) dst(%dma_wait3A_846 : memref<128xf32, #tpu.memory_space<vmem>>)
    %dma_wait3A_852 = arith.constant 31 : i32
    %dma_wait3A_853 = arith.constant 31 : i32
    %dma_wait3A_854 = arith.constant 0 : i32
    %dma_wait3A_855 = tpu.memref_slice %arg8[%dma_wait3A_853, %dma_wait3A_854] : memref<52x128xf32, #tpu.memory_space<vmem>> -> memref<1x128xf32, #tpu.memory_space<vmem>>
    %dma_wait3A_856 = tpu.memref_squeeze %dma_wait3A_855 : memref<1x128xf32, #tpu.memory_space<vmem>> -> memref<128xf32, #tpu.memory_space<vmem>>
    %dma_wait3A_857 = arith.constant 0 : i32
    %dma_wait3A_858 = tpu.memref_slice %arg7[%dma_wait3A_852, %dma_wait3A_857] : memref<52x128xi32, #tpu.memory_space<vmem>> -> memref<1x128xi32, #tpu.memory_space<vmem>>
    %dma_wait3A_859 = tpu.memref_squeeze %dma_wait3A_858 : memref<1x128xi32, #tpu.memory_space<vmem>> -> memref<128xi32, #tpu.memory_space<vmem>>
    %dma_wait3A_860 = arith.constant 0 : i32
    %dma_wait3A_861 = tpu.memref_slice %arg6[%dma_wait3A_860] : memref<100000xf32, #tpu.memory_space<vmem_shared>> -> memref<100000xf32, #tpu.memory_space<vmem_shared>>
    tpu.wait_indirect_dma semaphore(%arg15 : memref<!tpu.dma_semaphore, #tpu.memory_space<semaphore_mem>>) src(%dma_wait3A_861 : memref<100000xf32, #tpu.memory_space<vmem_shared>>) dst(%dma_wait3A_856 : memref<128xf32, #tpu.memory_space<vmem>>)
    %dma_wait3A_862 = arith.constant 32 : i32
    %dma_wait3A_863 = arith.constant 32 : i32
    %dma_wait3A_864 = arith.constant 0 : i32
    %dma_wait3A_865 = tpu.memref_slice %arg8[%dma_wait3A_863, %dma_wait3A_864] : memref<52x128xf32, #tpu.memory_space<vmem>> -> memref<1x128xf32, #tpu.memory_space<vmem>>
    %dma_wait3A_866 = tpu.memref_squeeze %dma_wait3A_865 : memref<1x128xf32, #tpu.memory_space<vmem>> -> memref<128xf32, #tpu.memory_space<vmem>>
    %dma_wait3A_867 = arith.constant 0 : i32
    %dma_wait3A_868 = tpu.memref_slice %arg7[%dma_wait3A_862, %dma_wait3A_867] : memref<52x128xi32, #tpu.memory_space<vmem>> -> memref<1x128xi32, #tpu.memory_space<vmem>>
    %dma_wait3A_869 = tpu.memref_squeeze %dma_wait3A_868 : memref<1x128xi32, #tpu.memory_space<vmem>> -> memref<128xi32, #tpu.memory_space<vmem>>
    %dma_wait3A_870 = arith.constant 0 : i32
    %dma_wait3A_871 = tpu.memref_slice %arg6[%dma_wait3A_870] : memref<100000xf32, #tpu.memory_space<vmem_shared>> -> memref<100000xf32, #tpu.memory_space<vmem_shared>>
    tpu.wait_indirect_dma semaphore(%arg15 : memref<!tpu.dma_semaphore, #tpu.memory_space<semaphore_mem>>) src(%dma_wait3A_871 : memref<100000xf32, #tpu.memory_space<vmem_shared>>) dst(%dma_wait3A_866 : memref<128xf32, #tpu.memory_space<vmem>>)
    %dma_wait3A_872 = arith.constant 33 : i32
    %dma_wait3A_873 = arith.constant 33 : i32
    %dma_wait3A_874 = arith.constant 0 : i32
    %dma_wait3A_875 = tpu.memref_slice %arg8[%dma_wait3A_873, %dma_wait3A_874] : memref<52x128xf32, #tpu.memory_space<vmem>> -> memref<1x128xf32, #tpu.memory_space<vmem>>
    %dma_wait3A_876 = tpu.memref_squeeze %dma_wait3A_875 : memref<1x128xf32, #tpu.memory_space<vmem>> -> memref<128xf32, #tpu.memory_space<vmem>>
    %dma_wait3A_877 = arith.constant 0 : i32
    %dma_wait3A_878 = tpu.memref_slice %arg7[%dma_wait3A_872, %dma_wait3A_877] : memref<52x128xi32, #tpu.memory_space<vmem>> -> memref<1x128xi32, #tpu.memory_space<vmem>>
    %dma_wait3A_879 = tpu.memref_squeeze %dma_wait3A_878 : memref<1x128xi32, #tpu.memory_space<vmem>> -> memref<128xi32, #tpu.memory_space<vmem>>
    %dma_wait3A_880 = arith.constant 0 : i32
    %dma_wait3A_881 = tpu.memref_slice %arg6[%dma_wait3A_880] : memref<100000xf32, #tpu.memory_space<vmem_shared>> -> memref<100000xf32, #tpu.memory_space<vmem_shared>>
    tpu.wait_indirect_dma semaphore(%arg15 : memref<!tpu.dma_semaphore, #tpu.memory_space<semaphore_mem>>) src(%dma_wait3A_881 : memref<100000xf32, #tpu.memory_space<vmem_shared>>) dst(%dma_wait3A_876 : memref<128xf32, #tpu.memory_space<vmem>>)
    %dma_wait3A_882 = arith.constant 34 : i32
    %dma_wait3A_883 = arith.constant 34 : i32
    %dma_wait3A_884 = arith.constant 0 : i32
    %dma_wait3A_885 = tpu.memref_slice %arg8[%dma_wait3A_883, %dma_wait3A_884] : memref<52x128xf32, #tpu.memory_space<vmem>> -> memref<1x128xf32, #tpu.memory_space<vmem>>
    %dma_wait3A_886 = tpu.memref_squeeze %dma_wait3A_885 : memref<1x128xf32, #tpu.memory_space<vmem>> -> memref<128xf32, #tpu.memory_space<vmem>>
    %dma_wait3A_887 = arith.constant 0 : i32
    %dma_wait3A_888 = tpu.memref_slice %arg7[%dma_wait3A_882, %dma_wait3A_887] : memref<52x128xi32, #tpu.memory_space<vmem>> -> memref<1x128xi32, #tpu.memory_space<vmem>>
    %dma_wait3A_889 = tpu.memref_squeeze %dma_wait3A_888 : memref<1x128xi32, #tpu.memory_space<vmem>> -> memref<128xi32, #tpu.memory_space<vmem>>
    %dma_wait3A_890 = arith.constant 0 : i32
    %dma_wait3A_891 = tpu.memref_slice %arg6[%dma_wait3A_890] : memref<100000xf32, #tpu.memory_space<vmem_shared>> -> memref<100000xf32, #tpu.memory_space<vmem_shared>>
    tpu.wait_indirect_dma semaphore(%arg15 : memref<!tpu.dma_semaphore, #tpu.memory_space<semaphore_mem>>) src(%dma_wait3A_891 : memref<100000xf32, #tpu.memory_space<vmem_shared>>) dst(%dma_wait3A_886 : memref<128xf32, #tpu.memory_space<vmem>>)
    %dma_wait3A_892 = arith.constant 35 : i32
    %dma_wait3A_893 = arith.constant 35 : i32
    %dma_wait3A_894 = arith.constant 0 : i32
    %dma_wait3A_895 = tpu.memref_slice %arg8[%dma_wait3A_893, %dma_wait3A_894] : memref<52x128xf32, #tpu.memory_space<vmem>> -> memref<1x128xf32, #tpu.memory_space<vmem>>
    %dma_wait3A_896 = tpu.memref_squeeze %dma_wait3A_895 : memref<1x128xf32, #tpu.memory_space<vmem>> -> memref<128xf32, #tpu.memory_space<vmem>>
    %dma_wait3A_897 = arith.constant 0 : i32
    %dma_wait3A_898 = tpu.memref_slice %arg7[%dma_wait3A_892, %dma_wait3A_897] : memref<52x128xi32, #tpu.memory_space<vmem>> -> memref<1x128xi32, #tpu.memory_space<vmem>>
    %dma_wait3A_899 = tpu.memref_squeeze %dma_wait3A_898 : memref<1x128xi32, #tpu.memory_space<vmem>> -> memref<128xi32, #tpu.memory_space<vmem>>
    %dma_wait3A_900 = arith.constant 0 : i32
    %dma_wait3A_901 = tpu.memref_slice %arg6[%dma_wait3A_900] : memref<100000xf32, #tpu.memory_space<vmem_shared>> -> memref<100000xf32, #tpu.memory_space<vmem_shared>>
    tpu.wait_indirect_dma semaphore(%arg15 : memref<!tpu.dma_semaphore, #tpu.memory_space<semaphore_mem>>) src(%dma_wait3A_901 : memref<100000xf32, #tpu.memory_space<vmem_shared>>) dst(%dma_wait3A_896 : memref<128xf32, #tpu.memory_space<vmem>>)
    %dma_wait3A_902 = arith.constant 36 : i32
    %dma_wait3A_903 = arith.constant 36 : i32
    %dma_wait3A_904 = arith.constant 0 : i32
    %dma_wait3A_905 = tpu.memref_slice %arg8[%dma_wait3A_903, %dma_wait3A_904] : memref<52x128xf32, #tpu.memory_space<vmem>> -> memref<1x128xf32, #tpu.memory_space<vmem>>
    %dma_wait3A_906 = tpu.memref_squeeze %dma_wait3A_905 : memref<1x128xf32, #tpu.memory_space<vmem>> -> memref<128xf32, #tpu.memory_space<vmem>>
    %dma_wait3A_907 = arith.constant 0 : i32
    %dma_wait3A_908 = tpu.memref_slice %arg7[%dma_wait3A_902, %dma_wait3A_907] : memref<52x128xi32, #tpu.memory_space<vmem>> -> memref<1x128xi32, #tpu.memory_space<vmem>>
    %dma_wait3A_909 = tpu.memref_squeeze %dma_wait3A_908 : memref<1x128xi32, #tpu.memory_space<vmem>> -> memref<128xi32, #tpu.memory_space<vmem>>
    %dma_wait3A_910 = arith.constant 0 : i32
    %dma_wait3A_911 = tpu.memref_slice %arg6[%dma_wait3A_910] : memref<100000xf32, #tpu.memory_space<vmem_shared>> -> memref<100000xf32, #tpu.memory_space<vmem_shared>>
    tpu.wait_indirect_dma semaphore(%arg15 : memref<!tpu.dma_semaphore, #tpu.memory_space<semaphore_mem>>) src(%dma_wait3A_911 : memref<100000xf32, #tpu.memory_space<vmem_shared>>) dst(%dma_wait3A_906 : memref<128xf32, #tpu.memory_space<vmem>>)
    %dma_wait3A_912 = arith.constant 37 : i32
    %dma_wait3A_913 = arith.constant 37 : i32
    %dma_wait3A_914 = arith.constant 0 : i32
    %dma_wait3A_915 = tpu.memref_slice %arg8[%dma_wait3A_913, %dma_wait3A_914] : memref<52x128xf32, #tpu.memory_space<vmem>> -> memref<1x128xf32, #tpu.memory_space<vmem>>
    %dma_wait3A_916 = tpu.memref_squeeze %dma_wait3A_915 : memref<1x128xf32, #tpu.memory_space<vmem>> -> memref<128xf32, #tpu.memory_space<vmem>>
    %dma_wait3A_917 = arith.constant 0 : i32
    %dma_wait3A_918 = tpu.memref_slice %arg7[%dma_wait3A_912, %dma_wait3A_917] : memref<52x128xi32, #tpu.memory_space<vmem>> -> memref<1x128xi32, #tpu.memory_space<vmem>>
    %dma_wait3A_919 = tpu.memref_squeeze %dma_wait3A_918 : memref<1x128xi32, #tpu.memory_space<vmem>> -> memref<128xi32, #tpu.memory_space<vmem>>
    %dma_wait3A_920 = arith.constant 0 : i32
    %dma_wait3A_921 = tpu.memref_slice %arg6[%dma_wait3A_920] : memref<100000xf32, #tpu.memory_space<vmem_shared>> -> memref<100000xf32, #tpu.memory_space<vmem_shared>>
    tpu.wait_indirect_dma semaphore(%arg15 : memref<!tpu.dma_semaphore, #tpu.memory_space<semaphore_mem>>) src(%dma_wait3A_921 : memref<100000xf32, #tpu.memory_space<vmem_shared>>) dst(%dma_wait3A_916 : memref<128xf32, #tpu.memory_space<vmem>>)
    %dma_wait3A_922 = arith.constant 38 : i32
    %dma_wait3A_923 = arith.constant 38 : i32
    %dma_wait3A_924 = arith.constant 0 : i32
    %dma_wait3A_925 = tpu.memref_slice %arg8[%dma_wait3A_923, %dma_wait3A_924] : memref<52x128xf32, #tpu.memory_space<vmem>> -> memref<1x128xf32, #tpu.memory_space<vmem>>
    %dma_wait3A_926 = tpu.memref_squeeze %dma_wait3A_925 : memref<1x128xf32, #tpu.memory_space<vmem>> -> memref<128xf32, #tpu.memory_space<vmem>>
    %dma_wait3A_927 = arith.constant 0 : i32
    %dma_wait3A_928 = tpu.memref_slice %arg7[%dma_wait3A_922, %dma_wait3A_927] : memref<52x128xi32, #tpu.memory_space<vmem>> -> memref<1x128xi32, #tpu.memory_space<vmem>>
    %dma_wait3A_929 = tpu.memref_squeeze %dma_wait3A_928 : memref<1x128xi32, #tpu.memory_space<vmem>> -> memref<128xi32, #tpu.memory_space<vmem>>
    %dma_wait3A_930 = arith.constant 0 : i32
    %dma_wait3A_931 = tpu.memref_slice %arg6[%dma_wait3A_930] : memref<100000xf32, #tpu.memory_space<vmem_shared>> -> memref<100000xf32, #tpu.memory_space<vmem_shared>>
    tpu.wait_indirect_dma semaphore(%arg15 : memref<!tpu.dma_semaphore, #tpu.memory_space<semaphore_mem>>) src(%dma_wait3A_931 : memref<100000xf32, #tpu.memory_space<vmem_shared>>) dst(%dma_wait3A_926 : memref<128xf32, #tpu.memory_space<vmem>>)
    %dma_wait3A_932 = arith.constant 39 : i32
    %dma_wait3A_933 = arith.constant 39 : i32
    %dma_wait3A_934 = arith.constant 0 : i32
    %dma_wait3A_935 = tpu.memref_slice %arg8[%dma_wait3A_933, %dma_wait3A_934] : memref<52x128xf32, #tpu.memory_space<vmem>> -> memref<1x128xf32, #tpu.memory_space<vmem>>
    %dma_wait3A_936 = tpu.memref_squeeze %dma_wait3A_935 : memref<1x128xf32, #tpu.memory_space<vmem>> -> memref<128xf32, #tpu.memory_space<vmem>>
    %dma_wait3A_937 = arith.constant 0 : i32
    %dma_wait3A_938 = tpu.memref_slice %arg7[%dma_wait3A_932, %dma_wait3A_937] : memref<52x128xi32, #tpu.memory_space<vmem>> -> memref<1x128xi32, #tpu.memory_space<vmem>>
    %dma_wait3A_939 = tpu.memref_squeeze %dma_wait3A_938 : memref<1x128xi32, #tpu.memory_space<vmem>> -> memref<128xi32, #tpu.memory_space<vmem>>
    %dma_wait3A_940 = arith.constant 0 : i32
    %dma_wait3A_941 = tpu.memref_slice %arg6[%dma_wait3A_940] : memref<100000xf32, #tpu.memory_space<vmem_shared>> -> memref<100000xf32, #tpu.memory_space<vmem_shared>>
    tpu.wait_indirect_dma semaphore(%arg15 : memref<!tpu.dma_semaphore, #tpu.memory_space<semaphore_mem>>) src(%dma_wait3A_941 : memref<100000xf32, #tpu.memory_space<vmem_shared>>) dst(%dma_wait3A_936 : memref<128xf32, #tpu.memory_space<vmem>>)
    %dma_wait3A_942 = arith.constant 40 : i32
    %dma_wait3A_943 = arith.constant 40 : i32
    %dma_wait3A_944 = arith.constant 0 : i32
    %dma_wait3A_945 = tpu.memref_slice %arg8[%dma_wait3A_943, %dma_wait3A_944] : memref<52x128xf32, #tpu.memory_space<vmem>> -> memref<1x128xf32, #tpu.memory_space<vmem>>
    %dma_wait3A_946 = tpu.memref_squeeze %dma_wait3A_945 : memref<1x128xf32, #tpu.memory_space<vmem>> -> memref<128xf32, #tpu.memory_space<vmem>>
    %dma_wait3A_947 = arith.constant 0 : i32
    %dma_wait3A_948 = tpu.memref_slice %arg7[%dma_wait3A_942, %dma_wait3A_947] : memref<52x128xi32, #tpu.memory_space<vmem>> -> memref<1x128xi32, #tpu.memory_space<vmem>>
    %dma_wait3A_949 = tpu.memref_squeeze %dma_wait3A_948 : memref<1x128xi32, #tpu.memory_space<vmem>> -> memref<128xi32, #tpu.memory_space<vmem>>
    %dma_wait3A_950 = arith.constant 0 : i32
    %dma_wait3A_951 = tpu.memref_slice %arg6[%dma_wait3A_950] : memref<100000xf32, #tpu.memory_space<vmem_shared>> -> memref<100000xf32, #tpu.memory_space<vmem_shared>>
    tpu.wait_indirect_dma semaphore(%arg15 : memref<!tpu.dma_semaphore, #tpu.memory_space<semaphore_mem>>) src(%dma_wait3A_951 : memref<100000xf32, #tpu.memory_space<vmem_shared>>) dst(%dma_wait3A_946 : memref<128xf32, #tpu.memory_space<vmem>>)
    %dma_wait3A_952 = arith.constant 41 : i32
    %dma_wait3A_953 = arith.constant 41 : i32
    %dma_wait3A_954 = arith.constant 0 : i32
    %dma_wait3A_955 = tpu.memref_slice %arg8[%dma_wait3A_953, %dma_wait3A_954] : memref<52x128xf32, #tpu.memory_space<vmem>> -> memref<1x128xf32, #tpu.memory_space<vmem>>
    %dma_wait3A_956 = tpu.memref_squeeze %dma_wait3A_955 : memref<1x128xf32, #tpu.memory_space<vmem>> -> memref<128xf32, #tpu.memory_space<vmem>>
    %dma_wait3A_957 = arith.constant 0 : i32
    %dma_wait3A_958 = tpu.memref_slice %arg7[%dma_wait3A_952, %dma_wait3A_957] : memref<52x128xi32, #tpu.memory_space<vmem>> -> memref<1x128xi32, #tpu.memory_space<vmem>>
    %dma_wait3A_959 = tpu.memref_squeeze %dma_wait3A_958 : memref<1x128xi32, #tpu.memory_space<vmem>> -> memref<128xi32, #tpu.memory_space<vmem>>
    %dma_wait3A_960 = arith.constant 0 : i32
    %dma_wait3A_961 = tpu.memref_slice %arg6[%dma_wait3A_960] : memref<100000xf32, #tpu.memory_space<vmem_shared>> -> memref<100000xf32, #tpu.memory_space<vmem_shared>>
    tpu.wait_indirect_dma semaphore(%arg15 : memref<!tpu.dma_semaphore, #tpu.memory_space<semaphore_mem>>) src(%dma_wait3A_961 : memref<100000xf32, #tpu.memory_space<vmem_shared>>) dst(%dma_wait3A_956 : memref<128xf32, #tpu.memory_space<vmem>>)
    %dma_wait3A_962 = arith.constant 42 : i32
    %dma_wait3A_963 = arith.constant 42 : i32
    %dma_wait3A_964 = arith.constant 0 : i32
    %dma_wait3A_965 = tpu.memref_slice %arg8[%dma_wait3A_963, %dma_wait3A_964] : memref<52x128xf32, #tpu.memory_space<vmem>> -> memref<1x128xf32, #tpu.memory_space<vmem>>
    %dma_wait3A_966 = tpu.memref_squeeze %dma_wait3A_965 : memref<1x128xf32, #tpu.memory_space<vmem>> -> memref<128xf32, #tpu.memory_space<vmem>>
    %dma_wait3A_967 = arith.constant 0 : i32
    %dma_wait3A_968 = tpu.memref_slice %arg7[%dma_wait3A_962, %dma_wait3A_967] : memref<52x128xi32, #tpu.memory_space<vmem>> -> memref<1x128xi32, #tpu.memory_space<vmem>>
    %dma_wait3A_969 = tpu.memref_squeeze %dma_wait3A_968 : memref<1x128xi32, #tpu.memory_space<vmem>> -> memref<128xi32, #tpu.memory_space<vmem>>
    %dma_wait3A_970 = arith.constant 0 : i32
    %dma_wait3A_971 = tpu.memref_slice %arg6[%dma_wait3A_970] : memref<100000xf32, #tpu.memory_space<vmem_shared>> -> memref<100000xf32, #tpu.memory_space<vmem_shared>>
    tpu.wait_indirect_dma semaphore(%arg15 : memref<!tpu.dma_semaphore, #tpu.memory_space<semaphore_mem>>) src(%dma_wait3A_971 : memref<100000xf32, #tpu.memory_space<vmem_shared>>) dst(%dma_wait3A_966 : memref<128xf32, #tpu.memory_space<vmem>>)
    %dma_wait3A_972 = arith.constant 43 : i32
    %dma_wait3A_973 = arith.constant 43 : i32
    %dma_wait3A_974 = arith.constant 0 : i32
    %dma_wait3A_975 = tpu.memref_slice %arg8[%dma_wait3A_973, %dma_wait3A_974] : memref<52x128xf32, #tpu.memory_space<vmem>> -> memref<1x128xf32, #tpu.memory_space<vmem>>
    %dma_wait3A_976 = tpu.memref_squeeze %dma_wait3A_975 : memref<1x128xf32, #tpu.memory_space<vmem>> -> memref<128xf32, #tpu.memory_space<vmem>>
    %dma_wait3A_977 = arith.constant 0 : i32
    %dma_wait3A_978 = tpu.memref_slice %arg7[%dma_wait3A_972, %dma_wait3A_977] : memref<52x128xi32, #tpu.memory_space<vmem>> -> memref<1x128xi32, #tpu.memory_space<vmem>>
    %dma_wait3A_979 = tpu.memref_squeeze %dma_wait3A_978 : memref<1x128xi32, #tpu.memory_space<vmem>> -> memref<128xi32, #tpu.memory_space<vmem>>
    %dma_wait3A_980 = arith.constant 0 : i32
    %dma_wait3A_981 = tpu.memref_slice %arg6[%dma_wait3A_980] : memref<100000xf32, #tpu.memory_space<vmem_shared>> -> memref<100000xf32, #tpu.memory_space<vmem_shared>>
    tpu.wait_indirect_dma semaphore(%arg15 : memref<!tpu.dma_semaphore, #tpu.memory_space<semaphore_mem>>) src(%dma_wait3A_981 : memref<100000xf32, #tpu.memory_space<vmem_shared>>) dst(%dma_wait3A_976 : memref<128xf32, #tpu.memory_space<vmem>>)
    %dma_wait3A_982 = arith.constant 44 : i32
    %dma_wait3A_983 = arith.constant 44 : i32
    %dma_wait3A_984 = arith.constant 0 : i32
    %dma_wait3A_985 = tpu.memref_slice %arg8[%dma_wait3A_983, %dma_wait3A_984] : memref<52x128xf32, #tpu.memory_space<vmem>> -> memref<1x128xf32, #tpu.memory_space<vmem>>
    %dma_wait3A_986 = tpu.memref_squeeze %dma_wait3A_985 : memref<1x128xf32, #tpu.memory_space<vmem>> -> memref<128xf32, #tpu.memory_space<vmem>>
    %dma_wait3A_987 = arith.constant 0 : i32
    %dma_wait3A_988 = tpu.memref_slice %arg7[%dma_wait3A_982, %dma_wait3A_987] : memref<52x128xi32, #tpu.memory_space<vmem>> -> memref<1x128xi32, #tpu.memory_space<vmem>>
    %dma_wait3A_989 = tpu.memref_squeeze %dma_wait3A_988 : memref<1x128xi32, #tpu.memory_space<vmem>> -> memref<128xi32, #tpu.memory_space<vmem>>
    %dma_wait3A_990 = arith.constant 0 : i32
    %dma_wait3A_991 = tpu.memref_slice %arg6[%dma_wait3A_990] : memref<100000xf32, #tpu.memory_space<vmem_shared>> -> memref<100000xf32, #tpu.memory_space<vmem_shared>>
    tpu.wait_indirect_dma semaphore(%arg15 : memref<!tpu.dma_semaphore, #tpu.memory_space<semaphore_mem>>) src(%dma_wait3A_991 : memref<100000xf32, #tpu.memory_space<vmem_shared>>) dst(%dma_wait3A_986 : memref<128xf32, #tpu.memory_space<vmem>>)
    %dma_wait3A_992 = arith.constant 45 : i32
    %dma_wait3A_993 = arith.constant 45 : i32
    %dma_wait3A_994 = arith.constant 0 : i32
    %dma_wait3A_995 = tpu.memref_slice %arg8[%dma_wait3A_993, %dma_wait3A_994] : memref<52x128xf32, #tpu.memory_space<vmem>> -> memref<1x128xf32, #tpu.memory_space<vmem>>
    %dma_wait3A_996 = tpu.memref_squeeze %dma_wait3A_995 : memref<1x128xf32, #tpu.memory_space<vmem>> -> memref<128xf32, #tpu.memory_space<vmem>>
    %dma_wait3A_997 = arith.constant 0 : i32
    %dma_wait3A_998 = tpu.memref_slice %arg7[%dma_wait3A_992, %dma_wait3A_997] : memref<52x128xi32, #tpu.memory_space<vmem>> -> memref<1x128xi32, #tpu.memory_space<vmem>>
    %dma_wait3A_999 = tpu.memref_squeeze %dma_wait3A_998 : memref<1x128xi32, #tpu.memory_space<vmem>> -> memref<128xi32, #tpu.memory_space<vmem>>
    %dma_wait3A_1000 = arith.constant 0 : i32
    %dma_wait3A_1001 = tpu.memref_slice %arg6[%dma_wait3A_1000] : memref<100000xf32, #tpu.memory_space<vmem_shared>> -> memref<100000xf32, #tpu.memory_space<vmem_shared>>
    tpu.wait_indirect_dma semaphore(%arg15 : memref<!tpu.dma_semaphore, #tpu.memory_space<semaphore_mem>>) src(%dma_wait3A_1001 : memref<100000xf32, #tpu.memory_space<vmem_shared>>) dst(%dma_wait3A_996 : memref<128xf32, #tpu.memory_space<vmem>>)
    %dma_wait3A_1002 = arith.constant 46 : i32
    %dma_wait3A_1003 = arith.constant 46 : i32
    %dma_wait3A_1004 = arith.constant 0 : i32
    %dma_wait3A_1005 = tpu.memref_slice %arg8[%dma_wait3A_1003, %dma_wait3A_1004] : memref<52x128xf32, #tpu.memory_space<vmem>> -> memref<1x128xf32, #tpu.memory_space<vmem>>
    %dma_wait3A_1006 = tpu.memref_squeeze %dma_wait3A_1005 : memref<1x128xf32, #tpu.memory_space<vmem>> -> memref<128xf32, #tpu.memory_space<vmem>>
    %dma_wait3A_1007 = arith.constant 0 : i32
    %dma_wait3A_1008 = tpu.memref_slice %arg7[%dma_wait3A_1002, %dma_wait3A_1007] : memref<52x128xi32, #tpu.memory_space<vmem>> -> memref<1x128xi32, #tpu.memory_space<vmem>>
    %dma_wait3A_1009 = tpu.memref_squeeze %dma_wait3A_1008 : memref<1x128xi32, #tpu.memory_space<vmem>> -> memref<128xi32, #tpu.memory_space<vmem>>
    %dma_wait3A_1010 = arith.constant 0 : i32
    %dma_wait3A_1011 = tpu.memref_slice %arg6[%dma_wait3A_1010] : memref<100000xf32, #tpu.memory_space<vmem_shared>> -> memref<100000xf32, #tpu.memory_space<vmem_shared>>
    tpu.wait_indirect_dma semaphore(%arg15 : memref<!tpu.dma_semaphore, #tpu.memory_space<semaphore_mem>>) src(%dma_wait3A_1011 : memref<100000xf32, #tpu.memory_space<vmem_shared>>) dst(%dma_wait3A_1006 : memref<128xf32, #tpu.memory_space<vmem>>)
    %dma_wait3A_1012 = arith.constant 47 : i32
    %dma_wait3A_1013 = arith.constant 47 : i32
    %dma_wait3A_1014 = arith.constant 0 : i32
    %dma_wait3A_1015 = tpu.memref_slice %arg8[%dma_wait3A_1013, %dma_wait3A_1014] : memref<52x128xf32, #tpu.memory_space<vmem>> -> memref<1x128xf32, #tpu.memory_space<vmem>>
    %dma_wait3A_1016 = tpu.memref_squeeze %dma_wait3A_1015 : memref<1x128xf32, #tpu.memory_space<vmem>> -> memref<128xf32, #tpu.memory_space<vmem>>
    %dma_wait3A_1017 = arith.constant 0 : i32
    %dma_wait3A_1018 = tpu.memref_slice %arg7[%dma_wait3A_1012, %dma_wait3A_1017] : memref<52x128xi32, #tpu.memory_space<vmem>> -> memref<1x128xi32, #tpu.memory_space<vmem>>
    %dma_wait3A_1019 = tpu.memref_squeeze %dma_wait3A_1018 : memref<1x128xi32, #tpu.memory_space<vmem>> -> memref<128xi32, #tpu.memory_space<vmem>>
    %dma_wait3A_1020 = arith.constant 0 : i32
    %dma_wait3A_1021 = tpu.memref_slice %arg6[%dma_wait3A_1020] : memref<100000xf32, #tpu.memory_space<vmem_shared>> -> memref<100000xf32, #tpu.memory_space<vmem_shared>>
    tpu.wait_indirect_dma semaphore(%arg15 : memref<!tpu.dma_semaphore, #tpu.memory_space<semaphore_mem>>) src(%dma_wait3A_1021 : memref<100000xf32, #tpu.memory_space<vmem_shared>>) dst(%dma_wait3A_1016 : memref<128xf32, #tpu.memory_space<vmem>>)
    %dma_wait3A_1022 = arith.constant 48 : i32
    %dma_wait3A_1023 = arith.constant 48 : i32
    %dma_wait3A_1024 = arith.constant 0 : i32
    %dma_wait3A_1025 = tpu.memref_slice %arg8[%dma_wait3A_1023, %dma_wait3A_1024] : memref<52x128xf32, #tpu.memory_space<vmem>> -> memref<1x128xf32, #tpu.memory_space<vmem>>
    %dma_wait3A_1026 = tpu.memref_squeeze %dma_wait3A_1025 : memref<1x128xf32, #tpu.memory_space<vmem>> -> memref<128xf32, #tpu.memory_space<vmem>>
    %dma_wait3A_1027 = arith.constant 0 : i32
    %dma_wait3A_1028 = tpu.memref_slice %arg7[%dma_wait3A_1022, %dma_wait3A_1027] : memref<52x128xi32, #tpu.memory_space<vmem>> -> memref<1x128xi32, #tpu.memory_space<vmem>>
    %dma_wait3A_1029 = tpu.memref_squeeze %dma_wait3A_1028 : memref<1x128xi32, #tpu.memory_space<vmem>> -> memref<128xi32, #tpu.memory_space<vmem>>
    %dma_wait3A_1030 = arith.constant 0 : i32
    %dma_wait3A_1031 = tpu.memref_slice %arg6[%dma_wait3A_1030] : memref<100000xf32, #tpu.memory_space<vmem_shared>> -> memref<100000xf32, #tpu.memory_space<vmem_shared>>
    tpu.wait_indirect_dma semaphore(%arg15 : memref<!tpu.dma_semaphore, #tpu.memory_space<semaphore_mem>>) src(%dma_wait3A_1031 : memref<100000xf32, #tpu.memory_space<vmem_shared>>) dst(%dma_wait3A_1026 : memref<128xf32, #tpu.memory_space<vmem>>)
    %dma_wait3A_1032 = arith.constant 49 : i32
    %dma_wait3A_1033 = arith.constant 49 : i32
    %dma_wait3A_1034 = arith.constant 0 : i32
    %dma_wait3A_1035 = tpu.memref_slice %arg8[%dma_wait3A_1033, %dma_wait3A_1034] : memref<52x128xf32, #tpu.memory_space<vmem>> -> memref<1x128xf32, #tpu.memory_space<vmem>>
    %dma_wait3A_1036 = tpu.memref_squeeze %dma_wait3A_1035 : memref<1x128xf32, #tpu.memory_space<vmem>> -> memref<128xf32, #tpu.memory_space<vmem>>
    %dma_wait3A_1037 = arith.constant 0 : i32
    %dma_wait3A_1038 = tpu.memref_slice %arg7[%dma_wait3A_1032, %dma_wait3A_1037] : memref<52x128xi32, #tpu.memory_space<vmem>> -> memref<1x128xi32, #tpu.memory_space<vmem>>
    %dma_wait3A_1039 = tpu.memref_squeeze %dma_wait3A_1038 : memref<1x128xi32, #tpu.memory_space<vmem>> -> memref<128xi32, #tpu.memory_space<vmem>>
    %dma_wait3A_1040 = arith.constant 0 : i32
    %dma_wait3A_1041 = tpu.memref_slice %arg6[%dma_wait3A_1040] : memref<100000xf32, #tpu.memory_space<vmem_shared>> -> memref<100000xf32, #tpu.memory_space<vmem_shared>>
    tpu.wait_indirect_dma semaphore(%arg15 : memref<!tpu.dma_semaphore, #tpu.memory_space<semaphore_mem>>) src(%dma_wait3A_1041 : memref<100000xf32, #tpu.memory_space<vmem_shared>>) dst(%dma_wait3A_1036 : memref<128xf32, #tpu.memory_space<vmem>>)
    %dma_wait3A_1042 = arith.constant 50 : i32
    %dma_wait3A_1043 = arith.constant 50 : i32
    %dma_wait3A_1044 = arith.constant 0 : i32
    %dma_wait3A_1045 = tpu.memref_slice %arg8[%dma_wait3A_1043, %dma_wait3A_1044] : memref<52x128xf32, #tpu.memory_space<vmem>> -> memref<1x128xf32, #tpu.memory_space<vmem>>
    %dma_wait3A_1046 = tpu.memref_squeeze %dma_wait3A_1045 : memref<1x128xf32, #tpu.memory_space<vmem>> -> memref<128xf32, #tpu.memory_space<vmem>>
    %dma_wait3A_1047 = arith.constant 0 : i32
    %dma_wait3A_1048 = tpu.memref_slice %arg7[%dma_wait3A_1042, %dma_wait3A_1047] : memref<52x128xi32, #tpu.memory_space<vmem>> -> memref<1x128xi32, #tpu.memory_space<vmem>>
    %dma_wait3A_1049 = tpu.memref_squeeze %dma_wait3A_1048 : memref<1x128xi32, #tpu.memory_space<vmem>> -> memref<128xi32, #tpu.memory_space<vmem>>
    %dma_wait3A_1050 = arith.constant 0 : i32
    %dma_wait3A_1051 = tpu.memref_slice %arg6[%dma_wait3A_1050] : memref<100000xf32, #tpu.memory_space<vmem_shared>> -> memref<100000xf32, #tpu.memory_space<vmem_shared>>
    tpu.wait_indirect_dma semaphore(%arg15 : memref<!tpu.dma_semaphore, #tpu.memory_space<semaphore_mem>>) src(%dma_wait3A_1051 : memref<100000xf32, #tpu.memory_space<vmem_shared>>) dst(%dma_wait3A_1046 : memref<128xf32, #tpu.memory_space<vmem>>)
    %dma_wait3A_1052 = arith.constant 51 : i32
    %dma_wait3A_1053 = arith.constant 51 : i32
    %dma_wait3A_1054 = arith.constant 0 : i32
    %dma_wait3A_1055 = tpu.memref_slice %arg8[%dma_wait3A_1053, %dma_wait3A_1054] : memref<52x128xf32, #tpu.memory_space<vmem>> -> memref<1x128xf32, #tpu.memory_space<vmem>>
    %dma_wait3A_1056 = tpu.memref_squeeze %dma_wait3A_1055 : memref<1x128xf32, #tpu.memory_space<vmem>> -> memref<128xf32, #tpu.memory_space<vmem>>
    %dma_wait3A_1057 = arith.constant 0 : i32
    %dma_wait3A_1058 = tpu.memref_slice %arg7[%dma_wait3A_1052, %dma_wait3A_1057] : memref<52x128xi32, #tpu.memory_space<vmem>> -> memref<1x128xi32, #tpu.memory_space<vmem>>
    %dma_wait3A_1059 = tpu.memref_squeeze %dma_wait3A_1058 : memref<1x128xi32, #tpu.memory_space<vmem>> -> memref<128xi32, #tpu.memory_space<vmem>>
    %dma_wait3A_1060 = arith.constant 0 : i32
    %dma_wait3A_1061 = tpu.memref_slice %arg6[%dma_wait3A_1060] : memref<100000xf32, #tpu.memory_space<vmem_shared>> -> memref<100000xf32, #tpu.memory_space<vmem_shared>>
    tpu.wait_indirect_dma semaphore(%arg15 : memref<!tpu.dma_semaphore, #tpu.memory_space<semaphore_mem>>) src(%dma_wait3A_1061 : memref<100000xf32, #tpu.memory_space<vmem_shared>>) dst(%dma_wait3A_1056 : memref<128xf32, #tpu.memory_space<vmem>>)
    %parallel_loop3A_1062 = arith.constant 0 : i32
    %parallel_loop3A_1063 = arith.constant 416 : i32
    %parallel_loop3A_1064 = arith.constant 1 : i32
    scf.for %parallel_loop3A_2119 = %parallel_loop3A_1062 to %parallel_loop3A_1063 step %parallel_loop3A_1064  : i32 {
      %parallel_loop3A_2120 = arith.constant 8 : i32
      %parallel_loop3A_2121 = arith.divsi %parallel_loop3A_2119, %parallel_loop3A_2120 : i32
      %parallel_loop3A_2122 = arith.constant 0 : i32
      %parallel_loop3A_2123 = arith.cmpi sgt, %parallel_loop3A_2119, %parallel_loop3A_2122 : i32
      %parallel_loop3A_2124 = arith.extui %parallel_loop3A_2123 : i1 to i32
      %parallel_loop3A_2125 = arith.constant 0 : i32
      %parallel_loop3A_2126 = arith.cmpi slt, %parallel_loop3A_2119, %parallel_loop3A_2125 : i32
      %parallel_loop3A_2127 = arith.extui %parallel_loop3A_2126 : i1 to i32
      %parallel_loop3A_2128 = arith.subi %parallel_loop3A_2124, %parallel_loop3A_2127 : i32
      %parallel_loop3A_2129 = arith.constant 0 : i32
      %parallel_loop3A_2130 = arith.cmpi sgt, %parallel_loop3A_2120, %parallel_loop3A_2129 : i32
      %parallel_loop3A_2131 = arith.extui %parallel_loop3A_2130 : i1 to i32
      %parallel_loop3A_2132 = arith.constant 0 : i32
      %parallel_loop3A_2133 = arith.cmpi slt, %parallel_loop3A_2120, %parallel_loop3A_2132 : i32
      %parallel_loop3A_2134 = arith.extui %parallel_loop3A_2133 : i1 to i32
      %parallel_loop3A_2135 = arith.subi %parallel_loop3A_2131, %parallel_loop3A_2134 : i32
      %parallel_loop3A_2136 = arith.cmpi ne, %parallel_loop3A_2128, %parallel_loop3A_2135 : i32
      %parallel_loop3A_2137 = arith.remsi %parallel_loop3A_2119, %parallel_loop3A_2120 : i32
      %parallel_loop3A_2138 = arith.constant 0 : i32
      %parallel_loop3A_2139 = arith.cmpi ne, %parallel_loop3A_2137, %parallel_loop3A_2138 : i32
      %parallel_loop3A_2140 = arith.andi %parallel_loop3A_2136, %parallel_loop3A_2139 : i1
      %parallel_loop3A_2141 = arith.constant 1 : i32
      %parallel_loop3A_2142 = arith.subi %parallel_loop3A_2121, %parallel_loop3A_2141 : i32
      %parallel_loop3A_2143 = arith.select %parallel_loop3A_2140, %parallel_loop3A_2142, %parallel_loop3A_2121 : i32
      %parallel_loop3A_2144 = arith.constant 8 : i32
      %parallel_loop3A_2145 = arith.constant 0 : i32
      %parallel_loop3A_2146 = arith.cmpi eq, %parallel_loop3A_2144, %parallel_loop3A_2145 : i32
      %parallel_loop3A_2147 = arith.constant 1 : i32
      %parallel_loop3A_2148 = arith.select %parallel_loop3A_2146, %parallel_loop3A_2147, %parallel_loop3A_2144 : i32
      %parallel_loop3A_2149 = arith.remsi %parallel_loop3A_2119, %parallel_loop3A_2148 : i32
      %parallel_loop3A_2150 = arith.constant 0 : i32
      %parallel_loop3A_2151 = arith.cmpi ne, %parallel_loop3A_2149, %parallel_loop3A_2150 : i32
      %parallel_loop3A_2152 = arith.constant 0 : i32
      %parallel_loop3A_2153 = arith.cmpi slt, %parallel_loop3A_2149, %parallel_loop3A_2152 : i32
      %parallel_loop3A_2154 = arith.constant 0 : i32
      %parallel_loop3A_2155 = arith.cmpi slt, %parallel_loop3A_2148, %parallel_loop3A_2154 : i32
      %parallel_loop3A_2156 = arith.xori %parallel_loop3A_2153, %parallel_loop3A_2155 : i1
      %parallel_loop3A_2157 = arith.andi %parallel_loop3A_2156, %parallel_loop3A_2151 : i1
      %parallel_loop3A_2158 = arith.addi %parallel_loop3A_2149, %parallel_loop3A_2148 : i32
      %parallel_loop3A_2159 = arith.select %parallel_loop3A_2157, %parallel_loop3A_2158, %parallel_loop3A_2149 : i32
      %parallel_loop3A_2160 = arith.constant 16 : i32
      %parallel_loop3A_2161 = arith.muli %parallel_loop3A_2159, %parallel_loop3A_2160 : i32
      %parallel_loop3A_2162 = arith.index_cast %parallel_loop3A_2143 : i32 to index
      %parallel_loop3A_2163 = arith.index_cast %parallel_loop3A_2161 : i32 to index
      %parallel_loop3A_2164 = tpu.vector_load %arg8[%parallel_loop3A_2162, %parallel_loop3A_2163] {strides = array<i32>} : memref<52x128xf32, #tpu.memory_space<vmem>>, vector<16xf32>,
      %parallel_loop3A_2165 = arith.constant 16 : i32
      %parallel_loop3A_2166 = arith.divsi %parallel_loop3A_2119, %parallel_loop3A_2165 : i32
      %parallel_loop3A_2167 = arith.constant 0 : i32
      %parallel_loop3A_2168 = arith.cmpi sgt, %parallel_loop3A_2119, %parallel_loop3A_2167 : i32
      %parallel_loop3A_2169 = arith.extui %parallel_loop3A_2168 : i1 to i32
      %parallel_loop3A_2170 = arith.constant 0 : i32
      %parallel_loop3A_2171 = arith.cmpi slt, %parallel_loop3A_2119, %parallel_loop3A_2170 : i32
      %parallel_loop3A_2172 = arith.extui %parallel_loop3A_2171 : i1 to i32
      %parallel_loop3A_2173 = arith.subi %parallel_loop3A_2169, %parallel_loop3A_2172 : i32
      %parallel_loop3A_2174 = arith.constant 0 : i32
      %parallel_loop3A_2175 = arith.cmpi sgt, %parallel_loop3A_2165, %parallel_loop3A_2174 : i32
      %parallel_loop3A_2176 = arith.extui %parallel_loop3A_2175 : i1 to i32
      %parallel_loop3A_2177 = arith.constant 0 : i32
      %parallel_loop3A_2178 = arith.cmpi slt, %parallel_loop3A_2165, %parallel_loop3A_2177 : i32
      %parallel_loop3A_2179 = arith.extui %parallel_loop3A_2178 : i1 to i32
      %parallel_loop3A_2180 = arith.subi %parallel_loop3A_2176, %parallel_loop3A_2179 : i32
      %parallel_loop3A_2181 = arith.cmpi ne, %parallel_loop3A_2173, %parallel_loop3A_2180 : i32
      %parallel_loop3A_2182 = arith.remsi %parallel_loop3A_2119, %parallel_loop3A_2165 : i32
      %parallel_loop3A_2183 = arith.constant 0 : i32
      %parallel_loop3A_2184 = arith.cmpi ne, %parallel_loop3A_2182, %parallel_loop3A_2183 : i32
      %parallel_loop3A_2185 = arith.andi %parallel_loop3A_2181, %parallel_loop3A_2184 : i1
      %parallel_loop3A_2186 = arith.constant 1 : i32
      %parallel_loop3A_2187 = arith.subi %parallel_loop3A_2166, %parallel_loop3A_2186 : i32
      %parallel_loop3A_2188 = arith.select %parallel_loop3A_2185, %parallel_loop3A_2187, %parallel_loop3A_2166 : i32
      %parallel_loop3A_2189 = arith.constant 16 : i32
      %parallel_loop3A_2190 = arith.constant 0 : i32
      %parallel_loop3A_2191 = arith.cmpi eq, %parallel_loop3A_2189, %parallel_loop3A_2190 : i32
      %parallel_loop3A_2192 = arith.constant 1 : i32
      %parallel_loop3A_2193 = arith.select %parallel_loop3A_2191, %parallel_loop3A_2192, %parallel_loop3A_2189 : i32
      %parallel_loop3A_2194 = arith.remsi %parallel_loop3A_2119, %parallel_loop3A_2193 : i32
      %parallel_loop3A_2195 = arith.constant 0 : i32
      %parallel_loop3A_2196 = arith.cmpi ne, %parallel_loop3A_2194, %parallel_loop3A_2195 : i32
      %parallel_loop3A_2197 = arith.constant 0 : i32
      %parallel_loop3A_2198 = arith.cmpi slt, %parallel_loop3A_2194, %parallel_loop3A_2197 : i32
      %parallel_loop3A_2199 = arith.constant 0 : i32
      %parallel_loop3A_2200 = arith.cmpi slt, %parallel_loop3A_2193, %parallel_loop3A_2199 : i32
      %parallel_loop3A_2201 = arith.xori %parallel_loop3A_2198, %parallel_loop3A_2200 : i1
      %parallel_loop3A_2202 = arith.andi %parallel_loop3A_2201, %parallel_loop3A_2196 : i1
      %parallel_loop3A_2203 = arith.addi %parallel_loop3A_2194, %parallel_loop3A_2193 : i32
      %parallel_loop3A_2204 = arith.select %parallel_loop3A_2202, %parallel_loop3A_2203, %parallel_loop3A_2194 : i32
      %parallel_loop3A_2205 = arith.constant 16 : i32
      %parallel_loop3A_2206 = arith.muli %parallel_loop3A_2204, %parallel_loop3A_2205 : i32
      %parallel_loop3A_2207 = arith.index_cast %parallel_loop3A_2188 : i32 to index
      %parallel_loop3A_2208 = arith.index_cast %parallel_loop3A_2206 : i32 to index
      %parallel_loop3A_2209 = tpu.vector_load %arg9[%parallel_loop3A_2207, %parallel_loop3A_2208] {strides = array<i32>} : memref<26x256xi32, #tpu.memory_space<vmem>>, vector<16xi32>,
      %parallel_loop3A_2210 = arith.constant 0 : i32
      %parallel_loop3A_2211 = vector.broadcast %parallel_loop3A_2210 : i32 to vector<16xi32>
      %parallel_loop3A_2212 = arith.cmpi sge, %parallel_loop3A_2209, %parallel_loop3A_2211 : vector<16xi32>
      %parallel_loop3A_2213 = arith.constant 100000 : i32
      %parallel_loop3A_2214 = vector.broadcast %parallel_loop3A_2213 : i32 to vector<16xi32>
      %parallel_loop3A_2215 = arith.cmpi slt, %parallel_loop3A_2209, %parallel_loop3A_2214 : vector<16xi32>
      %parallel_loop3A_2216 = arith.andi %parallel_loop3A_2212, %parallel_loop3A_2215 : vector<16xi1>
      %parallel_loop3A_2217 = arith.constant 0.000000e+00 : f32
      %parallel_loop3A_2218 = vector.broadcast %parallel_loop3A_2217 : f32 to vector<16xf32>
      %parallel_loop3A_2219 = arith.select %parallel_loop3A_2216, %parallel_loop3A_2164, %parallel_loop3A_2218 : vector<16xi1>, vector<16xf32>
      %parallel_loop3A_2220 = arith.addf %parallel_loop3A_2219, %get3A_16 : vector<16xf32>
      %parallel_loop3A_2221 = arith.constant 16 : i32
      %parallel_loop3A_2222 = arith.muli %parallel_loop3A_2204, %parallel_loop3A_2221 : i32
      %parallel_loop3A_2223 = arith.index_cast %parallel_loop3A_2188 : i32 to index
      %parallel_loop3A_2224 = arith.index_cast %parallel_loop3A_2222 : i32 to index
      %parallel_loop3A_2225 = tpu.vector_load %arg11[%parallel_loop3A_2223, %parallel_loop3A_2224] {strides = array<i32>} : memref<26x256xf32, #tpu.memory_space<vmem>>, vector<16xf32>,
      tpu.vector_store %arg11[%parallel_loop3A_2223, %parallel_loop3A_2224], %parallel_loop3A_2220 {strides = array<i32>} : memref<26x256xf32, #tpu.memory_space<vmem>>, vector<16xf32>,
    } {sc.loop_unroll_factor = 8 : i64, sc.parallel_access}
    %add3A_1065 = arith.constant 0 : i32
    %add3A_1066 = arith.addi %mul3A_2, %add3A_1065 : i32
    "tpu.region"() ({
      %run_scoped3A = tpu.sem_alloc : memref<!tpu.dma_semaphore, #tpu.memory_space<semaphore_mem>>
      %dma_start3A_2119 = arith.constant 0 : i32
      %dma_start3A_2120 = tpu.memref_slice %arg5[%dma_start3A_2119, %add3A_1066] : memref<26x16384xf32, #tpu.memory_space<hbm>> -> memref<26x256xf32, #tpu.memory_space<hbm>>
      %dma_start3A_2121 = arith.constant 0 : i32
      %dma_start3A_2122 = tpu.memref_slice %arg5[%dma_start3A_2121, %add3A_1066] : memref<26x16384xf32, #tpu.memory_space<hbm>> -> memref<26x256xf32, #tpu.memory_space<hbm>>
      tpu.enqueue_dma source(%arg11 : memref<26x256xf32, #tpu.memory_space<vmem>>) target(%dma_start3A_2122 : memref<26x256xf32, #tpu.memory_space<hbm>>) target_semaphore(%run_scoped3A : memref<!tpu.dma_semaphore, #tpu.memory_space<semaphore_mem>>)
      %dma_wait3A_2123 = arith.constant 0 : i32
      %dma_wait3A_2124 = tpu.memref_slice %arg5[%dma_wait3A_2123, %add3A_1066] : memref<26x16384xf32, #tpu.memory_space<hbm>> -> memref<26x256xf32, #tpu.memory_space<hbm>>
      %dma_wait3A_2125 = arith.constant 0 : i32
      %dma_wait3A_2126 = tpu.memref_slice %arg5[%dma_wait3A_2125, %add3A_1066] : memref<26x16384xf32, #tpu.memory_space<hbm>> -> memref<26x256xf32, #tpu.memory_space<hbm>>
      tpu.wait_dma2 semaphore(%run_scoped3A : memref<!tpu.dma_semaphore, #tpu.memory_space<semaphore_mem>>) src(%arg11 : memref<26x256xf32, #tpu.memory_space<vmem>>) dst(%dma_wait3A_2126 : memref<26x256xf32, #tpu.memory_space<hbm>>)
      tpu.yield
    }) : () -> ()
    %dma_wait3A_1067 = arith.constant 0 : i32
    %dma_wait3A_1068 = tpu.memref_slice %arg2[%dma_wait3A_1067, %add3A_9] : memref<26x16384xi32, #tpu.memory_space<hbm>> -> memref<26x256xi32, #tpu.memory_space<hbm>>
    %dma_wait3A_1069 = arith.constant 0 : i32
    %dma_wait3A_1070 = tpu.memref_slice %arg2[%dma_wait3A_1069, %add3A_9] : memref<26x16384xi32, #tpu.memory_space<hbm>> -> memref<26x256xi32, #tpu.memory_space<hbm>>
    tpu.wait_dma2 semaphore(%arg14 : memref<!tpu.dma_semaphore, #tpu.memory_space<semaphore_mem>>) src(%dma_wait3A_1070 : memref<26x256xi32, #tpu.memory_space<hbm>>) dst(%arg10 : memref<26x256xi32, #tpu.memory_space<vmem>>)
    %parallel_loop3A_1071 = arith.constant 0 : i32
    %parallel_loop3A_1072 = arith.constant 416 : i32
    %parallel_loop3A_1073 = arith.constant 1 : i32
    scf.for %parallel_loop3A_2119 = %parallel_loop3A_1071 to %parallel_loop3A_1072 step %parallel_loop3A_1073  : i32 {
      %parallel_loop3A_2120 = arith.constant 16 : i32
      %parallel_loop3A_2121 = arith.divsi %parallel_loop3A_2119, %parallel_loop3A_2120 : i32
      %parallel_loop3A_2122 = arith.constant 0 : i32
      %parallel_loop3A_2123 = arith.cmpi sgt, %parallel_loop3A_2119, %parallel_loop3A_2122 : i32
      %parallel_loop3A_2124 = arith.extui %parallel_loop3A_2123 : i1 to i32
      %parallel_loop3A_2125 = arith.constant 0 : i32
      %parallel_loop3A_2126 = arith.cmpi slt, %parallel_loop3A_2119, %parallel_loop3A_2125 : i32
      %parallel_loop3A_2127 = arith.extui %parallel_loop3A_2126 : i1 to i32
      %parallel_loop3A_2128 = arith.subi %parallel_loop3A_2124, %parallel_loop3A_2127 : i32
      %parallel_loop3A_2129 = arith.constant 0 : i32
      %parallel_loop3A_2130 = arith.cmpi sgt, %parallel_loop3A_2120, %parallel_loop3A_2129 : i32
      %parallel_loop3A_2131 = arith.extui %parallel_loop3A_2130 : i1 to i32
      %parallel_loop3A_2132 = arith.constant 0 : i32
      %parallel_loop3A_2133 = arith.cmpi slt, %parallel_loop3A_2120, %parallel_loop3A_2132 : i32
      %parallel_loop3A_2134 = arith.extui %parallel_loop3A_2133 : i1 to i32
      %parallel_loop3A_2135 = arith.subi %parallel_loop3A_2131, %parallel_loop3A_2134 : i32
      %parallel_loop3A_2136 = arith.cmpi ne, %parallel_loop3A_2128, %parallel_loop3A_2135 : i32
      %parallel_loop3A_2137 = arith.remsi %parallel_loop3A_2119, %parallel_loop3A_2120 : i32
      %parallel_loop3A_2138 = arith.constant 0 : i32
      %parallel_loop3A_2139 = arith.cmpi ne, %parallel_loop3A_2137, %parallel_loop3A_2138 : i32
      %parallel_loop3A_2140 = arith.andi %parallel_loop3A_2136, %parallel_loop3A_2139 : i1
      %parallel_loop3A_2141 = arith.constant 1 : i32
      %parallel_loop3A_2142 = arith.subi %parallel_loop3A_2121, %parallel_loop3A_2141 : i32
      %parallel_loop3A_2143 = arith.select %parallel_loop3A_2140, %parallel_loop3A_2142, %parallel_loop3A_2121 : i32
      %parallel_loop3A_2144 = arith.constant 16 : i32
      %parallel_loop3A_2145 = arith.constant 0 : i32
      %parallel_loop3A_2146 = arith.cmpi eq, %parallel_loop3A_2144, %parallel_loop3A_2145 : i32
      %parallel_loop3A_2147 = arith.constant 1 : i32
      %parallel_loop3A_2148 = arith.select %parallel_loop3A_2146, %parallel_loop3A_2147, %parallel_loop3A_2144 : i32
      %parallel_loop3A_2149 = arith.remsi %parallel_loop3A_2119, %parallel_loop3A_2148 : i32
      %parallel_loop3A_2150 = arith.constant 0 : i32
      %parallel_loop3A_2151 = arith.cmpi ne, %parallel_loop3A_2149, %parallel_loop3A_2150 : i32
      %parallel_loop3A_2152 = arith.constant 0 : i32
      %parallel_loop3A_2153 = arith.cmpi slt, %parallel_loop3A_2149, %parallel_loop3A_2152 : i32
      %parallel_loop3A_2154 = arith.constant 0 : i32
      %parallel_loop3A_2155 = arith.cmpi slt, %parallel_loop3A_2148, %parallel_loop3A_2154 : i32
      %parallel_loop3A_2156 = arith.xori %parallel_loop3A_2153, %parallel_loop3A_2155 : i1
      %parallel_loop3A_2157 = arith.andi %parallel_loop3A_2156, %parallel_loop3A_2151 : i1
      %parallel_loop3A_2158 = arith.addi %parallel_loop3A_2149, %parallel_loop3A_2148 : i32
      %parallel_loop3A_2159 = arith.select %parallel_loop3A_2157, %parallel_loop3A_2158, %parallel_loop3A_2149 : i32
      %parallel_loop3A_2160 = arith.constant 16 : i32
      %parallel_loop3A_2161 = arith.muli %parallel_loop3A_2159, %parallel_loop3A_2160 : i32
      %parallel_loop3A_2162 = arith.index_cast %parallel_loop3A_2143 : i32 to index
      %parallel_loop3A_2163 = arith.index_cast %parallel_loop3A_2161 : i32 to index
      %parallel_loop3A_2164 = tpu.vector_load %arg10[%parallel_loop3A_2162, %parallel_loop3A_2163] {strides = array<i32>} : memref<26x256xi32, #tpu.memory_space<vmem>>, vector<16xi32>,
      %parallel_loop3A_2165 = arith.constant 0 : i32
      %parallel_loop3A_2166 = vector.broadcast %parallel_loop3A_2165 : i32 to vector<16xi32>
      %parallel_loop3A_2167 = arith.cmpi sge, %parallel_loop3A_2164, %parallel_loop3A_2166 : vector<16xi32>
      %parallel_loop3A_2168 = arith.constant 100000 : i32
      %parallel_loop3A_2169 = vector.broadcast %parallel_loop3A_2168 : i32 to vector<16xi32>
      %parallel_loop3A_2170 = arith.cmpi slt, %parallel_loop3A_2164, %parallel_loop3A_2169 : vector<16xi32>
      %parallel_loop3A_2171 = arith.andi %parallel_loop3A_2167, %parallel_loop3A_2170 : vector<16xi1>
      %parallel_loop3A_2172 = arith.constant 0 : i32
      %parallel_loop3A_2173 = vector.broadcast %parallel_loop3A_2172 : i32 to vector<16xi32>
      %parallel_loop3A_2174 = arith.select %parallel_loop3A_2171, %parallel_loop3A_2164, %parallel_loop3A_2173 : vector<16xi1>, vector<16xi32>
      %parallel_loop3A_2175 = arith.constant 8 : i32
      %parallel_loop3A_2176 = arith.divsi %parallel_loop3A_2119, %parallel_loop3A_2175 : i32
      %parallel_loop3A_2177 = arith.constant 0 : i32
      %parallel_loop3A_2178 = arith.cmpi sgt, %parallel_loop3A_2119, %parallel_loop3A_2177 : i32
      %parallel_loop3A_2179 = arith.extui %parallel_loop3A_2178 : i1 to i32
      %parallel_loop3A_2180 = arith.constant 0 : i32
      %parallel_loop3A_2181 = arith.cmpi slt, %parallel_loop3A_2119, %parallel_loop3A_2180 : i32
      %parallel_loop3A_2182 = arith.extui %parallel_loop3A_2181 : i1 to i32
      %parallel_loop3A_2183 = arith.subi %parallel_loop3A_2179, %parallel_loop3A_2182 : i32
      %parallel_loop3A_2184 = arith.constant 0 : i32
      %parallel_loop3A_2185 = arith.cmpi sgt, %parallel_loop3A_2175, %parallel_loop3A_2184 : i32
      %parallel_loop3A_2186 = arith.extui %parallel_loop3A_2185 : i1 to i32
      %parallel_loop3A_2187 = arith.constant 0 : i32
      %parallel_loop3A_2188 = arith.cmpi slt, %parallel_loop3A_2175, %parallel_loop3A_2187 : i32
      %parallel_loop3A_2189 = arith.extui %parallel_loop3A_2188 : i1 to i32
      %parallel_loop3A_2190 = arith.subi %parallel_loop3A_2186, %parallel_loop3A_2189 : i32
      %parallel_loop3A_2191 = arith.cmpi ne, %parallel_loop3A_2183, %parallel_loop3A_2190 : i32
      %parallel_loop3A_2192 = arith.remsi %parallel_loop3A_2119, %parallel_loop3A_2175 : i32
      %parallel_loop3A_2193 = arith.constant 0 : i32
      %parallel_loop3A_2194 = arith.cmpi ne, %parallel_loop3A_2192, %parallel_loop3A_2193 : i32
      %parallel_loop3A_2195 = arith.andi %parallel_loop3A_2191, %parallel_loop3A_2194 : i1
      %parallel_loop3A_2196 = arith.constant 1 : i32
      %parallel_loop3A_2197 = arith.subi %parallel_loop3A_2176, %parallel_loop3A_2196 : i32
      %parallel_loop3A_2198 = arith.select %parallel_loop3A_2195, %parallel_loop3A_2197, %parallel_loop3A_2176 : i32
      %parallel_loop3A_2199 = arith.constant 8 : i32
      %parallel_loop3A_2200 = arith.constant 0 : i32
      %parallel_loop3A_2201 = arith.cmpi eq, %parallel_loop3A_2199, %parallel_loop3A_2200 : i32
      %parallel_loop3A_2202 = arith.constant 1 : i32
      %parallel_loop3A_2203 = arith.select %parallel_loop3A_2201, %parallel_loop3A_2202, %parallel_loop3A_2199 : i32
      %parallel_loop3A_2204 = arith.remsi %parallel_loop3A_2119, %parallel_loop3A_2203 : i32
      %parallel_loop3A_2205 = arith.constant 0 : i32
      %parallel_loop3A_2206 = arith.cmpi ne, %parallel_loop3A_2204, %parallel_loop3A_2205 : i32
      %parallel_loop3A_2207 = arith.constant 0 : i32
      %parallel_loop3A_2208 = arith.cmpi slt, %parallel_loop3A_2204, %parallel_loop3A_2207 : i32
      %parallel_loop3A_2209 = arith.constant 0 : i32
      %parallel_loop3A_2210 = arith.cmpi slt, %parallel_loop3A_2203, %parallel_loop3A_2209 : i32
      %parallel_loop3A_2211 = arith.xori %parallel_loop3A_2208, %parallel_loop3A_2210 : i1
      %parallel_loop3A_2212 = arith.andi %parallel_loop3A_2211, %parallel_loop3A_2206 : i1
      %parallel_loop3A_2213 = arith.addi %parallel_loop3A_2204, %parallel_loop3A_2203 : i32
      %parallel_loop3A_2214 = arith.select %parallel_loop3A_2212, %parallel_loop3A_2213, %parallel_loop3A_2204 : i32
      %parallel_loop3A_2215 = arith.constant 16 : i32
      %parallel_loop3A_2216 = arith.muli %parallel_loop3A_2214, %parallel_loop3A_2215 : i32
      %parallel_loop3A_2217 = arith.index_cast %parallel_loop3A_2198 : i32 to index
      %parallel_loop3A_2218 = arith.index_cast %parallel_loop3A_2216 : i32 to index
      %parallel_loop3A_2219 = tpu.vector_load %arg7[%parallel_loop3A_2217, %parallel_loop3A_2218] {strides = array<i32>} : memref<52x128xi32, #tpu.memory_space<vmem>>, vector<16xi32>,
      tpu.vector_store %arg7[%parallel_loop3A_2217, %parallel_loop3A_2218], %parallel_loop3A_2174 {strides = array<i32>} : memref<52x128xi32, #tpu.memory_space<vmem>>, vector<16xi32>,
    } {sc.loop_unroll_factor = 8 : i64, sc.parallel_access}
    %dma_start3A_1074 = arith.constant 0 : i32
    %dma_start3A_1075 = arith.constant 0 : i32
    %dma_start3A_1076 = arith.constant 0 : i32
    %dma_start3A_1077 = tpu.memref_slice %arg8[%dma_start3A_1075, %dma_start3A_1076] : memref<52x128xf32, #tpu.memory_space<vmem>> -> memref<1x128xf32, #tpu.memory_space<vmem>>
    %dma_start3A_1078 = tpu.memref_squeeze %dma_start3A_1077 : memref<1x128xf32, #tpu.memory_space<vmem>> -> memref<128xf32, #tpu.memory_space<vmem>>
    %dma_start3A_1079 = arith.constant 0 : i32
    %dma_start3A_1080 = tpu.memref_slice %arg7[%dma_start3A_1074, %dma_start3A_1079] : memref<52x128xi32, #tpu.memory_space<vmem>> -> memref<1x128xi32, #tpu.memory_space<vmem>>
    %dma_start3A_1081 = tpu.memref_squeeze %dma_start3A_1080 : memref<1x128xi32, #tpu.memory_space<vmem>> -> memref<128xi32, #tpu.memory_space<vmem>>
    %dma_start3A_1082 = arith.constant 0 : i32
    %dma_start3A_1083 = tpu.memref_slice %arg6[%dma_start3A_1082] : memref<100000xf32, #tpu.memory_space<vmem_shared>> -> memref<100000xf32, #tpu.memory_space<vmem_shared>>
    tpu.enqueue_indirect_dma source(%dma_start3A_1083 : memref<100000xf32, #tpu.memory_space<vmem_shared>>) target(%dma_start3A_1078 : memref<128xf32, #tpu.memory_space<vmem>>) offsets(%dma_start3A_1081 : memref<128xi32, #tpu.memory_space<vmem>>) semaphore(%arg15 : memref<!tpu.dma_semaphore, #tpu.memory_space<semaphore_mem>>)
    %dma_start3A_1084 = arith.constant 1 : i32
    %dma_start3A_1085 = arith.constant 1 : i32
    %dma_start3A_1086 = arith.constant 0 : i32
    %dma_start3A_1087 = tpu.memref_slice %arg8[%dma_start3A_1085, %dma_start3A_1086] : memref<52x128xf32, #tpu.memory_space<vmem>> -> memref<1x128xf32, #tpu.memory_space<vmem>>
    %dma_start3A_1088 = tpu.memref_squeeze %dma_start3A_1087 : memref<1x128xf32, #tpu.memory_space<vmem>> -> memref<128xf32, #tpu.memory_space<vmem>>
    %dma_start3A_1089 = arith.constant 0 : i32
    %dma_start3A_1090 = tpu.memref_slice %arg7[%dma_start3A_1084, %dma_start3A_1089] : memref<52x128xi32, #tpu.memory_space<vmem>> -> memref<1x128xi32, #tpu.memory_space<vmem>>
    %dma_start3A_1091 = tpu.memref_squeeze %dma_start3A_1090 : memref<1x128xi32, #tpu.memory_space<vmem>> -> memref<128xi32, #tpu.memory_space<vmem>>
    %dma_start3A_1092 = arith.constant 0 : i32
    %dma_start3A_1093 = tpu.memref_slice %arg6[%dma_start3A_1092] : memref<100000xf32, #tpu.memory_space<vmem_shared>> -> memref<100000xf32, #tpu.memory_space<vmem_shared>>
    tpu.enqueue_indirect_dma source(%dma_start3A_1093 : memref<100000xf32, #tpu.memory_space<vmem_shared>>) target(%dma_start3A_1088 : memref<128xf32, #tpu.memory_space<vmem>>) offsets(%dma_start3A_1091 : memref<128xi32, #tpu.memory_space<vmem>>) semaphore(%arg15 : memref<!tpu.dma_semaphore, #tpu.memory_space<semaphore_mem>>)
    %dma_start3A_1094 = arith.constant 2 : i32
    %dma_start3A_1095 = arith.constant 2 : i32
    %dma_start3A_1096 = arith.constant 0 : i32
    %dma_start3A_1097 = tpu.memref_slice %arg8[%dma_start3A_1095, %dma_start3A_1096] : memref<52x128xf32, #tpu.memory_space<vmem>> -> memref<1x128xf32, #tpu.memory_space<vmem>>
    %dma_start3A_1098 = tpu.memref_squeeze %dma_start3A_1097 : memref<1x128xf32, #tpu.memory_space<vmem>> -> memref<128xf32, #tpu.memory_space<vmem>>
    %dma_start3A_1099 = arith.constant 0 : i32
    %dma_start3A_1100 = tpu.memref_slice %arg7[%dma_start3A_1094, %dma_start3A_1099] : memref<52x128xi32, #tpu.memory_space<vmem>> -> memref<1x128xi32, #tpu.memory_space<vmem>>
    %dma_start3A_1101 = tpu.memref_squeeze %dma_start3A_1100 : memref<1x128xi32, #tpu.memory_space<vmem>> -> memref<128xi32, #tpu.memory_space<vmem>>
    %dma_start3A_1102 = arith.constant 0 : i32
    %dma_start3A_1103 = tpu.memref_slice %arg6[%dma_start3A_1102] : memref<100000xf32, #tpu.memory_space<vmem_shared>> -> memref<100000xf32, #tpu.memory_space<vmem_shared>>
    tpu.enqueue_indirect_dma source(%dma_start3A_1103 : memref<100000xf32, #tpu.memory_space<vmem_shared>>) target(%dma_start3A_1098 : memref<128xf32, #tpu.memory_space<vmem>>) offsets(%dma_start3A_1101 : memref<128xi32, #tpu.memory_space<vmem>>) semaphore(%arg15 : memref<!tpu.dma_semaphore, #tpu.memory_space<semaphore_mem>>)
    %dma_start3A_1104 = arith.constant 3 : i32
    %dma_start3A_1105 = arith.constant 3 : i32
    %dma_start3A_1106 = arith.constant 0 : i32
    %dma_start3A_1107 = tpu.memref_slice %arg8[%dma_start3A_1105, %dma_start3A_1106] : memref<52x128xf32, #tpu.memory_space<vmem>> -> memref<1x128xf32, #tpu.memory_space<vmem>>
    %dma_start3A_1108 = tpu.memref_squeeze %dma_start3A_1107 : memref<1x128xf32, #tpu.memory_space<vmem>> -> memref<128xf32, #tpu.memory_space<vmem>>
    %dma_start3A_1109 = arith.constant 0 : i32
    %dma_start3A_1110 = tpu.memref_slice %arg7[%dma_start3A_1104, %dma_start3A_1109] : memref<52x128xi32, #tpu.memory_space<vmem>> -> memref<1x128xi32, #tpu.memory_space<vmem>>
    %dma_start3A_1111 = tpu.memref_squeeze %dma_start3A_1110 : memref<1x128xi32, #tpu.memory_space<vmem>> -> memref<128xi32, #tpu.memory_space<vmem>>
    %dma_start3A_1112 = arith.constant 0 : i32
    %dma_start3A_1113 = tpu.memref_slice %arg6[%dma_start3A_1112] : memref<100000xf32, #tpu.memory_space<vmem_shared>> -> memref<100000xf32, #tpu.memory_space<vmem_shared>>
    tpu.enqueue_indirect_dma source(%dma_start3A_1113 : memref<100000xf32, #tpu.memory_space<vmem_shared>>) target(%dma_start3A_1108 : memref<128xf32, #tpu.memory_space<vmem>>) offsets(%dma_start3A_1111 : memref<128xi32, #tpu.memory_space<vmem>>) semaphore(%arg15 : memref<!tpu.dma_semaphore, #tpu.memory_space<semaphore_mem>>)
    %dma_start3A_1114 = arith.constant 4 : i32
    %dma_start3A_1115 = arith.constant 4 : i32
    %dma_start3A_1116 = arith.constant 0 : i32
    %dma_start3A_1117 = tpu.memref_slice %arg8[%dma_start3A_1115, %dma_start3A_1116] : memref<52x128xf32, #tpu.memory_space<vmem>> -> memref<1x128xf32, #tpu.memory_space<vmem>>
    %dma_start3A_1118 = tpu.memref_squeeze %dma_start3A_1117 : memref<1x128xf32, #tpu.memory_space<vmem>> -> memref<128xf32, #tpu.memory_space<vmem>>
    %dma_start3A_1119 = arith.constant 0 : i32
    %dma_start3A_1120 = tpu.memref_slice %arg7[%dma_start3A_1114, %dma_start3A_1119] : memref<52x128xi32, #tpu.memory_space<vmem>> -> memref<1x128xi32, #tpu.memory_space<vmem>>
    %dma_start3A_1121 = tpu.memref_squeeze %dma_start3A_1120 : memref<1x128xi32, #tpu.memory_space<vmem>> -> memref<128xi32, #tpu.memory_space<vmem>>
    %dma_start3A_1122 = arith.constant 0 : i32
    %dma_start3A_1123 = tpu.memref_slice %arg6[%dma_start3A_1122] : memref<100000xf32, #tpu.memory_space<vmem_shared>> -> memref<100000xf32, #tpu.memory_space<vmem_shared>>
    tpu.enqueue_indirect_dma source(%dma_start3A_1123 : memref<100000xf32, #tpu.memory_space<vmem_shared>>) target(%dma_start3A_1118 : memref<128xf32, #tpu.memory_space<vmem>>) offsets(%dma_start3A_1121 : memref<128xi32, #tpu.memory_space<vmem>>) semaphore(%arg15 : memref<!tpu.dma_semaphore, #tpu.memory_space<semaphore_mem>>)
    %dma_start3A_1124 = arith.constant 5 : i32
    %dma_start3A_1125 = arith.constant 5 : i32
    %dma_start3A_1126 = arith.constant 0 : i32
    %dma_start3A_1127 = tpu.memref_slice %arg8[%dma_start3A_1125, %dma_start3A_1126] : memref<52x128xf32, #tpu.memory_space<vmem>> -> memref<1x128xf32, #tpu.memory_space<vmem>>
    %dma_start3A_1128 = tpu.memref_squeeze %dma_start3A_1127 : memref<1x128xf32, #tpu.memory_space<vmem>> -> memref<128xf32, #tpu.memory_space<vmem>>
    %dma_start3A_1129 = arith.constant 0 : i32
    %dma_start3A_1130 = tpu.memref_slice %arg7[%dma_start3A_1124, %dma_start3A_1129] : memref<52x128xi32, #tpu.memory_space<vmem>> -> memref<1x128xi32, #tpu.memory_space<vmem>>
    %dma_start3A_1131 = tpu.memref_squeeze %dma_start3A_1130 : memref<1x128xi32, #tpu.memory_space<vmem>> -> memref<128xi32, #tpu.memory_space<vmem>>
    %dma_start3A_1132 = arith.constant 0 : i32
    %dma_start3A_1133 = tpu.memref_slice %arg6[%dma_start3A_1132] : memref<100000xf32, #tpu.memory_space<vmem_shared>> -> memref<100000xf32, #tpu.memory_space<vmem_shared>>
    tpu.enqueue_indirect_dma source(%dma_start3A_1133 : memref<100000xf32, #tpu.memory_space<vmem_shared>>) target(%dma_start3A_1128 : memref<128xf32, #tpu.memory_space<vmem>>) offsets(%dma_start3A_1131 : memref<128xi32, #tpu.memory_space<vmem>>) semaphore(%arg15 : memref<!tpu.dma_semaphore, #tpu.memory_space<semaphore_mem>>)
    %dma_start3A_1134 = arith.constant 6 : i32
    %dma_start3A_1135 = arith.constant 6 : i32
    %dma_start3A_1136 = arith.constant 0 : i32
    %dma_start3A_1137 = tpu.memref_slice %arg8[%dma_start3A_1135, %dma_start3A_1136] : memref<52x128xf32, #tpu.memory_space<vmem>> -> memref<1x128xf32, #tpu.memory_space<vmem>>
    %dma_start3A_1138 = tpu.memref_squeeze %dma_start3A_1137 : memref<1x128xf32, #tpu.memory_space<vmem>> -> memref<128xf32, #tpu.memory_space<vmem>>
    %dma_start3A_1139 = arith.constant 0 : i32
    %dma_start3A_1140 = tpu.memref_slice %arg7[%dma_start3A_1134, %dma_start3A_1139] : memref<52x128xi32, #tpu.memory_space<vmem>> -> memref<1x128xi32, #tpu.memory_space<vmem>>
    %dma_start3A_1141 = tpu.memref_squeeze %dma_start3A_1140 : memref<1x128xi32, #tpu.memory_space<vmem>> -> memref<128xi32, #tpu.memory_space<vmem>>
    %dma_start3A_1142 = arith.constant 0 : i32
    %dma_start3A_1143 = tpu.memref_slice %arg6[%dma_start3A_1142] : memref<100000xf32, #tpu.memory_space<vmem_shared>> -> memref<100000xf32, #tpu.memory_space<vmem_shared>>
    tpu.enqueue_indirect_dma source(%dma_start3A_1143 : memref<100000xf32, #tpu.memory_space<vmem_shared>>) target(%dma_start3A_1138 : memref<128xf32, #tpu.memory_space<vmem>>) offsets(%dma_start3A_1141 : memref<128xi32, #tpu.memory_space<vmem>>) semaphore(%arg15 : memref<!tpu.dma_semaphore, #tpu.memory_space<semaphore_mem>>)
    %dma_start3A_1144 = arith.constant 7 : i32
    %dma_start3A_1145 = arith.constant 7 : i32
    %dma_start3A_1146 = arith.constant 0 : i32
    %dma_start3A_1147 = tpu.memref_slice %arg8[%dma_start3A_1145, %dma_start3A_1146] : memref<52x128xf32, #tpu.memory_space<vmem>> -> memref<1x128xf32, #tpu.memory_space<vmem>>
    %dma_start3A_1148 = tpu.memref_squeeze %dma_start3A_1147 : memref<1x128xf32, #tpu.memory_space<vmem>> -> memref<128xf32, #tpu.memory_space<vmem>>
    %dma_start3A_1149 = arith.constant 0 : i32
    %dma_start3A_1150 = tpu.memref_slice %arg7[%dma_start3A_1144, %dma_start3A_1149] : memref<52x128xi32, #tpu.memory_space<vmem>> -> memref<1x128xi32, #tpu.memory_space<vmem>>
    %dma_start3A_1151 = tpu.memref_squeeze %dma_start3A_1150 : memref<1x128xi32, #tpu.memory_space<vmem>> -> memref<128xi32, #tpu.memory_space<vmem>>
    %dma_start3A_1152 = arith.constant 0 : i32
    %dma_start3A_1153 = tpu.memref_slice %arg6[%dma_start3A_1152] : memref<100000xf32, #tpu.memory_space<vmem_shared>> -> memref<100000xf32, #tpu.memory_space<vmem_shared>>
    tpu.enqueue_indirect_dma source(%dma_start3A_1153 : memref<100000xf32, #tpu.memory_space<vmem_shared>>) target(%dma_start3A_1148 : memref<128xf32, #tpu.memory_space<vmem>>) offsets(%dma_start3A_1151 : memref<128xi32, #tpu.memory_space<vmem>>) semaphore(%arg15 : memref<!tpu.dma_semaphore, #tpu.memory_space<semaphore_mem>>)
    %dma_start3A_1154 = arith.constant 8 : i32
    %dma_start3A_1155 = arith.constant 8 : i32
    %dma_start3A_1156 = arith.constant 0 : i32
    %dma_start3A_1157 = tpu.memref_slice %arg8[%dma_start3A_1155, %dma_start3A_1156] : memref<52x128xf32, #tpu.memory_space<vmem>> -> memref<1x128xf32, #tpu.memory_space<vmem>>
    %dma_start3A_1158 = tpu.memref_squeeze %dma_start3A_1157 : memref<1x128xf32, #tpu.memory_space<vmem>> -> memref<128xf32, #tpu.memory_space<vmem>>
    %dma_start3A_1159 = arith.constant 0 : i32
    %dma_start3A_1160 = tpu.memref_slice %arg7[%dma_start3A_1154, %dma_start3A_1159] : memref<52x128xi32, #tpu.memory_space<vmem>> -> memref<1x128xi32, #tpu.memory_space<vmem>>
    %dma_start3A_1161 = tpu.memref_squeeze %dma_start3A_1160 : memref<1x128xi32, #tpu.memory_space<vmem>> -> memref<128xi32, #tpu.memory_space<vmem>>
    %dma_start3A_1162 = arith.constant 0 : i32
    %dma_start3A_1163 = tpu.memref_slice %arg6[%dma_start3A_1162] : memref<100000xf32, #tpu.memory_space<vmem_shared>> -> memref<100000xf32, #tpu.memory_space<vmem_shared>>
    tpu.enqueue_indirect_dma source(%dma_start3A_1163 : memref<100000xf32, #tpu.memory_space<vmem_shared>>) target(%dma_start3A_1158 : memref<128xf32, #tpu.memory_space<vmem>>) offsets(%dma_start3A_1161 : memref<128xi32, #tpu.memory_space<vmem>>) semaphore(%arg15 : memref<!tpu.dma_semaphore, #tpu.memory_space<semaphore_mem>>)
    %dma_start3A_1164 = arith.constant 9 : i32
    %dma_start3A_1165 = arith.constant 9 : i32
    %dma_start3A_1166 = arith.constant 0 : i32
    %dma_start3A_1167 = tpu.memref_slice %arg8[%dma_start3A_1165, %dma_start3A_1166] : memref<52x128xf32, #tpu.memory_space<vmem>> -> memref<1x128xf32, #tpu.memory_space<vmem>>
    %dma_start3A_1168 = tpu.memref_squeeze %dma_start3A_1167 : memref<1x128xf32, #tpu.memory_space<vmem>> -> memref<128xf32, #tpu.memory_space<vmem>>
    %dma_start3A_1169 = arith.constant 0 : i32
    %dma_start3A_1170 = tpu.memref_slice %arg7[%dma_start3A_1164, %dma_start3A_1169] : memref<52x128xi32, #tpu.memory_space<vmem>> -> memref<1x128xi32, #tpu.memory_space<vmem>>
    %dma_start3A_1171 = tpu.memref_squeeze %dma_start3A_1170 : memref<1x128xi32, #tpu.memory_space<vmem>> -> memref<128xi32, #tpu.memory_space<vmem>>
    %dma_start3A_1172 = arith.constant 0 : i32
    %dma_start3A_1173 = tpu.memref_slice %arg6[%dma_start3A_1172] : memref<100000xf32, #tpu.memory_space<vmem_shared>> -> memref<100000xf32, #tpu.memory_space<vmem_shared>>
    tpu.enqueue_indirect_dma source(%dma_start3A_1173 : memref<100000xf32, #tpu.memory_space<vmem_shared>>) target(%dma_start3A_1168 : memref<128xf32, #tpu.memory_space<vmem>>) offsets(%dma_start3A_1171 : memref<128xi32, #tpu.memory_space<vmem>>) semaphore(%arg15 : memref<!tpu.dma_semaphore, #tpu.memory_space<semaphore_mem>>)
    %dma_start3A_1174 = arith.constant 10 : i32
    %dma_start3A_1175 = arith.constant 10 : i32
    %dma_start3A_1176 = arith.constant 0 : i32
    %dma_start3A_1177 = tpu.memref_slice %arg8[%dma_start3A_1175, %dma_start3A_1176] : memref<52x128xf32, #tpu.memory_space<vmem>> -> memref<1x128xf32, #tpu.memory_space<vmem>>
    %dma_start3A_1178 = tpu.memref_squeeze %dma_start3A_1177 : memref<1x128xf32, #tpu.memory_space<vmem>> -> memref<128xf32, #tpu.memory_space<vmem>>
    %dma_start3A_1179 = arith.constant 0 : i32
    %dma_start3A_1180 = tpu.memref_slice %arg7[%dma_start3A_1174, %dma_start3A_1179] : memref<52x128xi32, #tpu.memory_space<vmem>> -> memref<1x128xi32, #tpu.memory_space<vmem>>
    %dma_start3A_1181 = tpu.memref_squeeze %dma_start3A_1180 : memref<1x128xi32, #tpu.memory_space<vmem>> -> memref<128xi32, #tpu.memory_space<vmem>>
    %dma_start3A_1182 = arith.constant 0 : i32
    %dma_start3A_1183 = tpu.memref_slice %arg6[%dma_start3A_1182] : memref<100000xf32, #tpu.memory_space<vmem_shared>> -> memref<100000xf32, #tpu.memory_space<vmem_shared>>
    tpu.enqueue_indirect_dma source(%dma_start3A_1183 : memref<100000xf32, #tpu.memory_space<vmem_shared>>) target(%dma_start3A_1178 : memref<128xf32, #tpu.memory_space<vmem>>) offsets(%dma_start3A_1181 : memref<128xi32, #tpu.memory_space<vmem>>) semaphore(%arg15 : memref<!tpu.dma_semaphore, #tpu.memory_space<semaphore_mem>>)
    %dma_start3A_1184 = arith.constant 11 : i32
    %dma_start3A_1185 = arith.constant 11 : i32
    %dma_start3A_1186 = arith.constant 0 : i32
    %dma_start3A_1187 = tpu.memref_slice %arg8[%dma_start3A_1185, %dma_start3A_1186] : memref<52x128xf32, #tpu.memory_space<vmem>> -> memref<1x128xf32, #tpu.memory_space<vmem>>
    %dma_start3A_1188 = tpu.memref_squeeze %dma_start3A_1187 : memref<1x128xf32, #tpu.memory_space<vmem>> -> memref<128xf32, #tpu.memory_space<vmem>>
    %dma_start3A_1189 = arith.constant 0 : i32
    %dma_start3A_1190 = tpu.memref_slice %arg7[%dma_start3A_1184, %dma_start3A_1189] : memref<52x128xi32, #tpu.memory_space<vmem>> -> memref<1x128xi32, #tpu.memory_space<vmem>>
    %dma_start3A_1191 = tpu.memref_squeeze %dma_start3A_1190 : memref<1x128xi32, #tpu.memory_space<vmem>> -> memref<128xi32, #tpu.memory_space<vmem>>
    %dma_start3A_1192 = arith.constant 0 : i32
    %dma_start3A_1193 = tpu.memref_slice %arg6[%dma_start3A_1192] : memref<100000xf32, #tpu.memory_space<vmem_shared>> -> memref<100000xf32, #tpu.memory_space<vmem_shared>>
    tpu.enqueue_indirect_dma source(%dma_start3A_1193 : memref<100000xf32, #tpu.memory_space<vmem_shared>>) target(%dma_start3A_1188 : memref<128xf32, #tpu.memory_space<vmem>>) offsets(%dma_start3A_1191 : memref<128xi32, #tpu.memory_space<vmem>>) semaphore(%arg15 : memref<!tpu.dma_semaphore, #tpu.memory_space<semaphore_mem>>)
    %dma_start3A_1194 = arith.constant 12 : i32
    %dma_start3A_1195 = arith.constant 12 : i32
    %dma_start3A_1196 = arith.constant 0 : i32
    %dma_start3A_1197 = tpu.memref_slice %arg8[%dma_start3A_1195, %dma_start3A_1196] : memref<52x128xf32, #tpu.memory_space<vmem>> -> memref<1x128xf32, #tpu.memory_space<vmem>>
    %dma_start3A_1198 = tpu.memref_squeeze %dma_start3A_1197 : memref<1x128xf32, #tpu.memory_space<vmem>> -> memref<128xf32, #tpu.memory_space<vmem>>
    %dma_start3A_1199 = arith.constant 0 : i32
    %dma_start3A_1200 = tpu.memref_slice %arg7[%dma_start3A_1194, %dma_start3A_1199] : memref<52x128xi32, #tpu.memory_space<vmem>> -> memref<1x128xi32, #tpu.memory_space<vmem>>
    %dma_start3A_1201 = tpu.memref_squeeze %dma_start3A_1200 : memref<1x128xi32, #tpu.memory_space<vmem>> -> memref<128xi32, #tpu.memory_space<vmem>>
    %dma_start3A_1202 = arith.constant 0 : i32
    %dma_start3A_1203 = tpu.memref_slice %arg6[%dma_start3A_1202] : memref<100000xf32, #tpu.memory_space<vmem_shared>> -> memref<100000xf32, #tpu.memory_space<vmem_shared>>
    tpu.enqueue_indirect_dma source(%dma_start3A_1203 : memref<100000xf32, #tpu.memory_space<vmem_shared>>) target(%dma_start3A_1198 : memref<128xf32, #tpu.memory_space<vmem>>) offsets(%dma_start3A_1201 : memref<128xi32, #tpu.memory_space<vmem>>) semaphore(%arg15 : memref<!tpu.dma_semaphore, #tpu.memory_space<semaphore_mem>>)
    %dma_start3A_1204 = arith.constant 13 : i32
    %dma_start3A_1205 = arith.constant 13 : i32
    %dma_start3A_1206 = arith.constant 0 : i32
    %dma_start3A_1207 = tpu.memref_slice %arg8[%dma_start3A_1205, %dma_start3A_1206] : memref<52x128xf32, #tpu.memory_space<vmem>> -> memref<1x128xf32, #tpu.memory_space<vmem>>
    %dma_start3A_1208 = tpu.memref_squeeze %dma_start3A_1207 : memref<1x128xf32, #tpu.memory_space<vmem>> -> memref<128xf32, #tpu.memory_space<vmem>>
    %dma_start3A_1209 = arith.constant 0 : i32
    %dma_start3A_1210 = tpu.memref_slice %arg7[%dma_start3A_1204, %dma_start3A_1209] : memref<52x128xi32, #tpu.memory_space<vmem>> -> memref<1x128xi32, #tpu.memory_space<vmem>>
    %dma_start3A_1211 = tpu.memref_squeeze %dma_start3A_1210 : memref<1x128xi32, #tpu.memory_space<vmem>> -> memref<128xi32, #tpu.memory_space<vmem>>
    %dma_start3A_1212 = arith.constant 0 : i32
    %dma_start3A_1213 = tpu.memref_slice %arg6[%dma_start3A_1212] : memref<100000xf32, #tpu.memory_space<vmem_shared>> -> memref<100000xf32, #tpu.memory_space<vmem_shared>>
    tpu.enqueue_indirect_dma source(%dma_start3A_1213 : memref<100000xf32, #tpu.memory_space<vmem_shared>>) target(%dma_start3A_1208 : memref<128xf32, #tpu.memory_space<vmem>>) offsets(%dma_start3A_1211 : memref<128xi32, #tpu.memory_space<vmem>>) semaphore(%arg15 : memref<!tpu.dma_semaphore, #tpu.memory_space<semaphore_mem>>)
    %dma_start3A_1214 = arith.constant 14 : i32
    %dma_start3A_1215 = arith.constant 14 : i32
    %dma_start3A_1216 = arith.constant 0 : i32
    %dma_start3A_1217 = tpu.memref_slice %arg8[%dma_start3A_1215, %dma_start3A_1216] : memref<52x128xf32, #tpu.memory_space<vmem>> -> memref<1x128xf32, #tpu.memory_space<vmem>>
    %dma_start3A_1218 = tpu.memref_squeeze %dma_start3A_1217 : memref<1x128xf32, #tpu.memory_space<vmem>> -> memref<128xf32, #tpu.memory_space<vmem>>
    %dma_start3A_1219 = arith.constant 0 : i32
    %dma_start3A_1220 = tpu.memref_slice %arg7[%dma_start3A_1214, %dma_start3A_1219] : memref<52x128xi32, #tpu.memory_space<vmem>> -> memref<1x128xi32, #tpu.memory_space<vmem>>
    %dma_start3A_1221 = tpu.memref_squeeze %dma_start3A_1220 : memref<1x128xi32, #tpu.memory_space<vmem>> -> memref<128xi32, #tpu.memory_space<vmem>>
    %dma_start3A_1222 = arith.constant 0 : i32
    %dma_start3A_1223 = tpu.memref_slice %arg6[%dma_start3A_1222] : memref<100000xf32, #tpu.memory_space<vmem_shared>> -> memref<100000xf32, #tpu.memory_space<vmem_shared>>
    tpu.enqueue_indirect_dma source(%dma_start3A_1223 : memref<100000xf32, #tpu.memory_space<vmem_shared>>) target(%dma_start3A_1218 : memref<128xf32, #tpu.memory_space<vmem>>) offsets(%dma_start3A_1221 : memref<128xi32, #tpu.memory_space<vmem>>) semaphore(%arg15 : memref<!tpu.dma_semaphore, #tpu.memory_space<semaphore_mem>>)
    %dma_start3A_1224 = arith.constant 15 : i32
    %dma_start3A_1225 = arith.constant 15 : i32
    %dma_start3A_1226 = arith.constant 0 : i32
    %dma_start3A_1227 = tpu.memref_slice %arg8[%dma_start3A_1225, %dma_start3A_1226] : memref<52x128xf32, #tpu.memory_space<vmem>> -> memref<1x128xf32, #tpu.memory_space<vmem>>
    %dma_start3A_1228 = tpu.memref_squeeze %dma_start3A_1227 : memref<1x128xf32, #tpu.memory_space<vmem>> -> memref<128xf32, #tpu.memory_space<vmem>>
    %dma_start3A_1229 = arith.constant 0 : i32
    %dma_start3A_1230 = tpu.memref_slice %arg7[%dma_start3A_1224, %dma_start3A_1229] : memref<52x128xi32, #tpu.memory_space<vmem>> -> memref<1x128xi32, #tpu.memory_space<vmem>>
    %dma_start3A_1231 = tpu.memref_squeeze %dma_start3A_1230 : memref<1x128xi32, #tpu.memory_space<vmem>> -> memref<128xi32, #tpu.memory_space<vmem>>
    %dma_start3A_1232 = arith.constant 0 : i32
    %dma_start3A_1233 = tpu.memref_slice %arg6[%dma_start3A_1232] : memref<100000xf32, #tpu.memory_space<vmem_shared>> -> memref<100000xf32, #tpu.memory_space<vmem_shared>>
    tpu.enqueue_indirect_dma source(%dma_start3A_1233 : memref<100000xf32, #tpu.memory_space<vmem_shared>>) target(%dma_start3A_1228 : memref<128xf32, #tpu.memory_space<vmem>>) offsets(%dma_start3A_1231 : memref<128xi32, #tpu.memory_space<vmem>>) semaphore(%arg15 : memref<!tpu.dma_semaphore, #tpu.memory_space<semaphore_mem>>)
    %dma_start3A_1234 = arith.constant 16 : i32
    %dma_start3A_1235 = arith.constant 16 : i32
    %dma_start3A_1236 = arith.constant 0 : i32
    %dma_start3A_1237 = tpu.memref_slice %arg8[%dma_start3A_1235, %dma_start3A_1236] : memref<52x128xf32, #tpu.memory_space<vmem>> -> memref<1x128xf32, #tpu.memory_space<vmem>>
    %dma_start3A_1238 = tpu.memref_squeeze %dma_start3A_1237 : memref<1x128xf32, #tpu.memory_space<vmem>> -> memref<128xf32, #tpu.memory_space<vmem>>
    %dma_start3A_1239 = arith.constant 0 : i32
    %dma_start3A_1240 = tpu.memref_slice %arg7[%dma_start3A_1234, %dma_start3A_1239] : memref<52x128xi32, #tpu.memory_space<vmem>> -> memref<1x128xi32, #tpu.memory_space<vmem>>
    %dma_start3A_1241 = tpu.memref_squeeze %dma_start3A_1240 : memref<1x128xi32, #tpu.memory_space<vmem>> -> memref<128xi32, #tpu.memory_space<vmem>>
    %dma_start3A_1242 = arith.constant 0 : i32
    %dma_start3A_1243 = tpu.memref_slice %arg6[%dma_start3A_1242] : memref<100000xf32, #tpu.memory_space<vmem_shared>> -> memref<100000xf32, #tpu.memory_space<vmem_shared>>
    tpu.enqueue_indirect_dma source(%dma_start3A_1243 : memref<100000xf32, #tpu.memory_space<vmem_shared>>) target(%dma_start3A_1238 : memref<128xf32, #tpu.memory_space<vmem>>) offsets(%dma_start3A_1241 : memref<128xi32, #tpu.memory_space<vmem>>) semaphore(%arg15 : memref<!tpu.dma_semaphore, #tpu.memory_space<semaphore_mem>>)
    %dma_start3A_1244 = arith.constant 17 : i32
    %dma_start3A_1245 = arith.constant 17 : i32
    %dma_start3A_1246 = arith.constant 0 : i32
    %dma_start3A_1247 = tpu.memref_slice %arg8[%dma_start3A_1245, %dma_start3A_1246] : memref<52x128xf32, #tpu.memory_space<vmem>> -> memref<1x128xf32, #tpu.memory_space<vmem>>
    %dma_start3A_1248 = tpu.memref_squeeze %dma_start3A_1247 : memref<1x128xf32, #tpu.memory_space<vmem>> -> memref<128xf32, #tpu.memory_space<vmem>>
    %dma_start3A_1249 = arith.constant 0 : i32
    %dma_start3A_1250 = tpu.memref_slice %arg7[%dma_start3A_1244, %dma_start3A_1249] : memref<52x128xi32, #tpu.memory_space<vmem>> -> memref<1x128xi32, #tpu.memory_space<vmem>>
    %dma_start3A_1251 = tpu.memref_squeeze %dma_start3A_1250 : memref<1x128xi32, #tpu.memory_space<vmem>> -> memref<128xi32, #tpu.memory_space<vmem>>
    %dma_start3A_1252 = arith.constant 0 : i32
    %dma_start3A_1253 = tpu.memref_slice %arg6[%dma_start3A_1252] : memref<100000xf32, #tpu.memory_space<vmem_shared>> -> memref<100000xf32, #tpu.memory_space<vmem_shared>>
    tpu.enqueue_indirect_dma source(%dma_start3A_1253 : memref<100000xf32, #tpu.memory_space<vmem_shared>>) target(%dma_start3A_1248 : memref<128xf32, #tpu.memory_space<vmem>>) offsets(%dma_start3A_1251 : memref<128xi32, #tpu.memory_space<vmem>>) semaphore(%arg15 : memref<!tpu.dma_semaphore, #tpu.memory_space<semaphore_mem>>)
    %dma_start3A_1254 = arith.constant 18 : i32
    %dma_start3A_1255 = arith.constant 18 : i32
    %dma_start3A_1256 = arith.constant 0 : i32
    %dma_start3A_1257 = tpu.memref_slice %arg8[%dma_start3A_1255, %dma_start3A_1256] : memref<52x128xf32, #tpu.memory_space<vmem>> -> memref<1x128xf32, #tpu.memory_space<vmem>>
    %dma_start3A_1258 = tpu.memref_squeeze %dma_start3A_1257 : memref<1x128xf32, #tpu.memory_space<vmem>> -> memref<128xf32, #tpu.memory_space<vmem>>
    %dma_start3A_1259 = arith.constant 0 : i32
    %dma_start3A_1260 = tpu.memref_slice %arg7[%dma_start3A_1254, %dma_start3A_1259] : memref<52x128xi32, #tpu.memory_space<vmem>> -> memref<1x128xi32, #tpu.memory_space<vmem>>
    %dma_start3A_1261 = tpu.memref_squeeze %dma_start3A_1260 : memref<1x128xi32, #tpu.memory_space<vmem>> -> memref<128xi32, #tpu.memory_space<vmem>>
    %dma_start3A_1262 = arith.constant 0 : i32
    %dma_start3A_1263 = tpu.memref_slice %arg6[%dma_start3A_1262] : memref<100000xf32, #tpu.memory_space<vmem_shared>> -> memref<100000xf32, #tpu.memory_space<vmem_shared>>
    tpu.enqueue_indirect_dma source(%dma_start3A_1263 : memref<100000xf32, #tpu.memory_space<vmem_shared>>) target(%dma_start3A_1258 : memref<128xf32, #tpu.memory_space<vmem>>) offsets(%dma_start3A_1261 : memref<128xi32, #tpu.memory_space<vmem>>) semaphore(%arg15 : memref<!tpu.dma_semaphore, #tpu.memory_space<semaphore_mem>>)
    %dma_start3A_1264 = arith.constant 19 : i32
    %dma_start3A_1265 = arith.constant 19 : i32
    %dma_start3A_1266 = arith.constant 0 : i32
    %dma_start3A_1267 = tpu.memref_slice %arg8[%dma_start3A_1265, %dma_start3A_1266] : memref<52x128xf32, #tpu.memory_space<vmem>> -> memref<1x128xf32, #tpu.memory_space<vmem>>
    %dma_start3A_1268 = tpu.memref_squeeze %dma_start3A_1267 : memref<1x128xf32, #tpu.memory_space<vmem>> -> memref<128xf32, #tpu.memory_space<vmem>>
    %dma_start3A_1269 = arith.constant 0 : i32
    %dma_start3A_1270 = tpu.memref_slice %arg7[%dma_start3A_1264, %dma_start3A_1269] : memref<52x128xi32, #tpu.memory_space<vmem>> -> memref<1x128xi32, #tpu.memory_space<vmem>>
    %dma_start3A_1271 = tpu.memref_squeeze %dma_start3A_1270 : memref<1x128xi32, #tpu.memory_space<vmem>> -> memref<128xi32, #tpu.memory_space<vmem>>
    %dma_start3A_1272 = arith.constant 0 : i32
    %dma_start3A_1273 = tpu.memref_slice %arg6[%dma_start3A_1272] : memref<100000xf32, #tpu.memory_space<vmem_shared>> -> memref<100000xf32, #tpu.memory_space<vmem_shared>>
    tpu.enqueue_indirect_dma source(%dma_start3A_1273 : memref<100000xf32, #tpu.memory_space<vmem_shared>>) target(%dma_start3A_1268 : memref<128xf32, #tpu.memory_space<vmem>>) offsets(%dma_start3A_1271 : memref<128xi32, #tpu.memory_space<vmem>>) semaphore(%arg15 : memref<!tpu.dma_semaphore, #tpu.memory_space<semaphore_mem>>)
    %dma_start3A_1274 = arith.constant 20 : i32
    %dma_start3A_1275 = arith.constant 20 : i32
    %dma_start3A_1276 = arith.constant 0 : i32
    %dma_start3A_1277 = tpu.memref_slice %arg8[%dma_start3A_1275, %dma_start3A_1276] : memref<52x128xf32, #tpu.memory_space<vmem>> -> memref<1x128xf32, #tpu.memory_space<vmem>>
    %dma_start3A_1278 = tpu.memref_squeeze %dma_start3A_1277 : memref<1x128xf32, #tpu.memory_space<vmem>> -> memref<128xf32, #tpu.memory_space<vmem>>
    %dma_start3A_1279 = arith.constant 0 : i32
    %dma_start3A_1280 = tpu.memref_slice %arg7[%dma_start3A_1274, %dma_start3A_1279] : memref<52x128xi32, #tpu.memory_space<vmem>> -> memref<1x128xi32, #tpu.memory_space<vmem>>
    %dma_start3A_1281 = tpu.memref_squeeze %dma_start3A_1280 : memref<1x128xi32, #tpu.memory_space<vmem>> -> memref<128xi32, #tpu.memory_space<vmem>>
    %dma_start3A_1282 = arith.constant 0 : i32
    %dma_start3A_1283 = tpu.memref_slice %arg6[%dma_start3A_1282] : memref<100000xf32, #tpu.memory_space<vmem_shared>> -> memref<100000xf32, #tpu.memory_space<vmem_shared>>
    tpu.enqueue_indirect_dma source(%dma_start3A_1283 : memref<100000xf32, #tpu.memory_space<vmem_shared>>) target(%dma_start3A_1278 : memref<128xf32, #tpu.memory_space<vmem>>) offsets(%dma_start3A_1281 : memref<128xi32, #tpu.memory_space<vmem>>) semaphore(%arg15 : memref<!tpu.dma_semaphore, #tpu.memory_space<semaphore_mem>>)
    %dma_start3A_1284 = arith.constant 21 : i32
    %dma_start3A_1285 = arith.constant 21 : i32
    %dma_start3A_1286 = arith.constant 0 : i32
    %dma_start3A_1287 = tpu.memref_slice %arg8[%dma_start3A_1285, %dma_start3A_1286] : memref<52x128xf32, #tpu.memory_space<vmem>> -> memref<1x128xf32, #tpu.memory_space<vmem>>
    %dma_start3A_1288 = tpu.memref_squeeze %dma_start3A_1287 : memref<1x128xf32, #tpu.memory_space<vmem>> -> memref<128xf32, #tpu.memory_space<vmem>>
    %dma_start3A_1289 = arith.constant 0 : i32
    %dma_start3A_1290 = tpu.memref_slice %arg7[%dma_start3A_1284, %dma_start3A_1289] : memref<52x128xi32, #tpu.memory_space<vmem>> -> memref<1x128xi32, #tpu.memory_space<vmem>>
    %dma_start3A_1291 = tpu.memref_squeeze %dma_start3A_1290 : memref<1x128xi32, #tpu.memory_space<vmem>> -> memref<128xi32, #tpu.memory_space<vmem>>
    %dma_start3A_1292 = arith.constant 0 : i32
    %dma_start3A_1293 = tpu.memref_slice %arg6[%dma_start3A_1292] : memref<100000xf32, #tpu.memory_space<vmem_shared>> -> memref<100000xf32, #tpu.memory_space<vmem_shared>>
    tpu.enqueue_indirect_dma source(%dma_start3A_1293 : memref<100000xf32, #tpu.memory_space<vmem_shared>>) target(%dma_start3A_1288 : memref<128xf32, #tpu.memory_space<vmem>>) offsets(%dma_start3A_1291 : memref<128xi32, #tpu.memory_space<vmem>>) semaphore(%arg15 : memref<!tpu.dma_semaphore, #tpu.memory_space<semaphore_mem>>)
    %dma_start3A_1294 = arith.constant 22 : i32
    %dma_start3A_1295 = arith.constant 22 : i32
    %dma_start3A_1296 = arith.constant 0 : i32
    %dma_start3A_1297 = tpu.memref_slice %arg8[%dma_start3A_1295, %dma_start3A_1296] : memref<52x128xf32, #tpu.memory_space<vmem>> -> memref<1x128xf32, #tpu.memory_space<vmem>>
    %dma_start3A_1298 = tpu.memref_squeeze %dma_start3A_1297 : memref<1x128xf32, #tpu.memory_space<vmem>> -> memref<128xf32, #tpu.memory_space<vmem>>
    %dma_start3A_1299 = arith.constant 0 : i32
    %dma_start3A_1300 = tpu.memref_slice %arg7[%dma_start3A_1294, %dma_start3A_1299] : memref<52x128xi32, #tpu.memory_space<vmem>> -> memref<1x128xi32, #tpu.memory_space<vmem>>
    %dma_start3A_1301 = tpu.memref_squeeze %dma_start3A_1300 : memref<1x128xi32, #tpu.memory_space<vmem>> -> memref<128xi32, #tpu.memory_space<vmem>>
    %dma_start3A_1302 = arith.constant 0 : i32
    %dma_start3A_1303 = tpu.memref_slice %arg6[%dma_start3A_1302] : memref<100000xf32, #tpu.memory_space<vmem_shared>> -> memref<100000xf32, #tpu.memory_space<vmem_shared>>
    tpu.enqueue_indirect_dma source(%dma_start3A_1303 : memref<100000xf32, #tpu.memory_space<vmem_shared>>) target(%dma_start3A_1298 : memref<128xf32, #tpu.memory_space<vmem>>) offsets(%dma_start3A_1301 : memref<128xi32, #tpu.memory_space<vmem>>) semaphore(%arg15 : memref<!tpu.dma_semaphore, #tpu.memory_space<semaphore_mem>>)
    %dma_start3A_1304 = arith.constant 23 : i32
    %dma_start3A_1305 = arith.constant 23 : i32
    %dma_start3A_1306 = arith.constant 0 : i32
    %dma_start3A_1307 = tpu.memref_slice %arg8[%dma_start3A_1305, %dma_start3A_1306] : memref<52x128xf32, #tpu.memory_space<vmem>> -> memref<1x128xf32, #tpu.memory_space<vmem>>
    %dma_start3A_1308 = tpu.memref_squeeze %dma_start3A_1307 : memref<1x128xf32, #tpu.memory_space<vmem>> -> memref<128xf32, #tpu.memory_space<vmem>>
    %dma_start3A_1309 = arith.constant 0 : i32
    %dma_start3A_1310 = tpu.memref_slice %arg7[%dma_start3A_1304, %dma_start3A_1309] : memref<52x128xi32, #tpu.memory_space<vmem>> -> memref<1x128xi32, #tpu.memory_space<vmem>>
    %dma_start3A_1311 = tpu.memref_squeeze %dma_start3A_1310 : memref<1x128xi32, #tpu.memory_space<vmem>> -> memref<128xi32, #tpu.memory_space<vmem>>
    %dma_start3A_1312 = arith.constant 0 : i32
    %dma_start3A_1313 = tpu.memref_slice %arg6[%dma_start3A_1312] : memref<100000xf32, #tpu.memory_space<vmem_shared>> -> memref<100000xf32, #tpu.memory_space<vmem_shared>>
    tpu.enqueue_indirect_dma source(%dma_start3A_1313 : memref<100000xf32, #tpu.memory_space<vmem_shared>>) target(%dma_start3A_1308 : memref<128xf32, #tpu.memory_space<vmem>>) offsets(%dma_start3A_1311 : memref<128xi32, #tpu.memory_space<vmem>>) semaphore(%arg15 : memref<!tpu.dma_semaphore, #tpu.memory_space<semaphore_mem>>)
    %dma_start3A_1314 = arith.constant 24 : i32
    %dma_start3A_1315 = arith.constant 24 : i32
    %dma_start3A_1316 = arith.constant 0 : i32
    %dma_start3A_1317 = tpu.memref_slice %arg8[%dma_start3A_1315, %dma_start3A_1316] : memref<52x128xf32, #tpu.memory_space<vmem>> -> memref<1x128xf32, #tpu.memory_space<vmem>>
    %dma_start3A_1318 = tpu.memref_squeeze %dma_start3A_1317 : memref<1x128xf32, #tpu.memory_space<vmem>> -> memref<128xf32, #tpu.memory_space<vmem>>
    %dma_start3A_1319 = arith.constant 0 : i32
    %dma_start3A_1320 = tpu.memref_slice %arg7[%dma_start3A_1314, %dma_start3A_1319] : memref<52x128xi32, #tpu.memory_space<vmem>> -> memref<1x128xi32, #tpu.memory_space<vmem>>
    %dma_start3A_1321 = tpu.memref_squeeze %dma_start3A_1320 : memref<1x128xi32, #tpu.memory_space<vmem>> -> memref<128xi32, #tpu.memory_space<vmem>>
    %dma_start3A_1322 = arith.constant 0 : i32
    %dma_start3A_1323 = tpu.memref_slice %arg6[%dma_start3A_1322] : memref<100000xf32, #tpu.memory_space<vmem_shared>> -> memref<100000xf32, #tpu.memory_space<vmem_shared>>
    tpu.enqueue_indirect_dma source(%dma_start3A_1323 : memref<100000xf32, #tpu.memory_space<vmem_shared>>) target(%dma_start3A_1318 : memref<128xf32, #tpu.memory_space<vmem>>) offsets(%dma_start3A_1321 : memref<128xi32, #tpu.memory_space<vmem>>) semaphore(%arg15 : memref<!tpu.dma_semaphore, #tpu.memory_space<semaphore_mem>>)
    %dma_start3A_1324 = arith.constant 25 : i32
    %dma_start3A_1325 = arith.constant 25 : i32
    %dma_start3A_1326 = arith.constant 0 : i32
    %dma_start3A_1327 = tpu.memref_slice %arg8[%dma_start3A_1325, %dma_start3A_1326] : memref<52x128xf32, #tpu.memory_space<vmem>> -> memref<1x128xf32, #tpu.memory_space<vmem>>
    %dma_start3A_1328 = tpu.memref_squeeze %dma_start3A_1327 : memref<1x128xf32, #tpu.memory_space<vmem>> -> memref<128xf32, #tpu.memory_space<vmem>>
    %dma_start3A_1329 = arith.constant 0 : i32
    %dma_start3A_1330 = tpu.memref_slice %arg7[%dma_start3A_1324, %dma_start3A_1329] : memref<52x128xi32, #tpu.memory_space<vmem>> -> memref<1x128xi32, #tpu.memory_space<vmem>>
    %dma_start3A_1331 = tpu.memref_squeeze %dma_start3A_1330 : memref<1x128xi32, #tpu.memory_space<vmem>> -> memref<128xi32, #tpu.memory_space<vmem>>
    %dma_start3A_1332 = arith.constant 0 : i32
    %dma_start3A_1333 = tpu.memref_slice %arg6[%dma_start3A_1332] : memref<100000xf32, #tpu.memory_space<vmem_shared>> -> memref<100000xf32, #tpu.memory_space<vmem_shared>>
    tpu.enqueue_indirect_dma source(%dma_start3A_1333 : memref<100000xf32, #tpu.memory_space<vmem_shared>>) target(%dma_start3A_1328 : memref<128xf32, #tpu.memory_space<vmem>>) offsets(%dma_start3A_1331 : memref<128xi32, #tpu.memory_space<vmem>>) semaphore(%arg15 : memref<!tpu.dma_semaphore, #tpu.memory_space<semaphore_mem>>)
    %dma_start3A_1334 = arith.constant 26 : i32
    %dma_start3A_1335 = arith.constant 26 : i32
    %dma_start3A_1336 = arith.constant 0 : i32
    %dma_start3A_1337 = tpu.memref_slice %arg8[%dma_start3A_1335, %dma_start3A_1336] : memref<52x128xf32, #tpu.memory_space<vmem>> -> memref<1x128xf32, #tpu.memory_space<vmem>>
    %dma_start3A_1338 = tpu.memref_squeeze %dma_start3A_1337 : memref<1x128xf32, #tpu.memory_space<vmem>> -> memref<128xf32, #tpu.memory_space<vmem>>
    %dma_start3A_1339 = arith.constant 0 : i32
    %dma_start3A_1340 = tpu.memref_slice %arg7[%dma_start3A_1334, %dma_start3A_1339] : memref<52x128xi32, #tpu.memory_space<vmem>> -> memref<1x128xi32, #tpu.memory_space<vmem>>
    %dma_start3A_1341 = tpu.memref_squeeze %dma_start3A_1340 : memref<1x128xi32, #tpu.memory_space<vmem>> -> memref<128xi32, #tpu.memory_space<vmem>>
    %dma_start3A_1342 = arith.constant 0 : i32
    %dma_start3A_1343 = tpu.memref_slice %arg6[%dma_start3A_1342] : memref<100000xf32, #tpu.memory_space<vmem_shared>> -> memref<100000xf32, #tpu.memory_space<vmem_shared>>
    tpu.enqueue_indirect_dma source(%dma_start3A_1343 : memref<100000xf32, #tpu.memory_space<vmem_shared>>) target(%dma_start3A_1338 : memref<128xf32, #tpu.memory_space<vmem>>) offsets(%dma_start3A_1341 : memref<128xi32, #tpu.memory_space<vmem>>) semaphore(%arg15 : memref<!tpu.dma_semaphore, #tpu.memory_space<semaphore_mem>>)
    %dma_start3A_1344 = arith.constant 27 : i32
    %dma_start3A_1345 = arith.constant 27 : i32
    %dma_start3A_1346 = arith.constant 0 : i32
    %dma_start3A_1347 = tpu.memref_slice %arg8[%dma_start3A_1345, %dma_start3A_1346] : memref<52x128xf32, #tpu.memory_space<vmem>> -> memref<1x128xf32, #tpu.memory_space<vmem>>
    %dma_start3A_1348 = tpu.memref_squeeze %dma_start3A_1347 : memref<1x128xf32, #tpu.memory_space<vmem>> -> memref<128xf32, #tpu.memory_space<vmem>>
    %dma_start3A_1349 = arith.constant 0 : i32
    %dma_start3A_1350 = tpu.memref_slice %arg7[%dma_start3A_1344, %dma_start3A_1349] : memref<52x128xi32, #tpu.memory_space<vmem>> -> memref<1x128xi32, #tpu.memory_space<vmem>>
    %dma_start3A_1351 = tpu.memref_squeeze %dma_start3A_1350 : memref<1x128xi32, #tpu.memory_space<vmem>> -> memref<128xi32, #tpu.memory_space<vmem>>
    %dma_start3A_1352 = arith.constant 0 : i32
    %dma_start3A_1353 = tpu.memref_slice %arg6[%dma_start3A_1352] : memref<100000xf32, #tpu.memory_space<vmem_shared>> -> memref<100000xf32, #tpu.memory_space<vmem_shared>>
    tpu.enqueue_indirect_dma source(%dma_start3A_1353 : memref<100000xf32, #tpu.memory_space<vmem_shared>>) target(%dma_start3A_1348 : memref<128xf32, #tpu.memory_space<vmem>>) offsets(%dma_start3A_1351 : memref<128xi32, #tpu.memory_space<vmem>>) semaphore(%arg15 : memref<!tpu.dma_semaphore, #tpu.memory_space<semaphore_mem>>)
    %dma_start3A_1354 = arith.constant 28 : i32
    %dma_start3A_1355 = arith.constant 28 : i32
    %dma_start3A_1356 = arith.constant 0 : i32
    %dma_start3A_1357 = tpu.memref_slice %arg8[%dma_start3A_1355, %dma_start3A_1356] : memref<52x128xf32, #tpu.memory_space<vmem>> -> memref<1x128xf32, #tpu.memory_space<vmem>>
    %dma_start3A_1358 = tpu.memref_squeeze %dma_start3A_1357 : memref<1x128xf32, #tpu.memory_space<vmem>> -> memref<128xf32, #tpu.memory_space<vmem>>
    %dma_start3A_1359 = arith.constant 0 : i32
    %dma_start3A_1360 = tpu.memref_slice %arg7[%dma_start3A_1354, %dma_start3A_1359] : memref<52x128xi32, #tpu.memory_space<vmem>> -> memref<1x128xi32, #tpu.memory_space<vmem>>
    %dma_start3A_1361 = tpu.memref_squeeze %dma_start3A_1360 : memref<1x128xi32, #tpu.memory_space<vmem>> -> memref<128xi32, #tpu.memory_space<vmem>>
    %dma_start3A_1362 = arith.constant 0 : i32
    %dma_start3A_1363 = tpu.memref_slice %arg6[%dma_start3A_1362] : memref<100000xf32, #tpu.memory_space<vmem_shared>> -> memref<100000xf32, #tpu.memory_space<vmem_shared>>
    tpu.enqueue_indirect_dma source(%dma_start3A_1363 : memref<100000xf32, #tpu.memory_space<vmem_shared>>) target(%dma_start3A_1358 : memref<128xf32, #tpu.memory_space<vmem>>) offsets(%dma_start3A_1361 : memref<128xi32, #tpu.memory_space<vmem>>) semaphore(%arg15 : memref<!tpu.dma_semaphore, #tpu.memory_space<semaphore_mem>>)
    %dma_start3A_1364 = arith.constant 29 : i32
    %dma_start3A_1365 = arith.constant 29 : i32
    %dma_start3A_1366 = arith.constant 0 : i32
    %dma_start3A_1367 = tpu.memref_slice %arg8[%dma_start3A_1365, %dma_start3A_1366] : memref<52x128xf32, #tpu.memory_space<vmem>> -> memref<1x128xf32, #tpu.memory_space<vmem>>
    %dma_start3A_1368 = tpu.memref_squeeze %dma_start3A_1367 : memref<1x128xf32, #tpu.memory_space<vmem>> -> memref<128xf32, #tpu.memory_space<vmem>>
    %dma_start3A_1369 = arith.constant 0 : i32
    %dma_start3A_1370 = tpu.memref_slice %arg7[%dma_start3A_1364, %dma_start3A_1369] : memref<52x128xi32, #tpu.memory_space<vmem>> -> memref<1x128xi32, #tpu.memory_space<vmem>>
    %dma_start3A_1371 = tpu.memref_squeeze %dma_start3A_1370 : memref<1x128xi32, #tpu.memory_space<vmem>> -> memref<128xi32, #tpu.memory_space<vmem>>
    %dma_start3A_1372 = arith.constant 0 : i32
    %dma_start3A_1373 = tpu.memref_slice %arg6[%dma_start3A_1372] : memref<100000xf32, #tpu.memory_space<vmem_shared>> -> memref<100000xf32, #tpu.memory_space<vmem_shared>>
    tpu.enqueue_indirect_dma source(%dma_start3A_1373 : memref<100000xf32, #tpu.memory_space<vmem_shared>>) target(%dma_start3A_1368 : memref<128xf32, #tpu.memory_space<vmem>>) offsets(%dma_start3A_1371 : memref<128xi32, #tpu.memory_space<vmem>>) semaphore(%arg15 : memref<!tpu.dma_semaphore, #tpu.memory_space<semaphore_mem>>)
    %dma_start3A_1374 = arith.constant 30 : i32
    %dma_start3A_1375 = arith.constant 30 : i32
    %dma_start3A_1376 = arith.constant 0 : i32
    %dma_start3A_1377 = tpu.memref_slice %arg8[%dma_start3A_1375, %dma_start3A_1376] : memref<52x128xf32, #tpu.memory_space<vmem>> -> memref<1x128xf32, #tpu.memory_space<vmem>>
    %dma_start3A_1378 = tpu.memref_squeeze %dma_start3A_1377 : memref<1x128xf32, #tpu.memory_space<vmem>> -> memref<128xf32, #tpu.memory_space<vmem>>
    %dma_start3A_1379 = arith.constant 0 : i32
    %dma_start3A_1380 = tpu.memref_slice %arg7[%dma_start3A_1374, %dma_start3A_1379] : memref<52x128xi32, #tpu.memory_space<vmem>> -> memref<1x128xi32, #tpu.memory_space<vmem>>
    %dma_start3A_1381 = tpu.memref_squeeze %dma_start3A_1380 : memref<1x128xi32, #tpu.memory_space<vmem>> -> memref<128xi32, #tpu.memory_space<vmem>>
    %dma_start3A_1382 = arith.constant 0 : i32
    %dma_start3A_1383 = tpu.memref_slice %arg6[%dma_start3A_1382] : memref<100000xf32, #tpu.memory_space<vmem_shared>> -> memref<100000xf32, #tpu.memory_space<vmem_shared>>
    tpu.enqueue_indirect_dma source(%dma_start3A_1383 : memref<100000xf32, #tpu.memory_space<vmem_shared>>) target(%dma_start3A_1378 : memref<128xf32, #tpu.memory_space<vmem>>) offsets(%dma_start3A_1381 : memref<128xi32, #tpu.memory_space<vmem>>) semaphore(%arg15 : memref<!tpu.dma_semaphore, #tpu.memory_space<semaphore_mem>>)
    %dma_start3A_1384 = arith.constant 31 : i32
    %dma_start3A_1385 = arith.constant 31 : i32
    %dma_start3A_1386 = arith.constant 0 : i32
    %dma_start3A_1387 = tpu.memref_slice %arg8[%dma_start3A_1385, %dma_start3A_1386] : memref<52x128xf32, #tpu.memory_space<vmem>> -> memref<1x128xf32, #tpu.memory_space<vmem>>
    %dma_start3A_1388 = tpu.memref_squeeze %dma_start3A_1387 : memref<1x128xf32, #tpu.memory_space<vmem>> -> memref<128xf32, #tpu.memory_space<vmem>>
    %dma_start3A_1389 = arith.constant 0 : i32
    %dma_start3A_1390 = tpu.memref_slice %arg7[%dma_start3A_1384, %dma_start3A_1389] : memref<52x128xi32, #tpu.memory_space<vmem>> -> memref<1x128xi32, #tpu.memory_space<vmem>>
    %dma_start3A_1391 = tpu.memref_squeeze %dma_start3A_1390 : memref<1x128xi32, #tpu.memory_space<vmem>> -> memref<128xi32, #tpu.memory_space<vmem>>
    %dma_start3A_1392 = arith.constant 0 : i32
    %dma_start3A_1393 = tpu.memref_slice %arg6[%dma_start3A_1392] : memref<100000xf32, #tpu.memory_space<vmem_shared>> -> memref<100000xf32, #tpu.memory_space<vmem_shared>>
    tpu.enqueue_indirect_dma source(%dma_start3A_1393 : memref<100000xf32, #tpu.memory_space<vmem_shared>>) target(%dma_start3A_1388 : memref<128xf32, #tpu.memory_space<vmem>>) offsets(%dma_start3A_1391 : memref<128xi32, #tpu.memory_space<vmem>>) semaphore(%arg15 : memref<!tpu.dma_semaphore, #tpu.memory_space<semaphore_mem>>)
    %dma_start3A_1394 = arith.constant 32 : i32
    %dma_start3A_1395 = arith.constant 32 : i32
    %dma_start3A_1396 = arith.constant 0 : i32
    %dma_start3A_1397 = tpu.memref_slice %arg8[%dma_start3A_1395, %dma_start3A_1396] : memref<52x128xf32, #tpu.memory_space<vmem>> -> memref<1x128xf32, #tpu.memory_space<vmem>>
    %dma_start3A_1398 = tpu.memref_squeeze %dma_start3A_1397 : memref<1x128xf32, #tpu.memory_space<vmem>> -> memref<128xf32, #tpu.memory_space<vmem>>
    %dma_start3A_1399 = arith.constant 0 : i32
    %dma_start3A_1400 = tpu.memref_slice %arg7[%dma_start3A_1394, %dma_start3A_1399] : memref<52x128xi32, #tpu.memory_space<vmem>> -> memref<1x128xi32, #tpu.memory_space<vmem>>
    %dma_start3A_1401 = tpu.memref_squeeze %dma_start3A_1400 : memref<1x128xi32, #tpu.memory_space<vmem>> -> memref<128xi32, #tpu.memory_space<vmem>>
    %dma_start3A_1402 = arith.constant 0 : i32
    %dma_start3A_1403 = tpu.memref_slice %arg6[%dma_start3A_1402] : memref<100000xf32, #tpu.memory_space<vmem_shared>> -> memref<100000xf32, #tpu.memory_space<vmem_shared>>
    tpu.enqueue_indirect_dma source(%dma_start3A_1403 : memref<100000xf32, #tpu.memory_space<vmem_shared>>) target(%dma_start3A_1398 : memref<128xf32, #tpu.memory_space<vmem>>) offsets(%dma_start3A_1401 : memref<128xi32, #tpu.memory_space<vmem>>) semaphore(%arg15 : memref<!tpu.dma_semaphore, #tpu.memory_space<semaphore_mem>>)
    %dma_start3A_1404 = arith.constant 33 : i32
    %dma_start3A_1405 = arith.constant 33 : i32
    %dma_start3A_1406 = arith.constant 0 : i32
    %dma_start3A_1407 = tpu.memref_slice %arg8[%dma_start3A_1405, %dma_start3A_1406] : memref<52x128xf32, #tpu.memory_space<vmem>> -> memref<1x128xf32, #tpu.memory_space<vmem>>
    %dma_start3A_1408 = tpu.memref_squeeze %dma_start3A_1407 : memref<1x128xf32, #tpu.memory_space<vmem>> -> memref<128xf32, #tpu.memory_space<vmem>>
    %dma_start3A_1409 = arith.constant 0 : i32
    %dma_start3A_1410 = tpu.memref_slice %arg7[%dma_start3A_1404, %dma_start3A_1409] : memref<52x128xi32, #tpu.memory_space<vmem>> -> memref<1x128xi32, #tpu.memory_space<vmem>>
    %dma_start3A_1411 = tpu.memref_squeeze %dma_start3A_1410 : memref<1x128xi32, #tpu.memory_space<vmem>> -> memref<128xi32, #tpu.memory_space<vmem>>
    %dma_start3A_1412 = arith.constant 0 : i32
    %dma_start3A_1413 = tpu.memref_slice %arg6[%dma_start3A_1412] : memref<100000xf32, #tpu.memory_space<vmem_shared>> -> memref<100000xf32, #tpu.memory_space<vmem_shared>>
    tpu.enqueue_indirect_dma source(%dma_start3A_1413 : memref<100000xf32, #tpu.memory_space<vmem_shared>>) target(%dma_start3A_1408 : memref<128xf32, #tpu.memory_space<vmem>>) offsets(%dma_start3A_1411 : memref<128xi32, #tpu.memory_space<vmem>>) semaphore(%arg15 : memref<!tpu.dma_semaphore, #tpu.memory_space<semaphore_mem>>)
    %dma_start3A_1414 = arith.constant 34 : i32
    %dma_start3A_1415 = arith.constant 34 : i32
    %dma_start3A_1416 = arith.constant 0 : i32
    %dma_start3A_1417 = tpu.memref_slice %arg8[%dma_start3A_1415, %dma_start3A_1416] : memref<52x128xf32, #tpu.memory_space<vmem>> -> memref<1x128xf32, #tpu.memory_space<vmem>>
    %dma_start3A_1418 = tpu.memref_squeeze %dma_start3A_1417 : memref<1x128xf32, #tpu.memory_space<vmem>> -> memref<128xf32, #tpu.memory_space<vmem>>
    %dma_start3A_1419 = arith.constant 0 : i32
    %dma_start3A_1420 = tpu.memref_slice %arg7[%dma_start3A_1414, %dma_start3A_1419] : memref<52x128xi32, #tpu.memory_space<vmem>> -> memref<1x128xi32, #tpu.memory_space<vmem>>
    %dma_start3A_1421 = tpu.memref_squeeze %dma_start3A_1420 : memref<1x128xi32, #tpu.memory_space<vmem>> -> memref<128xi32, #tpu.memory_space<vmem>>
    %dma_start3A_1422 = arith.constant 0 : i32
    %dma_start3A_1423 = tpu.memref_slice %arg6[%dma_start3A_1422] : memref<100000xf32, #tpu.memory_space<vmem_shared>> -> memref<100000xf32, #tpu.memory_space<vmem_shared>>
    tpu.enqueue_indirect_dma source(%dma_start3A_1423 : memref<100000xf32, #tpu.memory_space<vmem_shared>>) target(%dma_start3A_1418 : memref<128xf32, #tpu.memory_space<vmem>>) offsets(%dma_start3A_1421 : memref<128xi32, #tpu.memory_space<vmem>>) semaphore(%arg15 : memref<!tpu.dma_semaphore, #tpu.memory_space<semaphore_mem>>)
    %dma_start3A_1424 = arith.constant 35 : i32
    %dma_start3A_1425 = arith.constant 35 : i32
    %dma_start3A_1426 = arith.constant 0 : i32
    %dma_start3A_1427 = tpu.memref_slice %arg8[%dma_start3A_1425, %dma_start3A_1426] : memref<52x128xf32, #tpu.memory_space<vmem>> -> memref<1x128xf32, #tpu.memory_space<vmem>>
    %dma_start3A_1428 = tpu.memref_squeeze %dma_start3A_1427 : memref<1x128xf32, #tpu.memory_space<vmem>> -> memref<128xf32, #tpu.memory_space<vmem>>
    %dma_start3A_1429 = arith.constant 0 : i32
    %dma_start3A_1430 = tpu.memref_slice %arg7[%dma_start3A_1424, %dma_start3A_1429] : memref<52x128xi32, #tpu.memory_space<vmem>> -> memref<1x128xi32, #tpu.memory_space<vmem>>
    %dma_start3A_1431 = tpu.memref_squeeze %dma_start3A_1430 : memref<1x128xi32, #tpu.memory_space<vmem>> -> memref<128xi32, #tpu.memory_space<vmem>>
    %dma_start3A_1432 = arith.constant 0 : i32
    %dma_start3A_1433 = tpu.memref_slice %arg6[%dma_start3A_1432] : memref<100000xf32, #tpu.memory_space<vmem_shared>> -> memref<100000xf32, #tpu.memory_space<vmem_shared>>
    tpu.enqueue_indirect_dma source(%dma_start3A_1433 : memref<100000xf32, #tpu.memory_space<vmem_shared>>) target(%dma_start3A_1428 : memref<128xf32, #tpu.memory_space<vmem>>) offsets(%dma_start3A_1431 : memref<128xi32, #tpu.memory_space<vmem>>) semaphore(%arg15 : memref<!tpu.dma_semaphore, #tpu.memory_space<semaphore_mem>>)
    %dma_start3A_1434 = arith.constant 36 : i32
    %dma_start3A_1435 = arith.constant 36 : i32
    %dma_start3A_1436 = arith.constant 0 : i32
    %dma_start3A_1437 = tpu.memref_slice %arg8[%dma_start3A_1435, %dma_start3A_1436] : memref<52x128xf32, #tpu.memory_space<vmem>> -> memref<1x128xf32, #tpu.memory_space<vmem>>
    %dma_start3A_1438 = tpu.memref_squeeze %dma_start3A_1437 : memref<1x128xf32, #tpu.memory_space<vmem>> -> memref<128xf32, #tpu.memory_space<vmem>>
    %dma_start3A_1439 = arith.constant 0 : i32
    %dma_start3A_1440 = tpu.memref_slice %arg7[%dma_start3A_1434, %dma_start3A_1439] : memref<52x128xi32, #tpu.memory_space<vmem>> -> memref<1x128xi32, #tpu.memory_space<vmem>>
    %dma_start3A_1441 = tpu.memref_squeeze %dma_start3A_1440 : memref<1x128xi32, #tpu.memory_space<vmem>> -> memref<128xi32, #tpu.memory_space<vmem>>
    %dma_start3A_1442 = arith.constant 0 : i32
    %dma_start3A_1443 = tpu.memref_slice %arg6[%dma_start3A_1442] : memref<100000xf32, #tpu.memory_space<vmem_shared>> -> memref<100000xf32, #tpu.memory_space<vmem_shared>>
    tpu.enqueue_indirect_dma source(%dma_start3A_1443 : memref<100000xf32, #tpu.memory_space<vmem_shared>>) target(%dma_start3A_1438 : memref<128xf32, #tpu.memory_space<vmem>>) offsets(%dma_start3A_1441 : memref<128xi32, #tpu.memory_space<vmem>>) semaphore(%arg15 : memref<!tpu.dma_semaphore, #tpu.memory_space<semaphore_mem>>)
    %dma_start3A_1444 = arith.constant 37 : i32
    %dma_start3A_1445 = arith.constant 37 : i32
    %dma_start3A_1446 = arith.constant 0 : i32
    %dma_start3A_1447 = tpu.memref_slice %arg8[%dma_start3A_1445, %dma_start3A_1446] : memref<52x128xf32, #tpu.memory_space<vmem>> -> memref<1x128xf32, #tpu.memory_space<vmem>>
    %dma_start3A_1448 = tpu.memref_squeeze %dma_start3A_1447 : memref<1x128xf32, #tpu.memory_space<vmem>> -> memref<128xf32, #tpu.memory_space<vmem>>
    %dma_start3A_1449 = arith.constant 0 : i32
    %dma_start3A_1450 = tpu.memref_slice %arg7[%dma_start3A_1444, %dma_start3A_1449] : memref<52x128xi32, #tpu.memory_space<vmem>> -> memref<1x128xi32, #tpu.memory_space<vmem>>
    %dma_start3A_1451 = tpu.memref_squeeze %dma_start3A_1450 : memref<1x128xi32, #tpu.memory_space<vmem>> -> memref<128xi32, #tpu.memory_space<vmem>>
    %dma_start3A_1452 = arith.constant 0 : i32
    %dma_start3A_1453 = tpu.memref_slice %arg6[%dma_start3A_1452] : memref<100000xf32, #tpu.memory_space<vmem_shared>> -> memref<100000xf32, #tpu.memory_space<vmem_shared>>
    tpu.enqueue_indirect_dma source(%dma_start3A_1453 : memref<100000xf32, #tpu.memory_space<vmem_shared>>) target(%dma_start3A_1448 : memref<128xf32, #tpu.memory_space<vmem>>) offsets(%dma_start3A_1451 : memref<128xi32, #tpu.memory_space<vmem>>) semaphore(%arg15 : memref<!tpu.dma_semaphore, #tpu.memory_space<semaphore_mem>>)
    %dma_start3A_1454 = arith.constant 38 : i32
    %dma_start3A_1455 = arith.constant 38 : i32
    %dma_start3A_1456 = arith.constant 0 : i32
    %dma_start3A_1457 = tpu.memref_slice %arg8[%dma_start3A_1455, %dma_start3A_1456] : memref<52x128xf32, #tpu.memory_space<vmem>> -> memref<1x128xf32, #tpu.memory_space<vmem>>
    %dma_start3A_1458 = tpu.memref_squeeze %dma_start3A_1457 : memref<1x128xf32, #tpu.memory_space<vmem>> -> memref<128xf32, #tpu.memory_space<vmem>>
    %dma_start3A_1459 = arith.constant 0 : i32
    %dma_start3A_1460 = tpu.memref_slice %arg7[%dma_start3A_1454, %dma_start3A_1459] : memref<52x128xi32, #tpu.memory_space<vmem>> -> memref<1x128xi32, #tpu.memory_space<vmem>>
    %dma_start3A_1461 = tpu.memref_squeeze %dma_start3A_1460 : memref<1x128xi32, #tpu.memory_space<vmem>> -> memref<128xi32, #tpu.memory_space<vmem>>
    %dma_start3A_1462 = arith.constant 0 : i32
    %dma_start3A_1463 = tpu.memref_slice %arg6[%dma_start3A_1462] : memref<100000xf32, #tpu.memory_space<vmem_shared>> -> memref<100000xf32, #tpu.memory_space<vmem_shared>>
    tpu.enqueue_indirect_dma source(%dma_start3A_1463 : memref<100000xf32, #tpu.memory_space<vmem_shared>>) target(%dma_start3A_1458 : memref<128xf32, #tpu.memory_space<vmem>>) offsets(%dma_start3A_1461 : memref<128xi32, #tpu.memory_space<vmem>>) semaphore(%arg15 : memref<!tpu.dma_semaphore, #tpu.memory_space<semaphore_mem>>)
    %dma_start3A_1464 = arith.constant 39 : i32
    %dma_start3A_1465 = arith.constant 39 : i32
    %dma_start3A_1466 = arith.constant 0 : i32
    %dma_start3A_1467 = tpu.memref_slice %arg8[%dma_start3A_1465, %dma_start3A_1466] : memref<52x128xf32, #tpu.memory_space<vmem>> -> memref<1x128xf32, #tpu.memory_space<vmem>>
    %dma_start3A_1468 = tpu.memref_squeeze %dma_start3A_1467 : memref<1x128xf32, #tpu.memory_space<vmem>> -> memref<128xf32, #tpu.memory_space<vmem>>
    %dma_start3A_1469 = arith.constant 0 : i32
    %dma_start3A_1470 = tpu.memref_slice %arg7[%dma_start3A_1464, %dma_start3A_1469] : memref<52x128xi32, #tpu.memory_space<vmem>> -> memref<1x128xi32, #tpu.memory_space<vmem>>
    %dma_start3A_1471 = tpu.memref_squeeze %dma_start3A_1470 : memref<1x128xi32, #tpu.memory_space<vmem>> -> memref<128xi32, #tpu.memory_space<vmem>>
    %dma_start3A_1472 = arith.constant 0 : i32
    %dma_start3A_1473 = tpu.memref_slice %arg6[%dma_start3A_1472] : memref<100000xf32, #tpu.memory_space<vmem_shared>> -> memref<100000xf32, #tpu.memory_space<vmem_shared>>
    tpu.enqueue_indirect_dma source(%dma_start3A_1473 : memref<100000xf32, #tpu.memory_space<vmem_shared>>) target(%dma_start3A_1468 : memref<128xf32, #tpu.memory_space<vmem>>) offsets(%dma_start3A_1471 : memref<128xi32, #tpu.memory_space<vmem>>) semaphore(%arg15 : memref<!tpu.dma_semaphore, #tpu.memory_space<semaphore_mem>>)
    %dma_start3A_1474 = arith.constant 40 : i32
    %dma_start3A_1475 = arith.constant 40 : i32
    %dma_start3A_1476 = arith.constant 0 : i32
    %dma_start3A_1477 = tpu.memref_slice %arg8[%dma_start3A_1475, %dma_start3A_1476] : memref<52x128xf32, #tpu.memory_space<vmem>> -> memref<1x128xf32, #tpu.memory_space<vmem>>
    %dma_start3A_1478 = tpu.memref_squeeze %dma_start3A_1477 : memref<1x128xf32, #tpu.memory_space<vmem>> -> memref<128xf32, #tpu.memory_space<vmem>>
    %dma_start3A_1479 = arith.constant 0 : i32
    %dma_start3A_1480 = tpu.memref_slice %arg7[%dma_start3A_1474, %dma_start3A_1479] : memref<52x128xi32, #tpu.memory_space<vmem>> -> memref<1x128xi32, #tpu.memory_space<vmem>>
    %dma_start3A_1481 = tpu.memref_squeeze %dma_start3A_1480 : memref<1x128xi32, #tpu.memory_space<vmem>> -> memref<128xi32, #tpu.memory_space<vmem>>
    %dma_start3A_1482 = arith.constant 0 : i32
    %dma_start3A_1483 = tpu.memref_slice %arg6[%dma_start3A_1482] : memref<100000xf32, #tpu.memory_space<vmem_shared>> -> memref<100000xf32, #tpu.memory_space<vmem_shared>>
    tpu.enqueue_indirect_dma source(%dma_start3A_1483 : memref<100000xf32, #tpu.memory_space<vmem_shared>>) target(%dma_start3A_1478 : memref<128xf32, #tpu.memory_space<vmem>>) offsets(%dma_start3A_1481 : memref<128xi32, #tpu.memory_space<vmem>>) semaphore(%arg15 : memref<!tpu.dma_semaphore, #tpu.memory_space<semaphore_mem>>)
    %dma_start3A_1484 = arith.constant 41 : i32
    %dma_start3A_1485 = arith.constant 41 : i32
    %dma_start3A_1486 = arith.constant 0 : i32
    %dma_start3A_1487 = tpu.memref_slice %arg8[%dma_start3A_1485, %dma_start3A_1486] : memref<52x128xf32, #tpu.memory_space<vmem>> -> memref<1x128xf32, #tpu.memory_space<vmem>>
    %dma_start3A_1488 = tpu.memref_squeeze %dma_start3A_1487 : memref<1x128xf32, #tpu.memory_space<vmem>> -> memref<128xf32, #tpu.memory_space<vmem>>
    %dma_start3A_1489 = arith.constant 0 : i32
    %dma_start3A_1490 = tpu.memref_slice %arg7[%dma_start3A_1484, %dma_start3A_1489] : memref<52x128xi32, #tpu.memory_space<vmem>> -> memref<1x128xi32, #tpu.memory_space<vmem>>
    %dma_start3A_1491 = tpu.memref_squeeze %dma_start3A_1490 : memref<1x128xi32, #tpu.memory_space<vmem>> -> memref<128xi32, #tpu.memory_space<vmem>>
    %dma_start3A_1492 = arith.constant 0 : i32
    %dma_start3A_1493 = tpu.memref_slice %arg6[%dma_start3A_1492] : memref<100000xf32, #tpu.memory_space<vmem_shared>> -> memref<100000xf32, #tpu.memory_space<vmem_shared>>
    tpu.enqueue_indirect_dma source(%dma_start3A_1493 : memref<100000xf32, #tpu.memory_space<vmem_shared>>) target(%dma_start3A_1488 : memref<128xf32, #tpu.memory_space<vmem>>) offsets(%dma_start3A_1491 : memref<128xi32, #tpu.memory_space<vmem>>) semaphore(%arg15 : memref<!tpu.dma_semaphore, #tpu.memory_space<semaphore_mem>>)
    %dma_start3A_1494 = arith.constant 42 : i32
    %dma_start3A_1495 = arith.constant 42 : i32
    %dma_start3A_1496 = arith.constant 0 : i32
    %dma_start3A_1497 = tpu.memref_slice %arg8[%dma_start3A_1495, %dma_start3A_1496] : memref<52x128xf32, #tpu.memory_space<vmem>> -> memref<1x128xf32, #tpu.memory_space<vmem>>
    %dma_start3A_1498 = tpu.memref_squeeze %dma_start3A_1497 : memref<1x128xf32, #tpu.memory_space<vmem>> -> memref<128xf32, #tpu.memory_space<vmem>>
    %dma_start3A_1499 = arith.constant 0 : i32
    %dma_start3A_1500 = tpu.memref_slice %arg7[%dma_start3A_1494, %dma_start3A_1499] : memref<52x128xi32, #tpu.memory_space<vmem>> -> memref<1x128xi32, #tpu.memory_space<vmem>>
    %dma_start3A_1501 = tpu.memref_squeeze %dma_start3A_1500 : memref<1x128xi32, #tpu.memory_space<vmem>> -> memref<128xi32, #tpu.memory_space<vmem>>
    %dma_start3A_1502 = arith.constant 0 : i32
    %dma_start3A_1503 = tpu.memref_slice %arg6[%dma_start3A_1502] : memref<100000xf32, #tpu.memory_space<vmem_shared>> -> memref<100000xf32, #tpu.memory_space<vmem_shared>>
    tpu.enqueue_indirect_dma source(%dma_start3A_1503 : memref<100000xf32, #tpu.memory_space<vmem_shared>>) target(%dma_start3A_1498 : memref<128xf32, #tpu.memory_space<vmem>>) offsets(%dma_start3A_1501 : memref<128xi32, #tpu.memory_space<vmem>>) semaphore(%arg15 : memref<!tpu.dma_semaphore, #tpu.memory_space<semaphore_mem>>)
    %dma_start3A_1504 = arith.constant 43 : i32
    %dma_start3A_1505 = arith.constant 43 : i32
    %dma_start3A_1506 = arith.constant 0 : i32
    %dma_start3A_1507 = tpu.memref_slice %arg8[%dma_start3A_1505, %dma_start3A_1506] : memref<52x128xf32, #tpu.memory_space<vmem>> -> memref<1x128xf32, #tpu.memory_space<vmem>>
    %dma_start3A_1508 = tpu.memref_squeeze %dma_start3A_1507 : memref<1x128xf32, #tpu.memory_space<vmem>> -> memref<128xf32, #tpu.memory_space<vmem>>
    %dma_start3A_1509 = arith.constant 0 : i32
    %dma_start3A_1510 = tpu.memref_slice %arg7[%dma_start3A_1504, %dma_start3A_1509] : memref<52x128xi32, #tpu.memory_space<vmem>> -> memref<1x128xi32, #tpu.memory_space<vmem>>
    %dma_start3A_1511 = tpu.memref_squeeze %dma_start3A_1510 : memref<1x128xi32, #tpu.memory_space<vmem>> -> memref<128xi32, #tpu.memory_space<vmem>>
    %dma_start3A_1512 = arith.constant 0 : i32
    %dma_start3A_1513 = tpu.memref_slice %arg6[%dma_start3A_1512] : memref<100000xf32, #tpu.memory_space<vmem_shared>> -> memref<100000xf32, #tpu.memory_space<vmem_shared>>
    tpu.enqueue_indirect_dma source(%dma_start3A_1513 : memref<100000xf32, #tpu.memory_space<vmem_shared>>) target(%dma_start3A_1508 : memref<128xf32, #tpu.memory_space<vmem>>) offsets(%dma_start3A_1511 : memref<128xi32, #tpu.memory_space<vmem>>) semaphore(%arg15 : memref<!tpu.dma_semaphore, #tpu.memory_space<semaphore_mem>>)
    %dma_start3A_1514 = arith.constant 44 : i32
    %dma_start3A_1515 = arith.constant 44 : i32
    %dma_start3A_1516 = arith.constant 0 : i32
    %dma_start3A_1517 = tpu.memref_slice %arg8[%dma_start3A_1515, %dma_start3A_1516] : memref<52x128xf32, #tpu.memory_space<vmem>> -> memref<1x128xf32, #tpu.memory_space<vmem>>
    %dma_start3A_1518 = tpu.memref_squeeze %dma_start3A_1517 : memref<1x128xf32, #tpu.memory_space<vmem>> -> memref<128xf32, #tpu.memory_space<vmem>>
    %dma_start3A_1519 = arith.constant 0 : i32
    %dma_start3A_1520 = tpu.memref_slice %arg7[%dma_start3A_1514, %dma_start3A_1519] : memref<52x128xi32, #tpu.memory_space<vmem>> -> memref<1x128xi32, #tpu.memory_space<vmem>>
    %dma_start3A_1521 = tpu.memref_squeeze %dma_start3A_1520 : memref<1x128xi32, #tpu.memory_space<vmem>> -> memref<128xi32, #tpu.memory_space<vmem>>
    %dma_start3A_1522 = arith.constant 0 : i32
    %dma_start3A_1523 = tpu.memref_slice %arg6[%dma_start3A_1522] : memref<100000xf32, #tpu.memory_space<vmem_shared>> -> memref<100000xf32, #tpu.memory_space<vmem_shared>>
    tpu.enqueue_indirect_dma source(%dma_start3A_1523 : memref<100000xf32, #tpu.memory_space<vmem_shared>>) target(%dma_start3A_1518 : memref<128xf32, #tpu.memory_space<vmem>>) offsets(%dma_start3A_1521 : memref<128xi32, #tpu.memory_space<vmem>>) semaphore(%arg15 : memref<!tpu.dma_semaphore, #tpu.memory_space<semaphore_mem>>)
    %dma_start3A_1524 = arith.constant 45 : i32
    %dma_start3A_1525 = arith.constant 45 : i32
    %dma_start3A_1526 = arith.constant 0 : i32
    %dma_start3A_1527 = tpu.memref_slice %arg8[%dma_start3A_1525, %dma_start3A_1526] : memref<52x128xf32, #tpu.memory_space<vmem>> -> memref<1x128xf32, #tpu.memory_space<vmem>>
    %dma_start3A_1528 = tpu.memref_squeeze %dma_start3A_1527 : memref<1x128xf32, #tpu.memory_space<vmem>> -> memref<128xf32, #tpu.memory_space<vmem>>
    %dma_start3A_1529 = arith.constant 0 : i32
    %dma_start3A_1530 = tpu.memref_slice %arg7[%dma_start3A_1524, %dma_start3A_1529] : memref<52x128xi32, #tpu.memory_space<vmem>> -> memref<1x128xi32, #tpu.memory_space<vmem>>
    %dma_start3A_1531 = tpu.memref_squeeze %dma_start3A_1530 : memref<1x128xi32, #tpu.memory_space<vmem>> -> memref<128xi32, #tpu.memory_space<vmem>>
    %dma_start3A_1532 = arith.constant 0 : i32
    %dma_start3A_1533 = tpu.memref_slice %arg6[%dma_start3A_1532] : memref<100000xf32, #tpu.memory_space<vmem_shared>> -> memref<100000xf32, #tpu.memory_space<vmem_shared>>
    tpu.enqueue_indirect_dma source(%dma_start3A_1533 : memref<100000xf32, #tpu.memory_space<vmem_shared>>) target(%dma_start3A_1528 : memref<128xf32, #tpu.memory_space<vmem>>) offsets(%dma_start3A_1531 : memref<128xi32, #tpu.memory_space<vmem>>) semaphore(%arg15 : memref<!tpu.dma_semaphore, #tpu.memory_space<semaphore_mem>>)
    %dma_start3A_1534 = arith.constant 46 : i32
    %dma_start3A_1535 = arith.constant 46 : i32
    %dma_start3A_1536 = arith.constant 0 : i32
    %dma_start3A_1537 = tpu.memref_slice %arg8[%dma_start3A_1535, %dma_start3A_1536] : memref<52x128xf32, #tpu.memory_space<vmem>> -> memref<1x128xf32, #tpu.memory_space<vmem>>
    %dma_start3A_1538 = tpu.memref_squeeze %dma_start3A_1537 : memref<1x128xf32, #tpu.memory_space<vmem>> -> memref<128xf32, #tpu.memory_space<vmem>>
    %dma_start3A_1539 = arith.constant 0 : i32
    %dma_start3A_1540 = tpu.memref_slice %arg7[%dma_start3A_1534, %dma_start3A_1539] : memref<52x128xi32, #tpu.memory_space<vmem>> -> memref<1x128xi32, #tpu.memory_space<vmem>>
    %dma_start3A_1541 = tpu.memref_squeeze %dma_start3A_1540 : memref<1x128xi32, #tpu.memory_space<vmem>> -> memref<128xi32, #tpu.memory_space<vmem>>
    %dma_start3A_1542 = arith.constant 0 : i32
    %dma_start3A_1543 = tpu.memref_slice %arg6[%dma_start3A_1542] : memref<100000xf32, #tpu.memory_space<vmem_shared>> -> memref<100000xf32, #tpu.memory_space<vmem_shared>>
    tpu.enqueue_indirect_dma source(%dma_start3A_1543 : memref<100000xf32, #tpu.memory_space<vmem_shared>>) target(%dma_start3A_1538 : memref<128xf32, #tpu.memory_space<vmem>>) offsets(%dma_start3A_1541 : memref<128xi32, #tpu.memory_space<vmem>>) semaphore(%arg15 : memref<!tpu.dma_semaphore, #tpu.memory_space<semaphore_mem>>)
    %dma_start3A_1544 = arith.constant 47 : i32
    %dma_start3A_1545 = arith.constant 47 : i32
    %dma_start3A_1546 = arith.constant 0 : i32
    %dma_start3A_1547 = tpu.memref_slice %arg8[%dma_start3A_1545, %dma_start3A_1546] : memref<52x128xf32, #tpu.memory_space<vmem>> -> memref<1x128xf32, #tpu.memory_space<vmem>>
    %dma_start3A_1548 = tpu.memref_squeeze %dma_start3A_1547 : memref<1x128xf32, #tpu.memory_space<vmem>> -> memref<128xf32, #tpu.memory_space<vmem>>
    %dma_start3A_1549 = arith.constant 0 : i32
    %dma_start3A_1550 = tpu.memref_slice %arg7[%dma_start3A_1544, %dma_start3A_1549] : memref<52x128xi32, #tpu.memory_space<vmem>> -> memref<1x128xi32, #tpu.memory_space<vmem>>
    %dma_start3A_1551 = tpu.memref_squeeze %dma_start3A_1550 : memref<1x128xi32, #tpu.memory_space<vmem>> -> memref<128xi32, #tpu.memory_space<vmem>>
    %dma_start3A_1552 = arith.constant 0 : i32
    %dma_start3A_1553 = tpu.memref_slice %arg6[%dma_start3A_1552] : memref<100000xf32, #tpu.memory_space<vmem_shared>> -> memref<100000xf32, #tpu.memory_space<vmem_shared>>
    tpu.enqueue_indirect_dma source(%dma_start3A_1553 : memref<100000xf32, #tpu.memory_space<vmem_shared>>) target(%dma_start3A_1548 : memref<128xf32, #tpu.memory_space<vmem>>) offsets(%dma_start3A_1551 : memref<128xi32, #tpu.memory_space<vmem>>) semaphore(%arg15 : memref<!tpu.dma_semaphore, #tpu.memory_space<semaphore_mem>>)
    %dma_start3A_1554 = arith.constant 48 : i32
    %dma_start3A_1555 = arith.constant 48 : i32
    %dma_start3A_1556 = arith.constant 0 : i32
    %dma_start3A_1557 = tpu.memref_slice %arg8[%dma_start3A_1555, %dma_start3A_1556] : memref<52x128xf32, #tpu.memory_space<vmem>> -> memref<1x128xf32, #tpu.memory_space<vmem>>
    %dma_start3A_1558 = tpu.memref_squeeze %dma_start3A_1557 : memref<1x128xf32, #tpu.memory_space<vmem>> -> memref<128xf32, #tpu.memory_space<vmem>>
    %dma_start3A_1559 = arith.constant 0 : i32
    %dma_start3A_1560 = tpu.memref_slice %arg7[%dma_start3A_1554, %dma_start3A_1559] : memref<52x128xi32, #tpu.memory_space<vmem>> -> memref<1x128xi32, #tpu.memory_space<vmem>>
    %dma_start3A_1561 = tpu.memref_squeeze %dma_start3A_1560 : memref<1x128xi32, #tpu.memory_space<vmem>> -> memref<128xi32, #tpu.memory_space<vmem>>
    %dma_start3A_1562 = arith.constant 0 : i32
    %dma_start3A_1563 = tpu.memref_slice %arg6[%dma_start3A_1562] : memref<100000xf32, #tpu.memory_space<vmem_shared>> -> memref<100000xf32, #tpu.memory_space<vmem_shared>>
    tpu.enqueue_indirect_dma source(%dma_start3A_1563 : memref<100000xf32, #tpu.memory_space<vmem_shared>>) target(%dma_start3A_1558 : memref<128xf32, #tpu.memory_space<vmem>>) offsets(%dma_start3A_1561 : memref<128xi32, #tpu.memory_space<vmem>>) semaphore(%arg15 : memref<!tpu.dma_semaphore, #tpu.memory_space<semaphore_mem>>)
    %dma_start3A_1564 = arith.constant 49 : i32
    %dma_start3A_1565 = arith.constant 49 : i32
    %dma_start3A_1566 = arith.constant 0 : i32
    %dma_start3A_1567 = tpu.memref_slice %arg8[%dma_start3A_1565, %dma_start3A_1566] : memref<52x128xf32, #tpu.memory_space<vmem>> -> memref<1x128xf32, #tpu.memory_space<vmem>>
    %dma_start3A_1568 = tpu.memref_squeeze %dma_start3A_1567 : memref<1x128xf32, #tpu.memory_space<vmem>> -> memref<128xf32, #tpu.memory_space<vmem>>
    %dma_start3A_1569 = arith.constant 0 : i32
    %dma_start3A_1570 = tpu.memref_slice %arg7[%dma_start3A_1564, %dma_start3A_1569] : memref<52x128xi32, #tpu.memory_space<vmem>> -> memref<1x128xi32, #tpu.memory_space<vmem>>
    %dma_start3A_1571 = tpu.memref_squeeze %dma_start3A_1570 : memref<1x128xi32, #tpu.memory_space<vmem>> -> memref<128xi32, #tpu.memory_space<vmem>>
    %dma_start3A_1572 = arith.constant 0 : i32
    %dma_start3A_1573 = tpu.memref_slice %arg6[%dma_start3A_1572] : memref<100000xf32, #tpu.memory_space<vmem_shared>> -> memref<100000xf32, #tpu.memory_space<vmem_shared>>
    tpu.enqueue_indirect_dma source(%dma_start3A_1573 : memref<100000xf32, #tpu.memory_space<vmem_shared>>) target(%dma_start3A_1568 : memref<128xf32, #tpu.memory_space<vmem>>) offsets(%dma_start3A_1571 : memref<128xi32, #tpu.memory_space<vmem>>) semaphore(%arg15 : memref<!tpu.dma_semaphore, #tpu.memory_space<semaphore_mem>>)
    %dma_start3A_1574 = arith.constant 50 : i32
    %dma_start3A_1575 = arith.constant 50 : i32
    %dma_start3A_1576 = arith.constant 0 : i32
    %dma_start3A_1577 = tpu.memref_slice %arg8[%dma_start3A_1575, %dma_start3A_1576] : memref<52x128xf32, #tpu.memory_space<vmem>> -> memref<1x128xf32, #tpu.memory_space<vmem>>
    %dma_start3A_1578 = tpu.memref_squeeze %dma_start3A_1577 : memref<1x128xf32, #tpu.memory_space<vmem>> -> memref<128xf32, #tpu.memory_space<vmem>>
    %dma_start3A_1579 = arith.constant 0 : i32
    %dma_start3A_1580 = tpu.memref_slice %arg7[%dma_start3A_1574, %dma_start3A_1579] : memref<52x128xi32, #tpu.memory_space<vmem>> -> memref<1x128xi32, #tpu.memory_space<vmem>>
    %dma_start3A_1581 = tpu.memref_squeeze %dma_start3A_1580 : memref<1x128xi32, #tpu.memory_space<vmem>> -> memref<128xi32, #tpu.memory_space<vmem>>
    %dma_start3A_1582 = arith.constant 0 : i32
    %dma_start3A_1583 = tpu.memref_slice %arg6[%dma_start3A_1582] : memref<100000xf32, #tpu.memory_space<vmem_shared>> -> memref<100000xf32, #tpu.memory_space<vmem_shared>>
    tpu.enqueue_indirect_dma source(%dma_start3A_1583 : memref<100000xf32, #tpu.memory_space<vmem_shared>>) target(%dma_start3A_1578 : memref<128xf32, #tpu.memory_space<vmem>>) offsets(%dma_start3A_1581 : memref<128xi32, #tpu.memory_space<vmem>>) semaphore(%arg15 : memref<!tpu.dma_semaphore, #tpu.memory_space<semaphore_mem>>)
    %dma_start3A_1584 = arith.constant 51 : i32
    %dma_start3A_1585 = arith.constant 51 : i32
    %dma_start3A_1586 = arith.constant 0 : i32
    %dma_start3A_1587 = tpu.memref_slice %arg8[%dma_start3A_1585, %dma_start3A_1586] : memref<52x128xf32, #tpu.memory_space<vmem>> -> memref<1x128xf32, #tpu.memory_space<vmem>>
    %dma_start3A_1588 = tpu.memref_squeeze %dma_start3A_1587 : memref<1x128xf32, #tpu.memory_space<vmem>> -> memref<128xf32, #tpu.memory_space<vmem>>
    %dma_start3A_1589 = arith.constant 0 : i32
    %dma_start3A_1590 = tpu.memref_slice %arg7[%dma_start3A_1584, %dma_start3A_1589] : memref<52x128xi32, #tpu.memory_space<vmem>> -> memref<1x128xi32, #tpu.memory_space<vmem>>
    %dma_start3A_1591 = tpu.memref_squeeze %dma_start3A_1590 : memref<1x128xi32, #tpu.memory_space<vmem>> -> memref<128xi32, #tpu.memory_space<vmem>>
    %dma_start3A_1592 = arith.constant 0 : i32
    %dma_start3A_1593 = tpu.memref_slice %arg6[%dma_start3A_1592] : memref<100000xf32, #tpu.memory_space<vmem_shared>> -> memref<100000xf32, #tpu.memory_space<vmem_shared>>
    tpu.enqueue_indirect_dma source(%dma_start3A_1593 : memref<100000xf32, #tpu.memory_space<vmem_shared>>) target(%dma_start3A_1588 : memref<128xf32, #tpu.memory_space<vmem>>) offsets(%dma_start3A_1591 : memref<128xi32, #tpu.memory_space<vmem>>) semaphore(%arg15 : memref<!tpu.dma_semaphore, #tpu.memory_space<semaphore_mem>>)
    %dma_wait3A_1594 = arith.constant 0 : i32
    %dma_wait3A_1595 = arith.constant 0 : i32
    %dma_wait3A_1596 = arith.constant 0 : i32
    %dma_wait3A_1597 = tpu.memref_slice %arg8[%dma_wait3A_1595, %dma_wait3A_1596] : memref<52x128xf32, #tpu.memory_space<vmem>> -> memref<1x128xf32, #tpu.memory_space<vmem>>
    %dma_wait3A_1598 = tpu.memref_squeeze %dma_wait3A_1597 : memref<1x128xf32, #tpu.memory_space<vmem>> -> memref<128xf32, #tpu.memory_space<vmem>>
    %dma_wait3A_1599 = arith.constant 0 : i32
    %dma_wait3A_1600 = tpu.memref_slice %arg7[%dma_wait3A_1594, %dma_wait3A_1599] : memref<52x128xi32, #tpu.memory_space<vmem>> -> memref<1x128xi32, #tpu.memory_space<vmem>>
    %dma_wait3A_1601 = tpu.memref_squeeze %dma_wait3A_1600 : memref<1x128xi32, #tpu.memory_space<vmem>> -> memref<128xi32, #tpu.memory_space<vmem>>
    %dma_wait3A_1602 = arith.constant 0 : i32
    %dma_wait3A_1603 = tpu.memref_slice %arg6[%dma_wait3A_1602] : memref<100000xf32, #tpu.memory_space<vmem_shared>> -> memref<100000xf32, #tpu.memory_space<vmem_shared>>
    tpu.wait_indirect_dma semaphore(%arg15 : memref<!tpu.dma_semaphore, #tpu.memory_space<semaphore_mem>>) src(%dma_wait3A_1603 : memref<100000xf32, #tpu.memory_space<vmem_shared>>) dst(%dma_wait3A_1598 : memref<128xf32, #tpu.memory_space<vmem>>)
    %dma_wait3A_1604 = arith.constant 1 : i32
    %dma_wait3A_1605 = arith.constant 1 : i32
    %dma_wait3A_1606 = arith.constant 0 : i32
    %dma_wait3A_1607 = tpu.memref_slice %arg8[%dma_wait3A_1605, %dma_wait3A_1606] : memref<52x128xf32, #tpu.memory_space<vmem>> -> memref<1x128xf32, #tpu.memory_space<vmem>>
    %dma_wait3A_1608 = tpu.memref_squeeze %dma_wait3A_1607 : memref<1x128xf32, #tpu.memory_space<vmem>> -> memref<128xf32, #tpu.memory_space<vmem>>
    %dma_wait3A_1609 = arith.constant 0 : i32
    %dma_wait3A_1610 = tpu.memref_slice %arg7[%dma_wait3A_1604, %dma_wait3A_1609] : memref<52x128xi32, #tpu.memory_space<vmem>> -> memref<1x128xi32, #tpu.memory_space<vmem>>
    %dma_wait3A_1611 = tpu.memref_squeeze %dma_wait3A_1610 : memref<1x128xi32, #tpu.memory_space<vmem>> -> memref<128xi32, #tpu.memory_space<vmem>>
    %dma_wait3A_1612 = arith.constant 0 : i32
    %dma_wait3A_1613 = tpu.memref_slice %arg6[%dma_wait3A_1612] : memref<100000xf32, #tpu.memory_space<vmem_shared>> -> memref<100000xf32, #tpu.memory_space<vmem_shared>>
    tpu.wait_indirect_dma semaphore(%arg15 : memref<!tpu.dma_semaphore, #tpu.memory_space<semaphore_mem>>) src(%dma_wait3A_1613 : memref<100000xf32, #tpu.memory_space<vmem_shared>>) dst(%dma_wait3A_1608 : memref<128xf32, #tpu.memory_space<vmem>>)
    %dma_wait3A_1614 = arith.constant 2 : i32
    %dma_wait3A_1615 = arith.constant 2 : i32
    %dma_wait3A_1616 = arith.constant 0 : i32
    %dma_wait3A_1617 = tpu.memref_slice %arg8[%dma_wait3A_1615, %dma_wait3A_1616] : memref<52x128xf32, #tpu.memory_space<vmem>> -> memref<1x128xf32, #tpu.memory_space<vmem>>
    %dma_wait3A_1618 = tpu.memref_squeeze %dma_wait3A_1617 : memref<1x128xf32, #tpu.memory_space<vmem>> -> memref<128xf32, #tpu.memory_space<vmem>>
    %dma_wait3A_1619 = arith.constant 0 : i32
    %dma_wait3A_1620 = tpu.memref_slice %arg7[%dma_wait3A_1614, %dma_wait3A_1619] : memref<52x128xi32, #tpu.memory_space<vmem>> -> memref<1x128xi32, #tpu.memory_space<vmem>>
    %dma_wait3A_1621 = tpu.memref_squeeze %dma_wait3A_1620 : memref<1x128xi32, #tpu.memory_space<vmem>> -> memref<128xi32, #tpu.memory_space<vmem>>
    %dma_wait3A_1622 = arith.constant 0 : i32
    %dma_wait3A_1623 = tpu.memref_slice %arg6[%dma_wait3A_1622] : memref<100000xf32, #tpu.memory_space<vmem_shared>> -> memref<100000xf32, #tpu.memory_space<vmem_shared>>
    tpu.wait_indirect_dma semaphore(%arg15 : memref<!tpu.dma_semaphore, #tpu.memory_space<semaphore_mem>>) src(%dma_wait3A_1623 : memref<100000xf32, #tpu.memory_space<vmem_shared>>) dst(%dma_wait3A_1618 : memref<128xf32, #tpu.memory_space<vmem>>)
    %dma_wait3A_1624 = arith.constant 3 : i32
    %dma_wait3A_1625 = arith.constant 3 : i32
    %dma_wait3A_1626 = arith.constant 0 : i32
    %dma_wait3A_1627 = tpu.memref_slice %arg8[%dma_wait3A_1625, %dma_wait3A_1626] : memref<52x128xf32, #tpu.memory_space<vmem>> -> memref<1x128xf32, #tpu.memory_space<vmem>>
    %dma_wait3A_1628 = tpu.memref_squeeze %dma_wait3A_1627 : memref<1x128xf32, #tpu.memory_space<vmem>> -> memref<128xf32, #tpu.memory_space<vmem>>
    %dma_wait3A_1629 = arith.constant 0 : i32
    %dma_wait3A_1630 = tpu.memref_slice %arg7[%dma_wait3A_1624, %dma_wait3A_1629] : memref<52x128xi32, #tpu.memory_space<vmem>> -> memref<1x128xi32, #tpu.memory_space<vmem>>
    %dma_wait3A_1631 = tpu.memref_squeeze %dma_wait3A_1630 : memref<1x128xi32, #tpu.memory_space<vmem>> -> memref<128xi32, #tpu.memory_space<vmem>>
    %dma_wait3A_1632 = arith.constant 0 : i32
    %dma_wait3A_1633 = tpu.memref_slice %arg6[%dma_wait3A_1632] : memref<100000xf32, #tpu.memory_space<vmem_shared>> -> memref<100000xf32, #tpu.memory_space<vmem_shared>>
    tpu.wait_indirect_dma semaphore(%arg15 : memref<!tpu.dma_semaphore, #tpu.memory_space<semaphore_mem>>) src(%dma_wait3A_1633 : memref<100000xf32, #tpu.memory_space<vmem_shared>>) dst(%dma_wait3A_1628 : memref<128xf32, #tpu.memory_space<vmem>>)
    %dma_wait3A_1634 = arith.constant 4 : i32
    %dma_wait3A_1635 = arith.constant 4 : i32
    %dma_wait3A_1636 = arith.constant 0 : i32
    %dma_wait3A_1637 = tpu.memref_slice %arg8[%dma_wait3A_1635, %dma_wait3A_1636] : memref<52x128xf32, #tpu.memory_space<vmem>> -> memref<1x128xf32, #tpu.memory_space<vmem>>
    %dma_wait3A_1638 = tpu.memref_squeeze %dma_wait3A_1637 : memref<1x128xf32, #tpu.memory_space<vmem>> -> memref<128xf32, #tpu.memory_space<vmem>>
    %dma_wait3A_1639 = arith.constant 0 : i32
    %dma_wait3A_1640 = tpu.memref_slice %arg7[%dma_wait3A_1634, %dma_wait3A_1639] : memref<52x128xi32, #tpu.memory_space<vmem>> -> memref<1x128xi32, #tpu.memory_space<vmem>>
    %dma_wait3A_1641 = tpu.memref_squeeze %dma_wait3A_1640 : memref<1x128xi32, #tpu.memory_space<vmem>> -> memref<128xi32, #tpu.memory_space<vmem>>
    %dma_wait3A_1642 = arith.constant 0 : i32
    %dma_wait3A_1643 = tpu.memref_slice %arg6[%dma_wait3A_1642] : memref<100000xf32, #tpu.memory_space<vmem_shared>> -> memref<100000xf32, #tpu.memory_space<vmem_shared>>
    tpu.wait_indirect_dma semaphore(%arg15 : memref<!tpu.dma_semaphore, #tpu.memory_space<semaphore_mem>>) src(%dma_wait3A_1643 : memref<100000xf32, #tpu.memory_space<vmem_shared>>) dst(%dma_wait3A_1638 : memref<128xf32, #tpu.memory_space<vmem>>)
    %dma_wait3A_1644 = arith.constant 5 : i32
    %dma_wait3A_1645 = arith.constant 5 : i32
    %dma_wait3A_1646 = arith.constant 0 : i32
    %dma_wait3A_1647 = tpu.memref_slice %arg8[%dma_wait3A_1645, %dma_wait3A_1646] : memref<52x128xf32, #tpu.memory_space<vmem>> -> memref<1x128xf32, #tpu.memory_space<vmem>>
    %dma_wait3A_1648 = tpu.memref_squeeze %dma_wait3A_1647 : memref<1x128xf32, #tpu.memory_space<vmem>> -> memref<128xf32, #tpu.memory_space<vmem>>
    %dma_wait3A_1649 = arith.constant 0 : i32
    %dma_wait3A_1650 = tpu.memref_slice %arg7[%dma_wait3A_1644, %dma_wait3A_1649] : memref<52x128xi32, #tpu.memory_space<vmem>> -> memref<1x128xi32, #tpu.memory_space<vmem>>
    %dma_wait3A_1651 = tpu.memref_squeeze %dma_wait3A_1650 : memref<1x128xi32, #tpu.memory_space<vmem>> -> memref<128xi32, #tpu.memory_space<vmem>>
    %dma_wait3A_1652 = arith.constant 0 : i32
    %dma_wait3A_1653 = tpu.memref_slice %arg6[%dma_wait3A_1652] : memref<100000xf32, #tpu.memory_space<vmem_shared>> -> memref<100000xf32, #tpu.memory_space<vmem_shared>>
    tpu.wait_indirect_dma semaphore(%arg15 : memref<!tpu.dma_semaphore, #tpu.memory_space<semaphore_mem>>) src(%dma_wait3A_1653 : memref<100000xf32, #tpu.memory_space<vmem_shared>>) dst(%dma_wait3A_1648 : memref<128xf32, #tpu.memory_space<vmem>>)
    %dma_wait3A_1654 = arith.constant 6 : i32
    %dma_wait3A_1655 = arith.constant 6 : i32
    %dma_wait3A_1656 = arith.constant 0 : i32
    %dma_wait3A_1657 = tpu.memref_slice %arg8[%dma_wait3A_1655, %dma_wait3A_1656] : memref<52x128xf32, #tpu.memory_space<vmem>> -> memref<1x128xf32, #tpu.memory_space<vmem>>
    %dma_wait3A_1658 = tpu.memref_squeeze %dma_wait3A_1657 : memref<1x128xf32, #tpu.memory_space<vmem>> -> memref<128xf32, #tpu.memory_space<vmem>>
    %dma_wait3A_1659 = arith.constant 0 : i32
    %dma_wait3A_1660 = tpu.memref_slice %arg7[%dma_wait3A_1654, %dma_wait3A_1659] : memref<52x128xi32, #tpu.memory_space<vmem>> -> memref<1x128xi32, #tpu.memory_space<vmem>>
    %dma_wait3A_1661 = tpu.memref_squeeze %dma_wait3A_1660 : memref<1x128xi32, #tpu.memory_space<vmem>> -> memref<128xi32, #tpu.memory_space<vmem>>
    %dma_wait3A_1662 = arith.constant 0 : i32
    %dma_wait3A_1663 = tpu.memref_slice %arg6[%dma_wait3A_1662] : memref<100000xf32, #tpu.memory_space<vmem_shared>> -> memref<100000xf32, #tpu.memory_space<vmem_shared>>
    tpu.wait_indirect_dma semaphore(%arg15 : memref<!tpu.dma_semaphore, #tpu.memory_space<semaphore_mem>>) src(%dma_wait3A_1663 : memref<100000xf32, #tpu.memory_space<vmem_shared>>) dst(%dma_wait3A_1658 : memref<128xf32, #tpu.memory_space<vmem>>)
    %dma_wait3A_1664 = arith.constant 7 : i32
    %dma_wait3A_1665 = arith.constant 7 : i32
    %dma_wait3A_1666 = arith.constant 0 : i32
    %dma_wait3A_1667 = tpu.memref_slice %arg8[%dma_wait3A_1665, %dma_wait3A_1666] : memref<52x128xf32, #tpu.memory_space<vmem>> -> memref<1x128xf32, #tpu.memory_space<vmem>>
    %dma_wait3A_1668 = tpu.memref_squeeze %dma_wait3A_1667 : memref<1x128xf32, #tpu.memory_space<vmem>> -> memref<128xf32, #tpu.memory_space<vmem>>
    %dma_wait3A_1669 = arith.constant 0 : i32
    %dma_wait3A_1670 = tpu.memref_slice %arg7[%dma_wait3A_1664, %dma_wait3A_1669] : memref<52x128xi32, #tpu.memory_space<vmem>> -> memref<1x128xi32, #tpu.memory_space<vmem>>
    %dma_wait3A_1671 = tpu.memref_squeeze %dma_wait3A_1670 : memref<1x128xi32, #tpu.memory_space<vmem>> -> memref<128xi32, #tpu.memory_space<vmem>>
    %dma_wait3A_1672 = arith.constant 0 : i32
    %dma_wait3A_1673 = tpu.memref_slice %arg6[%dma_wait3A_1672] : memref<100000xf32, #tpu.memory_space<vmem_shared>> -> memref<100000xf32, #tpu.memory_space<vmem_shared>>
    tpu.wait_indirect_dma semaphore(%arg15 : memref<!tpu.dma_semaphore, #tpu.memory_space<semaphore_mem>>) src(%dma_wait3A_1673 : memref<100000xf32, #tpu.memory_space<vmem_shared>>) dst(%dma_wait3A_1668 : memref<128xf32, #tpu.memory_space<vmem>>)
    %dma_wait3A_1674 = arith.constant 8 : i32
    %dma_wait3A_1675 = arith.constant 8 : i32
    %dma_wait3A_1676 = arith.constant 0 : i32
    %dma_wait3A_1677 = tpu.memref_slice %arg8[%dma_wait3A_1675, %dma_wait3A_1676] : memref<52x128xf32, #tpu.memory_space<vmem>> -> memref<1x128xf32, #tpu.memory_space<vmem>>
    %dma_wait3A_1678 = tpu.memref_squeeze %dma_wait3A_1677 : memref<1x128xf32, #tpu.memory_space<vmem>> -> memref<128xf32, #tpu.memory_space<vmem>>
    %dma_wait3A_1679 = arith.constant 0 : i32
    %dma_wait3A_1680 = tpu.memref_slice %arg7[%dma_wait3A_1674, %dma_wait3A_1679] : memref<52x128xi32, #tpu.memory_space<vmem>> -> memref<1x128xi32, #tpu.memory_space<vmem>>
    %dma_wait3A_1681 = tpu.memref_squeeze %dma_wait3A_1680 : memref<1x128xi32, #tpu.memory_space<vmem>> -> memref<128xi32, #tpu.memory_space<vmem>>
    %dma_wait3A_1682 = arith.constant 0 : i32
    %dma_wait3A_1683 = tpu.memref_slice %arg6[%dma_wait3A_1682] : memref<100000xf32, #tpu.memory_space<vmem_shared>> -> memref<100000xf32, #tpu.memory_space<vmem_shared>>
    tpu.wait_indirect_dma semaphore(%arg15 : memref<!tpu.dma_semaphore, #tpu.memory_space<semaphore_mem>>) src(%dma_wait3A_1683 : memref<100000xf32, #tpu.memory_space<vmem_shared>>) dst(%dma_wait3A_1678 : memref<128xf32, #tpu.memory_space<vmem>>)
    %dma_wait3A_1684 = arith.constant 9 : i32
    %dma_wait3A_1685 = arith.constant 9 : i32
    %dma_wait3A_1686 = arith.constant 0 : i32
    %dma_wait3A_1687 = tpu.memref_slice %arg8[%dma_wait3A_1685, %dma_wait3A_1686] : memref<52x128xf32, #tpu.memory_space<vmem>> -> memref<1x128xf32, #tpu.memory_space<vmem>>
    %dma_wait3A_1688 = tpu.memref_squeeze %dma_wait3A_1687 : memref<1x128xf32, #tpu.memory_space<vmem>> -> memref<128xf32, #tpu.memory_space<vmem>>
    %dma_wait3A_1689 = arith.constant 0 : i32
    %dma_wait3A_1690 = tpu.memref_slice %arg7[%dma_wait3A_1684, %dma_wait3A_1689] : memref<52x128xi32, #tpu.memory_space<vmem>> -> memref<1x128xi32, #tpu.memory_space<vmem>>
    %dma_wait3A_1691 = tpu.memref_squeeze %dma_wait3A_1690 : memref<1x128xi32, #tpu.memory_space<vmem>> -> memref<128xi32, #tpu.memory_space<vmem>>
    %dma_wait3A_1692 = arith.constant 0 : i32
    %dma_wait3A_1693 = tpu.memref_slice %arg6[%dma_wait3A_1692] : memref<100000xf32, #tpu.memory_space<vmem_shared>> -> memref<100000xf32, #tpu.memory_space<vmem_shared>>
    tpu.wait_indirect_dma semaphore(%arg15 : memref<!tpu.dma_semaphore, #tpu.memory_space<semaphore_mem>>) src(%dma_wait3A_1693 : memref<100000xf32, #tpu.memory_space<vmem_shared>>) dst(%dma_wait3A_1688 : memref<128xf32, #tpu.memory_space<vmem>>)
    %dma_wait3A_1694 = arith.constant 10 : i32
    %dma_wait3A_1695 = arith.constant 10 : i32
    %dma_wait3A_1696 = arith.constant 0 : i32
    %dma_wait3A_1697 = tpu.memref_slice %arg8[%dma_wait3A_1695, %dma_wait3A_1696] : memref<52x128xf32, #tpu.memory_space<vmem>> -> memref<1x128xf32, #tpu.memory_space<vmem>>
    %dma_wait3A_1698 = tpu.memref_squeeze %dma_wait3A_1697 : memref<1x128xf32, #tpu.memory_space<vmem>> -> memref<128xf32, #tpu.memory_space<vmem>>
    %dma_wait3A_1699 = arith.constant 0 : i32
    %dma_wait3A_1700 = tpu.memref_slice %arg7[%dma_wait3A_1694, %dma_wait3A_1699] : memref<52x128xi32, #tpu.memory_space<vmem>> -> memref<1x128xi32, #tpu.memory_space<vmem>>
    %dma_wait3A_1701 = tpu.memref_squeeze %dma_wait3A_1700 : memref<1x128xi32, #tpu.memory_space<vmem>> -> memref<128xi32, #tpu.memory_space<vmem>>
    %dma_wait3A_1702 = arith.constant 0 : i32
    %dma_wait3A_1703 = tpu.memref_slice %arg6[%dma_wait3A_1702] : memref<100000xf32, #tpu.memory_space<vmem_shared>> -> memref<100000xf32, #tpu.memory_space<vmem_shared>>
    tpu.wait_indirect_dma semaphore(%arg15 : memref<!tpu.dma_semaphore, #tpu.memory_space<semaphore_mem>>) src(%dma_wait3A_1703 : memref<100000xf32, #tpu.memory_space<vmem_shared>>) dst(%dma_wait3A_1698 : memref<128xf32, #tpu.memory_space<vmem>>)
    %dma_wait3A_1704 = arith.constant 11 : i32
    %dma_wait3A_1705 = arith.constant 11 : i32
    %dma_wait3A_1706 = arith.constant 0 : i32
    %dma_wait3A_1707 = tpu.memref_slice %arg8[%dma_wait3A_1705, %dma_wait3A_1706] : memref<52x128xf32, #tpu.memory_space<vmem>> -> memref<1x128xf32, #tpu.memory_space<vmem>>
    %dma_wait3A_1708 = tpu.memref_squeeze %dma_wait3A_1707 : memref<1x128xf32, #tpu.memory_space<vmem>> -> memref<128xf32, #tpu.memory_space<vmem>>
    %dma_wait3A_1709 = arith.constant 0 : i32
    %dma_wait3A_1710 = tpu.memref_slice %arg7[%dma_wait3A_1704, %dma_wait3A_1709] : memref<52x128xi32, #tpu.memory_space<vmem>> -> memref<1x128xi32, #tpu.memory_space<vmem>>
    %dma_wait3A_1711 = tpu.memref_squeeze %dma_wait3A_1710 : memref<1x128xi32, #tpu.memory_space<vmem>> -> memref<128xi32, #tpu.memory_space<vmem>>
    %dma_wait3A_1712 = arith.constant 0 : i32
    %dma_wait3A_1713 = tpu.memref_slice %arg6[%dma_wait3A_1712] : memref<100000xf32, #tpu.memory_space<vmem_shared>> -> memref<100000xf32, #tpu.memory_space<vmem_shared>>
    tpu.wait_indirect_dma semaphore(%arg15 : memref<!tpu.dma_semaphore, #tpu.memory_space<semaphore_mem>>) src(%dma_wait3A_1713 : memref<100000xf32, #tpu.memory_space<vmem_shared>>) dst(%dma_wait3A_1708 : memref<128xf32, #tpu.memory_space<vmem>>)
    %dma_wait3A_1714 = arith.constant 12 : i32
    %dma_wait3A_1715 = arith.constant 12 : i32
    %dma_wait3A_1716 = arith.constant 0 : i32
    %dma_wait3A_1717 = tpu.memref_slice %arg8[%dma_wait3A_1715, %dma_wait3A_1716] : memref<52x128xf32, #tpu.memory_space<vmem>> -> memref<1x128xf32, #tpu.memory_space<vmem>>
    %dma_wait3A_1718 = tpu.memref_squeeze %dma_wait3A_1717 : memref<1x128xf32, #tpu.memory_space<vmem>> -> memref<128xf32, #tpu.memory_space<vmem>>
    %dma_wait3A_1719 = arith.constant 0 : i32
    %dma_wait3A_1720 = tpu.memref_slice %arg7[%dma_wait3A_1714, %dma_wait3A_1719] : memref<52x128xi32, #tpu.memory_space<vmem>> -> memref<1x128xi32, #tpu.memory_space<vmem>>
    %dma_wait3A_1721 = tpu.memref_squeeze %dma_wait3A_1720 : memref<1x128xi32, #tpu.memory_space<vmem>> -> memref<128xi32, #tpu.memory_space<vmem>>
    %dma_wait3A_1722 = arith.constant 0 : i32
    %dma_wait3A_1723 = tpu.memref_slice %arg6[%dma_wait3A_1722] : memref<100000xf32, #tpu.memory_space<vmem_shared>> -> memref<100000xf32, #tpu.memory_space<vmem_shared>>
    tpu.wait_indirect_dma semaphore(%arg15 : memref<!tpu.dma_semaphore, #tpu.memory_space<semaphore_mem>>) src(%dma_wait3A_1723 : memref<100000xf32, #tpu.memory_space<vmem_shared>>) dst(%dma_wait3A_1718 : memref<128xf32, #tpu.memory_space<vmem>>)
    %dma_wait3A_1724 = arith.constant 13 : i32
    %dma_wait3A_1725 = arith.constant 13 : i32
    %dma_wait3A_1726 = arith.constant 0 : i32
    %dma_wait3A_1727 = tpu.memref_slice %arg8[%dma_wait3A_1725, %dma_wait3A_1726] : memref<52x128xf32, #tpu.memory_space<vmem>> -> memref<1x128xf32, #tpu.memory_space<vmem>>
    %dma_wait3A_1728 = tpu.memref_squeeze %dma_wait3A_1727 : memref<1x128xf32, #tpu.memory_space<vmem>> -> memref<128xf32, #tpu.memory_space<vmem>>
    %dma_wait3A_1729 = arith.constant 0 : i32
    %dma_wait3A_1730 = tpu.memref_slice %arg7[%dma_wait3A_1724, %dma_wait3A_1729] : memref<52x128xi32, #tpu.memory_space<vmem>> -> memref<1x128xi32, #tpu.memory_space<vmem>>
    %dma_wait3A_1731 = tpu.memref_squeeze %dma_wait3A_1730 : memref<1x128xi32, #tpu.memory_space<vmem>> -> memref<128xi32, #tpu.memory_space<vmem>>
    %dma_wait3A_1732 = arith.constant 0 : i32
    %dma_wait3A_1733 = tpu.memref_slice %arg6[%dma_wait3A_1732] : memref<100000xf32, #tpu.memory_space<vmem_shared>> -> memref<100000xf32, #tpu.memory_space<vmem_shared>>
    tpu.wait_indirect_dma semaphore(%arg15 : memref<!tpu.dma_semaphore, #tpu.memory_space<semaphore_mem>>) src(%dma_wait3A_1733 : memref<100000xf32, #tpu.memory_space<vmem_shared>>) dst(%dma_wait3A_1728 : memref<128xf32, #tpu.memory_space<vmem>>)
    %dma_wait3A_1734 = arith.constant 14 : i32
    %dma_wait3A_1735 = arith.constant 14 : i32
    %dma_wait3A_1736 = arith.constant 0 : i32
    %dma_wait3A_1737 = tpu.memref_slice %arg8[%dma_wait3A_1735, %dma_wait3A_1736] : memref<52x128xf32, #tpu.memory_space<vmem>> -> memref<1x128xf32, #tpu.memory_space<vmem>>
    %dma_wait3A_1738 = tpu.memref_squeeze %dma_wait3A_1737 : memref<1x128xf32, #tpu.memory_space<vmem>> -> memref<128xf32, #tpu.memory_space<vmem>>
    %dma_wait3A_1739 = arith.constant 0 : i32
    %dma_wait3A_1740 = tpu.memref_slice %arg7[%dma_wait3A_1734, %dma_wait3A_1739] : memref<52x128xi32, #tpu.memory_space<vmem>> -> memref<1x128xi32, #tpu.memory_space<vmem>>
    %dma_wait3A_1741 = tpu.memref_squeeze %dma_wait3A_1740 : memref<1x128xi32, #tpu.memory_space<vmem>> -> memref<128xi32, #tpu.memory_space<vmem>>
    %dma_wait3A_1742 = arith.constant 0 : i32
    %dma_wait3A_1743 = tpu.memref_slice %arg6[%dma_wait3A_1742] : memref<100000xf32, #tpu.memory_space<vmem_shared>> -> memref<100000xf32, #tpu.memory_space<vmem_shared>>
    tpu.wait_indirect_dma semaphore(%arg15 : memref<!tpu.dma_semaphore, #tpu.memory_space<semaphore_mem>>) src(%dma_wait3A_1743 : memref<100000xf32, #tpu.memory_space<vmem_shared>>) dst(%dma_wait3A_1738 : memref<128xf32, #tpu.memory_space<vmem>>)
    %dma_wait3A_1744 = arith.constant 15 : i32
    %dma_wait3A_1745 = arith.constant 15 : i32
    %dma_wait3A_1746 = arith.constant 0 : i32
    %dma_wait3A_1747 = tpu.memref_slice %arg8[%dma_wait3A_1745, %dma_wait3A_1746] : memref<52x128xf32, #tpu.memory_space<vmem>> -> memref<1x128xf32, #tpu.memory_space<vmem>>
    %dma_wait3A_1748 = tpu.memref_squeeze %dma_wait3A_1747 : memref<1x128xf32, #tpu.memory_space<vmem>> -> memref<128xf32, #tpu.memory_space<vmem>>
    %dma_wait3A_1749 = arith.constant 0 : i32
    %dma_wait3A_1750 = tpu.memref_slice %arg7[%dma_wait3A_1744, %dma_wait3A_1749] : memref<52x128xi32, #tpu.memory_space<vmem>> -> memref<1x128xi32, #tpu.memory_space<vmem>>
    %dma_wait3A_1751 = tpu.memref_squeeze %dma_wait3A_1750 : memref<1x128xi32, #tpu.memory_space<vmem>> -> memref<128xi32, #tpu.memory_space<vmem>>
    %dma_wait3A_1752 = arith.constant 0 : i32
    %dma_wait3A_1753 = tpu.memref_slice %arg6[%dma_wait3A_1752] : memref<100000xf32, #tpu.memory_space<vmem_shared>> -> memref<100000xf32, #tpu.memory_space<vmem_shared>>
    tpu.wait_indirect_dma semaphore(%arg15 : memref<!tpu.dma_semaphore, #tpu.memory_space<semaphore_mem>>) src(%dma_wait3A_1753 : memref<100000xf32, #tpu.memory_space<vmem_shared>>) dst(%dma_wait3A_1748 : memref<128xf32, #tpu.memory_space<vmem>>)
    %dma_wait3A_1754 = arith.constant 16 : i32
    %dma_wait3A_1755 = arith.constant 16 : i32
    %dma_wait3A_1756 = arith.constant 0 : i32
    %dma_wait3A_1757 = tpu.memref_slice %arg8[%dma_wait3A_1755, %dma_wait3A_1756] : memref<52x128xf32, #tpu.memory_space<vmem>> -> memref<1x128xf32, #tpu.memory_space<vmem>>
    %dma_wait3A_1758 = tpu.memref_squeeze %dma_wait3A_1757 : memref<1x128xf32, #tpu.memory_space<vmem>> -> memref<128xf32, #tpu.memory_space<vmem>>
    %dma_wait3A_1759 = arith.constant 0 : i32
    %dma_wait3A_1760 = tpu.memref_slice %arg7[%dma_wait3A_1754, %dma_wait3A_1759] : memref<52x128xi32, #tpu.memory_space<vmem>> -> memref<1x128xi32, #tpu.memory_space<vmem>>
    %dma_wait3A_1761 = tpu.memref_squeeze %dma_wait3A_1760 : memref<1x128xi32, #tpu.memory_space<vmem>> -> memref<128xi32, #tpu.memory_space<vmem>>
    %dma_wait3A_1762 = arith.constant 0 : i32
    %dma_wait3A_1763 = tpu.memref_slice %arg6[%dma_wait3A_1762] : memref<100000xf32, #tpu.memory_space<vmem_shared>> -> memref<100000xf32, #tpu.memory_space<vmem_shared>>
    tpu.wait_indirect_dma semaphore(%arg15 : memref<!tpu.dma_semaphore, #tpu.memory_space<semaphore_mem>>) src(%dma_wait3A_1763 : memref<100000xf32, #tpu.memory_space<vmem_shared>>) dst(%dma_wait3A_1758 : memref<128xf32, #tpu.memory_space<vmem>>)
    %dma_wait3A_1764 = arith.constant 17 : i32
    %dma_wait3A_1765 = arith.constant 17 : i32
    %dma_wait3A_1766 = arith.constant 0 : i32
    %dma_wait3A_1767 = tpu.memref_slice %arg8[%dma_wait3A_1765, %dma_wait3A_1766] : memref<52x128xf32, #tpu.memory_space<vmem>> -> memref<1x128xf32, #tpu.memory_space<vmem>>
    %dma_wait3A_1768 = tpu.memref_squeeze %dma_wait3A_1767 : memref<1x128xf32, #tpu.memory_space<vmem>> -> memref<128xf32, #tpu.memory_space<vmem>>
    %dma_wait3A_1769 = arith.constant 0 : i32
    %dma_wait3A_1770 = tpu.memref_slice %arg7[%dma_wait3A_1764, %dma_wait3A_1769] : memref<52x128xi32, #tpu.memory_space<vmem>> -> memref<1x128xi32, #tpu.memory_space<vmem>>
    %dma_wait3A_1771 = tpu.memref_squeeze %dma_wait3A_1770 : memref<1x128xi32, #tpu.memory_space<vmem>> -> memref<128xi32, #tpu.memory_space<vmem>>
    %dma_wait3A_1772 = arith.constant 0 : i32
    %dma_wait3A_1773 = tpu.memref_slice %arg6[%dma_wait3A_1772] : memref<100000xf32, #tpu.memory_space<vmem_shared>> -> memref<100000xf32, #tpu.memory_space<vmem_shared>>
    tpu.wait_indirect_dma semaphore(%arg15 : memref<!tpu.dma_semaphore, #tpu.memory_space<semaphore_mem>>) src(%dma_wait3A_1773 : memref<100000xf32, #tpu.memory_space<vmem_shared>>) dst(%dma_wait3A_1768 : memref<128xf32, #tpu.memory_space<vmem>>)
    %dma_wait3A_1774 = arith.constant 18 : i32
    %dma_wait3A_1775 = arith.constant 18 : i32
    %dma_wait3A_1776 = arith.constant 0 : i32
    %dma_wait3A_1777 = tpu.memref_slice %arg8[%dma_wait3A_1775, %dma_wait3A_1776] : memref<52x128xf32, #tpu.memory_space<vmem>> -> memref<1x128xf32, #tpu.memory_space<vmem>>
    %dma_wait3A_1778 = tpu.memref_squeeze %dma_wait3A_1777 : memref<1x128xf32, #tpu.memory_space<vmem>> -> memref<128xf32, #tpu.memory_space<vmem>>
    %dma_wait3A_1779 = arith.constant 0 : i32
    %dma_wait3A_1780 = tpu.memref_slice %arg7[%dma_wait3A_1774, %dma_wait3A_1779] : memref<52x128xi32, #tpu.memory_space<vmem>> -> memref<1x128xi32, #tpu.memory_space<vmem>>
    %dma_wait3A_1781 = tpu.memref_squeeze %dma_wait3A_1780 : memref<1x128xi32, #tpu.memory_space<vmem>> -> memref<128xi32, #tpu.memory_space<vmem>>
    %dma_wait3A_1782 = arith.constant 0 : i32
    %dma_wait3A_1783 = tpu.memref_slice %arg6[%dma_wait3A_1782] : memref<100000xf32, #tpu.memory_space<vmem_shared>> -> memref<100000xf32, #tpu.memory_space<vmem_shared>>
    tpu.wait_indirect_dma semaphore(%arg15 : memref<!tpu.dma_semaphore, #tpu.memory_space<semaphore_mem>>) src(%dma_wait3A_1783 : memref<100000xf32, #tpu.memory_space<vmem_shared>>) dst(%dma_wait3A_1778 : memref<128xf32, #tpu.memory_space<vmem>>)
    %dma_wait3A_1784 = arith.constant 19 : i32
    %dma_wait3A_1785 = arith.constant 19 : i32
    %dma_wait3A_1786 = arith.constant 0 : i32
    %dma_wait3A_1787 = tpu.memref_slice %arg8[%dma_wait3A_1785, %dma_wait3A_1786] : memref<52x128xf32, #tpu.memory_space<vmem>> -> memref<1x128xf32, #tpu.memory_space<vmem>>
    %dma_wait3A_1788 = tpu.memref_squeeze %dma_wait3A_1787 : memref<1x128xf32, #tpu.memory_space<vmem>> -> memref<128xf32, #tpu.memory_space<vmem>>
    %dma_wait3A_1789 = arith.constant 0 : i32
    %dma_wait3A_1790 = tpu.memref_slice %arg7[%dma_wait3A_1784, %dma_wait3A_1789] : memref<52x128xi32, #tpu.memory_space<vmem>> -> memref<1x128xi32, #tpu.memory_space<vmem>>
    %dma_wait3A_1791 = tpu.memref_squeeze %dma_wait3A_1790 : memref<1x128xi32, #tpu.memory_space<vmem>> -> memref<128xi32, #tpu.memory_space<vmem>>
    %dma_wait3A_1792 = arith.constant 0 : i32
    %dma_wait3A_1793 = tpu.memref_slice %arg6[%dma_wait3A_1792] : memref<100000xf32, #tpu.memory_space<vmem_shared>> -> memref<100000xf32, #tpu.memory_space<vmem_shared>>
    tpu.wait_indirect_dma semaphore(%arg15 : memref<!tpu.dma_semaphore, #tpu.memory_space<semaphore_mem>>) src(%dma_wait3A_1793 : memref<100000xf32, #tpu.memory_space<vmem_shared>>) dst(%dma_wait3A_1788 : memref<128xf32, #tpu.memory_space<vmem>>)
    %dma_wait3A_1794 = arith.constant 20 : i32
    %dma_wait3A_1795 = arith.constant 20 : i32
    %dma_wait3A_1796 = arith.constant 0 : i32
    %dma_wait3A_1797 = tpu.memref_slice %arg8[%dma_wait3A_1795, %dma_wait3A_1796] : memref<52x128xf32, #tpu.memory_space<vmem>> -> memref<1x128xf32, #tpu.memory_space<vmem>>
    %dma_wait3A_1798 = tpu.memref_squeeze %dma_wait3A_1797 : memref<1x128xf32, #tpu.memory_space<vmem>> -> memref<128xf32, #tpu.memory_space<vmem>>
    %dma_wait3A_1799 = arith.constant 0 : i32
    %dma_wait3A_1800 = tpu.memref_slice %arg7[%dma_wait3A_1794, %dma_wait3A_1799] : memref<52x128xi32, #tpu.memory_space<vmem>> -> memref<1x128xi32, #tpu.memory_space<vmem>>
    %dma_wait3A_1801 = tpu.memref_squeeze %dma_wait3A_1800 : memref<1x128xi32, #tpu.memory_space<vmem>> -> memref<128xi32, #tpu.memory_space<vmem>>
    %dma_wait3A_1802 = arith.constant 0 : i32
    %dma_wait3A_1803 = tpu.memref_slice %arg6[%dma_wait3A_1802] : memref<100000xf32, #tpu.memory_space<vmem_shared>> -> memref<100000xf32, #tpu.memory_space<vmem_shared>>
    tpu.wait_indirect_dma semaphore(%arg15 : memref<!tpu.dma_semaphore, #tpu.memory_space<semaphore_mem>>) src(%dma_wait3A_1803 : memref<100000xf32, #tpu.memory_space<vmem_shared>>) dst(%dma_wait3A_1798 : memref<128xf32, #tpu.memory_space<vmem>>)
    %dma_wait3A_1804 = arith.constant 21 : i32
    %dma_wait3A_1805 = arith.constant 21 : i32
    %dma_wait3A_1806 = arith.constant 0 : i32
    %dma_wait3A_1807 = tpu.memref_slice %arg8[%dma_wait3A_1805, %dma_wait3A_1806] : memref<52x128xf32, #tpu.memory_space<vmem>> -> memref<1x128xf32, #tpu.memory_space<vmem>>
    %dma_wait3A_1808 = tpu.memref_squeeze %dma_wait3A_1807 : memref<1x128xf32, #tpu.memory_space<vmem>> -> memref<128xf32, #tpu.memory_space<vmem>>
    %dma_wait3A_1809 = arith.constant 0 : i32
    %dma_wait3A_1810 = tpu.memref_slice %arg7[%dma_wait3A_1804, %dma_wait3A_1809] : memref<52x128xi32, #tpu.memory_space<vmem>> -> memref<1x128xi32, #tpu.memory_space<vmem>>
    %dma_wait3A_1811 = tpu.memref_squeeze %dma_wait3A_1810 : memref<1x128xi32, #tpu.memory_space<vmem>> -> memref<128xi32, #tpu.memory_space<vmem>>
    %dma_wait3A_1812 = arith.constant 0 : i32
    %dma_wait3A_1813 = tpu.memref_slice %arg6[%dma_wait3A_1812] : memref<100000xf32, #tpu.memory_space<vmem_shared>> -> memref<100000xf32, #tpu.memory_space<vmem_shared>>
    tpu.wait_indirect_dma semaphore(%arg15 : memref<!tpu.dma_semaphore, #tpu.memory_space<semaphore_mem>>) src(%dma_wait3A_1813 : memref<100000xf32, #tpu.memory_space<vmem_shared>>) dst(%dma_wait3A_1808 : memref<128xf32, #tpu.memory_space<vmem>>)
    %dma_wait3A_1814 = arith.constant 22 : i32
    %dma_wait3A_1815 = arith.constant 22 : i32
    %dma_wait3A_1816 = arith.constant 0 : i32
    %dma_wait3A_1817 = tpu.memref_slice %arg8[%dma_wait3A_1815, %dma_wait3A_1816] : memref<52x128xf32, #tpu.memory_space<vmem>> -> memref<1x128xf32, #tpu.memory_space<vmem>>
    %dma_wait3A_1818 = tpu.memref_squeeze %dma_wait3A_1817 : memref<1x128xf32, #tpu.memory_space<vmem>> -> memref<128xf32, #tpu.memory_space<vmem>>
    %dma_wait3A_1819 = arith.constant 0 : i32
    %dma_wait3A_1820 = tpu.memref_slice %arg7[%dma_wait3A_1814, %dma_wait3A_1819] : memref<52x128xi32, #tpu.memory_space<vmem>> -> memref<1x128xi32, #tpu.memory_space<vmem>>
    %dma_wait3A_1821 = tpu.memref_squeeze %dma_wait3A_1820 : memref<1x128xi32, #tpu.memory_space<vmem>> -> memref<128xi32, #tpu.memory_space<vmem>>
    %dma_wait3A_1822 = arith.constant 0 : i32
    %dma_wait3A_1823 = tpu.memref_slice %arg6[%dma_wait3A_1822] : memref<100000xf32, #tpu.memory_space<vmem_shared>> -> memref<100000xf32, #tpu.memory_space<vmem_shared>>
    tpu.wait_indirect_dma semaphore(%arg15 : memref<!tpu.dma_semaphore, #tpu.memory_space<semaphore_mem>>) src(%dma_wait3A_1823 : memref<100000xf32, #tpu.memory_space<vmem_shared>>) dst(%dma_wait3A_1818 : memref<128xf32, #tpu.memory_space<vmem>>)
    %dma_wait3A_1824 = arith.constant 23 : i32
    %dma_wait3A_1825 = arith.constant 23 : i32
    %dma_wait3A_1826 = arith.constant 0 : i32
    %dma_wait3A_1827 = tpu.memref_slice %arg8[%dma_wait3A_1825, %dma_wait3A_1826] : memref<52x128xf32, #tpu.memory_space<vmem>> -> memref<1x128xf32, #tpu.memory_space<vmem>>
    %dma_wait3A_1828 = tpu.memref_squeeze %dma_wait3A_1827 : memref<1x128xf32, #tpu.memory_space<vmem>> -> memref<128xf32, #tpu.memory_space<vmem>>
    %dma_wait3A_1829 = arith.constant 0 : i32
    %dma_wait3A_1830 = tpu.memref_slice %arg7[%dma_wait3A_1824, %dma_wait3A_1829] : memref<52x128xi32, #tpu.memory_space<vmem>> -> memref<1x128xi32, #tpu.memory_space<vmem>>
    %dma_wait3A_1831 = tpu.memref_squeeze %dma_wait3A_1830 : memref<1x128xi32, #tpu.memory_space<vmem>> -> memref<128xi32, #tpu.memory_space<vmem>>
    %dma_wait3A_1832 = arith.constant 0 : i32
    %dma_wait3A_1833 = tpu.memref_slice %arg6[%dma_wait3A_1832] : memref<100000xf32, #tpu.memory_space<vmem_shared>> -> memref<100000xf32, #tpu.memory_space<vmem_shared>>
    tpu.wait_indirect_dma semaphore(%arg15 : memref<!tpu.dma_semaphore, #tpu.memory_space<semaphore_mem>>) src(%dma_wait3A_1833 : memref<100000xf32, #tpu.memory_space<vmem_shared>>) dst(%dma_wait3A_1828 : memref<128xf32, #tpu.memory_space<vmem>>)
    %dma_wait3A_1834 = arith.constant 24 : i32
    %dma_wait3A_1835 = arith.constant 24 : i32
    %dma_wait3A_1836 = arith.constant 0 : i32
    %dma_wait3A_1837 = tpu.memref_slice %arg8[%dma_wait3A_1835, %dma_wait3A_1836] : memref<52x128xf32, #tpu.memory_space<vmem>> -> memref<1x128xf32, #tpu.memory_space<vmem>>
    %dma_wait3A_1838 = tpu.memref_squeeze %dma_wait3A_1837 : memref<1x128xf32, #tpu.memory_space<vmem>> -> memref<128xf32, #tpu.memory_space<vmem>>
    %dma_wait3A_1839 = arith.constant 0 : i32
    %dma_wait3A_1840 = tpu.memref_slice %arg7[%dma_wait3A_1834, %dma_wait3A_1839] : memref<52x128xi32, #tpu.memory_space<vmem>> -> memref<1x128xi32, #tpu.memory_space<vmem>>
    %dma_wait3A_1841 = tpu.memref_squeeze %dma_wait3A_1840 : memref<1x128xi32, #tpu.memory_space<vmem>> -> memref<128xi32, #tpu.memory_space<vmem>>
    %dma_wait3A_1842 = arith.constant 0 : i32
    %dma_wait3A_1843 = tpu.memref_slice %arg6[%dma_wait3A_1842] : memref<100000xf32, #tpu.memory_space<vmem_shared>> -> memref<100000xf32, #tpu.memory_space<vmem_shared>>
    tpu.wait_indirect_dma semaphore(%arg15 : memref<!tpu.dma_semaphore, #tpu.memory_space<semaphore_mem>>) src(%dma_wait3A_1843 : memref<100000xf32, #tpu.memory_space<vmem_shared>>) dst(%dma_wait3A_1838 : memref<128xf32, #tpu.memory_space<vmem>>)
    %dma_wait3A_1844 = arith.constant 25 : i32
    %dma_wait3A_1845 = arith.constant 25 : i32
    %dma_wait3A_1846 = arith.constant 0 : i32
    %dma_wait3A_1847 = tpu.memref_slice %arg8[%dma_wait3A_1845, %dma_wait3A_1846] : memref<52x128xf32, #tpu.memory_space<vmem>> -> memref<1x128xf32, #tpu.memory_space<vmem>>
    %dma_wait3A_1848 = tpu.memref_squeeze %dma_wait3A_1847 : memref<1x128xf32, #tpu.memory_space<vmem>> -> memref<128xf32, #tpu.memory_space<vmem>>
    %dma_wait3A_1849 = arith.constant 0 : i32
    %dma_wait3A_1850 = tpu.memref_slice %arg7[%dma_wait3A_1844, %dma_wait3A_1849] : memref<52x128xi32, #tpu.memory_space<vmem>> -> memref<1x128xi32, #tpu.memory_space<vmem>>
    %dma_wait3A_1851 = tpu.memref_squeeze %dma_wait3A_1850 : memref<1x128xi32, #tpu.memory_space<vmem>> -> memref<128xi32, #tpu.memory_space<vmem>>
    %dma_wait3A_1852 = arith.constant 0 : i32
    %dma_wait3A_1853 = tpu.memref_slice %arg6[%dma_wait3A_1852] : memref<100000xf32, #tpu.memory_space<vmem_shared>> -> memref<100000xf32, #tpu.memory_space<vmem_shared>>
    tpu.wait_indirect_dma semaphore(%arg15 : memref<!tpu.dma_semaphore, #tpu.memory_space<semaphore_mem>>) src(%dma_wait3A_1853 : memref<100000xf32, #tpu.memory_space<vmem_shared>>) dst(%dma_wait3A_1848 : memref<128xf32, #tpu.memory_space<vmem>>)
    %dma_wait3A_1854 = arith.constant 26 : i32
    %dma_wait3A_1855 = arith.constant 26 : i32
    %dma_wait3A_1856 = arith.constant 0 : i32
    %dma_wait3A_1857 = tpu.memref_slice %arg8[%dma_wait3A_1855, %dma_wait3A_1856] : memref<52x128xf32, #tpu.memory_space<vmem>> -> memref<1x128xf32, #tpu.memory_space<vmem>>
    %dma_wait3A_1858 = tpu.memref_squeeze %dma_wait3A_1857 : memref<1x128xf32, #tpu.memory_space<vmem>> -> memref<128xf32, #tpu.memory_space<vmem>>
    %dma_wait3A_1859 = arith.constant 0 : i32
    %dma_wait3A_1860 = tpu.memref_slice %arg7[%dma_wait3A_1854, %dma_wait3A_1859] : memref<52x128xi32, #tpu.memory_space<vmem>> -> memref<1x128xi32, #tpu.memory_space<vmem>>
    %dma_wait3A_1861 = tpu.memref_squeeze %dma_wait3A_1860 : memref<1x128xi32, #tpu.memory_space<vmem>> -> memref<128xi32, #tpu.memory_space<vmem>>
    %dma_wait3A_1862 = arith.constant 0 : i32
    %dma_wait3A_1863 = tpu.memref_slice %arg6[%dma_wait3A_1862] : memref<100000xf32, #tpu.memory_space<vmem_shared>> -> memref<100000xf32, #tpu.memory_space<vmem_shared>>
    tpu.wait_indirect_dma semaphore(%arg15 : memref<!tpu.dma_semaphore, #tpu.memory_space<semaphore_mem>>) src(%dma_wait3A_1863 : memref<100000xf32, #tpu.memory_space<vmem_shared>>) dst(%dma_wait3A_1858 : memref<128xf32, #tpu.memory_space<vmem>>)
    %dma_wait3A_1864 = arith.constant 27 : i32
    %dma_wait3A_1865 = arith.constant 27 : i32
    %dma_wait3A_1866 = arith.constant 0 : i32
    %dma_wait3A_1867 = tpu.memref_slice %arg8[%dma_wait3A_1865, %dma_wait3A_1866] : memref<52x128xf32, #tpu.memory_space<vmem>> -> memref<1x128xf32, #tpu.memory_space<vmem>>
    %dma_wait3A_1868 = tpu.memref_squeeze %dma_wait3A_1867 : memref<1x128xf32, #tpu.memory_space<vmem>> -> memref<128xf32, #tpu.memory_space<vmem>>
    %dma_wait3A_1869 = arith.constant 0 : i32
    %dma_wait3A_1870 = tpu.memref_slice %arg7[%dma_wait3A_1864, %dma_wait3A_1869] : memref<52x128xi32, #tpu.memory_space<vmem>> -> memref<1x128xi32, #tpu.memory_space<vmem>>
    %dma_wait3A_1871 = tpu.memref_squeeze %dma_wait3A_1870 : memref<1x128xi32, #tpu.memory_space<vmem>> -> memref<128xi32, #tpu.memory_space<vmem>>
    %dma_wait3A_1872 = arith.constant 0 : i32
    %dma_wait3A_1873 = tpu.memref_slice %arg6[%dma_wait3A_1872] : memref<100000xf32, #tpu.memory_space<vmem_shared>> -> memref<100000xf32, #tpu.memory_space<vmem_shared>>
    tpu.wait_indirect_dma semaphore(%arg15 : memref<!tpu.dma_semaphore, #tpu.memory_space<semaphore_mem>>) src(%dma_wait3A_1873 : memref<100000xf32, #tpu.memory_space<vmem_shared>>) dst(%dma_wait3A_1868 : memref<128xf32, #tpu.memory_space<vmem>>)
    %dma_wait3A_1874 = arith.constant 28 : i32
    %dma_wait3A_1875 = arith.constant 28 : i32
    %dma_wait3A_1876 = arith.constant 0 : i32
    %dma_wait3A_1877 = tpu.memref_slice %arg8[%dma_wait3A_1875, %dma_wait3A_1876] : memref<52x128xf32, #tpu.memory_space<vmem>> -> memref<1x128xf32, #tpu.memory_space<vmem>>
    %dma_wait3A_1878 = tpu.memref_squeeze %dma_wait3A_1877 : memref<1x128xf32, #tpu.memory_space<vmem>> -> memref<128xf32, #tpu.memory_space<vmem>>
    %dma_wait3A_1879 = arith.constant 0 : i32
    %dma_wait3A_1880 = tpu.memref_slice %arg7[%dma_wait3A_1874, %dma_wait3A_1879] : memref<52x128xi32, #tpu.memory_space<vmem>> -> memref<1x128xi32, #tpu.memory_space<vmem>>
    %dma_wait3A_1881 = tpu.memref_squeeze %dma_wait3A_1880 : memref<1x128xi32, #tpu.memory_space<vmem>> -> memref<128xi32, #tpu.memory_space<vmem>>
    %dma_wait3A_1882 = arith.constant 0 : i32
    %dma_wait3A_1883 = tpu.memref_slice %arg6[%dma_wait3A_1882] : memref<100000xf32, #tpu.memory_space<vmem_shared>> -> memref<100000xf32, #tpu.memory_space<vmem_shared>>
    tpu.wait_indirect_dma semaphore(%arg15 : memref<!tpu.dma_semaphore, #tpu.memory_space<semaphore_mem>>) src(%dma_wait3A_1883 : memref<100000xf32, #tpu.memory_space<vmem_shared>>) dst(%dma_wait3A_1878 : memref<128xf32, #tpu.memory_space<vmem>>)
    %dma_wait3A_1884 = arith.constant 29 : i32
    %dma_wait3A_1885 = arith.constant 29 : i32
    %dma_wait3A_1886 = arith.constant 0 : i32
    %dma_wait3A_1887 = tpu.memref_slice %arg8[%dma_wait3A_1885, %dma_wait3A_1886] : memref<52x128xf32, #tpu.memory_space<vmem>> -> memref<1x128xf32, #tpu.memory_space<vmem>>
    %dma_wait3A_1888 = tpu.memref_squeeze %dma_wait3A_1887 : memref<1x128xf32, #tpu.memory_space<vmem>> -> memref<128xf32, #tpu.memory_space<vmem>>
    %dma_wait3A_1889 = arith.constant 0 : i32
    %dma_wait3A_1890 = tpu.memref_slice %arg7[%dma_wait3A_1884, %dma_wait3A_1889] : memref<52x128xi32, #tpu.memory_space<vmem>> -> memref<1x128xi32, #tpu.memory_space<vmem>>
    %dma_wait3A_1891 = tpu.memref_squeeze %dma_wait3A_1890 : memref<1x128xi32, #tpu.memory_space<vmem>> -> memref<128xi32, #tpu.memory_space<vmem>>
    %dma_wait3A_1892 = arith.constant 0 : i32
    %dma_wait3A_1893 = tpu.memref_slice %arg6[%dma_wait3A_1892] : memref<100000xf32, #tpu.memory_space<vmem_shared>> -> memref<100000xf32, #tpu.memory_space<vmem_shared>>
    tpu.wait_indirect_dma semaphore(%arg15 : memref<!tpu.dma_semaphore, #tpu.memory_space<semaphore_mem>>) src(%dma_wait3A_1893 : memref<100000xf32, #tpu.memory_space<vmem_shared>>) dst(%dma_wait3A_1888 : memref<128xf32, #tpu.memory_space<vmem>>)
    %dma_wait3A_1894 = arith.constant 30 : i32
    %dma_wait3A_1895 = arith.constant 30 : i32
    %dma_wait3A_1896 = arith.constant 0 : i32
    %dma_wait3A_1897 = tpu.memref_slice %arg8[%dma_wait3A_1895, %dma_wait3A_1896] : memref<52x128xf32, #tpu.memory_space<vmem>> -> memref<1x128xf32, #tpu.memory_space<vmem>>
    %dma_wait3A_1898 = tpu.memref_squeeze %dma_wait3A_1897 : memref<1x128xf32, #tpu.memory_space<vmem>> -> memref<128xf32, #tpu.memory_space<vmem>>
    %dma_wait3A_1899 = arith.constant 0 : i32
    %dma_wait3A_1900 = tpu.memref_slice %arg7[%dma_wait3A_1894, %dma_wait3A_1899] : memref<52x128xi32, #tpu.memory_space<vmem>> -> memref<1x128xi32, #tpu.memory_space<vmem>>
    %dma_wait3A_1901 = tpu.memref_squeeze %dma_wait3A_1900 : memref<1x128xi32, #tpu.memory_space<vmem>> -> memref<128xi32, #tpu.memory_space<vmem>>
    %dma_wait3A_1902 = arith.constant 0 : i32
    %dma_wait3A_1903 = tpu.memref_slice %arg6[%dma_wait3A_1902] : memref<100000xf32, #tpu.memory_space<vmem_shared>> -> memref<100000xf32, #tpu.memory_space<vmem_shared>>
    tpu.wait_indirect_dma semaphore(%arg15 : memref<!tpu.dma_semaphore, #tpu.memory_space<semaphore_mem>>) src(%dma_wait3A_1903 : memref<100000xf32, #tpu.memory_space<vmem_shared>>) dst(%dma_wait3A_1898 : memref<128xf32, #tpu.memory_space<vmem>>)
    %dma_wait3A_1904 = arith.constant 31 : i32
    %dma_wait3A_1905 = arith.constant 31 : i32
    %dma_wait3A_1906 = arith.constant 0 : i32
    %dma_wait3A_1907 = tpu.memref_slice %arg8[%dma_wait3A_1905, %dma_wait3A_1906] : memref<52x128xf32, #tpu.memory_space<vmem>> -> memref<1x128xf32, #tpu.memory_space<vmem>>
    %dma_wait3A_1908 = tpu.memref_squeeze %dma_wait3A_1907 : memref<1x128xf32, #tpu.memory_space<vmem>> -> memref<128xf32, #tpu.memory_space<vmem>>
    %dma_wait3A_1909 = arith.constant 0 : i32
    %dma_wait3A_1910 = tpu.memref_slice %arg7[%dma_wait3A_1904, %dma_wait3A_1909] : memref<52x128xi32, #tpu.memory_space<vmem>> -> memref<1x128xi32, #tpu.memory_space<vmem>>
    %dma_wait3A_1911 = tpu.memref_squeeze %dma_wait3A_1910 : memref<1x128xi32, #tpu.memory_space<vmem>> -> memref<128xi32, #tpu.memory_space<vmem>>
    %dma_wait3A_1912 = arith.constant 0 : i32
    %dma_wait3A_1913 = tpu.memref_slice %arg6[%dma_wait3A_1912] : memref<100000xf32, #tpu.memory_space<vmem_shared>> -> memref<100000xf32, #tpu.memory_space<vmem_shared>>
    tpu.wait_indirect_dma semaphore(%arg15 : memref<!tpu.dma_semaphore, #tpu.memory_space<semaphore_mem>>) src(%dma_wait3A_1913 : memref<100000xf32, #tpu.memory_space<vmem_shared>>) dst(%dma_wait3A_1908 : memref<128xf32, #tpu.memory_space<vmem>>)
    %dma_wait3A_1914 = arith.constant 32 : i32
    %dma_wait3A_1915 = arith.constant 32 : i32
    %dma_wait3A_1916 = arith.constant 0 : i32
    %dma_wait3A_1917 = tpu.memref_slice %arg8[%dma_wait3A_1915, %dma_wait3A_1916] : memref<52x128xf32, #tpu.memory_space<vmem>> -> memref<1x128xf32, #tpu.memory_space<vmem>>
    %dma_wait3A_1918 = tpu.memref_squeeze %dma_wait3A_1917 : memref<1x128xf32, #tpu.memory_space<vmem>> -> memref<128xf32, #tpu.memory_space<vmem>>
    %dma_wait3A_1919 = arith.constant 0 : i32
    %dma_wait3A_1920 = tpu.memref_slice %arg7[%dma_wait3A_1914, %dma_wait3A_1919] : memref<52x128xi32, #tpu.memory_space<vmem>> -> memref<1x128xi32, #tpu.memory_space<vmem>>
    %dma_wait3A_1921 = tpu.memref_squeeze %dma_wait3A_1920 : memref<1x128xi32, #tpu.memory_space<vmem>> -> memref<128xi32, #tpu.memory_space<vmem>>
    %dma_wait3A_1922 = arith.constant 0 : i32
    %dma_wait3A_1923 = tpu.memref_slice %arg6[%dma_wait3A_1922] : memref<100000xf32, #tpu.memory_space<vmem_shared>> -> memref<100000xf32, #tpu.memory_space<vmem_shared>>
    tpu.wait_indirect_dma semaphore(%arg15 : memref<!tpu.dma_semaphore, #tpu.memory_space<semaphore_mem>>) src(%dma_wait3A_1923 : memref<100000xf32, #tpu.memory_space<vmem_shared>>) dst(%dma_wait3A_1918 : memref<128xf32, #tpu.memory_space<vmem>>)
    %dma_wait3A_1924 = arith.constant 33 : i32
    %dma_wait3A_1925 = arith.constant 33 : i32
    %dma_wait3A_1926 = arith.constant 0 : i32
    %dma_wait3A_1927 = tpu.memref_slice %arg8[%dma_wait3A_1925, %dma_wait3A_1926] : memref<52x128xf32, #tpu.memory_space<vmem>> -> memref<1x128xf32, #tpu.memory_space<vmem>>
    %dma_wait3A_1928 = tpu.memref_squeeze %dma_wait3A_1927 : memref<1x128xf32, #tpu.memory_space<vmem>> -> memref<128xf32, #tpu.memory_space<vmem>>
    %dma_wait3A_1929 = arith.constant 0 : i32
    %dma_wait3A_1930 = tpu.memref_slice %arg7[%dma_wait3A_1924, %dma_wait3A_1929] : memref<52x128xi32, #tpu.memory_space<vmem>> -> memref<1x128xi32, #tpu.memory_space<vmem>>
    %dma_wait3A_1931 = tpu.memref_squeeze %dma_wait3A_1930 : memref<1x128xi32, #tpu.memory_space<vmem>> -> memref<128xi32, #tpu.memory_space<vmem>>
    %dma_wait3A_1932 = arith.constant 0 : i32
    %dma_wait3A_1933 = tpu.memref_slice %arg6[%dma_wait3A_1932] : memref<100000xf32, #tpu.memory_space<vmem_shared>> -> memref<100000xf32, #tpu.memory_space<vmem_shared>>
    tpu.wait_indirect_dma semaphore(%arg15 : memref<!tpu.dma_semaphore, #tpu.memory_space<semaphore_mem>>) src(%dma_wait3A_1933 : memref<100000xf32, #tpu.memory_space<vmem_shared>>) dst(%dma_wait3A_1928 : memref<128xf32, #tpu.memory_space<vmem>>)
    %dma_wait3A_1934 = arith.constant 34 : i32
    %dma_wait3A_1935 = arith.constant 34 : i32
    %dma_wait3A_1936 = arith.constant 0 : i32
    %dma_wait3A_1937 = tpu.memref_slice %arg8[%dma_wait3A_1935, %dma_wait3A_1936] : memref<52x128xf32, #tpu.memory_space<vmem>> -> memref<1x128xf32, #tpu.memory_space<vmem>>
    %dma_wait3A_1938 = tpu.memref_squeeze %dma_wait3A_1937 : memref<1x128xf32, #tpu.memory_space<vmem>> -> memref<128xf32, #tpu.memory_space<vmem>>
    %dma_wait3A_1939 = arith.constant 0 : i32
    %dma_wait3A_1940 = tpu.memref_slice %arg7[%dma_wait3A_1934, %dma_wait3A_1939] : memref<52x128xi32, #tpu.memory_space<vmem>> -> memref<1x128xi32, #tpu.memory_space<vmem>>
    %dma_wait3A_1941 = tpu.memref_squeeze %dma_wait3A_1940 : memref<1x128xi32, #tpu.memory_space<vmem>> -> memref<128xi32, #tpu.memory_space<vmem>>
    %dma_wait3A_1942 = arith.constant 0 : i32
    %dma_wait3A_1943 = tpu.memref_slice %arg6[%dma_wait3A_1942] : memref<100000xf32, #tpu.memory_space<vmem_shared>> -> memref<100000xf32, #tpu.memory_space<vmem_shared>>
    tpu.wait_indirect_dma semaphore(%arg15 : memref<!tpu.dma_semaphore, #tpu.memory_space<semaphore_mem>>) src(%dma_wait3A_1943 : memref<100000xf32, #tpu.memory_space<vmem_shared>>) dst(%dma_wait3A_1938 : memref<128xf32, #tpu.memory_space<vmem>>)
    %dma_wait3A_1944 = arith.constant 35 : i32
    %dma_wait3A_1945 = arith.constant 35 : i32
    %dma_wait3A_1946 = arith.constant 0 : i32
    %dma_wait3A_1947 = tpu.memref_slice %arg8[%dma_wait3A_1945, %dma_wait3A_1946] : memref<52x128xf32, #tpu.memory_space<vmem>> -> memref<1x128xf32, #tpu.memory_space<vmem>>
    %dma_wait3A_1948 = tpu.memref_squeeze %dma_wait3A_1947 : memref<1x128xf32, #tpu.memory_space<vmem>> -> memref<128xf32, #tpu.memory_space<vmem>>
    %dma_wait3A_1949 = arith.constant 0 : i32
    %dma_wait3A_1950 = tpu.memref_slice %arg7[%dma_wait3A_1944, %dma_wait3A_1949] : memref<52x128xi32, #tpu.memory_space<vmem>> -> memref<1x128xi32, #tpu.memory_space<vmem>>
    %dma_wait3A_1951 = tpu.memref_squeeze %dma_wait3A_1950 : memref<1x128xi32, #tpu.memory_space<vmem>> -> memref<128xi32, #tpu.memory_space<vmem>>
    %dma_wait3A_1952 = arith.constant 0 : i32
    %dma_wait3A_1953 = tpu.memref_slice %arg6[%dma_wait3A_1952] : memref<100000xf32, #tpu.memory_space<vmem_shared>> -> memref<100000xf32, #tpu.memory_space<vmem_shared>>
    tpu.wait_indirect_dma semaphore(%arg15 : memref<!tpu.dma_semaphore, #tpu.memory_space<semaphore_mem>>) src(%dma_wait3A_1953 : memref<100000xf32, #tpu.memory_space<vmem_shared>>) dst(%dma_wait3A_1948 : memref<128xf32, #tpu.memory_space<vmem>>)
    %dma_wait3A_1954 = arith.constant 36 : i32
    %dma_wait3A_1955 = arith.constant 36 : i32
    %dma_wait3A_1956 = arith.constant 0 : i32
    %dma_wait3A_1957 = tpu.memref_slice %arg8[%dma_wait3A_1955, %dma_wait3A_1956] : memref<52x128xf32, #tpu.memory_space<vmem>> -> memref<1x128xf32, #tpu.memory_space<vmem>>
    %dma_wait3A_1958 = tpu.memref_squeeze %dma_wait3A_1957 : memref<1x128xf32, #tpu.memory_space<vmem>> -> memref<128xf32, #tpu.memory_space<vmem>>
    %dma_wait3A_1959 = arith.constant 0 : i32
    %dma_wait3A_1960 = tpu.memref_slice %arg7[%dma_wait3A_1954, %dma_wait3A_1959] : memref<52x128xi32, #tpu.memory_space<vmem>> -> memref<1x128xi32, #tpu.memory_space<vmem>>
    %dma_wait3A_1961 = tpu.memref_squeeze %dma_wait3A_1960 : memref<1x128xi32, #tpu.memory_space<vmem>> -> memref<128xi32, #tpu.memory_space<vmem>>
    %dma_wait3A_1962 = arith.constant 0 : i32
    %dma_wait3A_1963 = tpu.memref_slice %arg6[%dma_wait3A_1962] : memref<100000xf32, #tpu.memory_space<vmem_shared>> -> memref<100000xf32, #tpu.memory_space<vmem_shared>>
    tpu.wait_indirect_dma semaphore(%arg15 : memref<!tpu.dma_semaphore, #tpu.memory_space<semaphore_mem>>) src(%dma_wait3A_1963 : memref<100000xf32, #tpu.memory_space<vmem_shared>>) dst(%dma_wait3A_1958 : memref<128xf32, #tpu.memory_space<vmem>>)
    %dma_wait3A_1964 = arith.constant 37 : i32
    %dma_wait3A_1965 = arith.constant 37 : i32
    %dma_wait3A_1966 = arith.constant 0 : i32
    %dma_wait3A_1967 = tpu.memref_slice %arg8[%dma_wait3A_1965, %dma_wait3A_1966] : memref<52x128xf32, #tpu.memory_space<vmem>> -> memref<1x128xf32, #tpu.memory_space<vmem>>
    %dma_wait3A_1968 = tpu.memref_squeeze %dma_wait3A_1967 : memref<1x128xf32, #tpu.memory_space<vmem>> -> memref<128xf32, #tpu.memory_space<vmem>>
    %dma_wait3A_1969 = arith.constant 0 : i32
    %dma_wait3A_1970 = tpu.memref_slice %arg7[%dma_wait3A_1964, %dma_wait3A_1969] : memref<52x128xi32, #tpu.memory_space<vmem>> -> memref<1x128xi32, #tpu.memory_space<vmem>>
    %dma_wait3A_1971 = tpu.memref_squeeze %dma_wait3A_1970 : memref<1x128xi32, #tpu.memory_space<vmem>> -> memref<128xi32, #tpu.memory_space<vmem>>
    %dma_wait3A_1972 = arith.constant 0 : i32
    %dma_wait3A_1973 = tpu.memref_slice %arg6[%dma_wait3A_1972] : memref<100000xf32, #tpu.memory_space<vmem_shared>> -> memref<100000xf32, #tpu.memory_space<vmem_shared>>
    tpu.wait_indirect_dma semaphore(%arg15 : memref<!tpu.dma_semaphore, #tpu.memory_space<semaphore_mem>>) src(%dma_wait3A_1973 : memref<100000xf32, #tpu.memory_space<vmem_shared>>) dst(%dma_wait3A_1968 : memref<128xf32, #tpu.memory_space<vmem>>)
    %dma_wait3A_1974 = arith.constant 38 : i32
    %dma_wait3A_1975 = arith.constant 38 : i32
    %dma_wait3A_1976 = arith.constant 0 : i32
    %dma_wait3A_1977 = tpu.memref_slice %arg8[%dma_wait3A_1975, %dma_wait3A_1976] : memref<52x128xf32, #tpu.memory_space<vmem>> -> memref<1x128xf32, #tpu.memory_space<vmem>>
    %dma_wait3A_1978 = tpu.memref_squeeze %dma_wait3A_1977 : memref<1x128xf32, #tpu.memory_space<vmem>> -> memref<128xf32, #tpu.memory_space<vmem>>
    %dma_wait3A_1979 = arith.constant 0 : i32
    %dma_wait3A_1980 = tpu.memref_slice %arg7[%dma_wait3A_1974, %dma_wait3A_1979] : memref<52x128xi32, #tpu.memory_space<vmem>> -> memref<1x128xi32, #tpu.memory_space<vmem>>
    %dma_wait3A_1981 = tpu.memref_squeeze %dma_wait3A_1980 : memref<1x128xi32, #tpu.memory_space<vmem>> -> memref<128xi32, #tpu.memory_space<vmem>>
    %dma_wait3A_1982 = arith.constant 0 : i32
    %dma_wait3A_1983 = tpu.memref_slice %arg6[%dma_wait3A_1982] : memref<100000xf32, #tpu.memory_space<vmem_shared>> -> memref<100000xf32, #tpu.memory_space<vmem_shared>>
    tpu.wait_indirect_dma semaphore(%arg15 : memref<!tpu.dma_semaphore, #tpu.memory_space<semaphore_mem>>) src(%dma_wait3A_1983 : memref<100000xf32, #tpu.memory_space<vmem_shared>>) dst(%dma_wait3A_1978 : memref<128xf32, #tpu.memory_space<vmem>>)
    %dma_wait3A_1984 = arith.constant 39 : i32
    %dma_wait3A_1985 = arith.constant 39 : i32
    %dma_wait3A_1986 = arith.constant 0 : i32
    %dma_wait3A_1987 = tpu.memref_slice %arg8[%dma_wait3A_1985, %dma_wait3A_1986] : memref<52x128xf32, #tpu.memory_space<vmem>> -> memref<1x128xf32, #tpu.memory_space<vmem>>
    %dma_wait3A_1988 = tpu.memref_squeeze %dma_wait3A_1987 : memref<1x128xf32, #tpu.memory_space<vmem>> -> memref<128xf32, #tpu.memory_space<vmem>>
    %dma_wait3A_1989 = arith.constant 0 : i32
    %dma_wait3A_1990 = tpu.memref_slice %arg7[%dma_wait3A_1984, %dma_wait3A_1989] : memref<52x128xi32, #tpu.memory_space<vmem>> -> memref<1x128xi32, #tpu.memory_space<vmem>>
    %dma_wait3A_1991 = tpu.memref_squeeze %dma_wait3A_1990 : memref<1x128xi32, #tpu.memory_space<vmem>> -> memref<128xi32, #tpu.memory_space<vmem>>
    %dma_wait3A_1992 = arith.constant 0 : i32
    %dma_wait3A_1993 = tpu.memref_slice %arg6[%dma_wait3A_1992] : memref<100000xf32, #tpu.memory_space<vmem_shared>> -> memref<100000xf32, #tpu.memory_space<vmem_shared>>
    tpu.wait_indirect_dma semaphore(%arg15 : memref<!tpu.dma_semaphore, #tpu.memory_space<semaphore_mem>>) src(%dma_wait3A_1993 : memref<100000xf32, #tpu.memory_space<vmem_shared>>) dst(%dma_wait3A_1988 : memref<128xf32, #tpu.memory_space<vmem>>)
    %dma_wait3A_1994 = arith.constant 40 : i32
    %dma_wait3A_1995 = arith.constant 40 : i32
    %dma_wait3A_1996 = arith.constant 0 : i32
    %dma_wait3A_1997 = tpu.memref_slice %arg8[%dma_wait3A_1995, %dma_wait3A_1996] : memref<52x128xf32, #tpu.memory_space<vmem>> -> memref<1x128xf32, #tpu.memory_space<vmem>>
    %dma_wait3A_1998 = tpu.memref_squeeze %dma_wait3A_1997 : memref<1x128xf32, #tpu.memory_space<vmem>> -> memref<128xf32, #tpu.memory_space<vmem>>
    %dma_wait3A_1999 = arith.constant 0 : i32
    %dma_wait3A_2000 = tpu.memref_slice %arg7[%dma_wait3A_1994, %dma_wait3A_1999] : memref<52x128xi32, #tpu.memory_space<vmem>> -> memref<1x128xi32, #tpu.memory_space<vmem>>
    %dma_wait3A_2001 = tpu.memref_squeeze %dma_wait3A_2000 : memref<1x128xi32, #tpu.memory_space<vmem>> -> memref<128xi32, #tpu.memory_space<vmem>>
    %dma_wait3A_2002 = arith.constant 0 : i32
    %dma_wait3A_2003 = tpu.memref_slice %arg6[%dma_wait3A_2002] : memref<100000xf32, #tpu.memory_space<vmem_shared>> -> memref<100000xf32, #tpu.memory_space<vmem_shared>>
    tpu.wait_indirect_dma semaphore(%arg15 : memref<!tpu.dma_semaphore, #tpu.memory_space<semaphore_mem>>) src(%dma_wait3A_2003 : memref<100000xf32, #tpu.memory_space<vmem_shared>>) dst(%dma_wait3A_1998 : memref<128xf32, #tpu.memory_space<vmem>>)
    %dma_wait3A_2004 = arith.constant 41 : i32
    %dma_wait3A_2005 = arith.constant 41 : i32
    %dma_wait3A_2006 = arith.constant 0 : i32
    %dma_wait3A_2007 = tpu.memref_slice %arg8[%dma_wait3A_2005, %dma_wait3A_2006] : memref<52x128xf32, #tpu.memory_space<vmem>> -> memref<1x128xf32, #tpu.memory_space<vmem>>
    %dma_wait3A_2008 = tpu.memref_squeeze %dma_wait3A_2007 : memref<1x128xf32, #tpu.memory_space<vmem>> -> memref<128xf32, #tpu.memory_space<vmem>>
    %dma_wait3A_2009 = arith.constant 0 : i32
    %dma_wait3A_2010 = tpu.memref_slice %arg7[%dma_wait3A_2004, %dma_wait3A_2009] : memref<52x128xi32, #tpu.memory_space<vmem>> -> memref<1x128xi32, #tpu.memory_space<vmem>>
    %dma_wait3A_2011 = tpu.memref_squeeze %dma_wait3A_2010 : memref<1x128xi32, #tpu.memory_space<vmem>> -> memref<128xi32, #tpu.memory_space<vmem>>
    %dma_wait3A_2012 = arith.constant 0 : i32
    %dma_wait3A_2013 = tpu.memref_slice %arg6[%dma_wait3A_2012] : memref<100000xf32, #tpu.memory_space<vmem_shared>> -> memref<100000xf32, #tpu.memory_space<vmem_shared>>
    tpu.wait_indirect_dma semaphore(%arg15 : memref<!tpu.dma_semaphore, #tpu.memory_space<semaphore_mem>>) src(%dma_wait3A_2013 : memref<100000xf32, #tpu.memory_space<vmem_shared>>) dst(%dma_wait3A_2008 : memref<128xf32, #tpu.memory_space<vmem>>)
    %dma_wait3A_2014 = arith.constant 42 : i32
    %dma_wait3A_2015 = arith.constant 42 : i32
    %dma_wait3A_2016 = arith.constant 0 : i32
    %dma_wait3A_2017 = tpu.memref_slice %arg8[%dma_wait3A_2015, %dma_wait3A_2016] : memref<52x128xf32, #tpu.memory_space<vmem>> -> memref<1x128xf32, #tpu.memory_space<vmem>>
    %dma_wait3A_2018 = tpu.memref_squeeze %dma_wait3A_2017 : memref<1x128xf32, #tpu.memory_space<vmem>> -> memref<128xf32, #tpu.memory_space<vmem>>
    %dma_wait3A_2019 = arith.constant 0 : i32
    %dma_wait3A_2020 = tpu.memref_slice %arg7[%dma_wait3A_2014, %dma_wait3A_2019] : memref<52x128xi32, #tpu.memory_space<vmem>> -> memref<1x128xi32, #tpu.memory_space<vmem>>
    %dma_wait3A_2021 = tpu.memref_squeeze %dma_wait3A_2020 : memref<1x128xi32, #tpu.memory_space<vmem>> -> memref<128xi32, #tpu.memory_space<vmem>>
    %dma_wait3A_2022 = arith.constant 0 : i32
    %dma_wait3A_2023 = tpu.memref_slice %arg6[%dma_wait3A_2022] : memref<100000xf32, #tpu.memory_space<vmem_shared>> -> memref<100000xf32, #tpu.memory_space<vmem_shared>>
    tpu.wait_indirect_dma semaphore(%arg15 : memref<!tpu.dma_semaphore, #tpu.memory_space<semaphore_mem>>) src(%dma_wait3A_2023 : memref<100000xf32, #tpu.memory_space<vmem_shared>>) dst(%dma_wait3A_2018 : memref<128xf32, #tpu.memory_space<vmem>>)
    %dma_wait3A_2024 = arith.constant 43 : i32
    %dma_wait3A_2025 = arith.constant 43 : i32
    %dma_wait3A_2026 = arith.constant 0 : i32
    %dma_wait3A_2027 = tpu.memref_slice %arg8[%dma_wait3A_2025, %dma_wait3A_2026] : memref<52x128xf32, #tpu.memory_space<vmem>> -> memref<1x128xf32, #tpu.memory_space<vmem>>
    %dma_wait3A_2028 = tpu.memref_squeeze %dma_wait3A_2027 : memref<1x128xf32, #tpu.memory_space<vmem>> -> memref<128xf32, #tpu.memory_space<vmem>>
    %dma_wait3A_2029 = arith.constant 0 : i32
    %dma_wait3A_2030 = tpu.memref_slice %arg7[%dma_wait3A_2024, %dma_wait3A_2029] : memref<52x128xi32, #tpu.memory_space<vmem>> -> memref<1x128xi32, #tpu.memory_space<vmem>>
    %dma_wait3A_2031 = tpu.memref_squeeze %dma_wait3A_2030 : memref<1x128xi32, #tpu.memory_space<vmem>> -> memref<128xi32, #tpu.memory_space<vmem>>
    %dma_wait3A_2032 = arith.constant 0 : i32
    %dma_wait3A_2033 = tpu.memref_slice %arg6[%dma_wait3A_2032] : memref<100000xf32, #tpu.memory_space<vmem_shared>> -> memref<100000xf32, #tpu.memory_space<vmem_shared>>
    tpu.wait_indirect_dma semaphore(%arg15 : memref<!tpu.dma_semaphore, #tpu.memory_space<semaphore_mem>>) src(%dma_wait3A_2033 : memref<100000xf32, #tpu.memory_space<vmem_shared>>) dst(%dma_wait3A_2028 : memref<128xf32, #tpu.memory_space<vmem>>)
    %dma_wait3A_2034 = arith.constant 44 : i32
    %dma_wait3A_2035 = arith.constant 44 : i32
    %dma_wait3A_2036 = arith.constant 0 : i32
    %dma_wait3A_2037 = tpu.memref_slice %arg8[%dma_wait3A_2035, %dma_wait3A_2036] : memref<52x128xf32, #tpu.memory_space<vmem>> -> memref<1x128xf32, #tpu.memory_space<vmem>>
    %dma_wait3A_2038 = tpu.memref_squeeze %dma_wait3A_2037 : memref<1x128xf32, #tpu.memory_space<vmem>> -> memref<128xf32, #tpu.memory_space<vmem>>
    %dma_wait3A_2039 = arith.constant 0 : i32
    %dma_wait3A_2040 = tpu.memref_slice %arg7[%dma_wait3A_2034, %dma_wait3A_2039] : memref<52x128xi32, #tpu.memory_space<vmem>> -> memref<1x128xi32, #tpu.memory_space<vmem>>
    %dma_wait3A_2041 = tpu.memref_squeeze %dma_wait3A_2040 : memref<1x128xi32, #tpu.memory_space<vmem>> -> memref<128xi32, #tpu.memory_space<vmem>>
    %dma_wait3A_2042 = arith.constant 0 : i32
    %dma_wait3A_2043 = tpu.memref_slice %arg6[%dma_wait3A_2042] : memref<100000xf32, #tpu.memory_space<vmem_shared>> -> memref<100000xf32, #tpu.memory_space<vmem_shared>>
    tpu.wait_indirect_dma semaphore(%arg15 : memref<!tpu.dma_semaphore, #tpu.memory_space<semaphore_mem>>) src(%dma_wait3A_2043 : memref<100000xf32, #tpu.memory_space<vmem_shared>>) dst(%dma_wait3A_2038 : memref<128xf32, #tpu.memory_space<vmem>>)
    %dma_wait3A_2044 = arith.constant 45 : i32
    %dma_wait3A_2045 = arith.constant 45 : i32
    %dma_wait3A_2046 = arith.constant 0 : i32
    %dma_wait3A_2047 = tpu.memref_slice %arg8[%dma_wait3A_2045, %dma_wait3A_2046] : memref<52x128xf32, #tpu.memory_space<vmem>> -> memref<1x128xf32, #tpu.memory_space<vmem>>
    %dma_wait3A_2048 = tpu.memref_squeeze %dma_wait3A_2047 : memref<1x128xf32, #tpu.memory_space<vmem>> -> memref<128xf32, #tpu.memory_space<vmem>>
    %dma_wait3A_2049 = arith.constant 0 : i32
    %dma_wait3A_2050 = tpu.memref_slice %arg7[%dma_wait3A_2044, %dma_wait3A_2049] : memref<52x128xi32, #tpu.memory_space<vmem>> -> memref<1x128xi32, #tpu.memory_space<vmem>>
    %dma_wait3A_2051 = tpu.memref_squeeze %dma_wait3A_2050 : memref<1x128xi32, #tpu.memory_space<vmem>> -> memref<128xi32, #tpu.memory_space<vmem>>
    %dma_wait3A_2052 = arith.constant 0 : i32
    %dma_wait3A_2053 = tpu.memref_slice %arg6[%dma_wait3A_2052] : memref<100000xf32, #tpu.memory_space<vmem_shared>> -> memref<100000xf32, #tpu.memory_space<vmem_shared>>
    tpu.wait_indirect_dma semaphore(%arg15 : memref<!tpu.dma_semaphore, #tpu.memory_space<semaphore_mem>>) src(%dma_wait3A_2053 : memref<100000xf32, #tpu.memory_space<vmem_shared>>) dst(%dma_wait3A_2048 : memref<128xf32, #tpu.memory_space<vmem>>)
    %dma_wait3A_2054 = arith.constant 46 : i32
    %dma_wait3A_2055 = arith.constant 46 : i32
    %dma_wait3A_2056 = arith.constant 0 : i32
    %dma_wait3A_2057 = tpu.memref_slice %arg8[%dma_wait3A_2055, %dma_wait3A_2056] : memref<52x128xf32, #tpu.memory_space<vmem>> -> memref<1x128xf32, #tpu.memory_space<vmem>>
    %dma_wait3A_2058 = tpu.memref_squeeze %dma_wait3A_2057 : memref<1x128xf32, #tpu.memory_space<vmem>> -> memref<128xf32, #tpu.memory_space<vmem>>
    %dma_wait3A_2059 = arith.constant 0 : i32
    %dma_wait3A_2060 = tpu.memref_slice %arg7[%dma_wait3A_2054, %dma_wait3A_2059] : memref<52x128xi32, #tpu.memory_space<vmem>> -> memref<1x128xi32, #tpu.memory_space<vmem>>
    %dma_wait3A_2061 = tpu.memref_squeeze %dma_wait3A_2060 : memref<1x128xi32, #tpu.memory_space<vmem>> -> memref<128xi32, #tpu.memory_space<vmem>>
    %dma_wait3A_2062 = arith.constant 0 : i32
    %dma_wait3A_2063 = tpu.memref_slice %arg6[%dma_wait3A_2062] : memref<100000xf32, #tpu.memory_space<vmem_shared>> -> memref<100000xf32, #tpu.memory_space<vmem_shared>>
    tpu.wait_indirect_dma semaphore(%arg15 : memref<!tpu.dma_semaphore, #tpu.memory_space<semaphore_mem>>) src(%dma_wait3A_2063 : memref<100000xf32, #tpu.memory_space<vmem_shared>>) dst(%dma_wait3A_2058 : memref<128xf32, #tpu.memory_space<vmem>>)
    %dma_wait3A_2064 = arith.constant 47 : i32
    %dma_wait3A_2065 = arith.constant 47 : i32
    %dma_wait3A_2066 = arith.constant 0 : i32
    %dma_wait3A_2067 = tpu.memref_slice %arg8[%dma_wait3A_2065, %dma_wait3A_2066] : memref<52x128xf32, #tpu.memory_space<vmem>> -> memref<1x128xf32, #tpu.memory_space<vmem>>
    %dma_wait3A_2068 = tpu.memref_squeeze %dma_wait3A_2067 : memref<1x128xf32, #tpu.memory_space<vmem>> -> memref<128xf32, #tpu.memory_space<vmem>>
    %dma_wait3A_2069 = arith.constant 0 : i32
    %dma_wait3A_2070 = tpu.memref_slice %arg7[%dma_wait3A_2064, %dma_wait3A_2069] : memref<52x128xi32, #tpu.memory_space<vmem>> -> memref<1x128xi32, #tpu.memory_space<vmem>>
    %dma_wait3A_2071 = tpu.memref_squeeze %dma_wait3A_2070 : memref<1x128xi32, #tpu.memory_space<vmem>> -> memref<128xi32, #tpu.memory_space<vmem>>
    %dma_wait3A_2072 = arith.constant 0 : i32
    %dma_wait3A_2073 = tpu.memref_slice %arg6[%dma_wait3A_2072] : memref<100000xf32, #tpu.memory_space<vmem_shared>> -> memref<100000xf32, #tpu.memory_space<vmem_shared>>
    tpu.wait_indirect_dma semaphore(%arg15 : memref<!tpu.dma_semaphore, #tpu.memory_space<semaphore_mem>>) src(%dma_wait3A_2073 : memref<100000xf32, #tpu.memory_space<vmem_shared>>) dst(%dma_wait3A_2068 : memref<128xf32, #tpu.memory_space<vmem>>)
    %dma_wait3A_2074 = arith.constant 48 : i32
    %dma_wait3A_2075 = arith.constant 48 : i32
    %dma_wait3A_2076 = arith.constant 0 : i32
    %dma_wait3A_2077 = tpu.memref_slice %arg8[%dma_wait3A_2075, %dma_wait3A_2076] : memref<52x128xf32, #tpu.memory_space<vmem>> -> memref<1x128xf32, #tpu.memory_space<vmem>>
    %dma_wait3A_2078 = tpu.memref_squeeze %dma_wait3A_2077 : memref<1x128xf32, #tpu.memory_space<vmem>> -> memref<128xf32, #tpu.memory_space<vmem>>
    %dma_wait3A_2079 = arith.constant 0 : i32
    %dma_wait3A_2080 = tpu.memref_slice %arg7[%dma_wait3A_2074, %dma_wait3A_2079] : memref<52x128xi32, #tpu.memory_space<vmem>> -> memref<1x128xi32, #tpu.memory_space<vmem>>
    %dma_wait3A_2081 = tpu.memref_squeeze %dma_wait3A_2080 : memref<1x128xi32, #tpu.memory_space<vmem>> -> memref<128xi32, #tpu.memory_space<vmem>>
    %dma_wait3A_2082 = arith.constant 0 : i32
    %dma_wait3A_2083 = tpu.memref_slice %arg6[%dma_wait3A_2082] : memref<100000xf32, #tpu.memory_space<vmem_shared>> -> memref<100000xf32, #tpu.memory_space<vmem_shared>>
    tpu.wait_indirect_dma semaphore(%arg15 : memref<!tpu.dma_semaphore, #tpu.memory_space<semaphore_mem>>) src(%dma_wait3A_2083 : memref<100000xf32, #tpu.memory_space<vmem_shared>>) dst(%dma_wait3A_2078 : memref<128xf32, #tpu.memory_space<vmem>>)
    %dma_wait3A_2084 = arith.constant 49 : i32
    %dma_wait3A_2085 = arith.constant 49 : i32
    %dma_wait3A_2086 = arith.constant 0 : i32
    %dma_wait3A_2087 = tpu.memref_slice %arg8[%dma_wait3A_2085, %dma_wait3A_2086] : memref<52x128xf32, #tpu.memory_space<vmem>> -> memref<1x128xf32, #tpu.memory_space<vmem>>
    %dma_wait3A_2088 = tpu.memref_squeeze %dma_wait3A_2087 : memref<1x128xf32, #tpu.memory_space<vmem>> -> memref<128xf32, #tpu.memory_space<vmem>>
    %dma_wait3A_2089 = arith.constant 0 : i32
    %dma_wait3A_2090 = tpu.memref_slice %arg7[%dma_wait3A_2084, %dma_wait3A_2089] : memref<52x128xi32, #tpu.memory_space<vmem>> -> memref<1x128xi32, #tpu.memory_space<vmem>>
    %dma_wait3A_2091 = tpu.memref_squeeze %dma_wait3A_2090 : memref<1x128xi32, #tpu.memory_space<vmem>> -> memref<128xi32, #tpu.memory_space<vmem>>
    %dma_wait3A_2092 = arith.constant 0 : i32
    %dma_wait3A_2093 = tpu.memref_slice %arg6[%dma_wait3A_2092] : memref<100000xf32, #tpu.memory_space<vmem_shared>> -> memref<100000xf32, #tpu.memory_space<vmem_shared>>
    tpu.wait_indirect_dma semaphore(%arg15 : memref<!tpu.dma_semaphore, #tpu.memory_space<semaphore_mem>>) src(%dma_wait3A_2093 : memref<100000xf32, #tpu.memory_space<vmem_shared>>) dst(%dma_wait3A_2088 : memref<128xf32, #tpu.memory_space<vmem>>)
    %dma_wait3A_2094 = arith.constant 50 : i32
    %dma_wait3A_2095 = arith.constant 50 : i32
    %dma_wait3A_2096 = arith.constant 0 : i32
    %dma_wait3A_2097 = tpu.memref_slice %arg8[%dma_wait3A_2095, %dma_wait3A_2096] : memref<52x128xf32, #tpu.memory_space<vmem>> -> memref<1x128xf32, #tpu.memory_space<vmem>>
    %dma_wait3A_2098 = tpu.memref_squeeze %dma_wait3A_2097 : memref<1x128xf32, #tpu.memory_space<vmem>> -> memref<128xf32, #tpu.memory_space<vmem>>
    %dma_wait3A_2099 = arith.constant 0 : i32
    %dma_wait3A_2100 = tpu.memref_slice %arg7[%dma_wait3A_2094, %dma_wait3A_2099] : memref<52x128xi32, #tpu.memory_space<vmem>> -> memref<1x128xi32, #tpu.memory_space<vmem>>
    %dma_wait3A_2101 = tpu.memref_squeeze %dma_wait3A_2100 : memref<1x128xi32, #tpu.memory_space<vmem>> -> memref<128xi32, #tpu.memory_space<vmem>>
    %dma_wait3A_2102 = arith.constant 0 : i32
    %dma_wait3A_2103 = tpu.memref_slice %arg6[%dma_wait3A_2102] : memref<100000xf32, #tpu.memory_space<vmem_shared>> -> memref<100000xf32, #tpu.memory_space<vmem_shared>>
    tpu.wait_indirect_dma semaphore(%arg15 : memref<!tpu.dma_semaphore, #tpu.memory_space<semaphore_mem>>) src(%dma_wait3A_2103 : memref<100000xf32, #tpu.memory_space<vmem_shared>>) dst(%dma_wait3A_2098 : memref<128xf32, #tpu.memory_space<vmem>>)
    %dma_wait3A_2104 = arith.constant 51 : i32
    %dma_wait3A_2105 = arith.constant 51 : i32
    %dma_wait3A_2106 = arith.constant 0 : i32
    %dma_wait3A_2107 = tpu.memref_slice %arg8[%dma_wait3A_2105, %dma_wait3A_2106] : memref<52x128xf32, #tpu.memory_space<vmem>> -> memref<1x128xf32, #tpu.memory_space<vmem>>
    %dma_wait3A_2108 = tpu.memref_squeeze %dma_wait3A_2107 : memref<1x128xf32, #tpu.memory_space<vmem>> -> memref<128xf32, #tpu.memory_space<vmem>>
    %dma_wait3A_2109 = arith.constant 0 : i32
    %dma_wait3A_2110 = tpu.memref_slice %arg7[%dma_wait3A_2104, %dma_wait3A_2109] : memref<52x128xi32, #tpu.memory_space<vmem>> -> memref<1x128xi32, #tpu.memory_space<vmem>>
    %dma_wait3A_2111 = tpu.memref_squeeze %dma_wait3A_2110 : memref<1x128xi32, #tpu.memory_space<vmem>> -> memref<128xi32, #tpu.memory_space<vmem>>
    %dma_wait3A_2112 = arith.constant 0 : i32
    %dma_wait3A_2113 = tpu.memref_slice %arg6[%dma_wait3A_2112] : memref<100000xf32, #tpu.memory_space<vmem_shared>> -> memref<100000xf32, #tpu.memory_space<vmem_shared>>
    tpu.wait_indirect_dma semaphore(%arg15 : memref<!tpu.dma_semaphore, #tpu.memory_space<semaphore_mem>>) src(%dma_wait3A_2113 : memref<100000xf32, #tpu.memory_space<vmem_shared>>) dst(%dma_wait3A_2108 : memref<128xf32, #tpu.memory_space<vmem>>)
    %parallel_loop3A_2114 = arith.constant 0 : i32
    %parallel_loop3A_2115 = arith.constant 416 : i32
    %parallel_loop3A_2116 = arith.constant 1 : i32
    scf.for %parallel_loop3A_2119 = %parallel_loop3A_2114 to %parallel_loop3A_2115 step %parallel_loop3A_2116  : i32 {
      %parallel_loop3A_2120 = arith.constant 8 : i32
      %parallel_loop3A_2121 = arith.divsi %parallel_loop3A_2119, %parallel_loop3A_2120 : i32
      %parallel_loop3A_2122 = arith.constant 0 : i32
      %parallel_loop3A_2123 = arith.cmpi sgt, %parallel_loop3A_2119, %parallel_loop3A_2122 : i32
      %parallel_loop3A_2124 = arith.extui %parallel_loop3A_2123 : i1 to i32
      %parallel_loop3A_2125 = arith.constant 0 : i32
      %parallel_loop3A_2126 = arith.cmpi slt, %parallel_loop3A_2119, %parallel_loop3A_2125 : i32
      %parallel_loop3A_2127 = arith.extui %parallel_loop3A_2126 : i1 to i32
      %parallel_loop3A_2128 = arith.subi %parallel_loop3A_2124, %parallel_loop3A_2127 : i32
      %parallel_loop3A_2129 = arith.constant 0 : i32
      %parallel_loop3A_2130 = arith.cmpi sgt, %parallel_loop3A_2120, %parallel_loop3A_2129 : i32
      %parallel_loop3A_2131 = arith.extui %parallel_loop3A_2130 : i1 to i32
      %parallel_loop3A_2132 = arith.constant 0 : i32
      %parallel_loop3A_2133 = arith.cmpi slt, %parallel_loop3A_2120, %parallel_loop3A_2132 : i32
      %parallel_loop3A_2134 = arith.extui %parallel_loop3A_2133 : i1 to i32
      %parallel_loop3A_2135 = arith.subi %parallel_loop3A_2131, %parallel_loop3A_2134 : i32
      %parallel_loop3A_2136 = arith.cmpi ne, %parallel_loop3A_2128, %parallel_loop3A_2135 : i32
      %parallel_loop3A_2137 = arith.remsi %parallel_loop3A_2119, %parallel_loop3A_2120 : i32
      %parallel_loop3A_2138 = arith.constant 0 : i32
      %parallel_loop3A_2139 = arith.cmpi ne, %parallel_loop3A_2137, %parallel_loop3A_2138 : i32
      %parallel_loop3A_2140 = arith.andi %parallel_loop3A_2136, %parallel_loop3A_2139 : i1
      %parallel_loop3A_2141 = arith.constant 1 : i32
      %parallel_loop3A_2142 = arith.subi %parallel_loop3A_2121, %parallel_loop3A_2141 : i32
      %parallel_loop3A_2143 = arith.select %parallel_loop3A_2140, %parallel_loop3A_2142, %parallel_loop3A_2121 : i32
      %parallel_loop3A_2144 = arith.constant 8 : i32
      %parallel_loop3A_2145 = arith.constant 0 : i32
      %parallel_loop3A_2146 = arith.cmpi eq, %parallel_loop3A_2144, %parallel_loop3A_2145 : i32
      %parallel_loop3A_2147 = arith.constant 1 : i32
      %parallel_loop3A_2148 = arith.select %parallel_loop3A_2146, %parallel_loop3A_2147, %parallel_loop3A_2144 : i32
      %parallel_loop3A_2149 = arith.remsi %parallel_loop3A_2119, %parallel_loop3A_2148 : i32
      %parallel_loop3A_2150 = arith.constant 0 : i32
      %parallel_loop3A_2151 = arith.cmpi ne, %parallel_loop3A_2149, %parallel_loop3A_2150 : i32
      %parallel_loop3A_2152 = arith.constant 0 : i32
      %parallel_loop3A_2153 = arith.cmpi slt, %parallel_loop3A_2149, %parallel_loop3A_2152 : i32
      %parallel_loop3A_2154 = arith.constant 0 : i32
      %parallel_loop3A_2155 = arith.cmpi slt, %parallel_loop3A_2148, %parallel_loop3A_2154 : i32
      %parallel_loop3A_2156 = arith.xori %parallel_loop3A_2153, %parallel_loop3A_2155 : i1
      %parallel_loop3A_2157 = arith.andi %parallel_loop3A_2156, %parallel_loop3A_2151 : i1
      %parallel_loop3A_2158 = arith.addi %parallel_loop3A_2149, %parallel_loop3A_2148 : i32
      %parallel_loop3A_2159 = arith.select %parallel_loop3A_2157, %parallel_loop3A_2158, %parallel_loop3A_2149 : i32
      %parallel_loop3A_2160 = arith.constant 16 : i32
      %parallel_loop3A_2161 = arith.muli %parallel_loop3A_2159, %parallel_loop3A_2160 : i32
      %parallel_loop3A_2162 = arith.index_cast %parallel_loop3A_2143 : i32 to index
      %parallel_loop3A_2163 = arith.index_cast %parallel_loop3A_2161 : i32 to index
      %parallel_loop3A_2164 = tpu.vector_load %arg8[%parallel_loop3A_2162, %parallel_loop3A_2163] {strides = array<i32>} : memref<52x128xf32, #tpu.memory_space<vmem>>, vector<16xf32>,
      %parallel_loop3A_2165 = arith.constant 16 : i32
      %parallel_loop3A_2166 = arith.divsi %parallel_loop3A_2119, %parallel_loop3A_2165 : i32
      %parallel_loop3A_2167 = arith.constant 0 : i32
      %parallel_loop3A_2168 = arith.cmpi sgt, %parallel_loop3A_2119, %parallel_loop3A_2167 : i32
      %parallel_loop3A_2169 = arith.extui %parallel_loop3A_2168 : i1 to i32
      %parallel_loop3A_2170 = arith.constant 0 : i32
      %parallel_loop3A_2171 = arith.cmpi slt, %parallel_loop3A_2119, %parallel_loop3A_2170 : i32
      %parallel_loop3A_2172 = arith.extui %parallel_loop3A_2171 : i1 to i32
      %parallel_loop3A_2173 = arith.subi %parallel_loop3A_2169, %parallel_loop3A_2172 : i32
      %parallel_loop3A_2174 = arith.constant 0 : i32
      %parallel_loop3A_2175 = arith.cmpi sgt, %parallel_loop3A_2165, %parallel_loop3A_2174 : i32
      %parallel_loop3A_2176 = arith.extui %parallel_loop3A_2175 : i1 to i32
      %parallel_loop3A_2177 = arith.constant 0 : i32
      %parallel_loop3A_2178 = arith.cmpi slt, %parallel_loop3A_2165, %parallel_loop3A_2177 : i32
      %parallel_loop3A_2179 = arith.extui %parallel_loop3A_2178 : i1 to i32
      %parallel_loop3A_2180 = arith.subi %parallel_loop3A_2176, %parallel_loop3A_2179 : i32
      %parallel_loop3A_2181 = arith.cmpi ne, %parallel_loop3A_2173, %parallel_loop3A_2180 : i32
      %parallel_loop3A_2182 = arith.remsi %parallel_loop3A_2119, %parallel_loop3A_2165 : i32
      %parallel_loop3A_2183 = arith.constant 0 : i32
      %parallel_loop3A_2184 = arith.cmpi ne, %parallel_loop3A_2182, %parallel_loop3A_2183 : i32
      %parallel_loop3A_2185 = arith.andi %parallel_loop3A_2181, %parallel_loop3A_2184 : i1
      %parallel_loop3A_2186 = arith.constant 1 : i32
      %parallel_loop3A_2187 = arith.subi %parallel_loop3A_2166, %parallel_loop3A_2186 : i32
      %parallel_loop3A_2188 = arith.select %parallel_loop3A_2185, %parallel_loop3A_2187, %parallel_loop3A_2166 : i32
      %parallel_loop3A_2189 = arith.constant 16 : i32
      %parallel_loop3A_2190 = arith.constant 0 : i32
      %parallel_loop3A_2191 = arith.cmpi eq, %parallel_loop3A_2189, %parallel_loop3A_2190 : i32
      %parallel_loop3A_2192 = arith.constant 1 : i32
      %parallel_loop3A_2193 = arith.select %parallel_loop3A_2191, %parallel_loop3A_2192, %parallel_loop3A_2189 : i32
      %parallel_loop3A_2194 = arith.remsi %parallel_loop3A_2119, %parallel_loop3A_2193 : i32
      %parallel_loop3A_2195 = arith.constant 0 : i32
      %parallel_loop3A_2196 = arith.cmpi ne, %parallel_loop3A_2194, %parallel_loop3A_2195 : i32
      %parallel_loop3A_2197 = arith.constant 0 : i32
      %parallel_loop3A_2198 = arith.cmpi slt, %parallel_loop3A_2194, %parallel_loop3A_2197 : i32
      %parallel_loop3A_2199 = arith.constant 0 : i32
      %parallel_loop3A_2200 = arith.cmpi slt, %parallel_loop3A_2193, %parallel_loop3A_2199 : i32
      %parallel_loop3A_2201 = arith.xori %parallel_loop3A_2198, %parallel_loop3A_2200 : i1
      %parallel_loop3A_2202 = arith.andi %parallel_loop3A_2201, %parallel_loop3A_2196 : i1
      %parallel_loop3A_2203 = arith.addi %parallel_loop3A_2194, %parallel_loop3A_2193 : i32
      %parallel_loop3A_2204 = arith.select %parallel_loop3A_2202, %parallel_loop3A_2203, %parallel_loop3A_2194 : i32
      %parallel_loop3A_2205 = arith.constant 16 : i32
      %parallel_loop3A_2206 = arith.muli %parallel_loop3A_2204, %parallel_loop3A_2205 : i32
      %parallel_loop3A_2207 = arith.index_cast %parallel_loop3A_2188 : i32 to index
      %parallel_loop3A_2208 = arith.index_cast %parallel_loop3A_2206 : i32 to index
      %parallel_loop3A_2209 = tpu.vector_load %arg10[%parallel_loop3A_2207, %parallel_loop3A_2208] {strides = array<i32>} : memref<26x256xi32, #tpu.memory_space<vmem>>, vector<16xi32>,
      %parallel_loop3A_2210 = arith.constant 0 : i32
      %parallel_loop3A_2211 = vector.broadcast %parallel_loop3A_2210 : i32 to vector<16xi32>
      %parallel_loop3A_2212 = arith.cmpi sge, %parallel_loop3A_2209, %parallel_loop3A_2211 : vector<16xi32>
      %parallel_loop3A_2213 = arith.constant 100000 : i32
      %parallel_loop3A_2214 = vector.broadcast %parallel_loop3A_2213 : i32 to vector<16xi32>
      %parallel_loop3A_2215 = arith.cmpi slt, %parallel_loop3A_2209, %parallel_loop3A_2214 : vector<16xi32>
      %parallel_loop3A_2216 = arith.andi %parallel_loop3A_2212, %parallel_loop3A_2215 : vector<16xi1>
      %parallel_loop3A_2217 = arith.constant 0.000000e+00 : f32
      %parallel_loop3A_2218 = vector.broadcast %parallel_loop3A_2217 : f32 to vector<16xf32>
      %parallel_loop3A_2219 = arith.select %parallel_loop3A_2216, %parallel_loop3A_2164, %parallel_loop3A_2218 : vector<16xi1>, vector<16xf32>
      %parallel_loop3A_2220 = arith.addf %parallel_loop3A_2219, %get3A_16 : vector<16xf32>
      %parallel_loop3A_2221 = arith.constant 16 : i32
      %parallel_loop3A_2222 = arith.muli %parallel_loop3A_2204, %parallel_loop3A_2221 : i32
      %parallel_loop3A_2223 = arith.index_cast %parallel_loop3A_2188 : i32 to index
      %parallel_loop3A_2224 = arith.index_cast %parallel_loop3A_2222 : i32 to index
      %parallel_loop3A_2225 = tpu.vector_load %arg11[%parallel_loop3A_2223, %parallel_loop3A_2224] {strides = array<i32>} : memref<26x256xf32, #tpu.memory_space<vmem>>, vector<16xf32>,
      tpu.vector_store %arg11[%parallel_loop3A_2223, %parallel_loop3A_2224], %parallel_loop3A_2220 {strides = array<i32>} : memref<26x256xf32, #tpu.memory_space<vmem>>, vector<16xf32>,
    } {sc.loop_unroll_factor = 8 : i64, sc.parallel_access}
    %add3A_2117 = arith.constant 256 : i32
    %add3A_2118 = arith.addi %mul3A_2, %add3A_2117 : i32
    "tpu.region"() ({
      %run_scoped3A = tpu.sem_alloc : memref<!tpu.dma_semaphore, #tpu.memory_space<semaphore_mem>>
      %dma_start3A_2119 = arith.constant 0 : i32
      %dma_start3A_2120 = tpu.memref_slice %arg5[%dma_start3A_2119, %add3A_2118] : memref<26x16384xf32, #tpu.memory_space<hbm>> -> memref<26x256xf32, #tpu.memory_space<hbm>>
      %dma_start3A_2121 = arith.constant 0 : i32
      %dma_start3A_2122 = tpu.memref_slice %arg5[%dma_start3A_2121, %add3A_2118] : memref<26x16384xf32, #tpu.memory_space<hbm>> -> memref<26x256xf32, #tpu.memory_space<hbm>>
      tpu.enqueue_dma source(%arg11 : memref<26x256xf32, #tpu.memory_space<vmem>>) target(%dma_start3A_2122 : memref<26x256xf32, #tpu.memory_space<hbm>>) target_semaphore(%run_scoped3A : memref<!tpu.dma_semaphore, #tpu.memory_space<semaphore_mem>>)
      %dma_wait3A_2123 = arith.constant 0 : i32
      %dma_wait3A_2124 = tpu.memref_slice %arg5[%dma_wait3A_2123, %add3A_2118] : memref<26x16384xf32, #tpu.memory_space<hbm>> -> memref<26x256xf32, #tpu.memory_space<hbm>>
      %dma_wait3A_2125 = arith.constant 0 : i32
      %dma_wait3A_2126 = tpu.memref_slice %arg5[%dma_wait3A_2125, %add3A_2118] : memref<26x16384xf32, #tpu.memory_space<hbm>> -> memref<26x256xf32, #tpu.memory_space<hbm>>
      tpu.wait_dma2 semaphore(%run_scoped3A : memref<!tpu.dma_semaphore, #tpu.memory_space<semaphore_mem>>) src(%arg11 : memref<26x256xf32, #tpu.memory_space<vmem>>) dst(%dma_wait3A_2126 : memref<26x256xf32, #tpu.memory_space<hbm>>)
      tpu.yield
    }) : () -> ()
    return
  }
}

</mosaic_0001>

<sc_bundles>
// kernel: kernel.3.cloned.1.call-start
scs
__scs_entry_jumppad:
0x0: {  	(pc) =	sbr.rel $0x88, $3  }
0x1: {  	(tag) =	ssettag $0x0;
	lr =	simm.s32 $0x1  }
0x2: {  	[smem:$0x3F9E] =	sst lr;
	_ =	strace $0xD0000000  }
0x3: {  	_ = 	snop  }
0x4: {  	_ = 	snop  }
0x5: {  	_ = 	snop  }
0x6: {  	_ = 	snop  }
0x7: {  	_ = 	snop  }
__scs_overlays_trampoline_lowered:
0x8: {  	[smem:$0x3FAD] =	sst s0  }
0x9: {  	[smem:$0x3FAE] =	sst s1  }
0xa: {  	[smem:$0x3FAF] =	sst s2  }
0xb: {  	[smem:$0x3FB0] =	sst s3  }
0xc: {  	[smem:$0x3FB1] =	sst s4  }
0xd: {  	[smem:$0x3FB2] =	sst s5  }
0xe: {  	[smem:$0x3FB3] =	sst s6  }
0xf: {  	[smem:$0x3FB4] =	sst s7  }
0x10: {  	[smem:$0x3FB5] =	sst s8  }
0x11: {  	[smem:$0x3FB6] =	sst s9;
	s0 =	simm.s32 @!p0 $0x0  }
0x12: {  	s1 =	sld [smem:$0x3F9C];
	s0 =	simm.s32 @p0 $0x1  }
0x13: {  	[smem:$0x3FB7] =	sst s0;
	s0 =	simm.s32 @!p1 $0x0  }
0x14: {  	s2 =	sld [smem:$0x3F9B];
	s0 =	simm.s32 @p1 $0x1  }
0x15: {  	[smem:$0x3FB8] =	sst s0;
	s0 =	simm.s32 @!p2 $0x0  }
0x16: {  	s3 =	sld [smem:$0x3FDB];
	s0 =	simm.s32 @p2 $0x1  }
0x17: {  	s4 =	simm.s32 $0x1BF5;
	[smem:$0x3FBA] =	sst s0  }
0x18: {  	s0 =	sld [smem:$0x3F9D];
	_ =	swait.ge [sflag:s4], $0x0  }
0x19: {  	s7 =	sld [smem:$0x3F9E]  }
0x1a: {  	s8 =	sadd.s32 $0xFFFFE003, lr  }
0x1b: {  	s9 =	sadd.s32 $0xFFFFFEF7, lr;
	s5 =	simm.s32 $0xFFFFFFFF;
	p2 =	slt.u32 s8, $0xFFFFF086  }
0x1c: {  	p1 =	slt.u32 s9, $0xF7A;
	s5 =	simm.s32 @!p2 $0x0  }
0x1d: {  	s5 =	simm.s32 @p1 $0x1;
	p0 =	seq.s32 s7, s2  }
0x1e: {  	s7 =	smul.u32 @!p0 $0xF7A, s2;
	p2 =	seq.s32 @!p0 s5, $0x0  }
0x1f: {  	s9 =	smul.u32 $0xF7A, s1;
	s8 =	simm.s32 @!p0 $0x1BF5;
	p2 =	por !p2, p0  }
0x20: {  	[sflag:s8] =	ssyncset.s32 @!p0 $0xFFFFF086;
	s6 =	sadd.s32 @!p0 s3, s7;
	s7 =	simm.s32 @!p0 $0x108  }
0x21: {  	s3 =	sadd.s32 s3, s9;
	s6 =	sadd.s32 @!p0 $0x88, s6;
	s7 =	simm.s32 @p2 $0x1082  }
0x22: {  	[simem:s7], [sflag:s8] =	dma.local @!p0 [hbm:s6], $0xF7A  }
0x23: {  	s9 =	sor.u32 $0xD0000000, s2;
	s6 =	simm.s32 $0x108;
	_ =	swait.ge @!p0 [sflag:s8], $0x0  }
0x24: {  	s3 =	sadd.s32 $0x88, s3;
	s6 =	simm.s32 @!p1 $0x1082;
	[sflag:s4] =	ssyncset.s32 $0xFFFFF086  }
0x25: {  	[simem:s6], [sflag:s4] =	dma.local [hbm:s3], $0xF7A  }
0x26: {  	[smem:$0x3F9E] =	sst s1;
	(tag) =	ssettag s2;
	_ =	strace s9  }
0x27: {  	s1 =	sld [smem:$0x3FAE]  }
0x28: {  	s2 =	sld [smem:$0x3FAF]  }
0x29: {  	s4 =	sld [smem:$0x3FB1]  }
0x2a: {  	p0 =	seq.s32 s5, $0x0;
	s5 =	sld [smem:$0x3FB2]  }
0x2b: {  	s6 =	sld [smem:$0x3FB3]  }
0x2c: {  	s7 =	sld [smem:$0x3FB4]  }
0x2d: {  	s3 =	simm.s32 $0x108;
	s8 =	sld [smem:$0x3FB5]  }
0x2e: {  	s3 =	simm.s32 @!p0 $0x1082;
	s9 =	sld [smem:$0x3FB6]  }
0x2f: {  	lr =	sadd.s32 s0, s3;
	s0 =	sld [smem:$0x3FAD]  }
0x30: {  	s3 =	sld [smem:$0x3FB0]  }
0x31: {  	[smem:$0x3FB9] =	sst s10  }
0x32: {  	s10 =	sld [smem:$0x3FB7];
	_ =	sdelay $0x3  }
0x33: {  	p0 =	seq.s32 s10, $0x1;
	s10 =	sld [smem:$0x3FB9];
	_ =	sdelay $0x3  }
0x34: {  	[smem:$0x3FB9] =	sst s10  }
0x35: {  	s10 =	sld [smem:$0x3FB8];
	_ =	sdelay $0x3  }
0x36: {  	p1 =	seq.s32 s10, $0x1;
	s10 =	sld [smem:$0x3FB9];
	_ =	sdelay $0x3  }
0x37: {  	[smem:$0x3FB9] =	sst s10  }
0x38: {  	s10 =	sld [smem:$0x3FBA]  }
0x39: {  	_ = 	snop;
	(pc) =	sbr.ind lr, $3  }
0x3a: {  	_ = 	snop  }
0x3b: {  	_ = 	snop  }
0x3c: {  	p2 =	seq.s32 s10, $0x1;
	s10 =	sld [smem:$0x3FB9]  }
0x3d: {  	_ =	shalt  }
0x3e: {  	_ =	shalt  }
0x3f: {  	_ =	shalt  }
0x40: {  	_ =	shalt  }
0x41: {  	_ =	shalt  }
0x42: {  	_ =	shalt  }
0x43: {  	_ =	shalt  }
0x44: {  	_ =	shalt  }
0x45: {  	_ =	shalt  }
0x46: {  	_ =	shalt  }
0x47: {  	_ =	shalt  }
0x48: {  	_ =	shalt  }
0x49: {  	_ =	shalt  }
0x4a: {  	_ =	shalt  }
0x4b: {  	_ =	shalt  }
0x4c: {  	_ =	shalt  }
0x4d: {  	_ =	shalt  }
0x4e: {  	_ =	shalt  }
0x4f: {  	_ =	shalt  }
0x50: {  	_ =	shalt  }
0x51: {  	_ =	shalt  }
0x52: {  	_ =	shalt  }
0x53: {  	_ =	shalt  }
0x54: {  	_ =	shalt  }
0x55: {  	_ =	shalt  }
0x56: {  	_ =	shalt  }
0x57: {  	_ =	shalt  }
0x58: {  	_ =	shalt  }
0x59: {  	_ =	shalt  }
0x5a: {  	_ =	shalt  }
0x5b: {  	_ =	shalt  }
0x5c: {  	_ =	shalt  }
0x5d: {  	_ =	shalt  }
0x5e: {  	_ =	shalt  }
0x5f: {  	_ =	shalt  }
0x60: {  	_ =	shalt  }
0x61: {  	_ =	shalt  }
0x62: {  	_ =	shalt  }
0x63: {  	_ =	shalt  }
0x64: {  	_ =	shalt  }
0x65: {  	_ =	shalt  }
0x66: {  	_ =	shalt  }
0x67: {  	_ =	shalt  }
0x68: {  	_ =	shalt  }
0x69: {  	_ =	shalt  }
0x6a: {  	_ =	shalt  }
0x6b: {  	_ =	shalt  }
0x6c: {  	_ =	shalt  }
0x6d: {  	_ =	shalt  }
0x6e: {  	_ =	shalt  }
0x6f: {  	_ =	shalt  }
0x70: {  	_ =	shalt  }
0x71: {  	_ =	shalt  }
0x72: {  	_ =	shalt  }
0x73: {  	_ =	shalt  }
0x74: {  	_ =	shalt  }
0x75: {  	_ =	shalt  }
0x76: {  	_ =	shalt  }
0x77: {  	_ =	shalt  }
0x78: {  	_ =	shalt  }
0x79: {  	_ =	shalt  }
0x7a: {  	_ =	shalt  }
0x7b: {  	_ =	shalt  }
0x7c: {  	_ =	shalt  }
0x7d: {  	_ =	shalt  }
0x7e: {  	_ =	shalt  }
0x7f: {  	_ =	shalt  }
0x80: {  	_ =	shalt  }
0x81: {  	_ =	shalt  }
0x82: {  	_ =	shalt  }
0x83: {  	_ =	shalt  }
0x84: {  	_ =	shalt  }
0x85: {  	_ =	shalt  }
0x86: {  	_ =	shalt  }
0x87: {  	_ =	shalt  }
.Lfunc_end0:
.L_simem_size_0:
called_computation_lowered:
.L_overlay_start_0:
0x88: {  	s2 =	sld [smem:$0x3FD9]  }
0x89: {  	s3 =	sld [smem:$0x3FFE];
	_ =	sdelay $0x1  }
0x8a: {  	s1 =	srdreg.scid  }
0x8b: {  	s0 =	sand.u32 $0x1, s1  }
0x8c: {  	s17 =	sshll.u32 s0, $0xA;
	s2 =	sadd.s32 s3, s2  }
0x8d: {  	s2 =	sadd.s32 s2, s17  }
0x8e: {  	[smem:$0x3FC5] =	sst s2  }
0x8f: {  	_ = 	snop  }
0x90: {  	s2 =	sld [smem:$0x3FC9]  }
0x91: {  	s18 =	sld [smem:$0x3FC8]  }
0x92: {  	s4 =	sld [smem:$0x3FD0];
	(tm) =	ssettm $0x1  }
0x93: {  	s5 =	sld [smem:$0x3FFB];
	_ =	sdelay $0x3  }
0x94: {  	_ =	strace s5  }
0x95: {  	s5 =	sld [smem:$0x3FFC];
	_ =	sdelay $0x3  }
0x96: {  	_ =	strace s5  }
0x97: {  	s5 =	sld [smem:$0x3FFD];
	_ =	sdelay $0x3  }
0x98: {  	_ =	strace s5  }
0x99: {  	_ =	strace $0x8FFFFFFF  }
0x9a: {  	s19 =	sld [smem:$0x3FDB];
	_ =	sdelay $0x1  }
0x9b: {  	s6 =	simm.s32 $_scs_section_size  }
0x9c: {  	s7 =	simm.s32 $_size__tile_overlayer_lowered;
	s8 =	simm.s32 $_tile_overlayer_lowered  }
0x9d: {  	s22 =	simm.s32 $0x1BFF;
	s21 =	sshll.u32 s8, $0x1;
	s5 =	sadd.s32 s6, s19  }
0x9e: {  	s9 =	simm.s32 $0x0;
	s20 =	sshll.u32 s7, $0x1;
	s7 =	sadd.s32 s21, s5  }
0x9f: {  	[timem:s9], [sflag:s22] =	dma.local [hbm:s7], s20  }
0xa0: {  	_ =	swait.ge [sflag:s22], s20  }
0xa1: {  	s6 =	ssub.s32 $0x0, s20;
	[sflag:s22] =	ssyncset.done $0x0  }
0xa2: {  	[sflag:s22] =	ssyncadd.s32 s6;
	_ =	sdelay $0x1  }
0xa3: {  	s23 =	simm.s32 $0x1B8B  }
0xa4: {  	_ =	swait.ge [sflag:s23], $0x1  }
0xa5: {  	[sflag:s23] =	ssyncset.done $0x0  }
0xa6: {  	s25 =	simm.s32 $0x1B8E;
	s24 =	sld [smem:$0x3FFE];
	[sflag:s23] =	ssyncadd.s32 $0xFFFFFFFF  }
0xa7: {  	s26 =	simm.s32 $execute0_lowered;
	[smem:$0x3FD2] =	sst s25  }
0xa8: {  	s7 =	sshll.u32 s26, $0x1;
	_ =	strace $0x80000046;
	[dreg:$0x1] =	wrdreg $0xFFFFFFFF  }
0xa9: {  	s28 =	simm.s32 $_size_execute0_lowered;
	s5 =	sadd.s32 s5, s7;
	[dreg:$0x0] =	wrdreg $0x0  }
0xaa: {  	s7 =	sshll.u32 s28, $0x1;
	[dreg:$0x2] =	wrdreg s5  }
0xab: {  	[dreg:$0x3] =	wrdreg s7  }
0xac: {  	[dreg:$0x4] =	wrdreg $0xC0  }
0xad: {  	_ =	task [dreg:s9], $0x5FFFF  }
0xae: {  	[dreg:$0x1] =	wrdreg $0xFFFFFFFF  }
0xaf: {  	[dreg:$0x0] =	wrdreg $0x60  }
0xb0: {  	[dreg:$0x2] =	wrdreg s2  }
0xb1: {  	[dreg:$0x3] =	wrdreg s18  }
0xb2: {  	[dreg:$0x4] =	wrdreg s24  }
0xb3: {  	[dreg:$0x5] =	wrdreg s4  }
0xb4: {  	[dreg:$0x6] =	wrdreg $0x0  }
0xb5: {  	[dreg:$0x7] =	wrdreg $0x9  }
0xb6: {  	_ =	task.clear_ibuf [dreg:s9], $0x8FFFF;
	_ =	strace $0x90000046  }
0xb7: {  	s29 =	simm.s32 $0x9;
	_ =	strace $0x80000048  }
0xb8: {  	_ =	swait.ge [sflag:s29], $0x1  }
0xb9: {  	[sflag:s29] =	ssyncadd.s32 $0xFFFFFFFF  }
0xba: {  	_ =	strace $0x90000048  }
0xbb: {  	_ =	sfence  }
0xbc: {  	s30 =	sld [smem:$0x0];
	_ =	sdelay $0x2  }
0xbd: {  	s31 =	sshll.u32 s1, $0xD;
	s1 =	sshrl.u32 s1, $0x2  }
0xbe: {  	s3 =	sand.u32 $0x4000, s31;
	s1 =	sadd.s32 s1, s30  }
0xbf: {  	s0 =	sor.u32 s3, s0;
	s1 =	sshll.u32 s1, $0x11  }
0xc0: {  	s0 =	sor.u32 s1, s0  }
0xc1: {  	s0 =	sadd.s32 $0x8F2B, s0  }
0xc2: {  	[sflag:s0] =	ssyncadd.remote.s32 $0x1  }
0xc3: {  	_ =	sfence.sel $0xFFFF  }
0xc4: {  	[dreg:$0x0] =	wrdreg $0xFFFFFFFF;
	(pc) =	sbr.abs _section_cstart, $3  }
0xc5: {  	[dreg:$0x1] =	wrdreg $0xFFFFFFFF  }
0xc6: {  	_ =	task.clear_ibuf [dreg:s9], $0x2FFFF;
	_ =	strace $0x9FFFFFFF  }
0xc7: {  	(tm) =	ssettm $0x7FFFFFFF  }
tec
execute0_lowered:
.L_overlay_start_1:
0x0: {  	(tag) =	ssettag $0x1  }
0x1: {  	s0 =	rddreg [dreg:$0x0]  }
0x2: {  	s1 =	rddreg [dreg:$0x2]  }
0x3: {  	s3 =	rddreg [dreg:$0x3]  }
0x4: {  	s2 =	rddreg [dreg:$0x4]  }
0x5: {  	s5 =	simm.s32 $0x0;
	s4 =	srdreg.scid;
	s24 =	stileid.u32  }
0x6: {  	s10 =	simm.s32 $0x800;
	s11 =	simm.s32 $0x20000;
	s16 =	simm.s32 $0x1  }
0x7: {  	s17 =	simm.s32 $0x2;
	s18 =	simm.s32 $0x80;
	s13 =	simm.s32 $0x2EF0  }
0x8: {  	s14 =	simm.s32 $0x4AF0;
	s19 =	simm.s32 $0x2FF0;
	s20 =	simm.s32 $0x4BF0  }
0x9: {  	s21 =	simm.s32 $0x3070;
	s22 =	simm.s32 $0x30F0;
	s23 =	simm.s32 $0x3170  }
0xa: {  	s9 =	simm.s32 $0x9070;
	s28 =	simm.s32 $0x0;
	[smem:$0x7FF] =	sst s5  }
0xb: {  	s4 =	sand.u32 $0x1, s4;
	s7 =	sshll.u32 s24, $0xA;
	s1 =	sadd.s32 $0x400, s1  }
0xc: {  	p0 =	sne.s32 s24, $0x0;
	s5 =	simm.s32 $0x4C70;
	s24 =	simm.s32 $0x31F0  }
0xd: {  	s6 =	ssub.s32 $0x2, s4;
	s4 =	sshll.u32 s4, $0x9;
	_ =	strace $0x80000047  }
0xe: {  	[dreg:$0x6] =	wrdreg s1;
	s8 =	sshrl.u32 s6, $0x1;
	s4 =	sor.u32 s4, s7  }
0xf: {  	s25 =	ssub.s32 s6, s8;
	s26 =	sor.u32 $0x100, s4;
	s7 =	sadd.s32 s0, s4  }
0x10: {  	s29 =	sadd.s32 s3, s4;
	s4 =	simm.s32 $0x4B70;
	[dreg:$0x7] =	wrdreg s7  }
0x11: {  	s6 =	simm.s32 $0x4CF0;
	s0 =	sadd.s32 s0, s26;
	[dreg:$0x9] =	wrdreg s29  }
0x12: {  	s8 =	simm.s32 $0x4DF0;
	s30 =	sadd.s32 s3, s26;
	[dreg:$0x8] =	wrdreg s0  }
0x13: {  	s31 =	smax.u32 s25, $0x1;
	s3 =	simm.s32 $0x2F70;
	[dreg:$0xa] =	wrdreg s30  }
0x14: {  	s7 =	simm.s32 $0x4D70;
	[dreg:$0xb] =	wrdreg s31;
	s0 =	sshrl.u32 @!p0 s2, $0x3  }
0x15: {  	s25 =	simm.s32 $0x3;
	s26 =	simm.s32 $0x4;
	[dreg:$0xc] =	wrdreg s0  }
.LBB2_1:
0x16: {  	s0 =	rddreg [dreg:$0x7];
	s1 =	simm.s32 $0x5070  }
0x17: {  	[tilespmem:s1], [sflag:$0x2] =	stream.strided.gather [hbm4b:s0+s10], $0x2000, s11, s10, $0x38;
	[tilespmem:$0xB0F0] =	vst v63  }
0x18: {  	s12 =	rddreg [dreg:$0x8];
	s15 =	simm.s32 $0x7070  }
0x19: {  	[tilespmem:s15], [sflag:$0x2] =	stream.strided.gather [hbm4b:s12+s10], $0x2000, s11, s10, $0x38;
	[tilespmem:$0xB0F0] =	vst v63  }
0x1a: {  	s1 =	rddreg [dreg:$0x6];
	s12 =	simm.s32 $0x0;
	s15 =	simm.s32 $0xB070  }
0x1b: {  	[tilespmem:s15], [sflag:$0x1] =	stream.linear.gather [hbm4b:s1+s12], $0x80, $0x38;
	[tilespmem:$0xB0F0] =	vst v63  }
0x1c: {  	s1 =	rddreg [dreg:$0x1]  }
0x1d: {  	s0 =	simm.s32 @!p0 $0x1C04;
	s15 =	rddreg [dreg:$0xc]  }
0x1e: {  	[spmem:s15], [sflag:s0] =	dma.local @!p0 [hbm:s1], $0x30E0  }
0x1f: {  	s0 =	simm.s32 @!p0 $0x4  }
0x20: {  	_ =	swait.ge @!p0 [sflag:s0], $0x30E0  }
0x21: {  	[sflag:s0] =	ssyncset.done @!p0 $0x0  }
0x22: {  	[sflag:s0] =	ssyncadd.s32 @!p0 $0xFFFFCF20  }
0x23: {  	[bflag:$0x0] =	sbarrier.arrive $0xFFFF  }
0x24: {  	_ =	swait.ge [sflag:s16], $0x80  }
0x25: {  	[sflag:s16] =	ssyncset.done $0x0  }
0x26: {  	s30 =	simm.s32 $0x0;
	s1 =	simm.s32 $0x0;
	[sflag:s16] =	ssyncadd.s32 $0xFFFFFF80  }
0x27: {  	s29 =	sand.u32 $0x400, s12;
	s0 =	sand.u32 $0x1800, s1;
	v0 =	vld [tilespmem:$0xB070];
	_ =	swait.ge [sflag:s17], $0x2000  }
0x28: {  	s30 =	sand.u32 $0x380, s30;
	s0 =	sor.u32 s29, s0;
	[sflag:s17] =	ssyncset.done $0x0  }
0x29: {  	s31 =	sor.u32 s30, s0;
	[sflag:s17] =	ssyncadd.s32 $0xFFFFE000  }
0x2a: {  	v1 =	vld [tilespmem:s31+$0x50E0]  }
0x2b: {  	v2 =	vld [tilespmem:s31+$0x5070]  }
0x2c: {  	v3 =	vld [tilespmem:s31+$0x5080]  }
0x2d: {  	v7 =	vld [tilespmem:s31+$0x5090]  }
0x2e: {  	s29 =	simm.s32 $0x80;
	s0 =	simm.s32 $0x400;
	v8 =	vld [tilespmem:s31+$0x50A0]  }
0x2f: {  	s12 =	simm.s32 $0x40;
	s30 =	sand.u32 $0x1800, s29;
	s1 =	sand.u32 $0x400, s0;
	v4 =	vld [tilespmem:s31+$0x50B0];
	vm0 =	vlt.u32 v1, $0x186A0  }
0x30: {  	s15 =	sand.u32 $0x380, s12;
	s29 =	simm.s32 $0x18B0;
	s1 =	sor.u32 s1, s30;
	v6 =	vld [tilespmem:s31+$0x50C0];
	vm1 =	vlt.u32 v2, $0x186A0;
	v1 =	vnsel vm0, $0x0, v1  }
0x31: {  	s30 =	sor.u32 s15, s1;
	v5 =	vld [tilespmem:s31+$0x50D0];
	v9 =	vnsel vm1, $0x0, v2;
	vm0 =	vlt.u32 v3, $0x186A0;
	[tilespmem:s29+$0x30] =	vst v1  }
0x32: {  	v2 =	vld [tilespmem:s30+$0x50E0];
	[tilespmem:s29+$0xFFFFFFC0] =	vst v9;
	v1 =	vnsel vm0, $0x0, v3;
	vm0 =	vlt.u32 v7, $0x186A0  }
0x33: {  	v3 =	vld [tilespmem:s30+$0x5070];
	[tilespmem:s29+$0xFFFFFFD0] =	vst v1;
	v7 =	vnsel vm0, $0x0, v7;
	vm0 =	vlt.u32 v8, $0x186A0  }
0x34: {  	s31 =	simm.s32 $0x8;
	v1 =	vld [tilespmem:s30+$0x5080];
	[tilespmem:s29+$0xFFFFFFE0] =	vst v7;
	v7 =	vnsel vm0, $0x0, v8;
	vm0 =	vlt.u32 v4, $0x186A0  }
.LBB2_2:
0x35: {  	s31 =	sadd.s32 $0x8, s31;
	v8 =	vld [tilespmem:s30+$0x5090];
	[tilespmem:s29+$0xFFFFFFF0] =	vst v7;
	v4 =	vnsel vm0, $0x0, v4;
	vm0 =	vlt.u32 v6, $0x186A0;
	s0 =	sadd.s32 $0x400, s0  }
0x36: {  	s1 =	sshll.u32 s31, $0x4;
	p1 =	slt.u32 s31, $0x198;
	v7 =	vld [tilespmem:s30+$0x50A0];
	[tilespmem:s29+$0x0] =	vst v4;
	v6 =	vnsel vm0, $0x0, v6;
	vm0 =	vlt.u32 v5, $0x186A0;
	s12 =	sshll.u32 s31, $0x3  }
0x37: {  	s15 =	sand.u32 $0x400, s0;
	s1 =	sand.u32 $0x1800, s1;
	v4 =	vld [tilespmem:s30+$0x50B0];
	vm1 =	vlt.u32 v2, $0x186A0;
	[tilespmem:s29+$0x10] =	vst v6;
	v5 =	vnsel vm0, $0x0, v5;
	s12 =	sand.u32 $0x380, s12  }
.Ltmp0:
0x38: {  	s1 =	sor.u32 s15, s1;
	vm0 =	vlt.u32 v3, $0x186A0;
	v6 =	vld [tilespmem:s30+$0x50C0];
	v2 =	vnsel vm1, $0x0, v2;
	[tilespmem:s29+$0x20] =	vst v5;
	s29 =	sadd.s32 $0x80, s29;
	(pc) =	sbr.rel @p1 .LBB2_2-.Ltmp0, $4  }
0x39: {  	v3 =	vnsel vm0, $0x0, v3;
	vm0 =	vlt.u32 v1, $0x186A0;
	v5 =	vld [tilespmem:s30+$0x50D0];
	s30 =	sor.u32 s12, s1;
	[tilespmem:s29+$0x30] =	vst v2  }
0x3a: {  	v2 =	vld [tilespmem:s30+$0x50E0];
	[tilespmem:s29+$0xFFFFFFC0] =	vst v3;
	v1 =	vnsel vm0, $0x0, v1;
	vm0 =	vlt.u32 v8, $0x186A0  }
0x3b: {  	v3 =	vld [tilespmem:s30+$0x5070];
	[tilespmem:s29+$0xFFFFFFD0] =	vst v1;
	v8 =	vnsel vm0, $0x0, v8;
	vm0 =	vlt.u32 v7, $0x186A0  }
0x3c: {  	v1 =	vld [tilespmem:s30+$0x5080];
	[tilespmem:s29+$0xFFFFFFE0] =	vst v8;
	v7 =	vnsel vm0, $0x0, v7;
	vm0 =	vlt.u32 v4, $0x186A0  }
0x3d: {  	v8 =	vld [tilespmem:s30+$0x5090];
	[tilespmem:s29+$0xFFFFFFF0] =	vst v7;
	v4 =	vnsel vm0, $0x0, v4;
	vm0 =	vlt.u32 v6, $0x186A0  }
0x3e: {  	v7 =	vld [tilespmem:s30+$0x50A0];
	[tilespmem:s29+$0x0] =	vst v4;
	v4 =	vnsel vm0, $0x0, v6;
	vm0 =	vlt.u32 v5, $0x186A0  }
0x3f: {  	v6 =	vld [tilespmem:s30+$0x50B0];
	vm1 =	vlt.u32 v2, $0x186A0;
	[tilespmem:s29+$0x10] =	vst v4;
	v4 =	vnsel vm0, $0x0, v5  }
0x40: {  	s0 =	sadd.s32 $0x80, s29;
	v5 =	vld [tilespmem:s30+$0x50C0];
	vm0 =	vlt.u32 v3, $0x186A0;
	v2 =	vnsel vm1, $0x0, v2;
	[tilespmem:s29+$0x20] =	vst v4  }
0x41: {  	v4 =	vld [tilespmem:s30+$0x50D0];
	v3 =	vnsel vm0, $0x0, v3;
	vm0 =	vlt.u32 v1, $0x186A0;
	[tilespmem:s0+$0x30] =	vst v2  }
0x42: {  	[tilespmem:s0+$0xFFFFFFC0] =	vst v3;
	v1 =	vnsel vm0, $0x0, v1;
	vm0 =	vlt.u32 v8, $0x186A0  }
0x43: {  	[tilespmem:s0+$0xFFFFFFD0] =	vst v1;
	v1 =	vnsel vm0, $0x0, v8;
	vm0 =	vlt.u32 v7, $0x186A0  }
0x44: {  	[tilespmem:s0+$0xFFFFFFE0] =	vst v1;
	v1 =	vnsel vm0, $0x0, v7;
	vm0 =	vlt.u32 v6, $0x186A0  }
0x45: {  	[tilespmem:s0+$0xFFFFFFF0] =	vst v1;
	v1 =	vnsel vm0, $0x0, v6;
	vm0 =	vlt.u32 v5, $0x186A0  }
0x46: {  	[tilespmem:s0+$0x0] =	vst v1;
	v1 =	vnsel vm0, $0x0, v5;
	vm0 =	vlt.u32 v4, $0x186A0  }
0x47: {  	[tilespmem:s0+$0x10] =	vst v1;
	v1 =	vnsel vm0, $0x0, v4  }
0x48: {  	s15 =	simm.s32 $0x1870;
	s1 =	simm.s32 $0x3470;
	[tilespmem:s0+$0x20] =	vst v1  }
0x49: {  	[tilespmem:s1], [sflag:$0x3] =	stream.indirect.gather [spmem:s2], $0x1, s15, s18, $0xb8;
	[tilespmem:$0xB0F0] =	vst v63  }
0x4a: {  	s12 =	simm.s32 $0x18F0;
	s15 =	simm.s32 $0x34F0  }
0x4b: {  	[tilespmem:s15], [sflag:$0x3] =	stream.indirect.gather [spmem:s2], $0x1, s12, s18, $0xb8;
	[tilespmem:$0xB0F0] =	vst v63  }
0x4c: {  	s12 =	simm.s32 $0x1970;
	s15 =	simm.s32 $0x3570  }
0x4d: {  	[tilespmem:s15], [sflag:$0x3] =	stream.indirect.gather [spmem:s2], $0x1, s12, s18, $0xb8;
	[tilespmem:$0xB0F0] =	vst v63  }
0x4e: {  	s12 =	simm.s32 $0x19F0;
	s15 =	simm.s32 $0x35F0  }
0x4f: {  	[tilespmem:s15], [sflag:$0x3] =	stream.indirect.gather [spmem:s2], $0x1, s12, s18, $0xb8;
	[tilespmem:$0xB0F0] =	vst v63  }
0x50: {  	s12 =	simm.s32 $0x1A70;
	s15 =	simm.s32 $0x3670  }
0x51: {  	[tilespmem:s15], [sflag:$0x3] =	stream.indirect.gather [spmem:s2], $0x1, s12, s18, $0xb8;
	[tilespmem:$0xB0F0] =	vst v63  }
0x52: {  	s12 =	simm.s32 $0x1AF0;
	s15 =	simm.s32 $0x36F0  }
0x53: {  	[tilespmem:s15], [sflag:$0x3] =	stream.indirect.gather [spmem:s2], $0x1, s12, s18, $0xb8;
	[tilespmem:$0xB0F0] =	vst v63  }
0x54: {  	s12 =	simm.s32 $0x1B70;
	s15 =	simm.s32 $0x3770  }
0x55: {  	[tilespmem:s15], [sflag:$0x3] =	stream.indirect.gather [spmem:s2], $0x1, s12, s18, $0xb8;
	[tilespmem:$0xB0F0] =	vst v63  }
0x56: {  	s12 =	simm.s32 $0x1BF0;
	s15 =	simm.s32 $0x37F0  }
0x57: {  	[tilespmem:s15], [sflag:$0x3] =	stream.indirect.gather [spmem:s2], $0x1, s12, s18, $0xb8;
	[tilespmem:$0xB0F0] =	vst v63  }
0x58: {  	s12 =	simm.s32 $0x1C70;
	s15 =	simm.s32 $0x3870  }
0x59: {  	[tilespmem:s15], [sflag:$0x3] =	stream.indirect.gather [spmem:s2], $0x1, s12, s18, $0xb8;
	[tilespmem:$0xB0F0] =	vst v63  }
0x5a: {  	s12 =	simm.s32 $0x1CF0;
	s15 =	simm.s32 $0x38F0  }
0x5b: {  	[tilespmem:s15], [sflag:$0x3] =	stream.indirect.gather [spmem:s2], $0x1, s12, s18, $0xb8;
	[tilespmem:$0xB0F0] =	vst v63  }
0x5c: {  	s12 =	simm.s32 $0x1D70;
	s15 =	simm.s32 $0x3970  }
0x5d: {  	[tilespmem:s15], [sflag:$0x3] =	stream.indirect.gather [spmem:s2], $0x1, s12, s18, $0xb8;
	[tilespmem:$0xB0F0] =	vst v63  }
0x5e: {  	s12 =	simm.s32 $0x1DF0;
	s15 =	simm.s32 $0x39F0  }
0x5f: {  	[tilespmem:s15], [sflag:$0x3] =	stream.indirect.gather [spmem:s2], $0x1, s12, s18, $0xb8;
	[tilespmem:$0xB0F0] =	vst v63  }
0x60: {  	s12 =	simm.s32 $0x1E70;
	s15 =	simm.s32 $0x3A70  }
0x61: {  	[tilespmem:s15], [sflag:$0x3] =	stream.indirect.gather [spmem:s2], $0x1, s12, s18, $0xb8;
	[tilespmem:$0xB0F0] =	vst v63  }
0x62: {  	s12 =	simm.s32 $0x1EF0;
	s15 =	simm.s32 $0x3AF0  }
0x63: {  	[tilespmem:s15], [sflag:$0x3] =	stream.indirect.gather [spmem:s2], $0x1, s12, s18, $0xb8;
	[tilespmem:$0xB0F0] =	vst v63  }
0x64: {  	s12 =	simm.s32 $0x1F70;
	s15 =	simm.s32 $0x3B70  }
0x65: {  	[tilespmem:s15], [sflag:$0x3] =	stream.indirect.gather [spmem:s2], $0x1, s12, s18, $0xb8;
	[tilespmem:$0xB0F0] =	vst v63  }
0x66: {  	s12 =	simm.s32 $0x1FF0;
	s15 =	simm.s32 $0x3BF0  }
0x67: {  	[tilespmem:s15], [sflag:$0x3] =	stream.indirect.gather [spmem:s2], $0x1, s12, s18, $0xb8;
	[tilespmem:$0xB0F0] =	vst v63  }
0x68: {  	s12 =	simm.s32 $0x2070;
	s15 =	simm.s32 $0x3C70  }
0x69: {  	[tilespmem:s15], [sflag:$0x3] =	stream.indirect.gather [spmem:s2], $0x1, s12, s18, $0xb8;
	[tilespmem:$0xB0F0] =	vst v63  }
0x6a: {  	s12 =	simm.s32 $0x20F0;
	s15 =	simm.s32 $0x3CF0  }
0x6b: {  	[tilespmem:s15], [sflag:$0x3] =	stream.indirect.gather [spmem:s2], $0x1, s12, s18, $0xb8;
	[tilespmem:$0xB0F0] =	vst v63  }
0x6c: {  	s12 =	simm.s32 $0x2170;
	s15 =	simm.s32 $0x3D70  }
0x6d: {  	[tilespmem:s15], [sflag:$0x3] =	stream.indirect.gather [spmem:s2], $0x1, s12, s18, $0xb8;
	[tilespmem:$0xB0F0] =	vst v63  }
0x6e: {  	s12 =	simm.s32 $0x21F0;
	s15 =	simm.s32 $0x3DF0  }
0x6f: {  	[tilespmem:s15], [sflag:$0x3] =	stream.indirect.gather [spmem:s2], $0x1, s12, s18, $0xb8;
	[tilespmem:$0xB0F0] =	vst v63  }
0x70: {  	s12 =	simm.s32 $0x2270;
	s15 =	simm.s32 $0x3E70  }
0x71: {  	[tilespmem:s15], [sflag:$0x3] =	stream.indirect.gather [spmem:s2], $0x1, s12, s18, $0xb8;
	[tilespmem:$0xB0F0] =	vst v63  }
0x72: {  	s12 =	simm.s32 $0x22F0;
	s15 =	simm.s32 $0x3EF0  }
0x73: {  	[tilespmem:s15], [sflag:$0x3] =	stream.indirect.gather [spmem:s2], $0x1, s12, s18, $0xb8;
	[tilespmem:$0xB0F0] =	vst v63  }
0x74: {  	s12 =	simm.s32 $0x2370;
	s15 =	simm.s32 $0x3F70  }
0x75: {  	[tilespmem:s15], [sflag:$0x3] =	stream.indirect.gather [spmem:s2], $0x1, s12, s18, $0xb8;
	[tilespmem:$0xB0F0] =	vst v63  }
0x76: {  	s12 =	simm.s32 $0x23F0;
	s15 =	simm.s32 $0x3FF0  }
0x77: {  	[tilespmem:s15], [sflag:$0x3] =	stream.indirect.gather [spmem:s2], $0x1, s12, s18, $0xb8;
	[tilespmem:$0xB0F0] =	vst v63  }
0x78: {  	s12 =	simm.s32 $0x2470;
	s15 =	simm.s32 $0x4070  }
0x79: {  	[tilespmem:s15], [sflag:$0x3] =	stream.indirect.gather [spmem:s2], $0x1, s12, s18, $0xb8;
	[tilespmem:$0xB0F0] =	vst v63  }
0x7a: {  	s12 =	simm.s32 $0x24F0;
	s15 =	simm.s32 $0x40F0  }
0x7b: {  	[tilespmem:s15], [sflag:$0x3] =	stream.indirect.gather [spmem:s2], $0x1, s12, s18, $0xb8;
	[tilespmem:$0xB0F0] =	vst v63  }
0x7c: {  	s12 =	simm.s32 $0x2570;
	s15 =	simm.s32 $0x4170  }
0x7d: {  	[tilespmem:s15], [sflag:$0x3] =	stream.indirect.gather [spmem:s2], $0x1, s12, s18, $0xb8;
	[tilespmem:$0xB0F0] =	vst v63  }
0x7e: {  	s12 =	simm.s32 $0x25F0;
	s15 =	simm.s32 $0x41F0  }
0x7f: {  	[tilespmem:s15], [sflag:$0x3] =	stream.indirect.gather [spmem:s2], $0x1, s12, s18, $0xb8;
	[tilespmem:$0xB0F0] =	vst v63  }
0x80: {  	s12 =	simm.s32 $0x2670;
	s15 =	simm.s32 $0x4270  }
0x81: {  	[tilespmem:s15], [sflag:$0x3] =	stream.indirect.gather [spmem:s2], $0x1, s12, s18, $0xb8;
	[tilespmem:$0xB0F0] =	vst v63  }
0x82: {  	s12 =	simm.s32 $0x26F0;
	s15 =	simm.s32 $0x42F0  }
0x83: {  	[tilespmem:s15], [sflag:$0x3] =	stream.indirect.gather [spmem:s2], $0x1, s12, s18, $0xb8;
	[tilespmem:$0xB0F0] =	vst v63  }
0x84: {  	s12 =	simm.s32 $0x2770;
	s15 =	simm.s32 $0x4370  }
0x85: {  	[tilespmem:s15], [sflag:$0x3] =	stream.indirect.gather [spmem:s2], $0x1, s12, s18, $0xb8;
	[tilespmem:$0xB0F0] =	vst v63  }
0x86: {  	s12 =	simm.s32 $0x27F0;
	s15 =	simm.s32 $0x43F0  }
0x87: {  	[tilespmem:s15], [sflag:$0x3] =	stream.indirect.gather [spmem:s2], $0x1, s12, s18, $0xb8;
	[tilespmem:$0xB0F0] =	vst v63  }
0x88: {  	s12 =	simm.s32 $0x2870;
	s15 =	simm.s32 $0x4470  }
0x89: {  	[tilespmem:s15], [sflag:$0x3] =	stream.indirect.gather [spmem:s2], $0x1, s12, s18, $0xb8;
	[tilespmem:$0xB0F0] =	vst v63  }
0x8a: {  	s12 =	simm.s32 $0x28F0;
	s15 =	simm.s32 $0x44F0  }
0x8b: {  	[tilespmem:s15], [sflag:$0x3] =	stream.indirect.gather [spmem:s2], $0x1, s12, s18, $0xb8;
	[tilespmem:$0xB0F0] =	vst v63  }
0x8c: {  	s12 =	simm.s32 $0x2970;
	s15 =	simm.s32 $0x4570  }
0x8d: {  	[tilespmem:s15], [sflag:$0x3] =	stream.indirect.gather [spmem:s2], $0x1, s12, s18, $0xb8;
	[tilespmem:$0xB0F0] =	vst v63  }
0x8e: {  	s12 =	simm.s32 $0x29F0;
	s15 =	simm.s32 $0x45F0  }
0x8f: {  	[tilespmem:s15], [sflag:$0x3] =	stream.indirect.gather [spmem:s2], $0x1, s12, s18, $0xb8;
	[tilespmem:$0xB0F0] =	vst v63  }
0x90: {  	s12 =	simm.s32 $0x2A70;
	s15 =	simm.s32 $0x4670  }
0x91: {  	[tilespmem:s15], [sflag:$0x3] =	stream.indirect.gather [spmem:s2], $0x1, s12, s18, $0xb8;
	[tilespmem:$0xB0F0] =	vst v63  }
0x92: {  	s12 =	simm.s32 $0x2AF0;
	s15 =	simm.s32 $0x46F0  }
0x93: {  	[tilespmem:s15], [sflag:$0x3] =	stream.indirect.gather [spmem:s2], $0x1, s12, s18, $0xb8;
	[tilespmem:$0xB0F0] =	vst v63  }
0x94: {  	s12 =	simm.s32 $0x2B70;
	s15 =	simm.s32 $0x4770  }
0x95: {  	[tilespmem:s15], [sflag:$0x3] =	stream.indirect.gather [spmem:s2], $0x1, s12, s18, $0xb8;
	[tilespmem:$0xB0F0] =	vst v63  }
0x96: {  	s12 =	simm.s32 $0x2BF0;
	s15 =	simm.s32 $0x47F0  }
0x97: {  	[tilespmem:s15], [sflag:$0x3] =	stream.indirect.gather [spmem:s2], $0x1, s12, s18, $0xb8;
	[tilespmem:$0xB0F0] =	vst v63  }
0x98: {  	s12 =	simm.s32 $0x2C70;
	s15 =	simm.s32 $0x4870  }
0x99: {  	[tilespmem:s15], [sflag:$0x3] =	stream.indirect.gather [spmem:s2], $0x1, s12, s18, $0xb8;
	[tilespmem:$0xB0F0] =	vst v63  }
0x9a: {  	s12 =	simm.s32 $0x2CF0;
	s15 =	simm.s32 $0x48F0  }
0x9b: {  	[tilespmem:s15], [sflag:$0x3] =	stream.indirect.gather [spmem:s2], $0x1, s12, s18, $0xb8;
	[tilespmem:$0xB0F0] =	vst v63  }
0x9c: {  	s12 =	simm.s32 $0x2D70;
	s15 =	simm.s32 $0x4970  }
0x9d: {  	[tilespmem:s15], [sflag:$0x3] =	stream.indirect.gather [spmem:s2], $0x1, s12, s18, $0xb8;
	[tilespmem:$0xB0F0] =	vst v63  }
0x9e: {  	s12 =	simm.s32 $0x2DF0;
	s15 =	simm.s32 $0x49F0  }
0x9f: {  	[tilespmem:s15], [sflag:$0x3] =	stream.indirect.gather [spmem:s2], $0x1, s12, s18, $0xb8;
	[tilespmem:$0xB0F0] =	vst v63  }
0xa0: {  	s12 =	simm.s32 $0x2E70;
	s15 =	simm.s32 $0x4A70  }
0xa1: {  	[tilespmem:s15], [sflag:$0x3] =	stream.indirect.gather [spmem:s2], $0x1, s12, s18, $0xb8;
	[tilespmem:$0xB0F0] =	vst v63  }
0xa2: {  	_ = 	snop  }
0xa3: {  	[tilespmem:s14], [sflag:$0x3] =	stream.indirect.gather [spmem:s2], $0x1, s13, s18, $0xb8;
	[tilespmem:$0xB0F0] =	vst v63  }
0xa4: {  	_ = 	snop  }
0xa5: {  	[tilespmem:s4], [sflag:$0x3] =	stream.indirect.gather [spmem:s2], $0x1, s3, s18, $0xb8;
	[tilespmem:$0xB0F0] =	vst v63  }
0xa6: {  	_ = 	snop  }
0xa7: {  	[tilespmem:s20], [sflag:$0x3] =	stream.indirect.gather [spmem:s2], $0x1, s19, s18, $0xb8;
	[tilespmem:$0xB0F0] =	vst v63  }
0xa8: {  	_ = 	snop  }
0xa9: {  	[tilespmem:s5], [sflag:$0x3] =	stream.indirect.gather [spmem:s2], $0x1, s21, s18, $0xb8;
	[tilespmem:$0xB0F0] =	vst v63  }
0xaa: {  	_ = 	snop  }
0xab: {  	[tilespmem:s6], [sflag:$0x3] =	stream.indirect.gather [spmem:s2], $0x1, s22, s18, $0xb8;
	[tilespmem:$0xB0F0] =	vst v63  }
0xac: {  	_ = 	snop  }
0xad: {  	[tilespmem:s7], [sflag:$0x3] =	stream.indirect.gather [spmem:s2], $0x1, s23, s18, $0xb8;
	[tilespmem:$0xB0F0] =	vst v63  }
0xae: {  	_ = 	snop  }
0xaf: {  	[tilespmem:s8], [sflag:$0x3] =	stream.indirect.gather [spmem:s2], $0x1, s24, s18, $0xb8;
	[tilespmem:$0xB0F0] =	vst v63  }
0xb0: {  	_ =	swait.ge [sflag:s25], $0x80  }
0xb1: {  	[sflag:s25] =	ssyncset.done $0x0  }
0xb2: {  	[sflag:s25] =	ssyncadd.s32 $0xFFFFFF80  }
0xb3: {  	_ =	swait.ge [sflag:s25], $0x80  }
0xb4: {  	[sflag:s25] =	ssyncset.done $0x0  }
0xb5: {  	[sflag:s25] =	ssyncadd.s32 $0xFFFFFF80  }
0xb6: {  	_ =	swait.ge [sflag:s25], $0x80  }
0xb7: {  	[sflag:s25] =	ssyncset.done $0x0  }
0xb8: {  	[sflag:s25] =	ssyncadd.s32 $0xFFFFFF80  }
0xb9: {  	_ =	swait.ge [sflag:s25], $0x80  }
0xba: {  	[sflag:s25] =	ssyncset.done $0x0  }
0xbb: {  	[sflag:s25] =	ssyncadd.s32 $0xFFFFFF80  }
0xbc: {  	_ =	swait.ge [sflag:s25], $0x80  }
0xbd: {  	[sflag:s25] =	ssyncset.done $0x0  }
0xbe: {  	[sflag:s25] =	ssyncadd.s32 $0xFFFFFF80  }
0xbf: {  	_ =	swait.ge [sflag:s25], $0x80  }
0xc0: {  	[sflag:s25] =	ssyncset.done $0x0  }
0xc1: {  	[sflag:s25] =	ssyncadd.s32 $0xFFFFFF80  }
0xc2: {  	_ =	swait.ge [sflag:s25], $0x80  }
0xc3: {  	[sflag:s25] =	ssyncset.done $0x0  }
0xc4: {  	[sflag:s25] =	ssyncadd.s32 $0xFFFFFF80  }
0xc5: {  	_ =	swait.ge [sflag:s25], $0x80  }
0xc6: {  	[sflag:s25] =	ssyncset.done $0x0  }
0xc7: {  	[sflag:s25] =	ssyncadd.s32 $0xFFFFFF80  }
0xc8: {  	_ =	swait.ge [sflag:s25], $0x80  }
0xc9: {  	[sflag:s25] =	ssyncset.done $0x0  }
0xca: {  	[sflag:s25] =	ssyncadd.s32 $0xFFFFFF80  }
0xcb: {  	_ =	swait.ge [sflag:s25], $0x80  }
0xcc: {  	[sflag:s25] =	ssyncset.done $0x0  }
0xcd: {  	[sflag:s25] =	ssyncadd.s32 $0xFFFFFF80  }
0xce: {  	_ =	swait.ge [sflag:s25], $0x80  }
0xcf: {  	[sflag:s25] =	ssyncset.done $0x0  }
0xd0: {  	[sflag:s25] =	ssyncadd.s32 $0xFFFFFF80  }
0xd1: {  	_ =	swait.ge [sflag:s25], $0x80  }
0xd2: {  	[sflag:s25] =	ssyncset.done $0x0  }
0xd3: {  	[sflag:s25] =	ssyncadd.s32 $0xFFFFFF80  }
0xd4: {  	_ =	swait.ge [sflag:s25], $0x80  }
0xd5: {  	[sflag:s25] =	ssyncset.done $0x0  }
0xd6: {  	[sflag:s25] =	ssyncadd.s32 $0xFFFFFF80  }
0xd7: {  	_ =	swait.ge [sflag:s25], $0x80  }
0xd8: {  	[sflag:s25] =	ssyncset.done $0x0  }
0xd9: {  	[sflag:s25] =	ssyncadd.s32 $0xFFFFFF80  }
0xda: {  	_ =	swait.ge [sflag:s25], $0x80  }
0xdb: {  	[sflag:s25] =	ssyncset.done $0x0  }
0xdc: {  	[sflag:s25] =	ssyncadd.s32 $0xFFFFFF80  }
0xdd: {  	_ =	swait.ge [sflag:s25], $0x80  }
0xde: {  	[sflag:s25] =	ssyncset.done $0x0  }
0xdf: {  	[sflag:s25] =	ssyncadd.s32 $0xFFFFFF80  }
0xe0: {  	_ =	swait.ge [sflag:s25], $0x80  }
0xe1: {  	[sflag:s25] =	ssyncset.done $0x0  }
0xe2: {  	[sflag:s25] =	ssyncadd.s32 $0xFFFFFF80  }
0xe3: {  	_ =	swait.ge [sflag:s25], $0x80  }
0xe4: {  	[sflag:s25] =	ssyncset.done $0x0  }
0xe5: {  	[sflag:s25] =	ssyncadd.s32 $0xFFFFFF80  }
0xe6: {  	_ =	swait.ge [sflag:s25], $0x80  }
0xe7: {  	[sflag:s25] =	ssyncset.done $0x0  }
0xe8: {  	[sflag:s25] =	ssyncadd.s32 $0xFFFFFF80  }
0xe9: {  	_ =	swait.ge [sflag:s25], $0x80  }
0xea: {  	[sflag:s25] =	ssyncset.done $0x0  }
0xeb: {  	[sflag:s25] =	ssyncadd.s32 $0xFFFFFF80  }
0xec: {  	_ =	swait.ge [sflag:s25], $0x80  }
0xed: {  	[sflag:s25] =	ssyncset.done $0x0  }
0xee: {  	[sflag:s25] =	ssyncadd.s32 $0xFFFFFF80  }
0xef: {  	_ =	swait.ge [sflag:s25], $0x80  }
0xf0: {  	[sflag:s25] =	ssyncset.done $0x0  }
0xf1: {  	[sflag:s25] =	ssyncadd.s32 $0xFFFFFF80  }
0xf2: {  	_ =	swait.ge [sflag:s25], $0x80  }
0xf3: {  	[sflag:s25] =	ssyncset.done $0x0  }
0xf4: {  	[sflag:s25] =	ssyncadd.s32 $0xFFFFFF80  }
0xf5: {  	_ =	swait.ge [sflag:s25], $0x80  }
0xf6: {  	[sflag:s25] =	ssyncset.done $0x0  }
0xf7: {  	[sflag:s25] =	ssyncadd.s32 $0xFFFFFF80  }
0xf8: {  	_ =	swait.ge [sflag:s25], $0x80  }
0xf9: {  	[sflag:s25] =	ssyncset.done $0x0  }
0xfa: {  	[sflag:s25] =	ssyncadd.s32 $0xFFFFFF80  }
0xfb: {  	_ =	swait.ge [sflag:s25], $0x80  }
0xfc: {  	[sflag:s25] =	ssyncset.done $0x0  }
0xfd: {  	[sflag:s25] =	ssyncadd.s32 $0xFFFFFF80  }
0xfe: {  	_ =	swait.ge [sflag:s25], $0x80  }
0xff: {  	[sflag:s25] =	ssyncset.done $0x0  }
0x100: {  	[sflag:s25] =	ssyncadd.s32 $0xFFFFFF80  }
0x101: {  	_ =	swait.ge [sflag:s25], $0x80  }
0x102: {  	[sflag:s25] =	ssyncset.done $0x0  }
0x103: {  	[sflag:s25] =	ssyncadd.s32 $0xFFFFFF80  }
0x104: {  	_ =	swait.ge [sflag:s25], $0x80  }
0x105: {  	[sflag:s25] =	ssyncset.done $0x0  }
0x106: {  	[sflag:s25] =	ssyncadd.s32 $0xFFFFFF80  }
0x107: {  	_ =	swait.ge [sflag:s25], $0x80  }
0x108: {  	[sflag:s25] =	ssyncset.done $0x0  }
0x109: {  	[sflag:s25] =	ssyncadd.s32 $0xFFFFFF80  }
0x10a: {  	_ =	swait.ge [sflag:s25], $0x80  }
0x10b: {  	[sflag:s25] =	ssyncset.done $0x0  }
0x10c: {  	[sflag:s25] =	ssyncadd.s32 $0xFFFFFF80  }
0x10d: {  	_ =	swait.ge [sflag:s25], $0x80  }
0x10e: {  	[sflag:s25] =	ssyncset.done $0x0  }
0x10f: {  	[sflag:s25] =	ssyncadd.s32 $0xFFFFFF80  }
0x110: {  	_ =	swait.ge [sflag:s25], $0x80  }
0x111: {  	[sflag:s25] =	ssyncset.done $0x0  }
0x112: {  	[sflag:s25] =	ssyncadd.s32 $0xFFFFFF80  }
0x113: {  	_ =	swait.ge [sflag:s25], $0x80  }
0x114: {  	[sflag:s25] =	ssyncset.done $0x0  }
0x115: {  	[sflag:s25] =	ssyncadd.s32 $0xFFFFFF80  }
0x116: {  	_ =	swait.ge [sflag:s25], $0x80  }
0x117: {  	[sflag:s25] =	ssyncset.done $0x0  }
0x118: {  	[sflag:s25] =	ssyncadd.s32 $0xFFFFFF80  }
0x119: {  	_ =	swait.ge [sflag:s25], $0x80  }
0x11a: {  	[sflag:s25] =	ssyncset.done $0x0  }
0x11b: {  	[sflag:s25] =	ssyncadd.s32 $0xFFFFFF80  }
0x11c: {  	_ =	swait.ge [sflag:s25], $0x80  }
0x11d: {  	[sflag:s25] =	ssyncset.done $0x0  }
0x11e: {  	[sflag:s25] =	ssyncadd.s32 $0xFFFFFF80  }
0x11f: {  	_ =	swait.ge [sflag:s25], $0x80  }
0x120: {  	[sflag:s25] =	ssyncset.done $0x0  }
0x121: {  	[sflag:s25] =	ssyncadd.s32 $0xFFFFFF80  }
0x122: {  	_ =	swait.ge [sflag:s25], $0x80  }
0x123: {  	[sflag:s25] =	ssyncset.done $0x0  }
0x124: {  	[sflag:s25] =	ssyncadd.s32 $0xFFFFFF80  }
0x125: {  	_ =	swait.ge [sflag:s25], $0x80  }
0x126: {  	[sflag:s25] =	ssyncset.done $0x0  }
0x127: {  	[sflag:s25] =	ssyncadd.s32 $0xFFFFFF80  }
0x128: {  	_ =	swait.ge [sflag:s25], $0x80  }
0x129: {  	[sflag:s25] =	ssyncset.done $0x0  }
0x12a: {  	[sflag:s25] =	ssyncadd.s32 $0xFFFFFF80  }
0x12b: {  	_ =	swait.ge [sflag:s25], $0x80  }
0x12c: {  	[sflag:s25] =	ssyncset.done $0x0  }
0x12d: {  	[sflag:s25] =	ssyncadd.s32 $0xFFFFFF80  }
0x12e: {  	_ =	swait.ge [sflag:s25], $0x80  }
0x12f: {  	[sflag:s25] =	ssyncset.done $0x0  }
0x130: {  	[sflag:s25] =	ssyncadd.s32 $0xFFFFFF80  }
0x131: {  	_ =	swait.ge [sflag:s25], $0x80  }
0x132: {  	[sflag:s25] =	ssyncset.done $0x0  }
0x133: {  	[sflag:s25] =	ssyncadd.s32 $0xFFFFFF80  }
0x134: {  	_ =	swait.ge [sflag:s25], $0x80  }
0x135: {  	[sflag:s25] =	ssyncset.done $0x0  }
0x136: {  	[sflag:s25] =	ssyncadd.s32 $0xFFFFFF80  }
0x137: {  	_ =	swait.ge [sflag:s25], $0x80  }
0x138: {  	[sflag:s25] =	ssyncset.done $0x0  }
0x139: {  	[sflag:s25] =	ssyncadd.s32 $0xFFFFFF80  }
0x13a: {  	_ =	swait.ge [sflag:s25], $0x80  }
0x13b: {  	[sflag:s25] =	ssyncset.done $0x0  }
0x13c: {  	[sflag:s25] =	ssyncadd.s32 $0xFFFFFF80  }
0x13d: {  	_ =	swait.ge [sflag:s25], $0x80  }
0x13e: {  	[sflag:s25] =	ssyncset.done $0x0  }
0x13f: {  	[sflag:s25] =	ssyncadd.s32 $0xFFFFFF80  }
0x140: {  	_ =	swait.ge [sflag:s25], $0x80  }
0x141: {  	[sflag:s25] =	ssyncset.done $0x0  }
0x142: {  	[sflag:s25] =	ssyncadd.s32 $0xFFFFFF80  }
0x143: {  	_ =	swait.ge [sflag:s25], $0x80  }
0x144: {  	[sflag:s25] =	ssyncset.done $0x0  }
0x145: {  	[sflag:s25] =	ssyncadd.s32 $0xFFFFFF80  }
0x146: {  	_ =	swait.ge [sflag:s25], $0x80  }
0x147: {  	s30 =	simm.s32 $0x0;
	[sflag:s25] =	ssyncset.done $0x0  }
0x148: {  	s12 =	simm.s32 $0x0;
	s15 =	sand.u32 $0x400, s30;
	[sflag:s25] =	ssyncadd.s32 $0xFFFFFF80  }
0x149: {  	s0 =	sand.u32 $0x1800, s12;
	s12 =	simm.s32 $0x0;
	_ =	swait.ge [sflag:s25], $0x80  }
0x14a: {  	s0 =	sor.u32 s15, s0;
	s15 =	sand.u32 $0x380, s12;
	[sflag:s25] =	ssyncset.done $0x0  }
0x14b: {  	s29 =	sor.u32 s15, s0;
	[sflag:s25] =	ssyncadd.s32 $0xFFFFFF80  }
0x14c: {  	s31 =	simm.s32 $0x34B0;
	v1 =	vld [tilespmem:s29+$0x50E0]  }
0x14d: {  	v2 =	vld [tilespmem:s31+$0x30]  }
0x14e: {  	v4 =	vld [tilespmem:s29+$0x5070]  }
0x14f: {  	v5 =	vld [tilespmem:s29+$0x5080]  }
0x150: {  	v6 =	vld [tilespmem:s29+$0x5090]  }
0x151: {  	v7 =	vld [tilespmem:s29+$0x50A0]  }
0x152: {  	v3 =	vld [tilespmem:s29+$0x50B0];
	vm0 =	vlt.u32 v1, $0x186A0  }
0x153: {  	v1 =	vnsel vm0, $0x0, v2;
	v2 =	vld [tilespmem:s29+$0x50C0]  }
0x154: {  	v63 =	vadd.f32 v1, v0;
	v1 =	vld [tilespmem:s29+$0x50D0]  }
0x155: {  	vm2 =	vlt.u32 v4, $0x186A0;
	v4 =	vld [tilespmem:s31+$0xFFFFFFC0]  }
0x156: {  	s0 =	simm.s32 $0x0;
	vm3 =	vlt.u32 v5, $0x186A0;
	vm1 =	vlt.u32 v6, $0x186A0;
	v5 =	vld [tilespmem:s31+$0xFFFFFFD0];
	vm0 =	vlt.u32 v7, $0x186A0;
	[tilespmem:s29+$0x90E0] =	vst v63  }
.LBB2_4:
0x157: {  	s0 =	sadd.s32 $0x8, s0;
	v6 =	vld [tilespmem:s31+$0xFFFFFFE0];
	vm4 =	vlt.u32 v3, $0x186A0  }
0x158: {  	s30 =	sadd.s32 $0x400, s30;
	s1 =	sshll.u32 s0, $0x4;
	p1 =	slt.u32 s0, $0x198;
	v3 =	vld [tilespmem:s31+$0xFFFFFFF0];
	vm5 =	vlt.u32 v2, $0x186A0  }
0x159: {  	s12 =	sand.u32 $0x400, s30;
	s15 =	sshll.u32 s0, $0x3;
	s1 =	sand.u32 $0x1800, s1;
	v2 =	vld [tilespmem:s31+$0x0];
	vm6 =	vlt.u32 v1, $0x186A0  }
0x15a: {  	s1 =	sor.u32 s12, s1;
	s12 =	sand.u32 $0x380, s15;
	v1 =	vnsel vm2, $0x0, v4;
	v4 =	vld [tilespmem:s31+$0x10]  }
0x15b: {  	s1 =	sor.u32 s12, s1;
	v1 =	vadd.f32 v1, v0;
	v5 =	vnsel vm3, $0x0, v5;
	v7 =	vld [tilespmem:s31+$0x20]  }
0x15c: {  	s31 =	sadd.s32 $0x80, s31;
	v8 =	vld [tilespmem:s1+$0x50E0];
	v5 =	vadd.f32 v5, v0;
	v6 =	vnsel vm1, $0x0, v6  }
0x15d: {  	v9 =	vld [tilespmem:s31+$0x30];
	[tilespmem:s29+$0x9070] =	vst v1;
	v1 =	vadd.f32 v6, v0;
	v3 =	vnsel vm0, $0x0, v3  }
0x15e: {  	v6 =	vld [tilespmem:s1+$0x5070];
	[tilespmem:s29+$0x9080] =	vst v5;
	v3 =	vadd.f32 v3, v0;
	v2 =	vnsel vm4, $0x0, v2  }
0x15f: {  	v5 =	vld [tilespmem:s1+$0x5080];
	[tilespmem:s29+$0x9090] =	vst v1;
	v1 =	vadd.f32 v2, v0;
	v2 =	vnsel vm5, $0x0, v4  }
0x160: {  	v10 =	vld [tilespmem:s1+$0x5090];
	[tilespmem:s29+$0x90A0] =	vst v3;
	v2 =	vadd.f32 v2, v0;
	v3 =	vnsel vm6, $0x0, v7  }
0x161: {  	v7 =	vld [tilespmem:s1+$0x50A0];
	vm0 =	vlt.u32 v8, $0x186A0;
	[tilespmem:s29+$0x90B0] =	vst v1;
	v1 =	vadd.f32 v3, v0  }
.Ltmp1:
0x162: {  	v3 =	vld [tilespmem:s1+$0x50B0];
	v4 =	vnsel vm0, $0x0, v9;
	[tilespmem:s29+$0x90C0] =	vst v2;
	(pc) =	sbr.rel @p1 .LBB2_4-.Ltmp1, $4  }
0x163: {  	vm2 =	vlt.u32 v6, $0x186A0;
	v2 =	vld [tilespmem:s1+$0x50C0];
	v6 =	vadd.f32 v4, v0;
	[tilespmem:s29+$0x90D0] =	vst v1;
	s29 =	smov.u32 s1  }
0x164: {  	vm3 =	vlt.u32 v5, $0x186A0;
	v1 =	vld [tilespmem:s29+$0x50D0]  }
0x165: {  	v4 =	vld [tilespmem:s31+$0xFFFFFFC0];
	vm1 =	vlt.u32 v10, $0x186A0;
	[tilespmem:s29+$0x90E0] =	vst v6  }
0x166: {  	v5 =	vld [tilespmem:s31+$0xFFFFFFD0];
	vm0 =	vlt.u32 v7, $0x186A0  }
0x167: {  	v6 =	vld [tilespmem:s31+$0xFFFFFFE0]  }
0x168: {  	v7 =	vld [tilespmem:s31+$0xFFFFFFF0]  }
0x169: {  	v8 =	vld [tilespmem:s31+$0x0]  }
0x16a: {  	v9 =	vld [tilespmem:s31+$0x10];
	v4 =	vnsel vm2, $0x0, v4  }
0x16b: {  	v10 =	vld [tilespmem:s31+$0x20];
	v4 =	vadd.f32 v4, v0;
	v5 =	vnsel vm3, $0x0, v5  }
0x16c: {  	v5 =	vadd.f32 v5, v0;
	v6 =	vnsel vm1, $0x0, v6  }
0x16d: {  	vm1 =	vlt.u32 v3, $0x186A0;
	[tilespmem:s29+$0x9070] =	vst v4;
	v3 =	vadd.f32 v6, v0;
	v4 =	vnsel vm0, $0x0, v7  }
0x16e: {  	vm0 =	vlt.u32 v2, $0x186A0;
	[tilespmem:s29+$0x9080] =	vst v5;
	v2 =	vadd.f32 v4, v0;
	v4 =	vnsel vm1, $0x0, v8  }
0x16f: {  	vm1 =	vlt.u32 v1, $0x186A0;
	[tilespmem:s29+$0x9090] =	vst v3;
	v1 =	vadd.f32 v4, v0;
	v3 =	vnsel vm0, $0x0, v9  }
0x170: {  	[tilespmem:s29+$0x90A0] =	vst v2;
	v2 =	vadd.f32 v3, v0;
	v3 =	vnsel vm1, $0x0, v10  }
0x171: {  	[tilespmem:s29+$0x90B0] =	vst v1;
	v1 =	vadd.f32 v3, v0  }
0x172: {  	[tilespmem:s29+$0x90C0] =	vst v2  }
0x173: {  	[tilespmem:s29+$0x90D0] =	vst v1  }
0x174: {  	s0 =	rddreg [dreg:$0x9]  }
0x175: {  	[hbm4b:s0+s10] =	stream.strided.scatter [tilespmem:s9], [sflag:$0x4], $0x2000, s11, s10, $0x38;
	[tilespmem:$0xB0F0] =	vst v63  }
0x176: {  	_ =	swait.ge [sflag:s26], $0x2000  }
0x177: {  	s1 =	simm.s32 $0x0;
	[sflag:s26] =	ssyncset.done $0x0  }
0x178: {  	s12 =	simm.s32 $0x0;
	s1 =	sand.u32 $0x1800, s1;
	[sflag:s26] =	ssyncadd.s32 $0xFFFFE000  }
0x179: {  	s0 =	sand.u32 $0x400, s12;
	s12 =	simm.s32 $0x0;
	_ =	swait.ge [sflag:s17], $0x2000  }
0x17a: {  	s12 =	sand.u32 $0x380, s12;
	s0 =	sor.u32 s0, s1;
	[sflag:s17] =	ssyncset.done $0x0  }
0x17b: {  	s1 =	sor.u32 s12, s0;
	[sflag:s17] =	ssyncadd.s32 $0xFFFFE000  }
0x17c: {  	v1 =	vld [tilespmem:s1+$0x70E0]  }
0x17d: {  	v2 =	vld [tilespmem:s1+$0x7070]  }
0x17e: {  	v3 =	vld [tilespmem:s1+$0x7080]  }
0x17f: {  	v7 =	vld [tilespmem:s1+$0x7090]  }
0x180: {  	s15 =	simm.s32 $0x80;
	s0 =	simm.s32 $0x400;
	v8 =	vld [tilespmem:s1+$0x70A0]  }
0x181: {  	s30 =	simm.s32 $0x40;
	s12 =	sand.u32 $0x1800, s15;
	s15 =	sand.u32 $0x400, s0;
	v4 =	vld [tilespmem:s1+$0x70B0];
	vm0 =	vlt.u32 v1, $0x186A0  }
0x182: {  	s30 =	sand.u32 $0x380, s30;
	s29 =	simm.s32 $0x18B0;
	s12 =	sor.u32 s15, s12;
	v6 =	vld [tilespmem:s1+$0x70C0];
	vm1 =	vlt.u32 v2, $0x186A0;
	v1 =	vnsel vm0, $0x0, v1  }
0x183: {  	s30 =	sor.u32 s30, s12;
	v5 =	vld [tilespmem:s1+$0x70D0];
	v63 =	vnsel vm1, $0x0, v2;
	vm0 =	vlt.u32 v3, $0x186A0;
	[tilespmem:s29+$0x30] =	vst v1  }
0x184: {  	v2 =	vld [tilespmem:s30+$0x70E0];
	[tilespmem:s29+$0xFFFFFFC0] =	vst v63;
	v1 =	vnsel vm0, $0x0, v3;
	vm0 =	vlt.u32 v7, $0x186A0  }
0x185: {  	v3 =	vld [tilespmem:s30+$0x7070];
	[tilespmem:s29+$0xFFFFFFD0] =	vst v1;
	v7 =	vnsel vm0, $0x0, v7;
	vm0 =	vlt.u32 v8, $0x186A0  }
0x186: {  	s31 =	simm.s32 $0x8;
	v1 =	vld [tilespmem:s30+$0x7080];
	[tilespmem:s29+$0xFFFFFFE0] =	vst v7;
	v7 =	vnsel vm0, $0x0, v8;
	vm0 =	vlt.u32 v4, $0x186A0  }
.LBB2_6:
0x187: {  	s31 =	sadd.s32 $0x8, s31;
	v8 =	vld [tilespmem:s30+$0x7090];
	[tilespmem:s29+$0xFFFFFFF0] =	vst v7;
	v4 =	vnsel vm0, $0x0, v4;
	vm0 =	vlt.u32 v6, $0x186A0;
	s0 =	sadd.s32 $0x400, s0  }
0x188: {  	s1 =	sshll.u32 s31, $0x4;
	p1 =	slt.u32 s31, $0x198;
	v7 =	vld [tilespmem:s30+$0x70A0];
	[tilespmem:s29+$0x0] =	vst v4;
	v6 =	vnsel vm0, $0x0, v6;
	vm0 =	vlt.u32 v5, $0x186A0;
	s15 =	sshll.u32 s31, $0x3  }
0x189: {  	s12 =	sand.u32 $0x400, s0;
	s1 =	sand.u32 $0x1800, s1;
	v4 =	vld [tilespmem:s30+$0x70B0];
	vm1 =	vlt.u32 v2, $0x186A0;
	[tilespmem:s29+$0x10] =	vst v6;
	v5 =	vnsel vm0, $0x0, v5;
	s15 =	sand.u32 $0x380, s15  }
.Ltmp2:
0x18a: {  	s1 =	sor.u32 s12, s1;
	vm0 =	vlt.u32 v3, $0x186A0;
	v6 =	vld [tilespmem:s30+$0x70C0];
	v2 =	vnsel vm1, $0x0, v2;
	[tilespmem:s29+$0x20] =	vst v5;
	s29 =	sadd.s32 $0x80, s29;
	(pc) =	sbr.rel @p1 .LBB2_6-.Ltmp2, $4  }
0x18b: {  	v3 =	vnsel vm0, $0x0, v3;
	vm0 =	vlt.u32 v1, $0x186A0;
	v5 =	vld [tilespmem:s30+$0x70D0];
	s30 =	sor.u32 s15, s1;
	[tilespmem:s29+$0x30] =	vst v2  }
0x18c: {  	v2 =	vld [tilespmem:s30+$0x70E0];
	[tilespmem:s29+$0xFFFFFFC0] =	vst v3;
	v1 =	vnsel vm0, $0x0, v1;
	vm0 =	vlt.u32 v8, $0x186A0  }
0x18d: {  	v3 =	vld [tilespmem:s30+$0x7070];
	[tilespmem:s29+$0xFFFFFFD0] =	vst v1;
	v8 =	vnsel vm0, $0x0, v8;
	vm0 =	vlt.u32 v7, $0x186A0  }
0x18e: {  	v1 =	vld [tilespmem:s30+$0x7080];
	[tilespmem:s29+$0xFFFFFFE0] =	vst v8;
	v7 =	vnsel vm0, $0x0, v7;
	vm0 =	vlt.u32 v4, $0x186A0  }
0x18f: {  	v8 =	vld [tilespmem:s30+$0x7090];
	[tilespmem:s29+$0xFFFFFFF0] =	vst v7;
	v4 =	vnsel vm0, $0x0, v4;
	vm0 =	vlt.u32 v6, $0x186A0  }
0x190: {  	v7 =	vld [tilespmem:s30+$0x70A0];
	[tilespmem:s29+$0x0] =	vst v4;
	v4 =	vnsel vm0, $0x0, v6;
	vm0 =	vlt.u32 v5, $0x186A0  }
0x191: {  	v6 =	vld [tilespmem:s30+$0x70B0];
	vm1 =	vlt.u32 v2, $0x186A0;
	[tilespmem:s29+$0x10] =	vst v4;
	v4 =	vnsel vm0, $0x0, v5  }
0x192: {  	s0 =	sadd.s32 $0x80, s29;
	v5 =	vld [tilespmem:s30+$0x70C0];
	vm0 =	vlt.u32 v3, $0x186A0;
	v2 =	vnsel vm1, $0x0, v2;
	[tilespmem:s29+$0x20] =	vst v4  }
0x193: {  	v4 =	vld [tilespmem:s30+$0x70D0];
	v3 =	vnsel vm0, $0x0, v3;
	vm0 =	vlt.u32 v1, $0x186A0;
	[tilespmem:s0+$0x30] =	vst v2  }
0x194: {  	[tilespmem:s0+$0xFFFFFFC0] =	vst v3;
	v1 =	vnsel vm0, $0x0, v1;
	vm0 =	vlt.u32 v8, $0x186A0  }
0x195: {  	[tilespmem:s0+$0xFFFFFFD0] =	vst v1;
	v1 =	vnsel vm0, $0x0, v8;
	vm0 =	vlt.u32 v7, $0x186A0  }
0x196: {  	[tilespmem:s0+$0xFFFFFFE0] =	vst v1;
	v1 =	vnsel vm0, $0x0, v7;
	vm0 =	vlt.u32 v6, $0x186A0  }
0x197: {  	[tilespmem:s0+$0xFFFFFFF0] =	vst v1;
	v1 =	vnsel vm0, $0x0, v6;
	vm0 =	vlt.u32 v5, $0x186A0  }
0x198: {  	[tilespmem:s0+$0x0] =	vst v1;
	v1 =	vnsel vm0, $0x0, v5;
	vm0 =	vlt.u32 v4, $0x186A0  }
0x199: {  	[tilespmem:s0+$0x10] =	vst v1;
	v1 =	vnsel vm0, $0x0, v4  }
0x19a: {  	s15 =	simm.s32 $0x1870;
	s1 =	simm.s32 $0x3470;
	[tilespmem:s0+$0x20] =	vst v1  }
0x19b: {  	[tilespmem:s1], [sflag:$0x3] =	stream.indirect.gather [spmem:s2], $0x1, s15, s18, $0xb8;
	[tilespmem:$0xB0F0] =	vst v63  }
0x19c: {  	s12 =	simm.s32 $0x18F0;
	s15 =	simm.s32 $0x34F0  }
0x19d: {  	[tilespmem:s15], [sflag:$0x3] =	stream.indirect.gather [spmem:s2], $0x1, s12, s18, $0xb8;
	[tilespmem:$0xB0F0] =	vst v63  }
0x19e: {  	s12 =	simm.s32 $0x1970;
	s15 =	simm.s32 $0x3570  }
0x19f: {  	[tilespmem:s15], [sflag:$0x3] =	stream.indirect.gather [spmem:s2], $0x1, s12, s18, $0xb8;
	[tilespmem:$0xB0F0] =	vst v63  }
0x1a0: {  	s12 =	simm.s32 $0x19F0;
	s15 =	simm.s32 $0x35F0  }
0x1a1: {  	[tilespmem:s15], [sflag:$0x3] =	stream.indirect.gather [spmem:s2], $0x1, s12, s18, $0xb8;
	[tilespmem:$0xB0F0] =	vst v63  }
0x1a2: {  	s12 =	simm.s32 $0x1A70;
	s15 =	simm.s32 $0x3670  }
0x1a3: {  	[tilespmem:s15], [sflag:$0x3] =	stream.indirect.gather [spmem:s2], $0x1, s12, s18, $0xb8;
	[tilespmem:$0xB0F0] =	vst v63  }
0x1a4: {  	s12 =	simm.s32 $0x1AF0;
	s15 =	simm.s32 $0x36F0  }
0x1a5: {  	[tilespmem:s15], [sflag:$0x3] =	stream.indirect.gather [spmem:s2], $0x1, s12, s18, $0xb8;
	[tilespmem:$0xB0F0] =	vst v63  }
0x1a6: {  	s12 =	simm.s32 $0x1B70;
	s15 =	simm.s32 $0x3770  }
0x1a7: {  	[tilespmem:s15], [sflag:$0x3] =	stream.indirect.gather [spmem:s2], $0x1, s12, s18, $0xb8;
	[tilespmem:$0xB0F0] =	vst v63  }
0x1a8: {  	s12 =	simm.s32 $0x1BF0;
	s15 =	simm.s32 $0x37F0  }
0x1a9: {  	[tilespmem:s15], [sflag:$0x3] =	stream.indirect.gather [spmem:s2], $0x1, s12, s18, $0xb8;
	[tilespmem:$0xB0F0] =	vst v63  }
0x1aa: {  	s12 =	simm.s32 $0x1C70;
	s15 =	simm.s32 $0x3870  }
0x1ab: {  	[tilespmem:s15], [sflag:$0x3] =	stream.indirect.gather [spmem:s2], $0x1, s12, s18, $0xb8;
	[tilespmem:$0xB0F0] =	vst v63  }
0x1ac: {  	s12 =	simm.s32 $0x1CF0;
	s15 =	simm.s32 $0x38F0  }
0x1ad: {  	[tilespmem:s15], [sflag:$0x3] =	stream.indirect.gather [spmem:s2], $0x1, s12, s18, $0xb8;
	[tilespmem:$0xB0F0] =	vst v63  }
0x1ae: {  	s12 =	simm.s32 $0x1D70;
	s15 =	simm.s32 $0x3970  }
0x1af: {  	[tilespmem:s15], [sflag:$0x3] =	stream.indirect.gather [spmem:s2], $0x1, s12, s18, $0xb8;
	[tilespmem:$0xB0F0] =	vst v63  }
0x1b0: {  	s12 =	simm.s32 $0x1DF0;
	s15 =	simm.s32 $0x39F0  }
0x1b1: {  	[tilespmem:s15], [sflag:$0x3] =	stream.indirect.gather [spmem:s2], $0x1, s12, s18, $0xb8;
	[tilespmem:$0xB0F0] =	vst v63  }
0x1b2: {  	s12 =	simm.s32 $0x1E70;
	s15 =	simm.s32 $0x3A70  }
0x1b3: {  	[tilespmem:s15], [sflag:$0x3] =	stream.indirect.gather [spmem:s2], $0x1, s12, s18, $0xb8;
	[tilespmem:$0xB0F0] =	vst v63  }
0x1b4: {  	s12 =	simm.s32 $0x1EF0;
	s15 =	simm.s32 $0x3AF0  }
0x1b5: {  	[tilespmem:s15], [sflag:$0x3] =	stream.indirect.gather [spmem:s2], $0x1, s12, s18, $0xb8;
	[tilespmem:$0xB0F0] =	vst v63  }
0x1b6: {  	s12 =	simm.s32 $0x1F70;
	s15 =	simm.s32 $0x3B70  }
0x1b7: {  	[tilespmem:s15], [sflag:$0x3] =	stream.indirect.gather [spmem:s2], $0x1, s12, s18, $0xb8;
	[tilespmem:$0xB0F0] =	vst v63  }
0x1b8: {  	s12 =	simm.s32 $0x1FF0;
	s15 =	simm.s32 $0x3BF0  }
0x1b9: {  	[tilespmem:s15], [sflag:$0x3] =	stream.indirect.gather [spmem:s2], $0x1, s12, s18, $0xb8;
	[tilespmem:$0xB0F0] =	vst v63  }
0x1ba: {  	s12 =	simm.s32 $0x2070;
	s15 =	simm.s32 $0x3C70  }
0x1bb: {  	[tilespmem:s15], [sflag:$0x3] =	stream.indirect.gather [spmem:s2], $0x1, s12, s18, $0xb8;
	[tilespmem:$0xB0F0] =	vst v63  }
0x1bc: {  	s12 =	simm.s32 $0x20F0;
	s15 =	simm.s32 $0x3CF0  }
0x1bd: {  	[tilespmem:s15], [sflag:$0x3] =	stream.indirect.gather [spmem:s2], $0x1, s12, s18, $0xb8;
	[tilespmem:$0xB0F0] =	vst v63  }
0x1be: {  	s12 =	simm.s32 $0x2170;
	s15 =	simm.s32 $0x3D70  }
0x1bf: {  	[tilespmem:s15], [sflag:$0x3] =	stream.indirect.gather [spmem:s2], $0x1, s12, s18, $0xb8;
	[tilespmem:$0xB0F0] =	vst v63  }
0x1c0: {  	s12 =	simm.s32 $0x21F0;
	s15 =	simm.s32 $0x3DF0  }
0x1c1: {  	[tilespmem:s15], [sflag:$0x3] =	stream.indirect.gather [spmem:s2], $0x1, s12, s18, $0xb8;
	[tilespmem:$0xB0F0] =	vst v63  }
0x1c2: {  	s12 =	simm.s32 $0x2270;
	s15 =	simm.s32 $0x3E70  }
0x1c3: {  	[tilespmem:s15], [sflag:$0x3] =	stream.indirect.gather [spmem:s2], $0x1, s12, s18, $0xb8;
	[tilespmem:$0xB0F0] =	vst v63  }
0x1c4: {  	s12 =	simm.s32 $0x22F0;
	s15 =	simm.s32 $0x3EF0  }
0x1c5: {  	[tilespmem:s15], [sflag:$0x3] =	stream.indirect.gather [spmem:s2], $0x1, s12, s18, $0xb8;
	[tilespmem:$0xB0F0] =	vst v63  }
0x1c6: {  	s12 =	simm.s32 $0x2370;
	s15 =	simm.s32 $0x3F70  }
0x1c7: {  	[tilespmem:s15], [sflag:$0x3] =	stream.indirect.gather [spmem:s2], $0x1, s12, s18, $0xb8;
	[tilespmem:$0xB0F0] =	vst v63  }
0x1c8: {  	s12 =	simm.s32 $0x23F0;
	s15 =	simm.s32 $0x3FF0  }
0x1c9: {  	[tilespmem:s15], [sflag:$0x3] =	stream.indirect.gather [spmem:s2], $0x1, s12, s18, $0xb8;
	[tilespmem:$0xB0F0] =	vst v63  }
0x1ca: {  	s12 =	simm.s32 $0x2470;
	s15 =	simm.s32 $0x4070  }
0x1cb: {  	[tilespmem:s15], [sflag:$0x3] =	stream.indirect.gather [spmem:s2], $0x1, s12, s18, $0xb8;
	[tilespmem:$0xB0F0] =	vst v63  }
0x1cc: {  	s12 =	simm.s32 $0x24F0;
	s15 =	simm.s32 $0x40F0  }
0x1cd: {  	[tilespmem:s15], [sflag:$0x3] =	stream.indirect.gather [spmem:s2], $0x1, s12, s18, $0xb8;
	[tilespmem:$0xB0F0] =	vst v63  }
0x1ce: {  	s12 =	simm.s32 $0x2570;
	s15 =	simm.s32 $0x4170  }
0x1cf: {  	[tilespmem:s15], [sflag:$0x3] =	stream.indirect.gather [spmem:s2], $0x1, s12, s18, $0xb8;
	[tilespmem:$0xB0F0] =	vst v63  }
0x1d0: {  	s12 =	simm.s32 $0x25F0;
	s15 =	simm.s32 $0x41F0  }
0x1d1: {  	[tilespmem:s15], [sflag:$0x3] =	stream.indirect.gather [spmem:s2], $0x1, s12, s18, $0xb8;
	[tilespmem:$0xB0F0] =	vst v63  }
0x1d2: {  	s12 =	simm.s32 $0x2670;
	s15 =	simm.s32 $0x4270  }
0x1d3: {  	[tilespmem:s15], [sflag:$0x3] =	stream.indirect.gather [spmem:s2], $0x1, s12, s18, $0xb8;
	[tilespmem:$0xB0F0] =	vst v63  }
0x1d4: {  	s12 =	simm.s32 $0x26F0;
	s15 =	simm.s32 $0x42F0  }
0x1d5: {  	[tilespmem:s15], [sflag:$0x3] =	stream.indirect.gather [spmem:s2], $0x1, s12, s18, $0xb8;
	[tilespmem:$0xB0F0] =	vst v63  }
0x1d6: {  	s12 =	simm.s32 $0x2770;
	s15 =	simm.s32 $0x4370  }
0x1d7: {  	[tilespmem:s15], [sflag:$0x3] =	stream.indirect.gather [spmem:s2], $0x1, s12, s18, $0xb8;
	[tilespmem:$0xB0F0] =	vst v63  }
0x1d8: {  	s12 =	simm.s32 $0x27F0;
	s15 =	simm.s32 $0x43F0  }
0x1d9: {  	[tilespmem:s15], [sflag:$0x3] =	stream.indirect.gather [spmem:s2], $0x1, s12, s18, $0xb8;
	[tilespmem:$0xB0F0] =	vst v63  }
0x1da: {  	s12 =	simm.s32 $0x2870;
	s15 =	simm.s32 $0x4470  }
0x1db: {  	[tilespmem:s15], [sflag:$0x3] =	stream.indirect.gather [spmem:s2], $0x1, s12, s18, $0xb8;
	[tilespmem:$0xB0F0] =	vst v63  }
0x1dc: {  	s12 =	simm.s32 $0x28F0;
	s15 =	simm.s32 $0x44F0  }
0x1dd: {  	[tilespmem:s15], [sflag:$0x3] =	stream.indirect.gather [spmem:s2], $0x1, s12, s18, $0xb8;
	[tilespmem:$0xB0F0] =	vst v63  }
0x1de: {  	s12 =	simm.s32 $0x2970;
	s15 =	simm.s32 $0x4570  }
0x1df: {  	[tilespmem:s15], [sflag:$0x3] =	stream.indirect.gather [spmem:s2], $0x1, s12, s18, $0xb8;
	[tilespmem:$0xB0F0] =	vst v63  }
0x1e0: {  	s12 =	simm.s32 $0x29F0;
	s15 =	simm.s32 $0x45F0  }
0x1e1: {  	[tilespmem:s15], [sflag:$0x3] =	stream.indirect.gather [spmem:s2], $0x1, s12, s18, $0xb8;
	[tilespmem:$0xB0F0] =	vst v63  }
0x1e2: {  	s12 =	simm.s32 $0x2A70;
	s15 =	simm.s32 $0x4670  }
0x1e3: {  	[tilespmem:s15], [sflag:$0x3] =	stream.indirect.gather [spmem:s2], $0x1, s12, s18, $0xb8;
	[tilespmem:$0xB0F0] =	vst v63  }
0x1e4: {  	s12 =	simm.s32 $0x2AF0;
	s15 =	simm.s32 $0x46F0  }
0x1e5: {  	[tilespmem:s15], [sflag:$0x3] =	stream.indirect.gather [spmem:s2], $0x1, s12, s18, $0xb8;
	[tilespmem:$0xB0F0] =	vst v63  }
0x1e6: {  	s12 =	simm.s32 $0x2B70;
	s15 =	simm.s32 $0x4770  }
0x1e7: {  	[tilespmem:s15], [sflag:$0x3] =	stream.indirect.gather [spmem:s2], $0x1, s12, s18, $0xb8;
	[tilespmem:$0xB0F0] =	vst v63  }
0x1e8: {  	s12 =	simm.s32 $0x2BF0;
	s15 =	simm.s32 $0x47F0  }
0x1e9: {  	[tilespmem:s15], [sflag:$0x3] =	stream.indirect.gather [spmem:s2], $0x1, s12, s18, $0xb8;
	[tilespmem:$0xB0F0] =	vst v63  }
0x1ea: {  	s12 =	simm.s32 $0x2C70;
	s15 =	simm.s32 $0x4870  }
0x1eb: {  	[tilespmem:s15], [sflag:$0x3] =	stream.indirect.gather [spmem:s2], $0x1, s12, s18, $0xb8;
	[tilespmem:$0xB0F0] =	vst v63  }
0x1ec: {  	s12 =	simm.s32 $0x2CF0;
	s15 =	simm.s32 $0x48F0  }
0x1ed: {  	[tilespmem:s15], [sflag:$0x3] =	stream.indirect.gather [spmem:s2], $0x1, s12, s18, $0xb8;
	[tilespmem:$0xB0F0] =	vst v63  }
0x1ee: {  	s12 =	simm.s32 $0x2D70;
	s15 =	simm.s32 $0x4970  }
0x1ef: {  	[tilespmem:s15], [sflag:$0x3] =	stream.indirect.gather [spmem:s2], $0x1, s12, s18, $0xb8;
	[tilespmem:$0xB0F0] =	vst v63  }
0x1f0: {  	s12 =	simm.s32 $0x2DF0;
	s15 =	simm.s32 $0x49F0  }
0x1f1: {  	[tilespmem:s15], [sflag:$0x3] =	stream.indirect.gather [spmem:s2], $0x1, s12, s18, $0xb8;
	[tilespmem:$0xB0F0] =	vst v63  }
0x1f2: {  	s12 =	simm.s32 $0x2E70;
	s15 =	simm.s32 $0x4A70  }
0x1f3: {  	[tilespmem:s15], [sflag:$0x3] =	stream.indirect.gather [spmem:s2], $0x1, s12, s18, $0xb8;
	[tilespmem:$0xB0F0] =	vst v63  }
0x1f4: {  	_ = 	snop  }
0x1f5: {  	[tilespmem:s14], [sflag:$0x3] =	stream.indirect.gather [spmem:s2], $0x1, s13, s18, $0xb8;
	[tilespmem:$0xB0F0] =	vst v63  }
0x1f6: {  	_ = 	snop  }
0x1f7: {  	[tilespmem:s4], [sflag:$0x3] =	stream.indirect.gather [spmem:s2], $0x1, s3, s18, $0xb8;
	[tilespmem:$0xB0F0] =	vst v63  }
0x1f8: {  	_ = 	snop  }
0x1f9: {  	[tilespmem:s20], [sflag:$0x3] =	stream.indirect.gather [spmem:s2], $0x1, s19, s18, $0xb8;
	[tilespmem:$0xB0F0] =	vst v63  }
0x1fa: {  	_ = 	snop  }
0x1fb: {  	[tilespmem:s5], [sflag:$0x3] =	stream.indirect.gather [spmem:s2], $0x1, s21, s18, $0xb8;
	[tilespmem:$0xB0F0] =	vst v63  }
0x1fc: {  	_ = 	snop  }
0x1fd: {  	[tilespmem:s6], [sflag:$0x3] =	stream.indirect.gather [spmem:s2], $0x1, s22, s18, $0xb8;
	[tilespmem:$0xB0F0] =	vst v63  }
0x1fe: {  	_ = 	snop  }
0x1ff: {  	[tilespmem:s7], [sflag:$0x3] =	stream.indirect.gather [spmem:s2], $0x1, s23, s18, $0xb8;
	[tilespmem:$0xB0F0] =	vst v63  }
0x200: {  	_ = 	snop  }
0x201: {  	[tilespmem:s8], [sflag:$0x3] =	stream.indirect.gather [spmem:s2], $0x1, s24, s18, $0xb8;
	[tilespmem:$0xB0F0] =	vst v63  }
0x202: {  	_ =	swait.ge [sflag:s25], $0x80  }
0x203: {  	[sflag:s25] =	ssyncset.done $0x0  }
0x204: {  	[sflag:s25] =	ssyncadd.s32 $0xFFFFFF80  }
0x205: {  	_ =	swait.ge [sflag:s25], $0x80  }
0x206: {  	[sflag:s25] =	ssyncset.done $0x0  }
0x207: {  	[sflag:s25] =	ssyncadd.s32 $0xFFFFFF80  }
0x208: {  	_ =	swait.ge [sflag:s25], $0x80  }
0x209: {  	[sflag:s25] =	ssyncset.done $0x0  }
0x20a: {  	[sflag:s25] =	ssyncadd.s32 $0xFFFFFF80  }
0x20b: {  	_ =	swait.ge [sflag:s25], $0x80  }
0x20c: {  	[sflag:s25] =	ssyncset.done $0x0  }
0x20d: {  	[sflag:s25] =	ssyncadd.s32 $0xFFFFFF80  }
0x20e: {  	_ =	swait.ge [sflag:s25], $0x80  }
0x20f: {  	[sflag:s25] =	ssyncset.done $0x0  }
0x210: {  	[sflag:s25] =	ssyncadd.s32 $0xFFFFFF80  }
0x211: {  	_ =	swait.ge [sflag:s25], $0x80  }
0x212: {  	[sflag:s25] =	ssyncset.done $0x0  }
0x213: {  	[sflag:s25] =	ssyncadd.s32 $0xFFFFFF80  }
0x214: {  	_ =	swait.ge [sflag:s25], $0x80  }
0x215: {  	[sflag:s25] =	ssyncset.done $0x0  }
0x216: {  	[sflag:s25] =	ssyncadd.s32 $0xFFFFFF80  }
0x217: {  	_ =	swait.ge [sflag:s25], $0x80  }
0x218: {  	[sflag:s25] =	ssyncset.done $0x0  }
0x219: {  	[sflag:s25] =	ssyncadd.s32 $0xFFFFFF80  }
0x21a: {  	_ =	swait.ge [sflag:s25], $0x80  }
0x21b: {  	[sflag:s25] =	ssyncset.done $0x0  }
0x21c: {  	[sflag:s25] =	ssyncadd.s32 $0xFFFFFF80  }
0x21d: {  	_ =	swait.ge [sflag:s25], $0x80  }
0x21e: {  	[sflag:s25] =	ssyncset.done $0x0  }
0x21f: {  	[sflag:s25] =	ssyncadd.s32 $0xFFFFFF80  }
0x220: {  	_ =	swait.ge [sflag:s25], $0x80  }
0x221: {  	[sflag:s25] =	ssyncset.done $0x0  }
0x222: {  	[sflag:s25] =	ssyncadd.s32 $0xFFFFFF80  }
0x223: {  	_ =	swait.ge [sflag:s25], $0x80  }
0x224: {  	[sflag:s25] =	ssyncset.done $0x0  }
0x225: {  	[sflag:s25] =	ssyncadd.s32 $0xFFFFFF80  }
0x226: {  	_ =	swait.ge [sflag:s25], $0x80  }
0x227: {  	[sflag:s25] =	ssyncset.done $0x0  }
0x228: {  	[sflag:s25] =	ssyncadd.s32 $0xFFFFFF80  }
0x229: {  	_ =	swait.ge [sflag:s25], $0x80  }
0x22a: {  	[sflag:s25] =	ssyncset.done $0x0  }
0x22b: {  	[sflag:s25] =	ssyncadd.s32 $0xFFFFFF80  }
0x22c: {  	_ =	swait.ge [sflag:s25], $0x80  }
0x22d: {  	[sflag:s25] =	ssyncset.done $0x0  }
0x22e: {  	[sflag:s25] =	ssyncadd.s32 $0xFFFFFF80  }
0x22f: {  	_ =	swait.ge [sflag:s25], $0x80  }
0x230: {  	[sflag:s25] =	ssyncset.done $0x0  }
0x231: {  	[sflag:s25] =	ssyncadd.s32 $0xFFFFFF80  }
0x232: {  	_ =	swait.ge [sflag:s25], $0x80  }
0x233: {  	[sflag:s25] =	ssyncset.done $0x0  }
0x234: {  	[sflag:s25] =	ssyncadd.s32 $0xFFFFFF80  }
0x235: {  	_ =	swait.ge [sflag:s25], $0x80  }
0x236: {  	[sflag:s25] =	ssyncset.done $0x0  }
0x237: {  	[sflag:s25] =	ssyncadd.s32 $0xFFFFFF80  }
0x238: {  	_ =	swait.ge [sflag:s25], $0x80  }
0x239: {  	[sflag:s25] =	ssyncset.done $0x0  }
0x23a: {  	[sflag:s25] =	ssyncadd.s32 $0xFFFFFF80  }
0x23b: {  	_ =	swait.ge [sflag:s25], $0x80  }
0x23c: {  	[sflag:s25] =	ssyncset.done $0x0  }
0x23d: {  	[sflag:s25] =	ssyncadd.s32 $0xFFFFFF80  }
0x23e: {  	_ =	swait.ge [sflag:s25], $0x80  }
0x23f: {  	[sflag:s25] =	ssyncset.done $0x0  }
0x240: {  	[sflag:s25] =	ssyncadd.s32 $0xFFFFFF80  }
0x241: {  	_ =	swait.ge [sflag:s25], $0x80  }
0x242: {  	[sflag:s25] =	ssyncset.done $0x0  }
0x243: {  	[sflag:s25] =	ssyncadd.s32 $0xFFFFFF80  }
0x244: {  	_ =	swait.ge [sflag:s25], $0x80  }
0x245: {  	[sflag:s25] =	ssyncset.done $0x0  }
0x246: {  	[sflag:s25] =	ssyncadd.s32 $0xFFFFFF80  }
0x247: {  	_ =	swait.ge [sflag:s25], $0x80  }
0x248: {  	[sflag:s25] =	ssyncset.done $0x0  }
0x249: {  	[sflag:s25] =	ssyncadd.s32 $0xFFFFFF80  }
0x24a: {  	_ =	swait.ge [sflag:s25], $0x80  }
0x24b: {  	[sflag:s25] =	ssyncset.done $0x0  }
0x24c: {  	[sflag:s25] =	ssyncadd.s32 $0xFFFFFF80  }
0x24d: {  	_ =	swait.ge [sflag:s25], $0x80  }
0x24e: {  	[sflag:s25] =	ssyncset.done $0x0  }
0x24f: {  	[sflag:s25] =	ssyncadd.s32 $0xFFFFFF80  }
0x250: {  	_ =	swait.ge [sflag:s25], $0x80  }
0x251: {  	[sflag:s25] =	ssyncset.done $0x0  }
0x252: {  	[sflag:s25] =	ssyncadd.s32 $0xFFFFFF80  }
0x253: {  	_ =	swait.ge [sflag:s25], $0x80  }
0x254: {  	[sflag:s25] =	ssyncset.done $0x0  }
0x255: {  	[sflag:s25] =	ssyncadd.s32 $0xFFFFFF80  }
0x256: {  	_ =	swait.ge [sflag:s25], $0x80  }
0x257: {  	[sflag:s25] =	ssyncset.done $0x0  }
0x258: {  	[sflag:s25] =	ssyncadd.s32 $0xFFFFFF80  }
0x259: {  	_ =	swait.ge [sflag:s25], $0x80  }
0x25a: {  	[sflag:s25] =	ssyncset.done $0x0  }
0x25b: {  	[sflag:s25] =	ssyncadd.s32 $0xFFFFFF80  }
0x25c: {  	_ =	swait.ge [sflag:s25], $0x80  }
0x25d: {  	[sflag:s25] =	ssyncset.done $0x0  }
0x25e: {  	[sflag:s25] =	ssyncadd.s32 $0xFFFFFF80  }
0x25f: {  	_ =	swait.ge [sflag:s25], $0x80  }
0x260: {  	[sflag:s25] =	ssyncset.done $0x0  }
0x261: {  	[sflag:s25] =	ssyncadd.s32 $0xFFFFFF80  }
0x262: {  	_ =	swait.ge [sflag:s25], $0x80  }
0x263: {  	[sflag:s25] =	ssyncset.done $0x0  }
0x264: {  	[sflag:s25] =	ssyncadd.s32 $0xFFFFFF80  }
0x265: {  	_ =	swait.ge [sflag:s25], $0x80  }
0x266: {  	[sflag:s25] =	ssyncset.done $0x0  }
0x267: {  	[sflag:s25] =	ssyncadd.s32 $0xFFFFFF80  }
0x268: {  	_ =	swait.ge [sflag:s25], $0x80  }
0x269: {  	[sflag:s25] =	ssyncset.done $0x0  }
0x26a: {  	[sflag:s25] =	ssyncadd.s32 $0xFFFFFF80  }
0x26b: {  	_ =	swait.ge [sflag:s25], $0x80  }
0x26c: {  	[sflag:s25] =	ssyncset.done $0x0  }
0x26d: {  	[sflag:s25] =	ssyncadd.s32 $0xFFFFFF80  }
0x26e: {  	_ =	swait.ge [sflag:s25], $0x80  }
0x26f: {  	[sflag:s25] =	ssyncset.done $0x0  }
0x270: {  	[sflag:s25] =	ssyncadd.s32 $0xFFFFFF80  }
0x271: {  	_ =	swait.ge [sflag:s25], $0x80  }
0x272: {  	[sflag:s25] =	ssyncset.done $0x0  }
0x273: {  	[sflag:s25] =	ssyncadd.s32 $0xFFFFFF80  }
0x274: {  	_ =	swait.ge [sflag:s25], $0x80  }
0x275: {  	[sflag:s25] =	ssyncset.done $0x0  }
0x276: {  	[sflag:s25] =	ssyncadd.s32 $0xFFFFFF80  }
0x277: {  	_ =	swait.ge [sflag:s25], $0x80  }
0x278: {  	[sflag:s25] =	ssyncset.done $0x0  }
0x279: {  	[sflag:s25] =	ssyncadd.s32 $0xFFFFFF80  }
0x27a: {  	_ =	swait.ge [sflag:s25], $0x80  }
0x27b: {  	[sflag:s25] =	ssyncset.done $0x0  }
0x27c: {  	[sflag:s25] =	ssyncadd.s32 $0xFFFFFF80  }
0x27d: {  	_ =	swait.ge [sflag:s25], $0x80  }
0x27e: {  	[sflag:s25] =	ssyncset.done $0x0  }
0x27f: {  	[sflag:s25] =	ssyncadd.s32 $0xFFFFFF80  }
0x280: {  	_ =	swait.ge [sflag:s25], $0x80  }
0x281: {  	[sflag:s25] =	ssyncset.done $0x0  }
0x282: {  	[sflag:s25] =	ssyncadd.s32 $0xFFFFFF80  }
0x283: {  	_ =	swait.ge [sflag:s25], $0x80  }
0x284: {  	[sflag:s25] =	ssyncset.done $0x0  }
0x285: {  	[sflag:s25] =	ssyncadd.s32 $0xFFFFFF80  }
0x286: {  	_ =	swait.ge [sflag:s25], $0x80  }
0x287: {  	[sflag:s25] =	ssyncset.done $0x0  }
0x288: {  	[sflag:s25] =	ssyncadd.s32 $0xFFFFFF80  }
0x289: {  	_ =	swait.ge [sflag:s25], $0x80  }
0x28a: {  	[sflag:s25] =	ssyncset.done $0x0  }
0x28b: {  	[sflag:s25] =	ssyncadd.s32 $0xFFFFFF80  }
0x28c: {  	_ =	swait.ge [sflag:s25], $0x80  }
0x28d: {  	[sflag:s25] =	ssyncset.done $0x0  }
0x28e: {  	[sflag:s25] =	ssyncadd.s32 $0xFFFFFF80  }
0x28f: {  	_ =	swait.ge [sflag:s25], $0x80  }
0x290: {  	[sflag:s25] =	ssyncset.done $0x0  }
0x291: {  	[sflag:s25] =	ssyncadd.s32 $0xFFFFFF80  }
0x292: {  	_ =	swait.ge [sflag:s25], $0x80  }
0x293: {  	[sflag:s25] =	ssyncset.done $0x0  }
0x294: {  	[sflag:s25] =	ssyncadd.s32 $0xFFFFFF80  }
0x295: {  	_ =	swait.ge [sflag:s25], $0x80  }
0x296: {  	[sflag:s25] =	ssyncset.done $0x0  }
0x297: {  	[sflag:s25] =	ssyncadd.s32 $0xFFFFFF80  }
0x298: {  	_ =	swait.ge [sflag:s25], $0x80  }
0x299: {  	s30 =	simm.s32 $0x0;
	[sflag:s25] =	ssyncset.done $0x0  }
0x29a: {  	s12 =	simm.s32 $0x0;
	s15 =	sand.u32 $0x400, s30;
	[sflag:s25] =	ssyncadd.s32 $0xFFFFFF80  }
0x29b: {  	s0 =	sand.u32 $0x1800, s12;
	s12 =	simm.s32 $0x0;
	_ =	swait.ge [sflag:s25], $0x80  }
0x29c: {  	s0 =	sor.u32 s15, s0;
	s15 =	sand.u32 $0x380, s12;
	[sflag:s25] =	ssyncset.done $0x0  }
0x29d: {  	s29 =	sor.u32 s15, s0;
	[sflag:s25] =	ssyncadd.s32 $0xFFFFFF80  }
0x29e: {  	s31 =	simm.s32 $0x34B0;
	v1 =	vld [tilespmem:s29+$0x70E0]  }
0x29f: {  	v2 =	vld [tilespmem:s31+$0x30]  }
0x2a0: {  	v4 =	vld [tilespmem:s29+$0x7070]  }
0x2a1: {  	v5 =	vld [tilespmem:s29+$0x7080]  }
0x2a2: {  	v6 =	vld [tilespmem:s29+$0x7090]  }
0x2a3: {  	v7 =	vld [tilespmem:s29+$0x70A0]  }
0x2a4: {  	v3 =	vld [tilespmem:s29+$0x70B0];
	vm0 =	vlt.u32 v1, $0x186A0  }
0x2a5: {  	v1 =	vnsel vm0, $0x0, v2;
	v2 =	vld [tilespmem:s29+$0x70C0]  }
0x2a6: {  	v63 =	vadd.f32 v1, v0;
	v1 =	vld [tilespmem:s29+$0x70D0]  }
0x2a7: {  	vm2 =	vlt.u32 v4, $0x186A0;
	v4 =	vld [tilespmem:s31+$0xFFFFFFC0]  }
0x2a8: {  	s0 =	simm.s32 $0x0;
	vm3 =	vlt.u32 v5, $0x186A0;
	vm1 =	vlt.u32 v6, $0x186A0;
	v5 =	vld [tilespmem:s31+$0xFFFFFFD0];
	vm0 =	vlt.u32 v7, $0x186A0;
	[tilespmem:s29+$0x90E0] =	vst v63  }
.LBB2_8:
0x2a9: {  	s0 =	sadd.s32 $0x8, s0;
	v6 =	vld [tilespmem:s31+$0xFFFFFFE0];
	vm4 =	vlt.u32 v3, $0x186A0  }
0x2aa: {  	s30 =	sadd.s32 $0x400, s30;
	s1 =	sshll.u32 s0, $0x4;
	p1 =	slt.u32 s0, $0x198;
	v3 =	vld [tilespmem:s31+$0xFFFFFFF0];
	vm5 =	vlt.u32 v2, $0x186A0  }
0x2ab: {  	s12 =	sand.u32 $0x400, s30;
	s15 =	sshll.u32 s0, $0x3;
	s1 =	sand.u32 $0x1800, s1;
	v2 =	vld [tilespmem:s31+$0x0];
	vm6 =	vlt.u32 v1, $0x186A0  }
0x2ac: {  	s1 =	sor.u32 s12, s1;
	s12 =	sand.u32 $0x380, s15;
	v1 =	vnsel vm2, $0x0, v4;
	v4 =	vld [tilespmem:s31+$0x10]  }
0x2ad: {  	s1 =	sor.u32 s12, s1;
	v1 =	vadd.f32 v1, v0;
	v5 =	vnsel vm3, $0x0, v5;
	v7 =	vld [tilespmem:s31+$0x20]  }
0x2ae: {  	s31 =	sadd.s32 $0x80, s31;
	v8 =	vld [tilespmem:s1+$0x70E0];
	v5 =	vadd.f32 v5, v0;
	v6 =	vnsel vm1, $0x0, v6  }
0x2af: {  	v9 =	vld [tilespmem:s31+$0x30];
	[tilespmem:s29+$0x9070] =	vst v1;
	v1 =	vadd.f32 v6, v0;
	v3 =	vnsel vm0, $0x0, v3  }
0x2b0: {  	v6 =	vld [tilespmem:s1+$0x7070];
	[tilespmem:s29+$0x9080] =	vst v5;
	v3 =	vadd.f32 v3, v0;
	v2 =	vnsel vm4, $0x0, v2  }
0x2b1: {  	v5 =	vld [tilespmem:s1+$0x7080];
	[tilespmem:s29+$0x9090] =	vst v1;
	v1 =	vadd.f32 v2, v0;
	v2 =	vnsel vm5, $0x0, v4  }
0x2b2: {  	v10 =	vld [tilespmem:s1+$0x7090];
	[tilespmem:s29+$0x90A0] =	vst v3;
	v2 =	vadd.f32 v2, v0;
	v3 =	vnsel vm6, $0x0, v7  }
0x2b3: {  	v7 =	vld [tilespmem:s1+$0x70A0];
	vm0 =	vlt.u32 v8, $0x186A0;
	[tilespmem:s29+$0x90B0] =	vst v1;
	v1 =	vadd.f32 v3, v0  }
.Ltmp3:
0x2b4: {  	v3 =	vld [tilespmem:s1+$0x70B0];
	v4 =	vnsel vm0, $0x0, v9;
	[tilespmem:s29+$0x90C0] =	vst v2;
	(pc) =	sbr.rel @p1 .LBB2_8-.Ltmp3, $4  }
0x2b5: {  	vm2 =	vlt.u32 v6, $0x186A0;
	v2 =	vld [tilespmem:s1+$0x70C0];
	v6 =	vadd.f32 v4, v0;
	[tilespmem:s29+$0x90D0] =	vst v1;
	s29 =	smov.u32 s1  }
0x2b6: {  	vm3 =	vlt.u32 v5, $0x186A0;
	v1 =	vld [tilespmem:s29+$0x70D0]  }
0x2b7: {  	v4 =	vld [tilespmem:s31+$0xFFFFFFC0];
	vm1 =	vlt.u32 v10, $0x186A0;
	[tilespmem:s29+$0x90E0] =	vst v6  }
0x2b8: {  	v5 =	vld [tilespmem:s31+$0xFFFFFFD0];
	vm0 =	vlt.u32 v7, $0x186A0  }
0x2b9: {  	v6 =	vld [tilespmem:s31+$0xFFFFFFE0]  }
0x2ba: {  	v7 =	vld [tilespmem:s31+$0xFFFFFFF0]  }
0x2bb: {  	v8 =	vld [tilespmem:s31+$0x0]  }
0x2bc: {  	v9 =	vld [tilespmem:s31+$0x10];
	v4 =	vnsel vm2, $0x0, v4  }
0x2bd: {  	v10 =	vld [tilespmem:s31+$0x20];
	v4 =	vadd.f32 v4, v0;
	v5 =	vnsel vm3, $0x0, v5  }
0x2be: {  	v5 =	vadd.f32 v5, v0;
	v6 =	vnsel vm1, $0x0, v6  }
0x2bf: {  	vm13 =	vlt.u32 v3, $0x186A0;
	v56 =	vnsel vm0, $0x0, v7;
	[tilespmem:s29+$0x9070] =	vst v4;
	v55 =	vadd.f32 v6, v0  }
0x2c0: {  	vm14 =	vlt.u32 v2, $0x186A0;
	v58 =	vnsel vm13, $0x0, v8;
	v57 =	vadd.f32 v56, v0;
	[tilespmem:s29+$0x9080] =	vst v5  }
0x2c1: {  	vm15 =	vlt.u32 v1, $0x186A0;
	v60 =	vnsel vm14, $0x0, v9;
	v59 =	vadd.f32 v58, v0;
	[tilespmem:s29+$0x9090] =	vst v55  }
0x2c2: {  	v62 =	vnsel vm15, $0x0, v10;
	v61 =	vadd.f32 v60, v0;
	[tilespmem:s29+$0x90A0] =	vst v57  }
0x2c3: {  	v63 =	vadd.f32 v62, v0;
	[tilespmem:s29+$0x90B0] =	vst v59  }
0x2c4: {  	[tilespmem:s29+$0x90C0] =	vst v61  }
0x2c5: {  	[tilespmem:s29+$0x90D0] =	vst v63  }
0x2c6: {  	s0 =	rddreg [dreg:$0xa]  }
0x2c7: {  	[hbm4b:s0+s10] =	stream.strided.scatter [tilespmem:s9], [sflag:$0x4], $0x2000, s11, s10, $0x38;
	[tilespmem:$0xB0F0] =	vst v63  }
0x2c8: {  	_ =	swait.ge [sflag:s26], $0x2000  }
0x2c9: {  	s28 =	sadd.s32 $0x1, s28;
	s31 =	rddreg [dreg:$0xb]  }
0x2ca: {  	p1 =	sne.s32 s28, s31  }
.Ltmp4:
0x2cb: {  	_ = 	snop;
	(pc) =	sbr.rel @p1 .LBB2_1-.Ltmp4, $3  }
0x2cc: {  	_ =	sdelay $0x1  }
0x2cd: {  	[sflag:s26] =	ssyncset.done $0x0  }
0x2ce: {  	[sflag:s26] =	ssyncadd.s32 $0xFFFFE000  }
0x2cf: {  	_ =	sfence.sel $0x180000  }
0x2d0: {  	[bflag:$0x0] =	sbarrier.arrive $0xFFFF  }
0x2d1: {  	_ =	strace $0x90000047  }
0x2d2: {  	[bflag:$0x2] =	sbarrier.arrive $0xFFFF  }
0x2d3: {  	s0 =	rddreg [dreg:$0x5]  }
0x2d4: {  	s0 =	sadd.s32 @!p0 $0x100000, s0  }
0x2d5: {  	[sflag:s0] =	ssyncadd.tile.s32 @!p0 $0x1;
	_ =	shalt  }
.Lfunc_end2:
_tile_overlayer_lowered:
.L_overlay_start_2:
0x2d6: {  	(tag) =	ssettag $0x2  }
0x2d7: {  	s0 =	rddreg [dreg:$0x0];
	s2 =	stileid.u32  }
0x2d8: {  	s1 =	rddreg [dreg:$0x1];
	p0 =	sne.s32 s2, $0x0  }
0x2d9: {  	s3 =	rddreg [dreg:$0x2];
	[bflag:$0x3] =	sbarrier.arrive $0xFFFF;
	s2 =	simm.s32 @!p0 $0x1C04  }
0x2da: {  	[timem:s3], [sflag:s2] =	dma.local @!p0 [hbm:s0], s1  }
0x2db: {  	s0 =	simm.s32 @!p0 $0x4  }
0x2dc: {  	_ =	swait.ge @!p0 [sflag:s0], s1  }
0x2dd: {  	s1 =	ssub.s32 @!p0 $0x0, s1;
	[sflag:s0] =	ssyncset.done @!p0 $0x0  }
0x2de: {  	[sflag:s0] =	ssyncadd.s32 @!p0 s1  }
0x2df: {  	[bflag:$0x3] =	sbarrier.arrive $0xFFFF  }
0x2e0: {  	_ =	shalt  }

</sc_bundles>
